<compile_context>
chip_gen: v7x
topology: tpu7x:2x2x1
jax: 0.10.2.dev20260603
libtpu: 0.0.44.dev20260713+nightly
codegen_flags: <defaults>
</compile_context>

<pallas_src>
import functools

import jax
import jax.numpy as jnp
from jax import lax
from jax.experimental import pallas as pl
from jax.experimental.pallas import tpu as pltpu
from jax.experimental.pallas import tpu_sc as plsc

NUM_CLASSES = 21
NPIX = 4 * 512 * 512
PLANE = 512 * 512
K = 1024
LMAX = 8.0
INV_W = K / LMAX
CLAMP = K - 0.5
BLOCK = 8192
BLK_PER_BATCH = PLANE // BLOCK
NWORKER = 32
BLK_PER_UNIT = NPIX // BLOCK // NWORKER
HWORDS = NUM_CLASSES * 2 * K
NLANE = 16
UN = 8


def _sc_hist_kernel(inputs_hbm, targets_hbm, out_hbm,
                    in_buf, tg_buf, idx_buf, xt_buf, hist,
                    sem_i0, sem_i1, sem_i2, sem_i3, sem_t0, sem_t1,
                    sem_g0, sem_g1):
    wid = lax.axis_index("s") * 2 + lax.axis_index("c")
    lane = lax.broadcasted_iota(jnp.int32, (NLANE,), 0)
    ones = jnp.ones((NLANE,), jnp.float32)
    nones = -ones
    zeros = jnp.zeros((NLANE,), jnp.float32)
    isem = (sem_i0, sem_i1, sem_i2, sem_i3)
    tsem = (sem_t0, sem_t1)
    gsem = (sem_g0, sem_g1)
    b0 = wid * BLK_PER_UNIT

    def zbody(i, _):
        hist[pl.ds(i * NLANE, NLANE)] = zeros
        return 0
    lax.fori_loop(0, HWORDS // NLANE, zbody, 0)

    def start_in(slot, b, c):
        batch = b // BLK_PER_BATCH
        q0 = (b % BLK_PER_BATCH) * BLOCK
        in_off = (batch * NUM_CLASSES + c) * PLANE + q0
        pltpu.async_copy(inputs_hbm.at[pl.ds(in_off, BLOCK)],
                         in_buf.at[slot], isem[slot])

    def wait_in(slot):
        pltpu.make_async_copy(inputs_hbm.at[pl.ds(0, BLOCK)],
                              in_buf.at[slot], isem[slot]).wait()

    def start_tg(slot, b):
        pltpu.async_copy(targets_hbm.at[pl.ds(b * BLOCK, BLOCK)],
                         tg_buf.at[slot], tsem[slot])

    def wait_tg(slot):
        pltpu.make_async_copy(targets_hbm.at[pl.ds(0, BLOCK)],
                              tg_buf.at[slot], tsem[slot]).wait()

    def neg_pass(slot, c):
        basef = (c * (2 * K)).astype(jnp.float32)
        bvec = zeros + basef

        def grp_body(j, _):
            xs = []
            for jj in range(UN):
                o = (j * UN + jj) * NLANE
                xs.append(in_buf[slot, pl.ds(o, NLANE)])
            idxs = []
            for jj in range(UN):
                v = jnp.minimum(jnp.abs(xs[jj]) * INV_W, CLAMP) + bvec
                idxs.append(v.astype(jnp.int32))
            for jj in range(UN):
                plsc.addupdate_scatter(hist, [idxs[jj]], ones)
            return 0
        lax.fori_loop(0, BLOCK // (UN * NLANE), grp_body, 0)

    def build_idx(tslot, b):
        batch = b // BLK_PER_BATCH
        q0 = (b % BLK_PER_BATCH) * BLOCK
        sbase = batch * NUM_CLASSES * PLANE + q0

        def grp_body(j, _):
            for jj in range(4):
                o = (j * 4 + jj) * NLANE
                t = tg_buf[tslot, pl.ds(o, NLANE)]
                iv = (t * PLANE) + (lane + (sbase + o))
                idx_buf[pl.ds(o, NLANE)] = iv
            return 0
        lax.fori_loop(0, BLOCK // (4 * NLANE), grp_body, 0)

    def start_gather(tslot):
        pltpu.async_copy(inputs_hbm.at[idx_buf], xt_buf, gsem[tslot])

    def wait_gather(tslot):
        pltpu.make_async_copy(inputs_hbm.at[idx_buf], xt_buf,
                              gsem[tslot]).wait()

    def correction(tslot):
        def grp_body(j, _):
            xts, ts = [], []
            for jj in range(4):
                o = (j * 4 + jj) * NLANE
                xts.append(xt_buf[pl.ds(o, NLANE)])
                ts.append(tg_buf[tslot, pl.ds(o, NLANE)])
            iws, irs = [], []
            for jj in range(4):
                base = ts[jj] * (2 * K)
                vw = jnp.minimum(jnp.abs(xts[jj]) * INV_W, CLAMP)
                vr = jnp.minimum(jnp.abs(1.0 - xts[jj]) * INV_W, CLAMP)
                iws.append(vw.astype(jnp.int32) + base)
                irs.append(vr.astype(jnp.int32) + (base + K))
            for jj in range(4):
                plsc.addupdate_scatter(hist, [iws[jj]], nones)
                plsc.addupdate_scatter(hist, [irs[jj]], ones)
            return 0
        lax.fori_loop(0, BLOCK // (4 * NLANE), grp_body, 0)

    def do_block(b, tslot, nxt_guard, nxt_b):
        wait_tg(tslot)
        start_in(0, b, 0)
        start_in(1, b, 1)
        start_in(2, b, 2)
        if nxt_guard is None:
            start_tg(1 - tslot, nxt_b)
        else:
            @pl.when(nxt_guard)
            def _():
                start_tg(1 - tslot, nxt_b)
        build_idx(tslot, b)
        start_gather(tslot)

        def quad_body(q, _):
            c0 = 4 * q
            wait_in(0)
            start_in(3, b, c0 + 3)
            neg_pass(0, c0)
            wait_in(1)

            @pl.when(c0 + 4 < NUM_CLASSES)
            def _():
                start_in(0, b, c0 + 4)
            neg_pass(1, c0 + 1)
            wait_in(2)

            @pl.when(c0 + 5 < NUM_CLASSES)
            def _():
                start_in(1, b, c0 + 5)
            neg_pass(2, c0 + 2)
            wait_in(3)

            @pl.when(c0 + 6 < NUM_CLASSES)
            def _():
                start_in(2, b, c0 + 6)
            neg_pass(3, c0 + 3)
            return 0
        lax.fori_loop(0, NUM_CLASSES // 4, quad_body, 0)

        wait_in(0)
        neg_pass(0, jnp.int32(NUM_CLASSES - 1))

        wait_gather(tslot)
        correction(tslot)

    def blkpair_body(q, _):
        b = b0 + 2 * q
        do_block(b, 0, None, b + 1)
        do_block(b + 1, 1, q + 1 < BLK_PER_UNIT // 2, b + 2)
        return 0

    start_tg(0, b0)
    lax.fori_loop(0, BLK_PER_UNIT // 2, blkpair_body, 0)

    pltpu.sync_copy(hist, out_hbm.at[wid])


def _tc_scan_kernel(p_ref, out_ref, acc_ref):
    def red(u, _):
        acc_ref[...] = acc_ref[...] + p_ref[u]
        return 0
    acc_ref[...] = p_ref[0]
    lax.fori_loop(1, NWORKER, red, 0)

    rr = lax.broadcasted_iota(jnp.int32, (128, 128), 0)
    cc = lax.broadcasted_iota(jnp.int32, (128, 128), 1)
    U = (rr <= cc).astype(jnp.float32)
    ONES = jnp.ones((128, 128), jnp.float32)
    r8 = lax.broadcasted_iota(jnp.int32, (8, 8), 0)
    c8 = lax.broadcasted_iota(jnp.int32, (8, 8), 1)
    Lex = (c8 < r8).astype(jnp.float32)

    def cum(X):
        rowpart = jnp.dot(X, U, preferred_element_type=jnp.float32)
        offs = jnp.dot(
            jnp.dot(Lex, X, preferred_element_type=jnp.float32),
            ONES, preferred_element_type=jnp.float32)
        return rowpart + offs

    w = jnp.float32(LMAX / K)

    def body(ci, acc):
        Xn = acc_ref[2 * ci]
        Xp = acc_ref[2 * ci + 1]
        Xa = Xn + Xp
        Ca = cum(Xa)
        Cp = cum(Xp)
        tot = jnp.sum(Xa)
        G = jnp.sum(Xp)
        Ei = tot - Ca
        Es = G - Cp
        den = G + Ei - Es
        J = jnp.where(Ei > 0, 1.0 - (G - Es) / den, 0.0)
        return acc + w * (jnp.sum(J) + 0.5)

    acc = lax.fori_loop(0, NUM_CLASSES, body, jnp.float32(0.0))
    out_ref[0, 0] = acc / NUM_CLASSES


def kernel(inputs, targets):
    inputs_flat = inputs.reshape(-1)
    targets_flat = targets.reshape(-1)

    mesh = plsc.VectorSubcoreMesh(core_axis_name="c", subcore_axis_name="s")
    sc_call = functools.partial(
        pl.kernel,
        mesh=mesh,
        compiler_params=pltpu.CompilerParams(needs_layout_passes=False),
        out_type=jax.ShapeDtypeStruct((NWORKER, HWORDS), jnp.float32),
        scratch_types=[
            pltpu.VMEM((4, BLOCK), jnp.float32),
            pltpu.VMEM((2, BLOCK), jnp.int32),
            pltpu.VMEM((BLOCK,), jnp.int32),
            pltpu.VMEM((BLOCK,), jnp.float32),
            pltpu.VMEM((HWORDS,), jnp.float32),
            pltpu.SemaphoreType.DMA,
            pltpu.SemaphoreType.DMA,
            pltpu.SemaphoreType.DMA,
            pltpu.SemaphoreType.DMA,
            pltpu.SemaphoreType.DMA,
            pltpu.SemaphoreType.DMA,
            pltpu.SemaphoreType.DMA,
            pltpu.SemaphoreType.DMA,
        ],
    )(_sc_hist_kernel)
    partials = sc_call(inputs_flat, targets_flat)

    partials4 = partials.reshape(NWORKER, NUM_CLASSES * 2, 8, 128)

    result = pl.pallas_call(
        _tc_scan_kernel,
        out_shape=jax.ShapeDtypeStruct((1, 1), jnp.float32),
        out_specs=pl.BlockSpec(memory_space=pltpu.SMEM),
        scratch_shapes=[pltpu.VMEM((NUM_CLASSES * 2, 8, 128), jnp.float32)],
    )(partials4)
    return result.reshape(())

# --- scband reference (transcript-rebuilt; emitter-appended) ---
"""Pipeline reference for scband-lovasz-softmax-86268713107686 (READ-ONLY COPY).

The authoritative reference and input builder live on the scoring server;
editing this copy changes nothing except your own understanding.
"""

import jax, jax.numpy as jnp
import numpy as np


def lovasz_grad(gt_sorted):
    p = gt_sorted.shape[0]
    gts = jnp.sum(gt_sorted)
    intersection = gts - jnp.cumsum(gt_sorted)
    union = gts + jnp.cumsum(1.0 - gt_sorted)
    jaccard = 1.0 - intersection / union
    if p > 1:
        jaccard = jnp.concatenate([jaccard[:1], jaccard[1:] - jaccard[:-1]])
    return jaccard


def setup_inputs(seed: int = 0) -> dict:
    key = jax.random.key(seed)
    k1, k2 = jax.random.split(key)
    inputs = jax.random.normal(k1, (4, 21, 512, 512), dtype=jnp.float32)
    targets = jax.random.randint(k2, (4, 512, 512), 0, 21, dtype=jnp.int32)
    return {"inputs": inputs, "targets": targets}


def reference(inputs, targets):
    # prob_flatten: [B, C, H, W] -> [B*H*W, C]
    num_classes = inputs.shape[1]
    inp = jnp.transpose(inputs, (0, 2, 3, 1)).reshape(-1, num_classes)
    tgt = targets.reshape(-1)

    losses = []
    for c in range(num_classes):
        target_c = (tgt == c).astype(jnp.float32)
        if num_classes == 1:
            input_c = inp[:, 0]
        else:
            input_c = inp[:, c]
        loss_c = jnp.abs(target_c - input_c)
        # descending sort + gather of targets by sort index
        order = jnp.argsort(-loss_c)
        loss_c_sorted = loss_c[order]
        target_c_sorted = target_c[order]
        losses.append(jnp.dot(loss_c_sorted, lovasz_grad(target_c_sorted)))
    losses = jnp.stack(losses)
    # reduction='mean'
    return jnp.mean(losses)

if __name__ == "__main__":
    import jax
    _d = setup_inputs()
    print(jax.jit(kernel)(*tuple(_d.values())))

</pallas_src>

<mosaic_0001>
#map = affine_map<(d0, d1) -> (0)>
#map1 = affine_map<(d0, d1) -> (0, 0)>
module attributes {stable_mosaic.version = 14 : i64} {
  func.func @_sc_hist_kernel(%arg0: i32, %arg1: i32, %arg2: memref<22020096xf32, #tpu.memory_space<hbm>>, %arg3: memref<1048576xi32, #tpu.memory_space<hbm>>, %arg4: memref<32x43008xf32, #tpu.memory_space<hbm>>, %arg5: memref<4x8192xf32, #tpu.memory_space<vmem>>, %arg6: memref<2x8192xi32, #tpu.memory_space<vmem>>, %arg7: memref<8192xi32, #tpu.memory_space<vmem>>, %arg8: memref<8192xf32, #tpu.memory_space<vmem>>, %arg9: memref<43008xf32, #tpu.memory_space<vmem>>, %arg10: memref<!tpu.dma_semaphore, #tpu.memory_space<semaphore_mem>>, %arg11: memref<!tpu.dma_semaphore, #tpu.memory_space<semaphore_mem>>, %arg12: memref<!tpu.dma_semaphore, #tpu.memory_space<semaphore_mem>>, %arg13: memref<!tpu.dma_semaphore, #tpu.memory_space<semaphore_mem>>, %arg14: memref<!tpu.dma_semaphore, #tpu.memory_space<semaphore_mem>>, %arg15: memref<!tpu.dma_semaphore, #tpu.memory_space<semaphore_mem>>, %arg16: memref<!tpu.dma_semaphore, #tpu.memory_space<semaphore_mem>>, %arg17: memref<!tpu.dma_semaphore, #tpu.memory_space<semaphore_mem>>) attributes {dimension_semantics = [#tpu.dimension_semantics<core_parallel>, #tpu.dimension_semantics<subcore_parallel>], iteration_bounds = array<i64: 2, 16>, scalar_prefetch = 0 : i64, scratch_operands = 13 : i64, tpu.core_type = #tpu.core_type<sc_vector_subcore>, window_params = [{transform_indices = #map}, {transform_indices = #map}, {transform_indices = #map1}]} {
    %mul3A = arith.constant 2 : i32
    %mul3A_0 = arith.muli %arg1, %mul3A : i32
    %add3A = arith.addi %mul3A_0, %arg0 : i32
    %iota3A = tpu.iota {dimensions = array<i32: 0>} : vector<16xi32>
    %broadcast_in_dim3A = arith.constant 1.000000e+00 : f32
    %broadcast_in_dim3A_1 = vector.broadcast %broadcast_in_dim3A : f32 to vector<16xf32>
    %neg3A = arith.constant 0.000000e+00 : f32
    %neg3A_2 = vector.broadcast %neg3A : f32 to vector<16xf32>
    %neg3A_3 = arith.subf %neg3A_2, %broadcast_in_dim3A_1 : vector<16xf32>
    %broadcast_in_dim3A_4 = arith.constant 0.000000e+00 : f32
    %broadcast_in_dim3A_5 = vector.broadcast %broadcast_in_dim3A_4 : f32 to vector<16xf32>
    %mul3A_6 = arith.constant 4 : i32
    %mul3A_7 = arith.muli %add3A, %mul3A_6 : i32
    %scan3A = arith.constant 0 : i32
    %scan3A_8 = arith.constant 0 : i32
    %scan3A_9 = arith.constant 2688 : i32
    %scan3A_10 = arith.addi %scan3A_8, %scan3A_9 : i32
    %scan3A_11 = arith.constant 1 : i32
    %scan3A_12 = scf.for %scan3A_31 = %scan3A_8 to %scan3A_10 step %scan3A_11 iter_args(%scan3A_32 = %scan3A) -> (i32)  : i32 {
      %mul3A_33 = arith.constant 16 : i32
      %mul3A_34 = arith.muli %scan3A_31, %mul3A_33 : i32
      %swap3A = arith.index_cast %mul3A_34 : i32 to index
      %swap3A_35 = tpu.vector_load %arg9[%swap3A] {strides = array<i32>} : memref<43008xf32, #tpu.memory_space<vmem>>, vector<16xf32>,
      tpu.vector_store %arg9[%swap3A], %broadcast_in_dim3A_5 {strides = array<i32>} : memref<43008xf32, #tpu.memory_space<vmem>>, vector<16xf32>,
      %scan3A_36 = arith.constant 0 : i32
      scf.yield %scan3A_36 : i32
    }
    %scan3A_13 = arith.constant 2688 : i32
    %mul3A_14 = arith.constant 8192 : i32
    %mul3A_15 = arith.muli %mul3A_7, %mul3A_14 : i32
    %dma_start3A = arith.constant 0 : i32
    %dma_start3A_16 = arith.constant 0 : i32
    %dma_start3A_17 = tpu.memref_slice %arg6[%dma_start3A, %dma_start3A_16] : memref<2x8192xi32, #tpu.memory_space<vmem>> -> memref<1x8192xi32, #tpu.memory_space<vmem>>
    %dma_start3A_18 = tpu.memref_squeeze %dma_start3A_17 : memref<1x8192xi32, #tpu.memory_space<vmem>> -> memref<8192xi32, #tpu.memory_space<vmem>>
    %dma_start3A_19 = tpu.memref_slice %arg3[%mul3A_15] : memref<1048576xi32, #tpu.memory_space<hbm>> -> memref<8192xi32, #tpu.memory_space<hbm>>
    %dma_start3A_20 = arith.constant 0 : i32
    %dma_start3A_21 = tpu.memref_slice %arg6[%dma_start3A, %dma_start3A_20] : memref<2x8192xi32, #tpu.memory_space<vmem>> -> memref<1x8192xi32, #tpu.memory_space<vmem>>
    %dma_start3A_22 = tpu.memref_squeeze %dma_start3A_21 : memref<1x8192xi32, #tpu.memory_space<vmem>> -> memref<8192xi32, #tpu.memory_space<vmem>>
    %dma_start3A_23 = tpu.memref_slice %arg3[%mul3A_15] : memref<1048576xi32, #tpu.memory_space<hbm>> -> memref<8192xi32, #tpu.memory_space<hbm>>
    tpu.enqueue_dma source(%dma_start3A_23 : memref<8192xi32, #tpu.memory_space<hbm>>) target(%dma_start3A_22 : memref<8192xi32, #tpu.memory_space<vmem>>) target_semaphore(%arg14 : memref<!tpu.dma_semaphore, #tpu.memory_space<semaphore_mem>>)
    %scan3A_24 = arith.constant 0 : i32
    %scan3A_25 = arith.constant 0 : i32
    %scan3A_26 = arith.constant 2 : i32
    %scan3A_27 = arith.addi %scan3A_25, %scan3A_26 : i32
    %scan3A_28 = arith.constant 1 : i32
    %scan3A_29 = scf.for %scan3A_31 = %scan3A_25 to %scan3A_27 step %scan3A_28 iter_args(%scan3A_32 = %scan3A_24) -> (i32)  : i32 {
      %mul3A_33 = arith.constant 2 : i32
      %mul3A_34 = arith.muli %mul3A_33, %scan3A_31 : i32
      %add3A_35 = arith.addi %mul3A_7, %mul3A_34 : i32
      %add3A_36 = arith.constant 1 : i32
      %add3A_37 = arith.addi %add3A_35, %add3A_36 : i32
      %dma_wait3A = arith.constant 0 : i32
      %dma_wait3A_38 = arith.constant 0 : i32
      %dma_wait3A_39 = tpu.memref_slice %arg6[%dma_wait3A, %dma_wait3A_38] : memref<2x8192xi32, #tpu.memory_space<vmem>> -> memref<1x8192xi32, #tpu.memory_space<vmem>>
      %dma_wait3A_40 = tpu.memref_squeeze %dma_wait3A_39 : memref<1x8192xi32, #tpu.memory_space<vmem>> -> memref<8192xi32, #tpu.memory_space<vmem>>
      %dma_wait3A_41 = arith.constant 0 : i32
      %dma_wait3A_42 = tpu.memref_slice %arg3[%dma_wait3A_41] : memref<1048576xi32, #tpu.memory_space<hbm>> -> memref<8192xi32, #tpu.memory_space<hbm>>
      %dma_wait3A_43 = arith.constant 0 : i32
      %dma_wait3A_44 = tpu.memref_slice %arg6[%dma_wait3A, %dma_wait3A_43] : memref<2x8192xi32, #tpu.memory_space<vmem>> -> memref<1x8192xi32, #tpu.memory_space<vmem>>
      %dma_wait3A_45 = tpu.memref_squeeze %dma_wait3A_44 : memref<1x8192xi32, #tpu.memory_space<vmem>> -> memref<8192xi32, #tpu.memory_space<vmem>>
      %dma_wait3A_46 = arith.constant 0 : i32
      %dma_wait3A_47 = tpu.memref_slice %arg3[%dma_wait3A_46] : memref<1048576xi32, #tpu.memory_space<hbm>> -> memref<8192xi32, #tpu.memory_space<hbm>>
      tpu.wait_dma2 semaphore(%arg14 : memref<!tpu.dma_semaphore, #tpu.memory_space<semaphore_mem>>) src(%dma_wait3A_47 : memref<8192xi32, #tpu.memory_space<hbm>>) dst(%dma_wait3A_45 : memref<8192xi32, #tpu.memory_space<vmem>>)
      %jit3A = arith.constant 32 : i32
      %div3A = arith.divsi %add3A_35, %jit3A : i32
      %sign3A = arith.constant 0 : i32
      %sign3A_48 = arith.cmpi sgt, %add3A_35, %sign3A : i32
      %sign3A_49 = arith.extui %sign3A_48 : i1 to i32
      %sign3A_50 = arith.constant 0 : i32
      %sign3A_51 = arith.cmpi slt, %add3A_35, %sign3A_50 : i32
      %sign3A_52 = arith.extui %sign3A_51 : i1 to i32
      %sign3A_53 = arith.subi %sign3A_49, %sign3A_52 : i32
      %sign3A_54 = arith.constant 0 : i32
      %sign3A_55 = arith.cmpi sgt, %jit3A, %sign3A_54 : i32
      %sign3A_56 = arith.extui %sign3A_55 : i1 to i32
      %sign3A_57 = arith.constant 0 : i32
      %sign3A_58 = arith.cmpi slt, %jit3A, %sign3A_57 : i32
      %sign3A_59 = arith.extui %sign3A_58 : i1 to i32
      %sign3A_60 = arith.subi %sign3A_56, %sign3A_59 : i32
      %ne3A = arith.cmpi ne, %sign3A_53, %sign3A_60 : i32
      %rem3A = arith.remsi %add3A_35, %jit3A : i32
      %ne3A_61 = arith.constant 0 : i32
      %ne3A_62 = arith.cmpi ne, %rem3A, %ne3A_61 : i32
      %and3A = arith.andi %ne3A, %ne3A_62 : i1
      %sub3A = arith.constant 1 : i32
      %sub3A_63 = arith.subi %div3A, %sub3A : i32
      %select_n3A = arith.select %and3A, %sub3A_63, %div3A : i32
      %jit3A_64 = arith.constant 32 : i32
      %eq3A = arith.constant 0 : i32
      %eq3A_65 = arith.cmpi eq, %jit3A_64, %eq3A : i32
      %jit3A_66 = arith.constant 1 : i32
      %select_n3A_67 = arith.select %eq3A_65, %jit3A_66, %jit3A_64 : i32
      %rem3A_68 = arith.remsi %add3A_35, %select_n3A_67 : i32
      %ne3A_69 = arith.constant 0 : i32
      %ne3A_70 = arith.cmpi ne, %rem3A_68, %ne3A_69 : i32
      %lt3A = arith.constant 0 : i32
      %lt3A_71 = arith.cmpi slt, %rem3A_68, %lt3A : i32
      %lt3A_72 = arith.constant 0 : i32
      %lt3A_73 = arith.cmpi slt, %select_n3A_67, %lt3A_72 : i32
      %ne3A_74 = arith.xori %lt3A_71, %lt3A_73 : i1
      %and3A_75 = arith.andi %ne3A_74, %ne3A_70 : i1
      %add3A_76 = arith.addi %rem3A_68, %select_n3A_67 : i32
      %select_n3A_77 = arith.select %and3A_75, %add3A_76, %rem3A_68 : i32
      %mul3A_78 = arith.constant 8192 : i32
      %mul3A_79 = arith.muli %select_n3A_77, %mul3A_78 : i32
      %mul3A_80 = arith.constant 21 : i32
      %mul3A_81 = arith.muli %select_n3A, %mul3A_80 : i32
      %add3A_82 = arith.constant 0 : i32
      %add3A_83 = arith.addi %mul3A_81, %add3A_82 : i32
      %mul3A_84 = arith.constant 262144 : i32
      %mul3A_85 = arith.muli %add3A_83, %mul3A_84 : i32
      %add3A_86 = arith.addi %mul3A_85, %mul3A_79 : i32
      %dma_start3A_87 = arith.constant 0 : i32
      %dma_start3A_88 = arith.constant 0 : i32
      %dma_start3A_89 = tpu.memref_slice %arg5[%dma_start3A_87, %dma_start3A_88] : memref<4x8192xf32, #tpu.memory_space<vmem>> -> memref<1x8192xf32, #tpu.memory_space<vmem>>
      %dma_start3A_90 = tpu.memref_squeeze %dma_start3A_89 : memref<1x8192xf32, #tpu.memory_space<vmem>> -> memref<8192xf32, #tpu.memory_space<vmem>>
      %dma_start3A_91 = tpu.memref_slice %arg2[%add3A_86] : memref<22020096xf32, #tpu.memory_space<hbm>> -> memref<8192xf32, #tpu.memory_space<hbm>>
      %dma_start3A_92 = arith.constant 0 : i32
      %dma_start3A_93 = tpu.memref_slice %arg5[%dma_start3A_87, %dma_start3A_92] : memref<4x8192xf32, #tpu.memory_space<vmem>> -> memref<1x8192xf32, #tpu.memory_space<vmem>>
      %dma_start3A_94 = tpu.memref_squeeze %dma_start3A_93 : memref<1x8192xf32, #tpu.memory_space<vmem>> -> memref<8192xf32, #tpu.memory_space<vmem>>
      %dma_start3A_95 = tpu.memref_slice %arg2[%add3A_86] : memref<22020096xf32, #tpu.memory_space<hbm>> -> memref<8192xf32, #tpu.memory_space<hbm>>
      tpu.enqueue_dma source(%dma_start3A_95 : memref<8192xf32, #tpu.memory_space<hbm>>) target(%dma_start3A_94 : memref<8192xf32, #tpu.memory_space<vmem>>) target_semaphore(%arg10 : memref<!tpu.dma_semaphore, #tpu.memory_space<semaphore_mem>>)
      %jit3A_96 = arith.constant 32 : i32
      %div3A_97 = arith.divsi %add3A_35, %jit3A_96 : i32
      %sign3A_98 = arith.constant 0 : i32
      %sign3A_99 = arith.cmpi sgt, %add3A_35, %sign3A_98 : i32
      %sign3A_100 = arith.extui %sign3A_99 : i1 to i32
      %sign3A_101 = arith.constant 0 : i32
      %sign3A_102 = arith.cmpi slt, %add3A_35, %sign3A_101 : i32
      %sign3A_103 = arith.extui %sign3A_102 : i1 to i32
      %sign3A_104 = arith.subi %sign3A_100, %sign3A_103 : i32
      %sign3A_105 = arith.constant 0 : i32
      %sign3A_106 = arith.cmpi sgt, %jit3A_96, %sign3A_105 : i32
      %sign3A_107 = arith.extui %sign3A_106 : i1 to i32
      %sign3A_108 = arith.constant 0 : i32
      %sign3A_109 = arith.cmpi slt, %jit3A_96, %sign3A_108 : i32
      %sign3A_110 = arith.extui %sign3A_109 : i1 to i32
      %sign3A_111 = arith.subi %sign3A_107, %sign3A_110 : i32
      %ne3A_112 = arith.cmpi ne, %sign3A_104, %sign3A_111 : i32
      %rem3A_113 = arith.remsi %add3A_35, %jit3A_96 : i32
      %ne3A_114 = arith.constant 0 : i32
      %ne3A_115 = arith.cmpi ne, %rem3A_113, %ne3A_114 : i32
      %and3A_116 = arith.andi %ne3A_112, %ne3A_115 : i1
      %sub3A_117 = arith.constant 1 : i32
      %sub3A_118 = arith.subi %div3A_97, %sub3A_117 : i32
      %select_n3A_119 = arith.select %and3A_116, %sub3A_118, %div3A_97 : i32
      %jit3A_120 = arith.constant 32 : i32
      %eq3A_121 = arith.constant 0 : i32
      %eq3A_122 = arith.cmpi eq, %jit3A_120, %eq3A_121 : i32
      %jit3A_123 = arith.constant 1 : i32
      %select_n3A_124 = arith.select %eq3A_122, %jit3A_123, %jit3A_120 : i32
      %rem3A_125 = arith.remsi %add3A_35, %select_n3A_124 : i32
      %ne3A_126 = arith.constant 0 : i32
      %ne3A_127 = arith.cmpi ne, %rem3A_125, %ne3A_126 : i32
      %lt3A_128 = arith.constant 0 : i32
      %lt3A_129 = arith.cmpi slt, %rem3A_125, %lt3A_128 : i32
      %lt3A_130 = arith.constant 0 : i32
      %lt3A_131 = arith.cmpi slt, %select_n3A_124, %lt3A_130 : i32
      %ne3A_132 = arith.xori %lt3A_129, %lt3A_131 : i1
      %and3A_133 = arith.andi %ne3A_132, %ne3A_127 : i1
      %add3A_134 = arith.addi %rem3A_125, %select_n3A_124 : i32
      %select_n3A_135 = arith.select %and3A_133, %add3A_134, %rem3A_125 : i32
      %mul3A_136 = arith.constant 8192 : i32
      %mul3A_137 = arith.muli %select_n3A_135, %mul3A_136 : i32
      %mul3A_138 = arith.constant 21 : i32
      %mul3A_139 = arith.muli %select_n3A_119, %mul3A_138 : i32
      %add3A_140 = arith.constant 1 : i32
      %add3A_141 = arith.addi %mul3A_139, %add3A_140 : i32
      %mul3A_142 = arith.constant 262144 : i32
      %mul3A_143 = arith.muli %add3A_141, %mul3A_142 : i32
      %add3A_144 = arith.addi %mul3A_143, %mul3A_137 : i32
      %dma_start3A_145 = arith.constant 1 : i32
      %dma_start3A_146 = arith.constant 0 : i32
      %dma_start3A_147 = tpu.memref_slice %arg5[%dma_start3A_145, %dma_start3A_146] : memref<4x8192xf32, #tpu.memory_space<vmem>> -> memref<1x8192xf32, #tpu.memory_space<vmem>>
      %dma_start3A_148 = tpu.memref_squeeze %dma_start3A_147 : memref<1x8192xf32, #tpu.memory_space<vmem>> -> memref<8192xf32, #tpu.memory_space<vmem>>
      %dma_start3A_149 = tpu.memref_slice %arg2[%add3A_144] : memref<22020096xf32, #tpu.memory_space<hbm>> -> memref<8192xf32, #tpu.memory_space<hbm>>
      %dma_start3A_150 = arith.constant 0 : i32
      %dma_start3A_151 = tpu.memref_slice %arg5[%dma_start3A_145, %dma_start3A_150] : memref<4x8192xf32, #tpu.memory_space<vmem>> -> memref<1x8192xf32, #tpu.memory_space<vmem>>
      %dma_start3A_152 = tpu.memref_squeeze %dma_start3A_151 : memref<1x8192xf32, #tpu.memory_space<vmem>> -> memref<8192xf32, #tpu.memory_space<vmem>>
      %dma_start3A_153 = tpu.memref_slice %arg2[%add3A_144] : memref<22020096xf32, #tpu.memory_space<hbm>> -> memref<8192xf32, #tpu.memory_space<hbm>>
      tpu.enqueue_dma source(%dma_start3A_153 : memref<8192xf32, #tpu.memory_space<hbm>>) target(%dma_start3A_152 : memref<8192xf32, #tpu.memory_space<vmem>>) target_semaphore(%arg11 : memref<!tpu.dma_semaphore, #tpu.memory_space<semaphore_mem>>)
      %jit3A_154 = arith.constant 32 : i32
      %div3A_155 = arith.divsi %add3A_35, %jit3A_154 : i32
      %sign3A_156 = arith.constant 0 : i32
      %sign3A_157 = arith.cmpi sgt, %add3A_35, %sign3A_156 : i32
      %sign3A_158 = arith.extui %sign3A_157 : i1 to i32
      %sign3A_159 = arith.constant 0 : i32
      %sign3A_160 = arith.cmpi slt, %add3A_35, %sign3A_159 : i32
      %sign3A_161 = arith.extui %sign3A_160 : i1 to i32
      %sign3A_162 = arith.subi %sign3A_158, %sign3A_161 : i32
      %sign3A_163 = arith.constant 0 : i32
      %sign3A_164 = arith.cmpi sgt, %jit3A_154, %sign3A_163 : i32
      %sign3A_165 = arith.extui %sign3A_164 : i1 to i32
      %sign3A_166 = arith.constant 0 : i32
      %sign3A_167 = arith.cmpi slt, %jit3A_154, %sign3A_166 : i32
      %sign3A_168 = arith.extui %sign3A_167 : i1 to i32
      %sign3A_169 = arith.subi %sign3A_165, %sign3A_168 : i32
      %ne3A_170 = arith.cmpi ne, %sign3A_162, %sign3A_169 : i32
      %rem3A_171 = arith.remsi %add3A_35, %jit3A_154 : i32
      %ne3A_172 = arith.constant 0 : i32
      %ne3A_173 = arith.cmpi ne, %rem3A_171, %ne3A_172 : i32
      %and3A_174 = arith.andi %ne3A_170, %ne3A_173 : i1
      %sub3A_175 = arith.constant 1 : i32
      %sub3A_176 = arith.subi %div3A_155, %sub3A_175 : i32
      %select_n3A_177 = arith.select %and3A_174, %sub3A_176, %div3A_155 : i32
      %jit3A_178 = arith.constant 32 : i32
      %eq3A_179 = arith.constant 0 : i32
      %eq3A_180 = arith.cmpi eq, %jit3A_178, %eq3A_179 : i32
      %jit3A_181 = arith.constant 1 : i32
      %select_n3A_182 = arith.select %eq3A_180, %jit3A_181, %jit3A_178 : i32
      %rem3A_183 = arith.remsi %add3A_35, %select_n3A_182 : i32
      %ne3A_184 = arith.constant 0 : i32
      %ne3A_185 = arith.cmpi ne, %rem3A_183, %ne3A_184 : i32
      %lt3A_186 = arith.constant 0 : i32
      %lt3A_187 = arith.cmpi slt, %rem3A_183, %lt3A_186 : i32
      %lt3A_188 = arith.constant 0 : i32
      %lt3A_189 = arith.cmpi slt, %select_n3A_182, %lt3A_188 : i32
      %ne3A_190 = arith.xori %lt3A_187, %lt3A_189 : i1
      %and3A_191 = arith.andi %ne3A_190, %ne3A_185 : i1
      %add3A_192 = arith.addi %rem3A_183, %select_n3A_182 : i32
      %select_n3A_193 = arith.select %and3A_191, %add3A_192, %rem3A_183 : i32
      %mul3A_194 = arith.constant 8192 : i32
      %mul3A_195 = arith.muli %select_n3A_193, %mul3A_194 : i32
      %mul3A_196 = arith.constant 21 : i32
      %mul3A_197 = arith.muli %select_n3A_177, %mul3A_196 : i32
      %add3A_198 = arith.constant 2 : i32
      %add3A_199 = arith.addi %mul3A_197, %add3A_198 : i32
      %mul3A_200 = arith.constant 262144 : i32
      %mul3A_201 = arith.muli %add3A_199, %mul3A_200 : i32
      %add3A_202 = arith.addi %mul3A_201, %mul3A_195 : i32
      %dma_start3A_203 = arith.constant 2 : i32
      %dma_start3A_204 = arith.constant 0 : i32
      %dma_start3A_205 = tpu.memref_slice %arg5[%dma_start3A_203, %dma_start3A_204] : memref<4x8192xf32, #tpu.memory_space<vmem>> -> memref<1x8192xf32, #tpu.memory_space<vmem>>
      %dma_start3A_206 = tpu.memref_squeeze %dma_start3A_205 : memref<1x8192xf32, #tpu.memory_space<vmem>> -> memref<8192xf32, #tpu.memory_space<vmem>>
      %dma_start3A_207 = tpu.memref_slice %arg2[%add3A_202] : memref<22020096xf32, #tpu.memory_space<hbm>> -> memref<8192xf32, #tpu.memory_space<hbm>>
      %dma_start3A_208 = arith.constant 0 : i32
      %dma_start3A_209 = tpu.memref_slice %arg5[%dma_start3A_203, %dma_start3A_208] : memref<4x8192xf32, #tpu.memory_space<vmem>> -> memref<1x8192xf32, #tpu.memory_space<vmem>>
      %dma_start3A_210 = tpu.memref_squeeze %dma_start3A_209 : memref<1x8192xf32, #tpu.memory_space<vmem>> -> memref<8192xf32, #tpu.memory_space<vmem>>
      %dma_start3A_211 = tpu.memref_slice %arg2[%add3A_202] : memref<22020096xf32, #tpu.memory_space<hbm>> -> memref<8192xf32, #tpu.memory_space<hbm>>
      tpu.enqueue_dma source(%dma_start3A_211 : memref<8192xf32, #tpu.memory_space<hbm>>) target(%dma_start3A_210 : memref<8192xf32, #tpu.memory_space<vmem>>) target_semaphore(%arg12 : memref<!tpu.dma_semaphore, #tpu.memory_space<semaphore_mem>>)
      %mul3A_212 = arith.constant 8192 : i32
      %mul3A_213 = arith.muli %add3A_37, %mul3A_212 : i32
      %dma_start3A_214 = arith.constant 1 : i32
      %dma_start3A_215 = arith.constant 0 : i32
      %dma_start3A_216 = tpu.memref_slice %arg6[%dma_start3A_214, %dma_start3A_215] : memref<2x8192xi32, #tpu.memory_space<vmem>> -> memref<1x8192xi32, #tpu.memory_space<vmem>>
      %dma_start3A_217 = tpu.memref_squeeze %dma_start3A_216 : memref<1x8192xi32, #tpu.memory_space<vmem>> -> memref<8192xi32, #tpu.memory_space<vmem>>
      %dma_start3A_218 = tpu.memref_slice %arg3[%mul3A_213] : memref<1048576xi32, #tpu.memory_space<hbm>> -> memref<8192xi32, #tpu.memory_space<hbm>>
      %dma_start3A_219 = arith.constant 0 : i32
      %dma_start3A_220 = tpu.memref_slice %arg6[%dma_start3A_214, %dma_start3A_219] : memref<2x8192xi32, #tpu.memory_space<vmem>> -> memref<1x8192xi32, #tpu.memory_space<vmem>>
      %dma_start3A_221 = tpu.memref_squeeze %dma_start3A_220 : memref<1x8192xi32, #tpu.memory_space<vmem>> -> memref<8192xi32, #tpu.memory_space<vmem>>
      %dma_start3A_222 = tpu.memref_slice %arg3[%mul3A_213] : memref<1048576xi32, #tpu.memory_space<hbm>> -> memref<8192xi32, #tpu.memory_space<hbm>>
      tpu.enqueue_dma source(%dma_start3A_222 : memref<8192xi32, #tpu.memory_space<hbm>>) target(%dma_start3A_221 : memref<8192xi32, #tpu.memory_space<vmem>>) target_semaphore(%arg15 : memref<!tpu.dma_semaphore, #tpu.memory_space<semaphore_mem>>)
      %jit3A_223 = arith.constant 32 : i32
      %div3A_224 = arith.divsi %add3A_35, %jit3A_223 : i32
      %sign3A_225 = arith.constant 0 : i32
      %sign3A_226 = arith.cmpi sgt, %add3A_35, %sign3A_225 : i32
      %sign3A_227 = arith.extui %sign3A_226 : i1 to i32
      %sign3A_228 = arith.constant 0 : i32
      %sign3A_229 = arith.cmpi slt, %add3A_35, %sign3A_228 : i32
      %sign3A_230 = arith.extui %sign3A_229 : i1 to i32
      %sign3A_231 = arith.subi %sign3A_227, %sign3A_230 : i32
      %sign3A_232 = arith.constant 0 : i32
      %sign3A_233 = arith.cmpi sgt, %jit3A_223, %sign3A_232 : i32
      %sign3A_234 = arith.extui %sign3A_233 : i1 to i32
      %sign3A_235 = arith.constant 0 : i32
      %sign3A_236 = arith.cmpi slt, %jit3A_223, %sign3A_235 : i32
      %sign3A_237 = arith.extui %sign3A_236 : i1 to i32
      %sign3A_238 = arith.subi %sign3A_234, %sign3A_237 : i32
      %ne3A_239 = arith.cmpi ne, %sign3A_231, %sign3A_238 : i32
      %rem3A_240 = arith.remsi %add3A_35, %jit3A_223 : i32
      %ne3A_241 = arith.constant 0 : i32
      %ne3A_242 = arith.cmpi ne, %rem3A_240, %ne3A_241 : i32
      %and3A_243 = arith.andi %ne3A_239, %ne3A_242 : i1
      %sub3A_244 = arith.constant 1 : i32
      %sub3A_245 = arith.subi %div3A_224, %sub3A_244 : i32
      %select_n3A_246 = arith.select %and3A_243, %sub3A_245, %div3A_224 : i32
      %jit3A_247 = arith.constant 32 : i32
      %eq3A_248 = arith.constant 0 : i32
      %eq3A_249 = arith.cmpi eq, %jit3A_247, %eq3A_248 : i32
      %jit3A_250 = arith.constant 1 : i32
      %select_n3A_251 = arith.select %eq3A_249, %jit3A_250, %jit3A_247 : i32
      %rem3A_252 = arith.remsi %add3A_35, %select_n3A_251 : i32
      %ne3A_253 = arith.constant 0 : i32
      %ne3A_254 = arith.cmpi ne, %rem3A_252, %ne3A_253 : i32
      %lt3A_255 = arith.constant 0 : i32
      %lt3A_256 = arith.cmpi slt, %rem3A_252, %lt3A_255 : i32
      %lt3A_257 = arith.constant 0 : i32
      %lt3A_258 = arith.cmpi slt, %select_n3A_251, %lt3A_257 : i32
      %ne3A_259 = arith.xori %lt3A_256, %lt3A_258 : i1
      %and3A_260 = arith.andi %ne3A_259, %ne3A_254 : i1
      %add3A_261 = arith.addi %rem3A_252, %select_n3A_251 : i32
      %select_n3A_262 = arith.select %and3A_260, %add3A_261, %rem3A_252 : i32
      %mul3A_263 = arith.constant 8192 : i32
      %mul3A_264 = arith.muli %select_n3A_262, %mul3A_263 : i32
      %mul3A_265 = arith.constant 21 : i32
      %mul3A_266 = arith.muli %select_n3A_246, %mul3A_265 : i32
      %mul3A_267 = arith.constant 262144 : i32
      %mul3A_268 = arith.muli %mul3A_266, %mul3A_267 : i32
      %add3A_269 = arith.addi %mul3A_268, %mul3A_264 : i32
      %scan3A_270 = arith.constant 0 : i32
      %scan3A_271 = arith.constant 0 : i32
      %scan3A_272 = arith.constant 128 : i32
      %scan3A_273 = arith.addi %scan3A_271, %scan3A_272 : i32
      %scan3A_274 = arith.constant 1 : i32
      %scan3A_275 = scf.for %scan3A_610 = %scan3A_271 to %scan3A_273 step %scan3A_274 iter_args(%scan3A_611 = %scan3A_270) -> (i32)  : i32 {
        %mul3A_612 = arith.constant 4 : i32
        %mul3A_613 = arith.muli %scan3A_610, %mul3A_612 : i32
        %add3A_614 = arith.constant 0 : i32
        %add3A_615 = arith.addi %mul3A_613, %add3A_614 : i32
        %mul3A_616 = arith.constant 16 : i32
        %mul3A_617 = arith.muli %add3A_615, %mul3A_616 : i32
        %get3A = arith.constant 0 : i32
        %get3A_618 = arith.index_cast %get3A : i32 to index
        %get3A_619 = arith.index_cast %mul3A_617 : i32 to index
        %get3A_620 = tpu.vector_load %arg6[%get3A_618, %get3A_619] {strides = array<i32>} : memref<2x8192xi32, #tpu.memory_space<vmem>>, vector<16xi32>,
        %mul3A_621 = arith.constant 262144 : i32
        %mul3A_622 = vector.broadcast %mul3A_621 : i32 to vector<16xi32>
        %mul3A_623 = arith.muli %get3A_620, %mul3A_622 : vector<16xi32>
        %add3A_624 = arith.addi %add3A_269, %mul3A_617 : i32
        %add3A_625 = vector.broadcast %add3A_624 : i32 to vector<16xi32>
        %add3A_626 = arith.addi %iota3A, %add3A_625 : vector<16xi32>
        %add3A_627 = arith.addi %mul3A_623, %add3A_626 : vector<16xi32>
        %swap3A = arith.index_cast %mul3A_617 : i32 to index
        %swap3A_628 = tpu.vector_load %arg7[%swap3A] {strides = array<i32>} : memref<8192xi32, #tpu.memory_space<vmem>>, vector<16xi32>,
        tpu.vector_store %arg7[%swap3A], %add3A_627 {strides = array<i32>} : memref<8192xi32, #tpu.memory_space<vmem>>, vector<16xi32>,
        %mul3A_629 = arith.constant 4 : i32
        %mul3A_630 = arith.muli %scan3A_610, %mul3A_629 : i32
        %add3A_631 = arith.constant 1 : i32
        %add3A_632 = arith.addi %mul3A_630, %add3A_631 : i32
        %mul3A_633 = arith.constant 16 : i32
        %mul3A_634 = arith.muli %add3A_632, %mul3A_633 : i32
        %get3A_635 = arith.constant 0 : i32
        %get3A_636 = arith.index_cast %get3A_635 : i32 to index
        %get3A_637 = arith.index_cast %mul3A_634 : i32 to index
        %get3A_638 = tpu.vector_load %arg6[%get3A_636, %get3A_637] {strides = array<i32>} : memref<2x8192xi32, #tpu.memory_space<vmem>>, vector<16xi32>,
        %mul3A_639 = arith.constant 262144 : i32
        %mul3A_640 = vector.broadcast %mul3A_639 : i32 to vector<16xi32>
        %mul3A_641 = arith.muli %get3A_638, %mul3A_640 : vector<16xi32>
        %add3A_642 = arith.addi %add3A_269, %mul3A_634 : i32
        %add3A_643 = vector.broadcast %add3A_642 : i32 to vector<16xi32>
        %add3A_644 = arith.addi %iota3A, %add3A_643 : vector<16xi32>
        %add3A_645 = arith.addi %mul3A_641, %add3A_644 : vector<16xi32>
        %swap3A_646 = arith.index_cast %mul3A_634 : i32 to index
        %swap3A_647 = tpu.vector_load %arg7[%swap3A_646] {strides = array<i32>} : memref<8192xi32, #tpu.memory_space<vmem>>, vector<16xi32>,
        tpu.vector_store %arg7[%swap3A_646], %add3A_645 {strides = array<i32>} : memref<8192xi32, #tpu.memory_space<vmem>>, vector<16xi32>,
        %mul3A_648 = arith.constant 4 : i32
        %mul3A_649 = arith.muli %scan3A_610, %mul3A_648 : i32
        %add3A_650 = arith.constant 2 : i32
        %add3A_651 = arith.addi %mul3A_649, %add3A_650 : i32
        %mul3A_652 = arith.constant 16 : i32
        %mul3A_653 = arith.muli %add3A_651, %mul3A_652 : i32
        %get3A_654 = arith.constant 0 : i32
        %get3A_655 = arith.index_cast %get3A_654 : i32 to index
        %get3A_656 = arith.index_cast %mul3A_653 : i32 to index
        %get3A_657 = tpu.vector_load %arg6[%get3A_655, %get3A_656] {strides = array<i32>} : memref<2x8192xi32, #tpu.memory_space<vmem>>, vector<16xi32>,
        %mul3A_658 = arith.constant 262144 : i32
        %mul3A_659 = vector.broadcast %mul3A_658 : i32 to vector<16xi32>
        %mul3A_660 = arith.muli %get3A_657, %mul3A_659 : vector<16xi32>
        %add3A_661 = arith.addi %add3A_269, %mul3A_653 : i32
        %add3A_662 = vector.broadcast %add3A_661 : i32 to vector<16xi32>
        %add3A_663 = arith.addi %iota3A, %add3A_662 : vector<16xi32>
        %add3A_664 = arith.addi %mul3A_660, %add3A_663 : vector<16xi32>
        %swap3A_665 = arith.index_cast %mul3A_653 : i32 to index
        %swap3A_666 = tpu.vector_load %arg7[%swap3A_665] {strides = array<i32>} : memref<8192xi32, #tpu.memory_space<vmem>>, vector<16xi32>,
        tpu.vector_store %arg7[%swap3A_665], %add3A_664 {strides = array<i32>} : memref<8192xi32, #tpu.memory_space<vmem>>, vector<16xi32>,
        %mul3A_667 = arith.constant 4 : i32
        %mul3A_668 = arith.muli %scan3A_610, %mul3A_667 : i32
        %add3A_669 = arith.constant 3 : i32
        %add3A_670 = arith.addi %mul3A_668, %add3A_669 : i32
        %mul3A_671 = arith.constant 16 : i32
        %mul3A_672 = arith.muli %add3A_670, %mul3A_671 : i32
        %get3A_673 = arith.constant 0 : i32
        %get3A_674 = arith.index_cast %get3A_673 : i32 to index
        %get3A_675 = arith.index_cast %mul3A_672 : i32 to index
        %get3A_676 = tpu.vector_load %arg6[%get3A_674, %get3A_675] {strides = array<i32>} : memref<2x8192xi32, #tpu.memory_space<vmem>>, vector<16xi32>,
        %mul3A_677 = arith.constant 262144 : i32
        %mul3A_678 = vector.broadcast %mul3A_677 : i32 to vector<16xi32>
        %mul3A_679 = arith.muli %get3A_676, %mul3A_678 : vector<16xi32>
        %add3A_680 = arith.addi %add3A_269, %mul3A_672 : i32
        %add3A_681 = vector.broadcast %add3A_680 : i32 to vector<16xi32>
        %add3A_682 = arith.addi %iota3A, %add3A_681 : vector<16xi32>
        %add3A_683 = arith.addi %mul3A_679, %add3A_682 : vector<16xi32>
        %swap3A_684 = arith.index_cast %mul3A_672 : i32 to index
        %swap3A_685 = tpu.vector_load %arg7[%swap3A_684] {strides = array<i32>} : memref<8192xi32, #tpu.memory_space<vmem>>, vector<16xi32>,
        tpu.vector_store %arg7[%swap3A_684], %add3A_683 {strides = array<i32>} : memref<8192xi32, #tpu.memory_space<vmem>>, vector<16xi32>,
        %scan3A_686 = arith.constant 0 : i32
        scf.yield %scan3A_686 : i32
      }
      %scan3A_276 = arith.constant 128 : i32
      %dma_start3A_277 = arith.constant 0 : i32
      %dma_start3A_278 = tpu.memref_slice %arg2[%dma_start3A_277] : memref<22020096xf32, #tpu.memory_space<hbm>> -> memref<22020096xf32, #tpu.memory_space<hbm>>
      tpu.enqueue_indirect_dma source(%dma_start3A_278 : memref<22020096xf32, #tpu.memory_space<hbm>>) target(%arg8 : memref<8192xf32, #tpu.memory_space<vmem>>) offsets(%arg7 : memref<8192xi32, #tpu.memory_space<vmem>>) semaphore(%arg16 : memref<!tpu.dma_semaphore, #tpu.memory_space<semaphore_mem>>)
      %scan3A_279 = arith.constant 0 : i32
      %scan3A_280 = arith.constant 0 : i32
      %scan3A_281 = arith.constant 5 : i32
      %scan3A_282 = arith.addi %scan3A_280, %scan3A_281 : i32
      %scan3A_283 = arith.constant 1 : i32
      %scan3A_284 = scf.for %scan3A_610 = %scan3A_280 to %scan3A_282 step %scan3A_283 iter_args(%scan3A_611 = %scan3A_279) -> (i32)  : i32 {
        %mul3A_612 = arith.constant 4 : i32
        %mul3A_613 = arith.muli %mul3A_612, %scan3A_610 : i32
        %dma_wait3A_614 = arith.constant 0 : i32
        %dma_wait3A_615 = arith.constant 0 : i32
        %dma_wait3A_616 = tpu.memref_slice %arg5[%dma_wait3A_614, %dma_wait3A_615] : memref<4x8192xf32, #tpu.memory_space<vmem>> -> memref<1x8192xf32, #tpu.memory_space<vmem>>
        %dma_wait3A_617 = tpu.memref_squeeze %dma_wait3A_616 : memref<1x8192xf32, #tpu.memory_space<vmem>> -> memref<8192xf32, #tpu.memory_space<vmem>>
        %dma_wait3A_618 = arith.constant 0 : i32
        %dma_wait3A_619 = tpu.memref_slice %arg2[%dma_wait3A_618] : memref<22020096xf32, #tpu.memory_space<hbm>> -> memref<8192xf32, #tpu.memory_space<hbm>>
        %dma_wait3A_620 = arith.constant 0 : i32
        %dma_wait3A_621 = tpu.memref_slice %arg5[%dma_wait3A_614, %dma_wait3A_620] : memref<4x8192xf32, #tpu.memory_space<vmem>> -> memref<1x8192xf32, #tpu.memory_space<vmem>>
        %dma_wait3A_622 = tpu.memref_squeeze %dma_wait3A_621 : memref<1x8192xf32, #tpu.memory_space<vmem>> -> memref<8192xf32, #tpu.memory_space<vmem>>
        %dma_wait3A_623 = arith.constant 0 : i32
        %dma_wait3A_624 = tpu.memref_slice %arg2[%dma_wait3A_623] : memref<22020096xf32, #tpu.memory_space<hbm>> -> memref<8192xf32, #tpu.memory_space<hbm>>
        tpu.wait_dma2 semaphore(%arg10 : memref<!tpu.dma_semaphore, #tpu.memory_space<semaphore_mem>>) src(%dma_wait3A_624 : memref<8192xf32, #tpu.memory_space<hbm>>) dst(%dma_wait3A_622 : memref<8192xf32, #tpu.memory_space<vmem>>)
        %add3A_625 = arith.constant 3 : i32
        %add3A_626 = arith.addi %mul3A_613, %add3A_625 : i32
        %jit3A_627 = arith.constant 32 : i32
        %div3A_628 = arith.divsi %add3A_35, %jit3A_627 : i32
        %sign3A_629 = arith.constant 0 : i32
        %sign3A_630 = arith.cmpi sgt, %add3A_35, %sign3A_629 : i32
        %sign3A_631 = arith.extui %sign3A_630 : i1 to i32
        %sign3A_632 = arith.constant 0 : i32
        %sign3A_633 = arith.cmpi slt, %add3A_35, %sign3A_632 : i32
        %sign3A_634 = arith.extui %sign3A_633 : i1 to i32
        %sign3A_635 = arith.subi %sign3A_631, %sign3A_634 : i32
        %sign3A_636 = arith.constant 0 : i32
        %sign3A_637 = arith.cmpi sgt, %jit3A_627, %sign3A_636 : i32
        %sign3A_638 = arith.extui %sign3A_637 : i1 to i32
        %sign3A_639 = arith.constant 0 : i32
        %sign3A_640 = arith.cmpi slt, %jit3A_627, %sign3A_639 : i32
        %sign3A_641 = arith.extui %sign3A_640 : i1 to i32
        %sign3A_642 = arith.subi %sign3A_638, %sign3A_641 : i32
        %ne3A_643 = arith.cmpi ne, %sign3A_635, %sign3A_642 : i32
        %rem3A_644 = arith.remsi %add3A_35, %jit3A_627 : i32
        %ne3A_645 = arith.constant 0 : i32
        %ne3A_646 = arith.cmpi ne, %rem3A_644, %ne3A_645 : i32
        %and3A_647 = arith.andi %ne3A_643, %ne3A_646 : i1
        %sub3A_648 = arith.constant 1 : i32
        %sub3A_649 = arith.subi %div3A_628, %sub3A_648 : i32
        %select_n3A_650 = arith.select %and3A_647, %sub3A_649, %div3A_628 : i32
        %jit3A_651 = arith.constant 32 : i32
        %eq3A_652 = arith.constant 0 : i32
        %eq3A_653 = arith.cmpi eq, %jit3A_651, %eq3A_652 : i32
        %jit3A_654 = arith.constant 1 : i32
        %select_n3A_655 = arith.select %eq3A_653, %jit3A_654, %jit3A_651 : i32
        %rem3A_656 = arith.remsi %add3A_35, %select_n3A_655 : i32
        %ne3A_657 = arith.constant 0 : i32
        %ne3A_658 = arith.cmpi ne, %rem3A_656, %ne3A_657 : i32
        %lt3A_659 = arith.constant 0 : i32
        %lt3A_660 = arith.cmpi slt, %rem3A_656, %lt3A_659 : i32
        %lt3A_661 = arith.constant 0 : i32
        %lt3A_662 = arith.cmpi slt, %select_n3A_655, %lt3A_661 : i32
        %ne3A_663 = arith.xori %lt3A_660, %lt3A_662 : i1
        %and3A_664 = arith.andi %ne3A_663, %ne3A_658 : i1
        %add3A_665 = arith.addi %rem3A_656, %select_n3A_655 : i32
        %select_n3A_666 = arith.select %and3A_664, %add3A_665, %rem3A_656 : i32
        %mul3A_667 = arith.constant 8192 : i32
        %mul3A_668 = arith.muli %select_n3A_666, %mul3A_667 : i32
        %mul3A_669 = arith.constant 21 : i32
        %mul3A_670 = arith.muli %select_n3A_650, %mul3A_669 : i32
        %add3A_671 = arith.addi %mul3A_670, %add3A_626 : i32
        %mul3A_672 = arith.constant 262144 : i32
        %mul3A_673 = arith.muli %add3A_671, %mul3A_672 : i32
        %add3A_674 = arith.addi %mul3A_673, %mul3A_668 : i32
        %dma_start3A_675 = arith.constant 3 : i32
        %dma_start3A_676 = arith.constant 0 : i32
        %dma_start3A_677 = tpu.memref_slice %arg5[%dma_start3A_675, %dma_start3A_676] : memref<4x8192xf32, #tpu.memory_space<vmem>> -> memref<1x8192xf32, #tpu.memory_space<vmem>>
        %dma_start3A_678 = tpu.memref_squeeze %dma_start3A_677 : memref<1x8192xf32, #tpu.memory_space<vmem>> -> memref<8192xf32, #tpu.memory_space<vmem>>
        %dma_start3A_679 = tpu.memref_slice %arg2[%add3A_674] : memref<22020096xf32, #tpu.memory_space<hbm>> -> memref<8192xf32, #tpu.memory_space<hbm>>
        %dma_start3A_680 = arith.constant 0 : i32
        %dma_start3A_681 = tpu.memref_slice %arg5[%dma_start3A_675, %dma_start3A_680] : memref<4x8192xf32, #tpu.memory_space<vmem>> -> memref<1x8192xf32, #tpu.memory_space<vmem>>
        %dma_start3A_682 = tpu.memref_squeeze %dma_start3A_681 : memref<1x8192xf32, #tpu.memory_space<vmem>> -> memref<8192xf32, #tpu.memory_space<vmem>>
        %dma_start3A_683 = tpu.memref_slice %arg2[%add3A_674] : memref<22020096xf32, #tpu.memory_space<hbm>> -> memref<8192xf32, #tpu.memory_space<hbm>>
        tpu.enqueue_dma source(%dma_start3A_683 : memref<8192xf32, #tpu.memory_space<hbm>>) target(%dma_start3A_682 : memref<8192xf32, #tpu.memory_space<vmem>>) target_semaphore(%arg13 : memref<!tpu.dma_semaphore, #tpu.memory_space<semaphore_mem>>)
        %mul3A_684 = arith.constant 2048 : i32
        %mul3A_685 = arith.muli %mul3A_613, %mul3A_684 : i32
        %convert_element_type3A_686 = arith.sitofp %mul3A_685 : i32 to f32
        %add3A_687 = vector.broadcast %convert_element_type3A_686 : f32 to vector<16xf32>
        %add3A_688 = arith.addf %broadcast_in_dim3A_5, %add3A_687 : vector<16xf32>
        %scan3A_689 = arith.constant 0 : i32
        %scan3A_690 = arith.constant 0 : i32
        %scan3A_691 = arith.constant 64 : i32
        %scan3A_692 = arith.addi %scan3A_690, %scan3A_691 : i32
        %scan3A_693 = arith.constant 1 : i32
        %scan3A_694 = scf.for %scan3A_793 = %scan3A_690 to %scan3A_692 step %scan3A_693 iter_args(%scan3A_794 = %scan3A_689) -> (i32)  : i32 {
          %mul3A_795 = arith.constant 8 : i32
          %mul3A_796 = arith.muli %scan3A_793, %mul3A_795 : i32
          %add3A_797 = arith.constant 0 : i32
          %add3A_798 = arith.addi %mul3A_796, %add3A_797 : i32
          %mul3A_799 = arith.constant 16 : i32
          %mul3A_800 = arith.muli %add3A_798, %mul3A_799 : i32
          %get3A = arith.constant 0 : i32
          %get3A_801 = arith.index_cast %get3A : i32 to index
          %get3A_802 = arith.index_cast %mul3A_800 : i32 to index
          %get3A_803 = tpu.vector_load %arg5[%get3A_801, %get3A_802] {strides = array<i32>} : memref<4x8192xf32, #tpu.memory_space<vmem>>, vector<16xf32>,
          %mul3A_804 = arith.constant 8 : i32
          %mul3A_805 = arith.muli %scan3A_793, %mul3A_804 : i32
          %add3A_806 = arith.constant 1 : i32
          %add3A_807 = arith.addi %mul3A_805, %add3A_806 : i32
          %mul3A_808 = arith.constant 16 : i32
          %mul3A_809 = arith.muli %add3A_807, %mul3A_808 : i32
          %get3A_810 = arith.constant 0 : i32
          %get3A_811 = arith.index_cast %get3A_810 : i32 to index
          %get3A_812 = arith.index_cast %mul3A_809 : i32 to index
          %get3A_813 = tpu.vector_load %arg5[%get3A_811, %get3A_812] {strides = array<i32>} : memref<4x8192xf32, #tpu.memory_space<vmem>>, vector<16xf32>,
          %mul3A_814 = arith.constant 8 : i32
          %mul3A_815 = arith.muli %scan3A_793, %mul3A_814 : i32
          %add3A_816 = arith.constant 2 : i32
          %add3A_817 = arith.addi %mul3A_815, %add3A_816 : i32
          %mul3A_818 = arith.constant 16 : i32
          %mul3A_819 = arith.muli %add3A_817, %mul3A_818 : i32
          %get3A_820 = arith.constant 0 : i32
          %get3A_821 = arith.index_cast %get3A_820 : i32 to index
          %get3A_822 = arith.index_cast %mul3A_819 : i32 to index
          %get3A_823 = tpu.vector_load %arg5[%get3A_821, %get3A_822] {strides = array<i32>} : memref<4x8192xf32, #tpu.memory_space<vmem>>, vector<16xf32>,
          %mul3A_824 = arith.constant 8 : i32
          %mul3A_825 = arith.muli %scan3A_793, %mul3A_824 : i32
          %add3A_826 = arith.constant 3 : i32
          %add3A_827 = arith.addi %mul3A_825, %add3A_826 : i32
          %mul3A_828 = arith.constant 16 : i32
          %mul3A_829 = arith.muli %add3A_827, %mul3A_828 : i32
          %get3A_830 = arith.constant 0 : i32
          %get3A_831 = arith.index_cast %get3A_830 : i32 to index
          %get3A_832 = arith.index_cast %mul3A_829 : i32 to index
          %get3A_833 = tpu.vector_load %arg5[%get3A_831, %get3A_832] {strides = array<i32>} : memref<4x8192xf32, #tpu.memory_space<vmem>>, vector<16xf32>,
          %mul3A_834 = arith.constant 8 : i32
          %mul3A_835 = arith.muli %scan3A_793, %mul3A_834 : i32
          %add3A_836 = arith.constant 4 : i32
          %add3A_837 = arith.addi %mul3A_835, %add3A_836 : i32
          %mul3A_838 = arith.constant 16 : i32
          %mul3A_839 = arith.muli %add3A_837, %mul3A_838 : i32
          %get3A_840 = arith.constant 0 : i32
          %get3A_841 = arith.index_cast %get3A_840 : i32 to index
          %get3A_842 = arith.index_cast %mul3A_839 : i32 to index
          %get3A_843 = tpu.vector_load %arg5[%get3A_841, %get3A_842] {strides = array<i32>} : memref<4x8192xf32, #tpu.memory_space<vmem>>, vector<16xf32>,
          %mul3A_844 = arith.constant 8 : i32
          %mul3A_845 = arith.muli %scan3A_793, %mul3A_844 : i32
          %add3A_846 = arith.constant 5 : i32
          %add3A_847 = arith.addi %mul3A_845, %add3A_846 : i32
          %mul3A_848 = arith.constant 16 : i32
          %mul3A_849 = arith.muli %add3A_847, %mul3A_848 : i32
          %get3A_850 = arith.constant 0 : i32
          %get3A_851 = arith.index_cast %get3A_850 : i32 to index
          %get3A_852 = arith.index_cast %mul3A_849 : i32 to index
          %get3A_853 = tpu.vector_load %arg5[%get3A_851, %get3A_852] {strides = array<i32>} : memref<4x8192xf32, #tpu.memory_space<vmem>>, vector<16xf32>,
          %mul3A_854 = arith.constant 8 : i32
          %mul3A_855 = arith.muli %scan3A_793, %mul3A_854 : i32
          %add3A_856 = arith.constant 6 : i32
          %add3A_857 = arith.addi %mul3A_855, %add3A_856 : i32
          %mul3A_858 = arith.constant 16 : i32
          %mul3A_859 = arith.muli %add3A_857, %mul3A_858 : i32
          %get3A_860 = arith.constant 0 : i32
          %get3A_861 = arith.index_cast %get3A_860 : i32 to index
          %get3A_862 = arith.index_cast %mul3A_859 : i32 to index
          %get3A_863 = tpu.vector_load %arg5[%get3A_861, %get3A_862] {strides = array<i32>} : memref<4x8192xf32, #tpu.memory_space<vmem>>, vector<16xf32>,
          %mul3A_864 = arith.constant 8 : i32
          %mul3A_865 = arith.muli %scan3A_793, %mul3A_864 : i32
          %add3A_866 = arith.constant 7 : i32
          %add3A_867 = arith.addi %mul3A_865, %add3A_866 : i32
          %mul3A_868 = arith.constant 16 : i32
          %mul3A_869 = arith.muli %add3A_867, %mul3A_868 : i32
          %get3A_870 = arith.constant 0 : i32
          %get3A_871 = arith.index_cast %get3A_870 : i32 to index
          %get3A_872 = arith.index_cast %mul3A_869 : i32 to index
          %get3A_873 = tpu.vector_load %arg5[%get3A_871, %get3A_872] {strides = array<i32>} : memref<4x8192xf32, #tpu.memory_space<vmem>>, vector<16xf32>,
          %abs3A = math.absf %get3A_803 : vector<16xf32>
          %mul3A_874 = arith.constant 1.280000e+02 : f32
          %mul3A_875 = vector.broadcast %mul3A_874 : f32 to vector<16xf32>
          %mul3A_876 = arith.mulf %abs3A, %mul3A_875 : vector<16xf32>
          %min3A = arith.constant 1.023500e+03 : f32
          %min3A_877 = vector.broadcast %min3A : f32 to vector<16xf32>
          %min3A_878 = arith.minimumf %mul3A_876, %min3A_877 : vector<16xf32>
          %add3A_879 = arith.addf %min3A_878, %add3A_688 : vector<16xf32>
          %convert_element_type3A_880 = arith.fptosi %add3A_879 : vector<16xf32> to vector<16xi32>
          %abs3A_881 = math.absf %get3A_813 : vector<16xf32>
          %mul3A_882 = arith.constant 1.280000e+02 : f32
          %mul3A_883 = vector.broadcast %mul3A_882 : f32 to vector<16xf32>
          %mul3A_884 = arith.mulf %abs3A_881, %mul3A_883 : vector<16xf32>
          %min3A_885 = arith.constant 1.023500e+03 : f32
          %min3A_886 = vector.broadcast %min3A_885 : f32 to vector<16xf32>
          %min3A_887 = arith.minimumf %mul3A_884, %min3A_886 : vector<16xf32>
          %add3A_888 = arith.addf %min3A_887, %add3A_688 : vector<16xf32>
          %convert_element_type3A_889 = arith.fptosi %add3A_888 : vector<16xf32> to vector<16xi32>
          %abs3A_890 = math.absf %get3A_823 : vector<16xf32>
          %mul3A_891 = arith.constant 1.280000e+02 : f32
          %mul3A_892 = vector.broadcast %mul3A_891 : f32 to vector<16xf32>
          %mul3A_893 = arith.mulf %abs3A_890, %mul3A_892 : vector<16xf32>
          %min3A_894 = arith.constant 1.023500e+03 : f32
          %min3A_895 = vector.broadcast %min3A_894 : f32 to vector<16xf32>
          %min3A_896 = arith.minimumf %mul3A_893, %min3A_895 : vector<16xf32>
          %add3A_897 = arith.addf %min3A_896, %add3A_688 : vector<16xf32>
          %convert_element_type3A_898 = arith.fptosi %add3A_897 : vector<16xf32> to vector<16xi32>
          %abs3A_899 = math.absf %get3A_833 : vector<16xf32>
          %mul3A_900 = arith.constant 1.280000e+02 : f32
          %mul3A_901 = vector.broadcast %mul3A_900 : f32 to vector<16xf32>
          %mul3A_902 = arith.mulf %abs3A_899, %mul3A_901 : vector<16xf32>
          %min3A_903 = arith.constant 1.023500e+03 : f32
          %min3A_904 = vector.broadcast %min3A_903 : f32 to vector<16xf32>
          %min3A_905 = arith.minimumf %mul3A_902, %min3A_904 : vector<16xf32>
          %add3A_906 = arith.addf %min3A_905, %add3A_688 : vector<16xf32>
          %convert_element_type3A_907 = arith.fptosi %add3A_906 : vector<16xf32> to vector<16xi32>
          %abs3A_908 = math.absf %get3A_843 : vector<16xf32>
          %mul3A_909 = arith.constant 1.280000e+02 : f32
          %mul3A_910 = vector.broadcast %mul3A_909 : f32 to vector<16xf32>
          %mul3A_911 = arith.mulf %abs3A_908, %mul3A_910 : vector<16xf32>
          %min3A_912 = arith.constant 1.023500e+03 : f32
          %min3A_913 = vector.broadcast %min3A_912 : f32 to vector<16xf32>
          %min3A_914 = arith.minimumf %mul3A_911, %min3A_913 : vector<16xf32>
          %add3A_915 = arith.addf %min3A_914, %add3A_688 : vector<16xf32>
          %convert_element_type3A_916 = arith.fptosi %add3A_915 : vector<16xf32> to vector<16xi32>
          %abs3A_917 = math.absf %get3A_853 : vector<16xf32>
          %mul3A_918 = arith.constant 1.280000e+02 : f32
          %mul3A_919 = vector.broadcast %mul3A_918 : f32 to vector<16xf32>
          %mul3A_920 = arith.mulf %abs3A_917, %mul3A_919 : vector<16xf32>
          %min3A_921 = arith.constant 1.023500e+03 : f32
          %min3A_922 = vector.broadcast %min3A_921 : f32 to vector<16xf32>
          %min3A_923 = arith.minimumf %mul3A_920, %min3A_922 : vector<16xf32>
          %add3A_924 = arith.addf %min3A_923, %add3A_688 : vector<16xf32>
          %convert_element_type3A_925 = arith.fptosi %add3A_924 : vector<16xf32> to vector<16xi32>
          %abs3A_926 = math.absf %get3A_863 : vector<16xf32>
          %mul3A_927 = arith.constant 1.280000e+02 : f32
          %mul3A_928 = vector.broadcast %mul3A_927 : f32 to vector<16xf32>
          %mul3A_929 = arith.mulf %abs3A_926, %mul3A_928 : vector<16xf32>
          %min3A_930 = arith.constant 1.023500e+03 : f32
          %min3A_931 = vector.broadcast %min3A_930 : f32 to vector<16xf32>
          %min3A_932 = arith.minimumf %mul3A_929, %min3A_931 : vector<16xf32>
          %add3A_933 = arith.addf %min3A_932, %add3A_688 : vector<16xf32>
          %convert_element_type3A_934 = arith.fptosi %add3A_933 : vector<16xf32> to vector<16xi32>
          %abs3A_935 = math.absf %get3A_873 : vector<16xf32>
          %mul3A_936 = arith.constant 1.280000e+02 : f32
          %mul3A_937 = vector.broadcast %mul3A_936 : f32 to vector<16xf32>
          %mul3A_938 = arith.mulf %abs3A_935, %mul3A_937 : vector<16xf32>
          %min3A_939 = arith.constant 1.023500e+03 : f32
          %min3A_940 = vector.broadcast %min3A_939 : f32 to vector<16xf32>
          %min3A_941 = arith.minimumf %mul3A_938, %min3A_940 : vector<16xf32>
          %add3A_942 = arith.addf %min3A_941, %add3A_688 : vector<16xf32>
          %convert_element_type3A_943 = arith.fptosi %add3A_942 : vector<16xf32> to vector<16xi32>
          tpu.vector_store_idx %arg9[%convert_element_type3A_880], %broadcast_in_dim3A_1 {add = true} : memref<43008xf32, #tpu.memory_space<vmem>>[vector<16xi32>], vector<16xf32>,
          tpu.vector_store_idx %arg9[%convert_element_type3A_889], %broadcast_in_dim3A_1 {add = true} : memref<43008xf32, #tpu.memory_space<vmem>>[vector<16xi32>], vector<16xf32>,
          tpu.vector_store_idx %arg9[%convert_element_type3A_898], %broadcast_in_dim3A_1 {add = true} : memref<43008xf32, #tpu.memory_space<vmem>>[vector<16xi32>], vector<16xf32>,
          tpu.vector_store_idx %arg9[%convert_element_type3A_907], %broadcast_in_dim3A_1 {add = true} : memref<43008xf32, #tpu.memory_space<vmem>>[vector<16xi32>], vector<16xf32>,
          tpu.vector_store_idx %arg9[%convert_element_type3A_916], %broadcast_in_dim3A_1 {add = true} : memref<43008xf32, #tpu.memory_space<vmem>>[vector<16xi32>], vector<16xf32>,
          tpu.vector_store_idx %arg9[%convert_element_type3A_925], %broadcast_in_dim3A_1 {add = true} : memref<43008xf32, #tpu.memory_space<vmem>>[vector<16xi32>], vector<16xf32>,
          tpu.vector_store_idx %arg9[%convert_element_type3A_934], %broadcast_in_dim3A_1 {add = true} : memref<43008xf32, #tpu.memory_space<vmem>>[vector<16xi32>], vector<16xf32>,
          tpu.vector_store_idx %arg9[%convert_element_type3A_943], %broadcast_in_dim3A_1 {add = true} : memref<43008xf32, #tpu.memory_space<vmem>>[vector<16xi32>], vector<16xf32>,
          %scan3A_944 = arith.constant 0 : i32
          scf.yield %scan3A_944 : i32
        }
        %scan3A_695 = arith.constant 64 : i32
        %dma_wait3A_696 = arith.constant 1 : i32
        %dma_wait3A_697 = arith.constant 0 : i32
        %dma_wait3A_698 = tpu.memref_slice %arg5[%dma_wait3A_696, %dma_wait3A_697] : memref<4x8192xf32, #tpu.memory_space<vmem>> -> memref<1x8192xf32, #tpu.memory_space<vmem>>
        %dma_wait3A_699 = tpu.memref_squeeze %dma_wait3A_698 : memref<1x8192xf32, #tpu.memory_space<vmem>> -> memref<8192xf32, #tpu.memory_space<vmem>>
        %dma_wait3A_700 = arith.constant 0 : i32
        %dma_wait3A_701 = tpu.memref_slice %arg2[%dma_wait3A_700] : memref<22020096xf32, #tpu.memory_space<hbm>> -> memref<8192xf32, #tpu.memory_space<hbm>>
        %dma_wait3A_702 = arith.constant 0 : i32
        %dma_wait3A_703 = tpu.memref_slice %arg5[%dma_wait3A_696, %dma_wait3A_702] : memref<4x8192xf32, #tpu.memory_space<vmem>> -> memref<1x8192xf32, #tpu.memory_space<vmem>>
        %dma_wait3A_704 = tpu.memref_squeeze %dma_wait3A_703 : memref<1x8192xf32, #tpu.memory_space<vmem>> -> memref<8192xf32, #tpu.memory_space<vmem>>
        %dma_wait3A_705 = arith.constant 0 : i32
        %dma_wait3A_706 = tpu.memref_slice %arg2[%dma_wait3A_705] : memref<22020096xf32, #tpu.memory_space<hbm>> -> memref<8192xf32, #tpu.memory_space<hbm>>
        tpu.wait_dma2 semaphore(%arg11 : memref<!tpu.dma_semaphore, #tpu.memory_space<semaphore_mem>>) src(%dma_wait3A_706 : memref<8192xf32, #tpu.memory_space<hbm>>) dst(%dma_wait3A_704 : memref<8192xf32, #tpu.memory_space<vmem>>)
        %add3A_707 = arith.constant 4 : i32
        %add3A_708 = arith.addi %mul3A_613, %add3A_707 : i32
        %lt3A_709 = arith.constant 21 : i32
        %lt3A_710 = arith.cmpi slt, %add3A_708, %lt3A_709 : i32
        %convert_element_type3A_711 = arith.extui %lt3A_710 : i1 to i32
        %cond3A_712 = arith.constant 0 : i32
        %cond3A_713 = arith.cmpi ne, %convert_element_type3A_711, %cond3A_712 : i32
        scf.if %cond3A_713 {
          %add3A_793 = arith.constant 4 : i32
          %add3A_794 = arith.addi %mul3A_613, %add3A_793 : i32
          %jit3A_795 = arith.constant 32 : i32
          %div3A_796 = arith.divsi %add3A_35, %jit3A_795 : i32
          %sign3A_797 = arith.constant 0 : i32
          %sign3A_798 = arith.cmpi sgt, %add3A_35, %sign3A_797 : i32
          %sign3A_799 = arith.extui %sign3A_798 : i1 to i32
          %sign3A_800 = arith.constant 0 : i32
          %sign3A_801 = arith.cmpi slt, %add3A_35, %sign3A_800 : i32
          %sign3A_802 = arith.extui %sign3A_801 : i1 to i32
          %sign3A_803 = arith.subi %sign3A_799, %sign3A_802 : i32
          %sign3A_804 = arith.constant 0 : i32
          %sign3A_805 = arith.cmpi sgt, %jit3A_795, %sign3A_804 : i32
          %sign3A_806 = arith.extui %sign3A_805 : i1 to i32
          %sign3A_807 = arith.constant 0 : i32
          %sign3A_808 = arith.cmpi slt, %jit3A_795, %sign3A_807 : i32
          %sign3A_809 = arith.extui %sign3A_808 : i1 to i32
          %sign3A_810 = arith.subi %sign3A_806, %sign3A_809 : i32
          %ne3A_811 = arith.cmpi ne, %sign3A_803, %sign3A_810 : i32
          %rem3A_812 = arith.remsi %add3A_35, %jit3A_795 : i32
          %ne3A_813 = arith.constant 0 : i32
          %ne3A_814 = arith.cmpi ne, %rem3A_812, %ne3A_813 : i32
          %and3A_815 = arith.andi %ne3A_811, %ne3A_814 : i1
          %sub3A_816 = arith.constant 1 : i32
          %sub3A_817 = arith.subi %div3A_796, %sub3A_816 : i32
          %select_n3A_818 = arith.select %and3A_815, %sub3A_817, %div3A_796 : i32
          %jit3A_819 = arith.constant 32 : i32
          %eq3A_820 = arith.constant 0 : i32
          %eq3A_821 = arith.cmpi eq, %jit3A_819, %eq3A_820 : i32
          %jit3A_822 = arith.constant 1 : i32
          %select_n3A_823 = arith.select %eq3A_821, %jit3A_822, %jit3A_819 : i32
          %rem3A_824 = arith.remsi %add3A_35, %select_n3A_823 : i32
          %ne3A_825 = arith.constant 0 : i32
          %ne3A_826 = arith.cmpi ne, %rem3A_824, %ne3A_825 : i32
          %lt3A_827 = arith.constant 0 : i32
          %lt3A_828 = arith.cmpi slt, %rem3A_824, %lt3A_827 : i32
          %lt3A_829 = arith.constant 0 : i32
          %lt3A_830 = arith.cmpi slt, %select_n3A_823, %lt3A_829 : i32
          %ne3A_831 = arith.xori %lt3A_828, %lt3A_830 : i1
          %and3A_832 = arith.andi %ne3A_831, %ne3A_826 : i1
          %add3A_833 = arith.addi %rem3A_824, %select_n3A_823 : i32
          %select_n3A_834 = arith.select %and3A_832, %add3A_833, %rem3A_824 : i32
          %mul3A_835 = arith.constant 8192 : i32
          %mul3A_836 = arith.muli %select_n3A_834, %mul3A_835 : i32
          %mul3A_837 = arith.constant 21 : i32
          %mul3A_838 = arith.muli %select_n3A_818, %mul3A_837 : i32
          %add3A_839 = arith.addi %mul3A_838, %add3A_794 : i32
          %mul3A_840 = arith.constant 262144 : i32
          %mul3A_841 = arith.muli %add3A_839, %mul3A_840 : i32
          %add3A_842 = arith.addi %mul3A_841, %mul3A_836 : i32
          %dma_start3A_843 = arith.constant 0 : i32
          %dma_start3A_844 = arith.constant 0 : i32
          %dma_start3A_845 = tpu.memref_slice %arg5[%dma_start3A_843, %dma_start3A_844] : memref<4x8192xf32, #tpu.memory_space<vmem>> -> memref<1x8192xf32, #tpu.memory_space<vmem>>
          %dma_start3A_846 = tpu.memref_squeeze %dma_start3A_845 : memref<1x8192xf32, #tpu.memory_space<vmem>> -> memref<8192xf32, #tpu.memory_space<vmem>>
          %dma_start3A_847 = tpu.memref_slice %arg2[%add3A_842] : memref<22020096xf32, #tpu.memory_space<hbm>> -> memref<8192xf32, #tpu.memory_space<hbm>>
          %dma_start3A_848 = arith.constant 0 : i32
          %dma_start3A_849 = tpu.memref_slice %arg5[%dma_start3A_843, %dma_start3A_848] : memref<4x8192xf32, #tpu.memory_space<vmem>> -> memref<1x8192xf32, #tpu.memory_space<vmem>>
          %dma_start3A_850 = tpu.memref_squeeze %dma_start3A_849 : memref<1x8192xf32, #tpu.memory_space<vmem>> -> memref<8192xf32, #tpu.memory_space<vmem>>
          %dma_start3A_851 = tpu.memref_slice %arg2[%add3A_842] : memref<22020096xf32, #tpu.memory_space<hbm>> -> memref<8192xf32, #tpu.memory_space<hbm>>
          tpu.enqueue_dma source(%dma_start3A_851 : memref<8192xf32, #tpu.memory_space<hbm>>) target(%dma_start3A_850 : memref<8192xf32, #tpu.memory_space<vmem>>) target_semaphore(%arg10 : memref<!tpu.dma_semaphore, #tpu.memory_space<semaphore_mem>>)
        } else {
        }
        %add3A_714 = arith.constant 1 : i32
        %add3A_715 = arith.addi %mul3A_613, %add3A_714 : i32
        %mul3A_716 = arith.constant 2048 : i32
        %mul3A_717 = arith.muli %add3A_715, %mul3A_716 : i32
        %convert_element_type3A_718 = arith.sitofp %mul3A_717 : i32 to f32
        %add3A_719 = vector.broadcast %convert_element_type3A_718 : f32 to vector<16xf32>
        %add3A_720 = arith.addf %broadcast_in_dim3A_5, %add3A_719 : vector<16xf32>
        %scan3A_721 = arith.constant 0 : i32
        %scan3A_722 = arith.constant 0 : i32
        %scan3A_723 = arith.constant 64 : i32
        %scan3A_724 = arith.addi %scan3A_722, %scan3A_723 : i32
        %scan3A_725 = arith.constant 1 : i32
        %scan3A_726 = scf.for %scan3A_793 = %scan3A_722 to %scan3A_724 step %scan3A_725 iter_args(%scan3A_794 = %scan3A_721) -> (i32)  : i32 {
          %mul3A_795 = arith.constant 8 : i32
          %mul3A_796 = arith.muli %scan3A_793, %mul3A_795 : i32
          %add3A_797 = arith.constant 0 : i32
          %add3A_798 = arith.addi %mul3A_796, %add3A_797 : i32
          %mul3A_799 = arith.constant 16 : i32
          %mul3A_800 = arith.muli %add3A_798, %mul3A_799 : i32
          %get3A = arith.constant 1 : i32
          %get3A_801 = arith.index_cast %get3A : i32 to index
          %get3A_802 = arith.index_cast %mul3A_800 : i32 to index
          %get3A_803 = tpu.vector_load %arg5[%get3A_801, %get3A_802] {strides = array<i32>} : memref<4x8192xf32, #tpu.memory_space<vmem>>, vector<16xf32>,
          %mul3A_804 = arith.constant 8 : i32
          %mul3A_805 = arith.muli %scan3A_793, %mul3A_804 : i32
          %add3A_806 = arith.constant 1 : i32
          %add3A_807 = arith.addi %mul3A_805, %add3A_806 : i32
          %mul3A_808 = arith.constant 16 : i32
          %mul3A_809 = arith.muli %add3A_807, %mul3A_808 : i32
          %get3A_810 = arith.constant 1 : i32
          %get3A_811 = arith.index_cast %get3A_810 : i32 to index
          %get3A_812 = arith.index_cast %mul3A_809 : i32 to index
          %get3A_813 = tpu.vector_load %arg5[%get3A_811, %get3A_812] {strides = array<i32>} : memref<4x8192xf32, #tpu.memory_space<vmem>>, vector<16xf32>,
          %mul3A_814 = arith.constant 8 : i32
          %mul3A_815 = arith.muli %scan3A_793, %mul3A_814 : i32
          %add3A_816 = arith.constant 2 : i32
          %add3A_817 = arith.addi %mul3A_815, %add3A_816 : i32
          %mul3A_818 = arith.constant 16 : i32
          %mul3A_819 = arith.muli %add3A_817, %mul3A_818 : i32
          %get3A_820 = arith.constant 1 : i32
          %get3A_821 = arith.index_cast %get3A_820 : i32 to index
          %get3A_822 = arith.index_cast %mul3A_819 : i32 to index
          %get3A_823 = tpu.vector_load %arg5[%get3A_821, %get3A_822] {strides = array<i32>} : memref<4x8192xf32, #tpu.memory_space<vmem>>, vector<16xf32>,
          %mul3A_824 = arith.constant 8 : i32
          %mul3A_825 = arith.muli %scan3A_793, %mul3A_824 : i32
          %add3A_826 = arith.constant 3 : i32
          %add3A_827 = arith.addi %mul3A_825, %add3A_826 : i32
          %mul3A_828 = arith.constant 16 : i32
          %mul3A_829 = arith.muli %add3A_827, %mul3A_828 : i32
          %get3A_830 = arith.constant 1 : i32
          %get3A_831 = arith.index_cast %get3A_830 : i32 to index
          %get3A_832 = arith.index_cast %mul3A_829 : i32 to index
          %get3A_833 = tpu.vector_load %arg5[%get3A_831, %get3A_832] {strides = array<i32>} : memref<4x8192xf32, #tpu.memory_space<vmem>>, vector<16xf32>,
          %mul3A_834 = arith.constant 8 : i32
          %mul3A_835 = arith.muli %scan3A_793, %mul3A_834 : i32
          %add3A_836 = arith.constant 4 : i32
          %add3A_837 = arith.addi %mul3A_835, %add3A_836 : i32
          %mul3A_838 = arith.constant 16 : i32
          %mul3A_839 = arith.muli %add3A_837, %mul3A_838 : i32
          %get3A_840 = arith.constant 1 : i32
          %get3A_841 = arith.index_cast %get3A_840 : i32 to index
          %get3A_842 = arith.index_cast %mul3A_839 : i32 to index
          %get3A_843 = tpu.vector_load %arg5[%get3A_841, %get3A_842] {strides = array<i32>} : memref<4x8192xf32, #tpu.memory_space<vmem>>, vector<16xf32>,
          %mul3A_844 = arith.constant 8 : i32
          %mul3A_845 = arith.muli %scan3A_793, %mul3A_844 : i32
          %add3A_846 = arith.constant 5 : i32
          %add3A_847 = arith.addi %mul3A_845, %add3A_846 : i32
          %mul3A_848 = arith.constant 16 : i32
          %mul3A_849 = arith.muli %add3A_847, %mul3A_848 : i32
          %get3A_850 = arith.constant 1 : i32
          %get3A_851 = arith.index_cast %get3A_850 : i32 to index
          %get3A_852 = arith.index_cast %mul3A_849 : i32 to index
          %get3A_853 = tpu.vector_load %arg5[%get3A_851, %get3A_852] {strides = array<i32>} : memref<4x8192xf32, #tpu.memory_space<vmem>>, vector<16xf32>,
          %mul3A_854 = arith.constant 8 : i32
          %mul3A_855 = arith.muli %scan3A_793, %mul3A_854 : i32
          %add3A_856 = arith.constant 6 : i32
          %add3A_857 = arith.addi %mul3A_855, %add3A_856 : i32
          %mul3A_858 = arith.constant 16 : i32
          %mul3A_859 = arith.muli %add3A_857, %mul3A_858 : i32
          %get3A_860 = arith.constant 1 : i32
          %get3A_861 = arith.index_cast %get3A_860 : i32 to index
          %get3A_862 = arith.index_cast %mul3A_859 : i32 to index
          %get3A_863 = tpu.vector_load %arg5[%get3A_861, %get3A_862] {strides = array<i32>} : memref<4x8192xf32, #tpu.memory_space<vmem>>, vector<16xf32>,
          %mul3A_864 = arith.constant 8 : i32
          %mul3A_865 = arith.muli %scan3A_793, %mul3A_864 : i32
          %add3A_866 = arith.constant 7 : i32
          %add3A_867 = arith.addi %mul3A_865, %add3A_866 : i32
          %mul3A_868 = arith.constant 16 : i32
          %mul3A_869 = arith.muli %add3A_867, %mul3A_868 : i32
          %get3A_870 = arith.constant 1 : i32
          %get3A_871 = arith.index_cast %get3A_870 : i32 to index
          %get3A_872 = arith.index_cast %mul3A_869 : i32 to index
          %get3A_873 = tpu.vector_load %arg5[%get3A_871, %get3A_872] {strides = array<i32>} : memref<4x8192xf32, #tpu.memory_space<vmem>>, vector<16xf32>,
          %abs3A = math.absf %get3A_803 : vector<16xf32>
          %mul3A_874 = arith.constant 1.280000e+02 : f32
          %mul3A_875 = vector.broadcast %mul3A_874 : f32 to vector<16xf32>
          %mul3A_876 = arith.mulf %abs3A, %mul3A_875 : vector<16xf32>
          %min3A = arith.constant 1.023500e+03 : f32
          %min3A_877 = vector.broadcast %min3A : f32 to vector<16xf32>
          %min3A_878 = arith.minimumf %mul3A_876, %min3A_877 : vector<16xf32>
          %add3A_879 = arith.addf %min3A_878, %add3A_720 : vector<16xf32>
          %convert_element_type3A_880 = arith.fptosi %add3A_879 : vector<16xf32> to vector<16xi32>
          %abs3A_881 = math.absf %get3A_813 : vector<16xf32>
          %mul3A_882 = arith.constant 1.280000e+02 : f32
          %mul3A_883 = vector.broadcast %mul3A_882 : f32 to vector<16xf32>
          %mul3A_884 = arith.mulf %abs3A_881, %mul3A_883 : vector<16xf32>
          %min3A_885 = arith.constant 1.023500e+03 : f32
          %min3A_886 = vector.broadcast %min3A_885 : f32 to vector<16xf32>
          %min3A_887 = arith.minimumf %mul3A_884, %min3A_886 : vector<16xf32>
          %add3A_888 = arith.addf %min3A_887, %add3A_720 : vector<16xf32>
          %convert_element_type3A_889 = arith.fptosi %add3A_888 : vector<16xf32> to vector<16xi32>
          %abs3A_890 = math.absf %get3A_823 : vector<16xf32>
          %mul3A_891 = arith.constant 1.280000e+02 : f32
          %mul3A_892 = vector.broadcast %mul3A_891 : f32 to vector<16xf32>
          %mul3A_893 = arith.mulf %abs3A_890, %mul3A_892 : vector<16xf32>
          %min3A_894 = arith.constant 1.023500e+03 : f32
          %min3A_895 = vector.broadcast %min3A_894 : f32 to vector<16xf32>
          %min3A_896 = arith.minimumf %mul3A_893, %min3A_895 : vector<16xf32>
          %add3A_897 = arith.addf %min3A_896, %add3A_720 : vector<16xf32>
          %convert_element_type3A_898 = arith.fptosi %add3A_897 : vector<16xf32> to vector<16xi32>
          %abs3A_899 = math.absf %get3A_833 : vector<16xf32>
          %mul3A_900 = arith.constant 1.280000e+02 : f32
          %mul3A_901 = vector.broadcast %mul3A_900 : f32 to vector<16xf32>
          %mul3A_902 = arith.mulf %abs3A_899, %mul3A_901 : vector<16xf32>
          %min3A_903 = arith.constant 1.023500e+03 : f32
          %min3A_904 = vector.broadcast %min3A_903 : f32 to vector<16xf32>
          %min3A_905 = arith.minimumf %mul3A_902, %min3A_904 : vector<16xf32>
          %add3A_906 = arith.addf %min3A_905, %add3A_720 : vector<16xf32>
          %convert_element_type3A_907 = arith.fptosi %add3A_906 : vector<16xf32> to vector<16xi32>
          %abs3A_908 = math.absf %get3A_843 : vector<16xf32>
          %mul3A_909 = arith.constant 1.280000e+02 : f32
          %mul3A_910 = vector.broadcast %mul3A_909 : f32 to vector<16xf32>
          %mul3A_911 = arith.mulf %abs3A_908, %mul3A_910 : vector<16xf32>
          %min3A_912 = arith.constant 1.023500e+03 : f32
          %min3A_913 = vector.broadcast %min3A_912 : f32 to vector<16xf32>
          %min3A_914 = arith.minimumf %mul3A_911, %min3A_913 : vector<16xf32>
          %add3A_915 = arith.addf %min3A_914, %add3A_720 : vector<16xf32>
          %convert_element_type3A_916 = arith.fptosi %add3A_915 : vector<16xf32> to vector<16xi32>
          %abs3A_917 = math.absf %get3A_853 : vector<16xf32>
          %mul3A_918 = arith.constant 1.280000e+02 : f32
          %mul3A_919 = vector.broadcast %mul3A_918 : f32 to vector<16xf32>
          %mul3A_920 = arith.mulf %abs3A_917, %mul3A_919 : vector<16xf32>
          %min3A_921 = arith.constant 1.023500e+03 : f32
          %min3A_922 = vector.broadcast %min3A_921 : f32 to vector<16xf32>
          %min3A_923 = arith.minimumf %mul3A_920, %min3A_922 : vector<16xf32>
          %add3A_924 = arith.addf %min3A_923, %add3A_720 : vector<16xf32>
          %convert_element_type3A_925 = arith.fptosi %add3A_924 : vector<16xf32> to vector<16xi32>
          %abs3A_926 = math.absf %get3A_863 : vector<16xf32>
          %mul3A_927 = arith.constant 1.280000e+02 : f32
          %mul3A_928 = vector.broadcast %mul3A_927 : f32 to vector<16xf32>
          %mul3A_929 = arith.mulf %abs3A_926, %mul3A_928 : vector<16xf32>
          %min3A_930 = arith.constant 1.023500e+03 : f32
          %min3A_931 = vector.broadcast %min3A_930 : f32 to vector<16xf32>
          %min3A_932 = arith.minimumf %mul3A_929, %min3A_931 : vector<16xf32>
          %add3A_933 = arith.addf %min3A_932, %add3A_720 : vector<16xf32>
          %convert_element_type3A_934 = arith.fptosi %add3A_933 : vector<16xf32> to vector<16xi32>
          %abs3A_935 = math.absf %get3A_873 : vector<16xf32>
          %mul3A_936 = arith.constant 1.280000e+02 : f32
          %mul3A_937 = vector.broadcast %mul3A_936 : f32 to vector<16xf32>
          %mul3A_938 = arith.mulf %abs3A_935, %mul3A_937 : vector<16xf32>
          %min3A_939 = arith.constant 1.023500e+03 : f32
          %min3A_940 = vector.broadcast %min3A_939 : f32 to vector<16xf32>
          %min3A_941 = arith.minimumf %mul3A_938, %min3A_940 : vector<16xf32>
          %add3A_942 = arith.addf %min3A_941, %add3A_720 : vector<16xf32>
          %convert_element_type3A_943 = arith.fptosi %add3A_942 : vector<16xf32> to vector<16xi32>
          tpu.vector_store_idx %arg9[%convert_element_type3A_880], %broadcast_in_dim3A_1 {add = true} : memref<43008xf32, #tpu.memory_space<vmem>>[vector<16xi32>], vector<16xf32>,
          tpu.vector_store_idx %arg9[%convert_element_type3A_889], %broadcast_in_dim3A_1 {add = true} : memref<43008xf32, #tpu.memory_space<vmem>>[vector<16xi32>], vector<16xf32>,
          tpu.vector_store_idx %arg9[%convert_element_type3A_898], %broadcast_in_dim3A_1 {add = true} : memref<43008xf32, #tpu.memory_space<vmem>>[vector<16xi32>], vector<16xf32>,
          tpu.vector_store_idx %arg9[%convert_element_type3A_907], %broadcast_in_dim3A_1 {add = true} : memref<43008xf32, #tpu.memory_space<vmem>>[vector<16xi32>], vector<16xf32>,
          tpu.vector_store_idx %arg9[%convert_element_type3A_916], %broadcast_in_dim3A_1 {add = true} : memref<43008xf32, #tpu.memory_space<vmem>>[vector<16xi32>], vector<16xf32>,
          tpu.vector_store_idx %arg9[%convert_element_type3A_925], %broadcast_in_dim3A_1 {add = true} : memref<43008xf32, #tpu.memory_space<vmem>>[vector<16xi32>], vector<16xf32>,
          tpu.vector_store_idx %arg9[%convert_element_type3A_934], %broadcast_in_dim3A_1 {add = true} : memref<43008xf32, #tpu.memory_space<vmem>>[vector<16xi32>], vector<16xf32>,
          tpu.vector_store_idx %arg9[%convert_element_type3A_943], %broadcast_in_dim3A_1 {add = true} : memref<43008xf32, #tpu.memory_space<vmem>>[vector<16xi32>], vector<16xf32>,
          %scan3A_944 = arith.constant 0 : i32
          scf.yield %scan3A_944 : i32
        }
        %scan3A_727 = arith.constant 64 : i32
        %dma_wait3A_728 = arith.constant 2 : i32
        %dma_wait3A_729 = arith.constant 0 : i32
        %dma_wait3A_730 = tpu.memref_slice %arg5[%dma_wait3A_728, %dma_wait3A_729] : memref<4x8192xf32, #tpu.memory_space<vmem>> -> memref<1x8192xf32, #tpu.memory_space<vmem>>
        %dma_wait3A_731 = tpu.memref_squeeze %dma_wait3A_730 : memref<1x8192xf32, #tpu.memory_space<vmem>> -> memref<8192xf32, #tpu.memory_space<vmem>>
        %dma_wait3A_732 = arith.constant 0 : i32
        %dma_wait3A_733 = tpu.memref_slice %arg2[%dma_wait3A_732] : memref<22020096xf32, #tpu.memory_space<hbm>> -> memref<8192xf32, #tpu.memory_space<hbm>>
        %dma_wait3A_734 = arith.constant 0 : i32
        %dma_wait3A_735 = tpu.memref_slice %arg5[%dma_wait3A_728, %dma_wait3A_734] : memref<4x8192xf32, #tpu.memory_space<vmem>> -> memref<1x8192xf32, #tpu.memory_space<vmem>>
        %dma_wait3A_736 = tpu.memref_squeeze %dma_wait3A_735 : memref<1x8192xf32, #tpu.memory_space<vmem>> -> memref<8192xf32, #tpu.memory_space<vmem>>
        %dma_wait3A_737 = arith.constant 0 : i32
        %dma_wait3A_738 = tpu.memref_slice %arg2[%dma_wait3A_737] : memref<22020096xf32, #tpu.memory_space<hbm>> -> memref<8192xf32, #tpu.memory_space<hbm>>
        tpu.wait_dma2 semaphore(%arg12 : memref<!tpu.dma_semaphore, #tpu.memory_space<semaphore_mem>>) src(%dma_wait3A_738 : memref<8192xf32, #tpu.memory_space<hbm>>) dst(%dma_wait3A_736 : memref<8192xf32, #tpu.memory_space<vmem>>)
        %add3A_739 = arith.constant 5 : i32
        %add3A_740 = arith.addi %mul3A_613, %add3A_739 : i32
        %lt3A_741 = arith.constant 21 : i32
        %lt3A_742 = arith.cmpi slt, %add3A_740, %lt3A_741 : i32
        %convert_element_type3A_743 = arith.extui %lt3A_742 : i1 to i32
        %cond3A_744 = arith.constant 0 : i32
        %cond3A_745 = arith.cmpi ne, %convert_element_type3A_743, %cond3A_744 : i32
        scf.if %cond3A_745 {
          %add3A_793 = arith.constant 5 : i32
          %add3A_794 = arith.addi %mul3A_613, %add3A_793 : i32
          %jit3A_795 = arith.constant 32 : i32
          %div3A_796 = arith.divsi %add3A_35, %jit3A_795 : i32
          %sign3A_797 = arith.constant 0 : i32
          %sign3A_798 = arith.cmpi sgt, %add3A_35, %sign3A_797 : i32
          %sign3A_799 = arith.extui %sign3A_798 : i1 to i32
          %sign3A_800 = arith.constant 0 : i32
          %sign3A_801 = arith.cmpi slt, %add3A_35, %sign3A_800 : i32
          %sign3A_802 = arith.extui %sign3A_801 : i1 to i32
          %sign3A_803 = arith.subi %sign3A_799, %sign3A_802 : i32
          %sign3A_804 = arith.constant 0 : i32
          %sign3A_805 = arith.cmpi sgt, %jit3A_795, %sign3A_804 : i32
          %sign3A_806 = arith.extui %sign3A_805 : i1 to i32
          %sign3A_807 = arith.constant 0 : i32
          %sign3A_808 = arith.cmpi slt, %jit3A_795, %sign3A_807 : i32
          %sign3A_809 = arith.extui %sign3A_808 : i1 to i32
          %sign3A_810 = arith.subi %sign3A_806, %sign3A_809 : i32
          %ne3A_811 = arith.cmpi ne, %sign3A_803, %sign3A_810 : i32
          %rem3A_812 = arith.remsi %add3A_35, %jit3A_795 : i32
          %ne3A_813 = arith.constant 0 : i32
          %ne3A_814 = arith.cmpi ne, %rem3A_812, %ne3A_813 : i32
          %and3A_815 = arith.andi %ne3A_811, %ne3A_814 : i1
          %sub3A_816 = arith.constant 1 : i32
          %sub3A_817 = arith.subi %div3A_796, %sub3A_816 : i32
          %select_n3A_818 = arith.select %and3A_815, %sub3A_817, %div3A_796 : i32
          %jit3A_819 = arith.constant 32 : i32
          %eq3A_820 = arith.constant 0 : i32
          %eq3A_821 = arith.cmpi eq, %jit3A_819, %eq3A_820 : i32
          %jit3A_822 = arith.constant 1 : i32
          %select_n3A_823 = arith.select %eq3A_821, %jit3A_822, %jit3A_819 : i32
          %rem3A_824 = arith.remsi %add3A_35, %select_n3A_823 : i32
          %ne3A_825 = arith.constant 0 : i32
          %ne3A_826 = arith.cmpi ne, %rem3A_824, %ne3A_825 : i32
          %lt3A_827 = arith.constant 0 : i32
          %lt3A_828 = arith.cmpi slt, %rem3A_824, %lt3A_827 : i32
          %lt3A_829 = arith.constant 0 : i32
          %lt3A_830 = arith.cmpi slt, %select_n3A_823, %lt3A_829 : i32
          %ne3A_831 = arith.xori %lt3A_828, %lt3A_830 : i1
          %and3A_832 = arith.andi %ne3A_831, %ne3A_826 : i1
          %add3A_833 = arith.addi %rem3A_824, %select_n3A_823 : i32
          %select_n3A_834 = arith.select %and3A_832, %add3A_833, %rem3A_824 : i32
          %mul3A_835 = arith.constant 8192 : i32
          %mul3A_836 = arith.muli %select_n3A_834, %mul3A_835 : i32
          %mul3A_837 = arith.constant 21 : i32
          %mul3A_838 = arith.muli %select_n3A_818, %mul3A_837 : i32
          %add3A_839 = arith.addi %mul3A_838, %add3A_794 : i32
          %mul3A_840 = arith.constant 262144 : i32
          %mul3A_841 = arith.muli %add3A_839, %mul3A_840 : i32
          %add3A_842 = arith.addi %mul3A_841, %mul3A_836 : i32
          %dma_start3A_843 = arith.constant 1 : i32
          %dma_start3A_844 = arith.constant 0 : i32
          %dma_start3A_845 = tpu.memref_slice %arg5[%dma_start3A_843, %dma_start3A_844] : memref<4x8192xf32, #tpu.memory_space<vmem>> -> memref<1x8192xf32, #tpu.memory_space<vmem>>
          %dma_start3A_846 = tpu.memref_squeeze %dma_start3A_845 : memref<1x8192xf32, #tpu.memory_space<vmem>> -> memref<8192xf32, #tpu.memory_space<vmem>>
          %dma_start3A_847 = tpu.memref_slice %arg2[%add3A_842] : memref<22020096xf32, #tpu.memory_space<hbm>> -> memref<8192xf32, #tpu.memory_space<hbm>>
          %dma_start3A_848 = arith.constant 0 : i32
          %dma_start3A_849 = tpu.memref_slice %arg5[%dma_start3A_843, %dma_start3A_848] : memref<4x8192xf32, #tpu.memory_space<vmem>> -> memref<1x8192xf32, #tpu.memory_space<vmem>>
          %dma_start3A_850 = tpu.memref_squeeze %dma_start3A_849 : memref<1x8192xf32, #tpu.memory_space<vmem>> -> memref<8192xf32, #tpu.memory_space<vmem>>
          %dma_start3A_851 = tpu.memref_slice %arg2[%add3A_842] : memref<22020096xf32, #tpu.memory_space<hbm>> -> memref<8192xf32, #tpu.memory_space<hbm>>
          tpu.enqueue_dma source(%dma_start3A_851 : memref<8192xf32, #tpu.memory_space<hbm>>) target(%dma_start3A_850 : memref<8192xf32, #tpu.memory_space<vmem>>) target_semaphore(%arg11 : memref<!tpu.dma_semaphore, #tpu.memory_space<semaphore_mem>>)
        } else {
        }
        %add3A_746 = arith.constant 2 : i32
        %add3A_747 = arith.addi %mul3A_613, %add3A_746 : i32
        %mul3A_748 = arith.constant 2048 : i32
        %mul3A_749 = arith.muli %add3A_747, %mul3A_748 : i32
        %convert_element_type3A_750 = arith.sitofp %mul3A_749 : i32 to f32
        %add3A_751 = vector.broadcast %convert_element_type3A_750 : f32 to vector<16xf32>
        %add3A_752 = arith.addf %broadcast_in_dim3A_5, %add3A_751 : vector<16xf32>
        %scan3A_753 = arith.constant 0 : i32
        %scan3A_754 = arith.constant 0 : i32
        %scan3A_755 = arith.constant 64 : i32
        %scan3A_756 = arith.addi %scan3A_754, %scan3A_755 : i32
        %scan3A_757 = arith.constant 1 : i32
        %scan3A_758 = scf.for %scan3A_793 = %scan3A_754 to %scan3A_756 step %scan3A_757 iter_args(%scan3A_794 = %scan3A_753) -> (i32)  : i32 {
          %mul3A_795 = arith.constant 8 : i32
          %mul3A_796 = arith.muli %scan3A_793, %mul3A_795 : i32
          %add3A_797 = arith.constant 0 : i32
          %add3A_798 = arith.addi %mul3A_796, %add3A_797 : i32
          %mul3A_799 = arith.constant 16 : i32
          %mul3A_800 = arith.muli %add3A_798, %mul3A_799 : i32
          %get3A = arith.constant 2 : i32
          %get3A_801 = arith.index_cast %get3A : i32 to index
          %get3A_802 = arith.index_cast %mul3A_800 : i32 to index
          %get3A_803 = tpu.vector_load %arg5[%get3A_801, %get3A_802] {strides = array<i32>} : memref<4x8192xf32, #tpu.memory_space<vmem>>, vector<16xf32>,
          %mul3A_804 = arith.constant 8 : i32
          %mul3A_805 = arith.muli %scan3A_793, %mul3A_804 : i32
          %add3A_806 = arith.constant 1 : i32
          %add3A_807 = arith.addi %mul3A_805, %add3A_806 : i32
          %mul3A_808 = arith.constant 16 : i32
          %mul3A_809 = arith.muli %add3A_807, %mul3A_808 : i32
          %get3A_810 = arith.constant 2 : i32
          %get3A_811 = arith.index_cast %get3A_810 : i32 to index
          %get3A_812 = arith.index_cast %mul3A_809 : i32 to index
          %get3A_813 = tpu.vector_load %arg5[%get3A_811, %get3A_812] {strides = array<i32>} : memref<4x8192xf32, #tpu.memory_space<vmem>>, vector<16xf32>,
          %mul3A_814 = arith.constant 8 : i32
          %mul3A_815 = arith.muli %scan3A_793, %mul3A_814 : i32
          %add3A_816 = arith.constant 2 : i32
          %add3A_817 = arith.addi %mul3A_815, %add3A_816 : i32
          %mul3A_818 = arith.constant 16 : i32
          %mul3A_819 = arith.muli %add3A_817, %mul3A_818 : i32
          %get3A_820 = arith.constant 2 : i32
          %get3A_821 = arith.index_cast %get3A_820 : i32 to index
          %get3A_822 = arith.index_cast %mul3A_819 : i32 to index
          %get3A_823 = tpu.vector_load %arg5[%get3A_821, %get3A_822] {strides = array<i32>} : memref<4x8192xf32, #tpu.memory_space<vmem>>, vector<16xf32>,
          %mul3A_824 = arith.constant 8 : i32
          %mul3A_825 = arith.muli %scan3A_793, %mul3A_824 : i32
          %add3A_826 = arith.constant 3 : i32
          %add3A_827 = arith.addi %mul3A_825, %add3A_826 : i32
          %mul3A_828 = arith.constant 16 : i32
          %mul3A_829 = arith.muli %add3A_827, %mul3A_828 : i32
          %get3A_830 = arith.constant 2 : i32
          %get3A_831 = arith.index_cast %get3A_830 : i32 to index
          %get3A_832 = arith.index_cast %mul3A_829 : i32 to index
          %get3A_833 = tpu.vector_load %arg5[%get3A_831, %get3A_832] {strides = array<i32>} : memref<4x8192xf32, #tpu.memory_space<vmem>>, vector<16xf32>,
          %mul3A_834 = arith.constant 8 : i32
          %mul3A_835 = arith.muli %scan3A_793, %mul3A_834 : i32
          %add3A_836 = arith.constant 4 : i32
          %add3A_837 = arith.addi %mul3A_835, %add3A_836 : i32
          %mul3A_838 = arith.constant 16 : i32
          %mul3A_839 = arith.muli %add3A_837, %mul3A_838 : i32
          %get3A_840 = arith.constant 2 : i32
          %get3A_841 = arith.index_cast %get3A_840 : i32 to index
          %get3A_842 = arith.index_cast %mul3A_839 : i32 to index
          %get3A_843 = tpu.vector_load %arg5[%get3A_841, %get3A_842] {strides = array<i32>} : memref<4x8192xf32, #tpu.memory_space<vmem>>, vector<16xf32>,
          %mul3A_844 = arith.constant 8 : i32
          %mul3A_845 = arith.muli %scan3A_793, %mul3A_844 : i32
          %add3A_846 = arith.constant 5 : i32
          %add3A_847 = arith.addi %mul3A_845, %add3A_846 : i32
          %mul3A_848 = arith.constant 16 : i32
          %mul3A_849 = arith.muli %add3A_847, %mul3A_848 : i32
          %get3A_850 = arith.constant 2 : i32
          %get3A_851 = arith.index_cast %get3A_850 : i32 to index
          %get3A_852 = arith.index_cast %mul3A_849 : i32 to index
          %get3A_853 = tpu.vector_load %arg5[%get3A_851, %get3A_852] {strides = array<i32>} : memref<4x8192xf32, #tpu.memory_space<vmem>>, vector<16xf32>,
          %mul3A_854 = arith.constant 8 : i32
          %mul3A_855 = arith.muli %scan3A_793, %mul3A_854 : i32
          %add3A_856 = arith.constant 6 : i32
          %add3A_857 = arith.addi %mul3A_855, %add3A_856 : i32
          %mul3A_858 = arith.constant 16 : i32
          %mul3A_859 = arith.muli %add3A_857, %mul3A_858 : i32
          %get3A_860 = arith.constant 2 : i32
          %get3A_861 = arith.index_cast %get3A_860 : i32 to index
          %get3A_862 = arith.index_cast %mul3A_859 : i32 to index
          %get3A_863 = tpu.vector_load %arg5[%get3A_861, %get3A_862] {strides = array<i32>} : memref<4x8192xf32, #tpu.memory_space<vmem>>, vector<16xf32>,
          %mul3A_864 = arith.constant 8 : i32
          %mul3A_865 = arith.muli %scan3A_793, %mul3A_864 : i32
          %add3A_866 = arith.constant 7 : i32
          %add3A_867 = arith.addi %mul3A_865, %add3A_866 : i32
          %mul3A_868 = arith.constant 16 : i32
          %mul3A_869 = arith.muli %add3A_867, %mul3A_868 : i32
          %get3A_870 = arith.constant 2 : i32
          %get3A_871 = arith.index_cast %get3A_870 : i32 to index
          %get3A_872 = arith.index_cast %mul3A_869 : i32 to index
          %get3A_873 = tpu.vector_load %arg5[%get3A_871, %get3A_872] {strides = array<i32>} : memref<4x8192xf32, #tpu.memory_space<vmem>>, vector<16xf32>,
          %abs3A = math.absf %get3A_803 : vector<16xf32>
          %mul3A_874 = arith.constant 1.280000e+02 : f32
          %mul3A_875 = vector.broadcast %mul3A_874 : f32 to vector<16xf32>
          %mul3A_876 = arith.mulf %abs3A, %mul3A_875 : vector<16xf32>
          %min3A = arith.constant 1.023500e+03 : f32
          %min3A_877 = vector.broadcast %min3A : f32 to vector<16xf32>
          %min3A_878 = arith.minimumf %mul3A_876, %min3A_877 : vector<16xf32>
          %add3A_879 = arith.addf %min3A_878, %add3A_752 : vector<16xf32>
          %convert_element_type3A_880 = arith.fptosi %add3A_879 : vector<16xf32> to vector<16xi32>
          %abs3A_881 = math.absf %get3A_813 : vector<16xf32>
          %mul3A_882 = arith.constant 1.280000e+02 : f32
          %mul3A_883 = vector.broadcast %mul3A_882 : f32 to vector<16xf32>
          %mul3A_884 = arith.mulf %abs3A_881, %mul3A_883 : vector<16xf32>
          %min3A_885 = arith.constant 1.023500e+03 : f32
          %min3A_886 = vector.broadcast %min3A_885 : f32 to vector<16xf32>
          %min3A_887 = arith.minimumf %mul3A_884, %min3A_886 : vector<16xf32>
          %add3A_888 = arith.addf %min3A_887, %add3A_752 : vector<16xf32>
          %convert_element_type3A_889 = arith.fptosi %add3A_888 : vector<16xf32> to vector<16xi32>
          %abs3A_890 = math.absf %get3A_823 : vector<16xf32>
          %mul3A_891 = arith.constant 1.280000e+02 : f32
          %mul3A_892 = vector.broadcast %mul3A_891 : f32 to vector<16xf32>
          %mul3A_893 = arith.mulf %abs3A_890, %mul3A_892 : vector<16xf32>
          %min3A_894 = arith.constant 1.023500e+03 : f32
          %min3A_895 = vector.broadcast %min3A_894 : f32 to vector<16xf32>
          %min3A_896 = arith.minimumf %mul3A_893, %min3A_895 : vector<16xf32>
          %add3A_897 = arith.addf %min3A_896, %add3A_752 : vector<16xf32>
          %convert_element_type3A_898 = arith.fptosi %add3A_897 : vector<16xf32> to vector<16xi32>
          %abs3A_899 = math.absf %get3A_833 : vector<16xf32>
          %mul3A_900 = arith.constant 1.280000e+02 : f32
          %mul3A_901 = vector.broadcast %mul3A_900 : f32 to vector<16xf32>
          %mul3A_902 = arith.mulf %abs3A_899, %mul3A_901 : vector<16xf32>
          %min3A_903 = arith.constant 1.023500e+03 : f32
          %min3A_904 = vector.broadcast %min3A_903 : f32 to vector<16xf32>
          %min3A_905 = arith.minimumf %mul3A_902, %min3A_904 : vector<16xf32>
          %add3A_906 = arith.addf %min3A_905, %add3A_752 : vector<16xf32>
          %convert_element_type3A_907 = arith.fptosi %add3A_906 : vector<16xf32> to vector<16xi32>
          %abs3A_908 = math.absf %get3A_843 : vector<16xf32>
          %mul3A_909 = arith.constant 1.280000e+02 : f32
          %mul3A_910 = vector.broadcast %mul3A_909 : f32 to vector<16xf32>
          %mul3A_911 = arith.mulf %abs3A_908, %mul3A_910 : vector<16xf32>
          %min3A_912 = arith.constant 1.023500e+03 : f32
          %min3A_913 = vector.broadcast %min3A_912 : f32 to vector<16xf32>
          %min3A_914 = arith.minimumf %mul3A_911, %min3A_913 : vector<16xf32>
          %add3A_915 = arith.addf %min3A_914, %add3A_752 : vector<16xf32>
          %convert_element_type3A_916 = arith.fptosi %add3A_915 : vector<16xf32> to vector<16xi32>
          %abs3A_917 = math.absf %get3A_853 : vector<16xf32>
          %mul3A_918 = arith.constant 1.280000e+02 : f32
          %mul3A_919 = vector.broadcast %mul3A_918 : f32 to vector<16xf32>
          %mul3A_920 = arith.mulf %abs3A_917, %mul3A_919 : vector<16xf32>
          %min3A_921 = arith.constant 1.023500e+03 : f32
          %min3A_922 = vector.broadcast %min3A_921 : f32 to vector<16xf32>
          %min3A_923 = arith.minimumf %mul3A_920, %min3A_922 : vector<16xf32>
          %add3A_924 = arith.addf %min3A_923, %add3A_752 : vector<16xf32>
          %convert_element_type3A_925 = arith.fptosi %add3A_924 : vector<16xf32> to vector<16xi32>
          %abs3A_926 = math.absf %get3A_863 : vector<16xf32>
          %mul3A_927 = arith.constant 1.280000e+02 : f32
          %mul3A_928 = vector.broadcast %mul3A_927 : f32 to vector<16xf32>
          %mul3A_929 = arith.mulf %abs3A_926, %mul3A_928 : vector<16xf32>
          %min3A_930 = arith.constant 1.023500e+03 : f32
          %min3A_931 = vector.broadcast %min3A_930 : f32 to vector<16xf32>
          %min3A_932 = arith.minimumf %mul3A_929, %min3A_931 : vector<16xf32>
          %add3A_933 = arith.addf %min3A_932, %add3A_752 : vector<16xf32>
          %convert_element_type3A_934 = arith.fptosi %add3A_933 : vector<16xf32> to vector<16xi32>
          %abs3A_935 = math.absf %get3A_873 : vector<16xf32>
          %mul3A_936 = arith.constant 1.280000e+02 : f32
          %mul3A_937 = vector.broadcast %mul3A_936 : f32 to vector<16xf32>
          %mul3A_938 = arith.mulf %abs3A_935, %mul3A_937 : vector<16xf32>
          %min3A_939 = arith.constant 1.023500e+03 : f32
          %min3A_940 = vector.broadcast %min3A_939 : f32 to vector<16xf32>
          %min3A_941 = arith.minimumf %mul3A_938, %min3A_940 : vector<16xf32>
          %add3A_942 = arith.addf %min3A_941, %add3A_752 : vector<16xf32>
          %convert_element_type3A_943 = arith.fptosi %add3A_942 : vector<16xf32> to vector<16xi32>
          tpu.vector_store_idx %arg9[%convert_element_type3A_880], %broadcast_in_dim3A_1 {add = true} : memref<43008xf32, #tpu.memory_space<vmem>>[vector<16xi32>], vector<16xf32>,
          tpu.vector_store_idx %arg9[%convert_element_type3A_889], %broadcast_in_dim3A_1 {add = true} : memref<43008xf32, #tpu.memory_space<vmem>>[vector<16xi32>], vector<16xf32>,
          tpu.vector_store_idx %arg9[%convert_element_type3A_898], %broadcast_in_dim3A_1 {add = true} : memref<43008xf32, #tpu.memory_space<vmem>>[vector<16xi32>], vector<16xf32>,
          tpu.vector_store_idx %arg9[%convert_element_type3A_907], %broadcast_in_dim3A_1 {add = true} : memref<43008xf32, #tpu.memory_space<vmem>>[vector<16xi32>], vector<16xf32>,
          tpu.vector_store_idx %arg9[%convert_element_type3A_916], %broadcast_in_dim3A_1 {add = true} : memref<43008xf32, #tpu.memory_space<vmem>>[vector<16xi32>], vector<16xf32>,
          tpu.vector_store_idx %arg9[%convert_element_type3A_925], %broadcast_in_dim3A_1 {add = true} : memref<43008xf32, #tpu.memory_space<vmem>>[vector<16xi32>], vector<16xf32>,
          tpu.vector_store_idx %arg9[%convert_element_type3A_934], %broadcast_in_dim3A_1 {add = true} : memref<43008xf32, #tpu.memory_space<vmem>>[vector<16xi32>], vector<16xf32>,
          tpu.vector_store_idx %arg9[%convert_element_type3A_943], %broadcast_in_dim3A_1 {add = true} : memref<43008xf32, #tpu.memory_space<vmem>>[vector<16xi32>], vector<16xf32>,
          %scan3A_944 = arith.constant 0 : i32
          scf.yield %scan3A_944 : i32
        }
        %scan3A_759 = arith.constant 64 : i32
        %dma_wait3A_760 = arith.constant 3 : i32
        %dma_wait3A_761 = arith.constant 0 : i32
        %dma_wait3A_762 = tpu.memref_slice %arg5[%dma_wait3A_760, %dma_wait3A_761] : memref<4x8192xf32, #tpu.memory_space<vmem>> -> memref<1x8192xf32, #tpu.memory_space<vmem>>
        %dma_wait3A_763 = tpu.memref_squeeze %dma_wait3A_762 : memref<1x8192xf32, #tpu.memory_space<vmem>> -> memref<8192xf32, #tpu.memory_space<vmem>>
        %dma_wait3A_764 = arith.constant 0 : i32
        %dma_wait3A_765 = tpu.memref_slice %arg2[%dma_wait3A_764] : memref<22020096xf32, #tpu.memory_space<hbm>> -> memref<8192xf32, #tpu.memory_space<hbm>>
        %dma_wait3A_766 = arith.constant 0 : i32
        %dma_wait3A_767 = tpu.memref_slice %arg5[%dma_wait3A_760, %dma_wait3A_766] : memref<4x8192xf32, #tpu.memory_space<vmem>> -> memref<1x8192xf32, #tpu.memory_space<vmem>>
        %dma_wait3A_768 = tpu.memref_squeeze %dma_wait3A_767 : memref<1x8192xf32, #tpu.memory_space<vmem>> -> memref<8192xf32, #tpu.memory_space<vmem>>
        %dma_wait3A_769 = arith.constant 0 : i32
        %dma_wait3A_770 = tpu.memref_slice %arg2[%dma_wait3A_769] : memref<22020096xf32, #tpu.memory_space<hbm>> -> memref<8192xf32, #tpu.memory_space<hbm>>
        tpu.wait_dma2 semaphore(%arg13 : memref<!tpu.dma_semaphore, #tpu.memory_space<semaphore_mem>>) src(%dma_wait3A_770 : memref<8192xf32, #tpu.memory_space<hbm>>) dst(%dma_wait3A_768 : memref<8192xf32, #tpu.memory_space<vmem>>)
        %add3A_771 = arith.constant 6 : i32
        %add3A_772 = arith.addi %mul3A_613, %add3A_771 : i32
        %lt3A_773 = arith.constant 21 : i32
        %lt3A_774 = arith.cmpi slt, %add3A_772, %lt3A_773 : i32
        %convert_element_type3A_775 = arith.extui %lt3A_774 : i1 to i32
        %cond3A_776 = arith.constant 0 : i32
        %cond3A_777 = arith.cmpi ne, %convert_element_type3A_775, %cond3A_776 : i32
        scf.if %cond3A_777 {
          %add3A_793 = arith.constant 6 : i32
          %add3A_794 = arith.addi %mul3A_613, %add3A_793 : i32
          %jit3A_795 = arith.constant 32 : i32
          %div3A_796 = arith.divsi %add3A_35, %jit3A_795 : i32
          %sign3A_797 = arith.constant 0 : i32
          %sign3A_798 = arith.cmpi sgt, %add3A_35, %sign3A_797 : i32
          %sign3A_799 = arith.extui %sign3A_798 : i1 to i32
          %sign3A_800 = arith.constant 0 : i32
          %sign3A_801 = arith.cmpi slt, %add3A_35, %sign3A_800 : i32
          %sign3A_802 = arith.extui %sign3A_801 : i1 to i32
          %sign3A_803 = arith.subi %sign3A_799, %sign3A_802 : i32
          %sign3A_804 = arith.constant 0 : i32
          %sign3A_805 = arith.cmpi sgt, %jit3A_795, %sign3A_804 : i32
          %sign3A_806 = arith.extui %sign3A_805 : i1 to i32
          %sign3A_807 = arith.constant 0 : i32
          %sign3A_808 = arith.cmpi slt, %jit3A_795, %sign3A_807 : i32
          %sign3A_809 = arith.extui %sign3A_808 : i1 to i32
          %sign3A_810 = arith.subi %sign3A_806, %sign3A_809 : i32
          %ne3A_811 = arith.cmpi ne, %sign3A_803, %sign3A_810 : i32
          %rem3A_812 = arith.remsi %add3A_35, %jit3A_795 : i32
          %ne3A_813 = arith.constant 0 : i32
          %ne3A_814 = arith.cmpi ne, %rem3A_812, %ne3A_813 : i32
          %and3A_815 = arith.andi %ne3A_811, %ne3A_814 : i1
          %sub3A_816 = arith.constant 1 : i32
          %sub3A_817 = arith.subi %div3A_796, %sub3A_816 : i32
          %select_n3A_818 = arith.select %and3A_815, %sub3A_817, %div3A_796 : i32
          %jit3A_819 = arith.constant 32 : i32
          %eq3A_820 = arith.constant 0 : i32
          %eq3A_821 = arith.cmpi eq, %jit3A_819, %eq3A_820 : i32
          %jit3A_822 = arith.constant 1 : i32
          %select_n3A_823 = arith.select %eq3A_821, %jit3A_822, %jit3A_819 : i32
          %rem3A_824 = arith.remsi %add3A_35, %select_n3A_823 : i32
          %ne3A_825 = arith.constant 0 : i32
          %ne3A_826 = arith.cmpi ne, %rem3A_824, %ne3A_825 : i32
          %lt3A_827 = arith.constant 0 : i32
          %lt3A_828 = arith.cmpi slt, %rem3A_824, %lt3A_827 : i32
          %lt3A_829 = arith.constant 0 : i32
          %lt3A_830 = arith.cmpi slt, %select_n3A_823, %lt3A_829 : i32
          %ne3A_831 = arith.xori %lt3A_828, %lt3A_830 : i1
          %and3A_832 = arith.andi %ne3A_831, %ne3A_826 : i1
          %add3A_833 = arith.addi %rem3A_824, %select_n3A_823 : i32
          %select_n3A_834 = arith.select %and3A_832, %add3A_833, %rem3A_824 : i32
          %mul3A_835 = arith.constant 8192 : i32
          %mul3A_836 = arith.muli %select_n3A_834, %mul3A_835 : i32
          %mul3A_837 = arith.constant 21 : i32
          %mul3A_838 = arith.muli %select_n3A_818, %mul3A_837 : i32
          %add3A_839 = arith.addi %mul3A_838, %add3A_794 : i32
          %mul3A_840 = arith.constant 262144 : i32
          %mul3A_841 = arith.muli %add3A_839, %mul3A_840 : i32
          %add3A_842 = arith.addi %mul3A_841, %mul3A_836 : i32
          %dma_start3A_843 = arith.constant 2 : i32
          %dma_start3A_844 = arith.constant 0 : i32
          %dma_start3A_845 = tpu.memref_slice %arg5[%dma_start3A_843, %dma_start3A_844] : memref<4x8192xf32, #tpu.memory_space<vmem>> -> memref<1x8192xf32, #tpu.memory_space<vmem>>
          %dma_start3A_846 = tpu.memref_squeeze %dma_start3A_845 : memref<1x8192xf32, #tpu.memory_space<vmem>> -> memref<8192xf32, #tpu.memory_space<vmem>>
          %dma_start3A_847 = tpu.memref_slice %arg2[%add3A_842] : memref<22020096xf32, #tpu.memory_space<hbm>> -> memref<8192xf32, #tpu.memory_space<hbm>>
          %dma_start3A_848 = arith.constant 0 : i32
          %dma_start3A_849 = tpu.memref_slice %arg5[%dma_start3A_843, %dma_start3A_848] : memref<4x8192xf32, #tpu.memory_space<vmem>> -> memref<1x8192xf32, #tpu.memory_space<vmem>>
          %dma_start3A_850 = tpu.memref_squeeze %dma_start3A_849 : memref<1x8192xf32, #tpu.memory_space<vmem>> -> memref<8192xf32, #tpu.memory_space<vmem>>
          %dma_start3A_851 = tpu.memref_slice %arg2[%add3A_842] : memref<22020096xf32, #tpu.memory_space<hbm>> -> memref<8192xf32, #tpu.memory_space<hbm>>
          tpu.enqueue_dma source(%dma_start3A_851 : memref<8192xf32, #tpu.memory_space<hbm>>) target(%dma_start3A_850 : memref<8192xf32, #tpu.memory_space<vmem>>) target_semaphore(%arg12 : memref<!tpu.dma_semaphore, #tpu.memory_space<semaphore_mem>>)
        } else {
        }
        %add3A_778 = arith.constant 3 : i32
        %add3A_779 = arith.addi %mul3A_613, %add3A_778 : i32
        %mul3A_780 = arith.constant 2048 : i32
        %mul3A_781 = arith.muli %add3A_779, %mul3A_780 : i32
        %convert_element_type3A_782 = arith.sitofp %mul3A_781 : i32 to f32
        %add3A_783 = vector.broadcast %convert_element_type3A_782 : f32 to vector<16xf32>
        %add3A_784 = arith.addf %broadcast_in_dim3A_5, %add3A_783 : vector<16xf32>
        %scan3A_785 = arith.constant 0 : i32
        %scan3A_786 = arith.constant 0 : i32
        %scan3A_787 = arith.constant 64 : i32
        %scan3A_788 = arith.addi %scan3A_786, %scan3A_787 : i32
        %scan3A_789 = arith.constant 1 : i32
        %scan3A_790 = scf.for %scan3A_793 = %scan3A_786 to %scan3A_788 step %scan3A_789 iter_args(%scan3A_794 = %scan3A_785) -> (i32)  : i32 {
          %mul3A_795 = arith.constant 8 : i32
          %mul3A_796 = arith.muli %scan3A_793, %mul3A_795 : i32
          %add3A_797 = arith.constant 0 : i32
          %add3A_798 = arith.addi %mul3A_796, %add3A_797 : i32
          %mul3A_799 = arith.constant 16 : i32
          %mul3A_800 = arith.muli %add3A_798, %mul3A_799 : i32
          %get3A = arith.constant 3 : i32
          %get3A_801 = arith.index_cast %get3A : i32 to index
          %get3A_802 = arith.index_cast %mul3A_800 : i32 to index
          %get3A_803 = tpu.vector_load %arg5[%get3A_801, %get3A_802] {strides = array<i32>} : memref<4x8192xf32, #tpu.memory_space<vmem>>, vector<16xf32>,
          %mul3A_804 = arith.constant 8 : i32
          %mul3A_805 = arith.muli %scan3A_793, %mul3A_804 : i32
          %add3A_806 = arith.constant 1 : i32
          %add3A_807 = arith.addi %mul3A_805, %add3A_806 : i32
          %mul3A_808 = arith.constant 16 : i32
          %mul3A_809 = arith.muli %add3A_807, %mul3A_808 : i32
          %get3A_810 = arith.constant 3 : i32
          %get3A_811 = arith.index_cast %get3A_810 : i32 to index
          %get3A_812 = arith.index_cast %mul3A_809 : i32 to index
          %get3A_813 = tpu.vector_load %arg5[%get3A_811, %get3A_812] {strides = array<i32>} : memref<4x8192xf32, #tpu.memory_space<vmem>>, vector<16xf32>,
          %mul3A_814 = arith.constant 8 : i32
          %mul3A_815 = arith.muli %scan3A_793, %mul3A_814 : i32
          %add3A_816 = arith.constant 2 : i32
          %add3A_817 = arith.addi %mul3A_815, %add3A_816 : i32
          %mul3A_818 = arith.constant 16 : i32
          %mul3A_819 = arith.muli %add3A_817, %mul3A_818 : i32
          %get3A_820 = arith.constant 3 : i32
          %get3A_821 = arith.index_cast %get3A_820 : i32 to index
          %get3A_822 = arith.index_cast %mul3A_819 : i32 to index
          %get3A_823 = tpu.vector_load %arg5[%get3A_821, %get3A_822] {strides = array<i32>} : memref<4x8192xf32, #tpu.memory_space<vmem>>, vector<16xf32>,
          %mul3A_824 = arith.constant 8 : i32
          %mul3A_825 = arith.muli %scan3A_793, %mul3A_824 : i32
          %add3A_826 = arith.constant 3 : i32
          %add3A_827 = arith.addi %mul3A_825, %add3A_826 : i32
          %mul3A_828 = arith.constant 16 : i32
          %mul3A_829 = arith.muli %add3A_827, %mul3A_828 : i32
          %get3A_830 = arith.constant 3 : i32
          %get3A_831 = arith.index_cast %get3A_830 : i32 to index
          %get3A_832 = arith.index_cast %mul3A_829 : i32 to index
          %get3A_833 = tpu.vector_load %arg5[%get3A_831, %get3A_832] {strides = array<i32>} : memref<4x8192xf32, #tpu.memory_space<vmem>>, vector<16xf32>,
          %mul3A_834 = arith.constant 8 : i32
          %mul3A_835 = arith.muli %scan3A_793, %mul3A_834 : i32
          %add3A_836 = arith.constant 4 : i32
          %add3A_837 = arith.addi %mul3A_835, %add3A_836 : i32
          %mul3A_838 = arith.constant 16 : i32
          %mul3A_839 = arith.muli %add3A_837, %mul3A_838 : i32
          %get3A_840 = arith.constant 3 : i32
          %get3A_841 = arith.index_cast %get3A_840 : i32 to index
          %get3A_842 = arith.index_cast %mul3A_839 : i32 to index
          %get3A_843 = tpu.vector_load %arg5[%get3A_841, %get3A_842] {strides = array<i32>} : memref<4x8192xf32, #tpu.memory_space<vmem>>, vector<16xf32>,
          %mul3A_844 = arith.constant 8 : i32
          %mul3A_845 = arith.muli %scan3A_793, %mul3A_844 : i32
          %add3A_846 = arith.constant 5 : i32
          %add3A_847 = arith.addi %mul3A_845, %add3A_846 : i32
          %mul3A_848 = arith.constant 16 : i32
          %mul3A_849 = arith.muli %add3A_847, %mul3A_848 : i32
          %get3A_850 = arith.constant 3 : i32
          %get3A_851 = arith.index_cast %get3A_850 : i32 to index
          %get3A_852 = arith.index_cast %mul3A_849 : i32 to index
          %get3A_853 = tpu.vector_load %arg5[%get3A_851, %get3A_852] {strides = array<i32>} : memref<4x8192xf32, #tpu.memory_space<vmem>>, vector<16xf32>,
          %mul3A_854 = arith.constant 8 : i32
          %mul3A_855 = arith.muli %scan3A_793, %mul3A_854 : i32
          %add3A_856 = arith.constant 6 : i32
          %add3A_857 = arith.addi %mul3A_855, %add3A_856 : i32
          %mul3A_858 = arith.constant 16 : i32
          %mul3A_859 = arith.muli %add3A_857, %mul3A_858 : i32
          %get3A_860 = arith.constant 3 : i32
          %get3A_861 = arith.index_cast %get3A_860 : i32 to index
          %get3A_862 = arith.index_cast %mul3A_859 : i32 to index
          %get3A_863 = tpu.vector_load %arg5[%get3A_861, %get3A_862] {strides = array<i32>} : memref<4x8192xf32, #tpu.memory_space<vmem>>, vector<16xf32>,
          %mul3A_864 = arith.constant 8 : i32
          %mul3A_865 = arith.muli %scan3A_793, %mul3A_864 : i32
          %add3A_866 = arith.constant 7 : i32
          %add3A_867 = arith.addi %mul3A_865, %add3A_866 : i32
          %mul3A_868 = arith.constant 16 : i32
          %mul3A_869 = arith.muli %add3A_867, %mul3A_868 : i32
          %get3A_870 = arith.constant 3 : i32
          %get3A_871 = arith.index_cast %get3A_870 : i32 to index
          %get3A_872 = arith.index_cast %mul3A_869 : i32 to index
          %get3A_873 = tpu.vector_load %arg5[%get3A_871, %get3A_872] {strides = array<i32>} : memref<4x8192xf32, #tpu.memory_space<vmem>>, vector<16xf32>,
          %abs3A = math.absf %get3A_803 : vector<16xf32>
          %mul3A_874 = arith.constant 1.280000e+02 : f32
          %mul3A_875 = vector.broadcast %mul3A_874 : f32 to vector<16xf32>
          %mul3A_876 = arith.mulf %abs3A, %mul3A_875 : vector<16xf32>
          %min3A = arith.constant 1.023500e+03 : f32
          %min3A_877 = vector.broadcast %min3A : f32 to vector<16xf32>
          %min3A_878 = arith.minimumf %mul3A_876, %min3A_877 : vector<16xf32>
          %add3A_879 = arith.addf %min3A_878, %add3A_784 : vector<16xf32>
          %convert_element_type3A_880 = arith.fptosi %add3A_879 : vector<16xf32> to vector<16xi32>
          %abs3A_881 = math.absf %get3A_813 : vector<16xf32>
          %mul3A_882 = arith.constant 1.280000e+02 : f32
          %mul3A_883 = vector.broadcast %mul3A_882 : f32 to vector<16xf32>
          %mul3A_884 = arith.mulf %abs3A_881, %mul3A_883 : vector<16xf32>
          %min3A_885 = arith.constant 1.023500e+03 : f32
          %min3A_886 = vector.broadcast %min3A_885 : f32 to vector<16xf32>
          %min3A_887 = arith.minimumf %mul3A_884, %min3A_886 : vector<16xf32>
          %add3A_888 = arith.addf %min3A_887, %add3A_784 : vector<16xf32>
          %convert_element_type3A_889 = arith.fptosi %add3A_888 : vector<16xf32> to vector<16xi32>
          %abs3A_890 = math.absf %get3A_823 : vector<16xf32>
          %mul3A_891 = arith.constant 1.280000e+02 : f32
          %mul3A_892 = vector.broadcast %mul3A_891 : f32 to vector<16xf32>
          %mul3A_893 = arith.mulf %abs3A_890, %mul3A_892 : vector<16xf32>
          %min3A_894 = arith.constant 1.023500e+03 : f32
          %min3A_895 = vector.broadcast %min3A_894 : f32 to vector<16xf32>
          %min3A_896 = arith.minimumf %mul3A_893, %min3A_895 : vector<16xf32>
          %add3A_897 = arith.addf %min3A_896, %add3A_784 : vector<16xf32>
          %convert_element_type3A_898 = arith.fptosi %add3A_897 : vector<16xf32> to vector<16xi32>
          %abs3A_899 = math.absf %get3A_833 : vector<16xf32>
          %mul3A_900 = arith.constant 1.280000e+02 : f32
          %mul3A_901 = vector.broadcast %mul3A_900 : f32 to vector<16xf32>
          %mul3A_902 = arith.mulf %abs3A_899, %mul3A_901 : vector<16xf32>
          %min3A_903 = arith.constant 1.023500e+03 : f32
          %min3A_904 = vector.broadcast %min3A_903 : f32 to vector<16xf32>
          %min3A_905 = arith.minimumf %mul3A_902, %min3A_904 : vector<16xf32>
          %add3A_906 = arith.addf %min3A_905, %add3A_784 : vector<16xf32>
          %convert_element_type3A_907 = arith.fptosi %add3A_906 : vector<16xf32> to vector<16xi32>
          %abs3A_908 = math.absf %get3A_843 : vector<16xf32>
          %mul3A_909 = arith.constant 1.280000e+02 : f32
          %mul3A_910 = vector.broadcast %mul3A_909 : f32 to vector<16xf32>
          %mul3A_911 = arith.mulf %abs3A_908, %mul3A_910 : vector<16xf32>
          %min3A_912 = arith.constant 1.023500e+03 : f32
          %min3A_913 = vector.broadcast %min3A_912 : f32 to vector<16xf32>
          %min3A_914 = arith.minimumf %mul3A_911, %min3A_913 : vector<16xf32>
          %add3A_915 = arith.addf %min3A_914, %add3A_784 : vector<16xf32>
          %convert_element_type3A_916 = arith.fptosi %add3A_915 : vector<16xf32> to vector<16xi32>
          %abs3A_917 = math.absf %get3A_853 : vector<16xf32>
          %mul3A_918 = arith.constant 1.280000e+02 : f32
          %mul3A_919 = vector.broadcast %mul3A_918 : f32 to vector<16xf32>
          %mul3A_920 = arith.mulf %abs3A_917, %mul3A_919 : vector<16xf32>
          %min3A_921 = arith.constant 1.023500e+03 : f32
          %min3A_922 = vector.broadcast %min3A_921 : f32 to vector<16xf32>
          %min3A_923 = arith.minimumf %mul3A_920, %min3A_922 : vector<16xf32>
          %add3A_924 = arith.addf %min3A_923, %add3A_784 : vector<16xf32>
          %convert_element_type3A_925 = arith.fptosi %add3A_924 : vector<16xf32> to vector<16xi32>
          %abs3A_926 = math.absf %get3A_863 : vector<16xf32>
          %mul3A_927 = arith.constant 1.280000e+02 : f32
          %mul3A_928 = vector.broadcast %mul3A_927 : f32 to vector<16xf32>
          %mul3A_929 = arith.mulf %abs3A_926, %mul3A_928 : vector<16xf32>
          %min3A_930 = arith.constant 1.023500e+03 : f32
          %min3A_931 = vector.broadcast %min3A_930 : f32 to vector<16xf32>
          %min3A_932 = arith.minimumf %mul3A_929, %min3A_931 : vector<16xf32>
          %add3A_933 = arith.addf %min3A_932, %add3A_784 : vector<16xf32>
          %convert_element_type3A_934 = arith.fptosi %add3A_933 : vector<16xf32> to vector<16xi32>
          %abs3A_935 = math.absf %get3A_873 : vector<16xf32>
          %mul3A_936 = arith.constant 1.280000e+02 : f32
          %mul3A_937 = vector.broadcast %mul3A_936 : f32 to vector<16xf32>
          %mul3A_938 = arith.mulf %abs3A_935, %mul3A_937 : vector<16xf32>
          %min3A_939 = arith.constant 1.023500e+03 : f32
          %min3A_940 = vector.broadcast %min3A_939 : f32 to vector<16xf32>
          %min3A_941 = arith.minimumf %mul3A_938, %min3A_940 : vector<16xf32>
          %add3A_942 = arith.addf %min3A_941, %add3A_784 : vector<16xf32>
          %convert_element_type3A_943 = arith.fptosi %add3A_942 : vector<16xf32> to vector<16xi32>
          tpu.vector_store_idx %arg9[%convert_element_type3A_880], %broadcast_in_dim3A_1 {add = true} : memref<43008xf32, #tpu.memory_space<vmem>>[vector<16xi32>], vector<16xf32>,
          tpu.vector_store_idx %arg9[%convert_element_type3A_889], %broadcast_in_dim3A_1 {add = true} : memref<43008xf32, #tpu.memory_space<vmem>>[vector<16xi32>], vector<16xf32>,
          tpu.vector_store_idx %arg9[%convert_element_type3A_898], %broadcast_in_dim3A_1 {add = true} : memref<43008xf32, #tpu.memory_space<vmem>>[vector<16xi32>], vector<16xf32>,
          tpu.vector_store_idx %arg9[%convert_element_type3A_907], %broadcast_in_dim3A_1 {add = true} : memref<43008xf32, #tpu.memory_space<vmem>>[vector<16xi32>], vector<16xf32>,
          tpu.vector_store_idx %arg9[%convert_element_type3A_916], %broadcast_in_dim3A_1 {add = true} : memref<43008xf32, #tpu.memory_space<vmem>>[vector<16xi32>], vector<16xf32>,
          tpu.vector_store_idx %arg9[%convert_element_type3A_925], %broadcast_in_dim3A_1 {add = true} : memref<43008xf32, #tpu.memory_space<vmem>>[vector<16xi32>], vector<16xf32>,
          tpu.vector_store_idx %arg9[%convert_element_type3A_934], %broadcast_in_dim3A_1 {add = true} : memref<43008xf32, #tpu.memory_space<vmem>>[vector<16xi32>], vector<16xf32>,
          tpu.vector_store_idx %arg9[%convert_element_type3A_943], %broadcast_in_dim3A_1 {add = true} : memref<43008xf32, #tpu.memory_space<vmem>>[vector<16xi32>], vector<16xf32>,
          %scan3A_944 = arith.constant 0 : i32
          scf.yield %scan3A_944 : i32
        }
        %scan3A_791 = arith.constant 64 : i32
        %scan3A_792 = arith.constant 0 : i32
        scf.yield %scan3A_792 : i32
      }
      %scan3A_285 = arith.constant 5 : i32
      %dma_wait3A_286 = arith.constant 0 : i32
      %dma_wait3A_287 = arith.constant 0 : i32
      %dma_wait3A_288 = tpu.memref_slice %arg5[%dma_wait3A_286, %dma_wait3A_287] : memref<4x8192xf32, #tpu.memory_space<vmem>> -> memref<1x8192xf32, #tpu.memory_space<vmem>>
      %dma_wait3A_289 = tpu.memref_squeeze %dma_wait3A_288 : memref<1x8192xf32, #tpu.memory_space<vmem>> -> memref<8192xf32, #tpu.memory_space<vmem>>
      %dma_wait3A_290 = arith.constant 0 : i32
      %dma_wait3A_291 = tpu.memref_slice %arg2[%dma_wait3A_290] : memref<22020096xf32, #tpu.memory_space<hbm>> -> memref<8192xf32, #tpu.memory_space<hbm>>
      %dma_wait3A_292 = arith.constant 0 : i32
      %dma_wait3A_293 = tpu.memref_slice %arg5[%dma_wait3A_286, %dma_wait3A_292] : memref<4x8192xf32, #tpu.memory_space<vmem>> -> memref<1x8192xf32, #tpu.memory_space<vmem>>
      %dma_wait3A_294 = tpu.memref_squeeze %dma_wait3A_293 : memref<1x8192xf32, #tpu.memory_space<vmem>> -> memref<8192xf32, #tpu.memory_space<vmem>>
      %dma_wait3A_295 = arith.constant 0 : i32
      %dma_wait3A_296 = tpu.memref_slice %arg2[%dma_wait3A_295] : memref<22020096xf32, #tpu.memory_space<hbm>> -> memref<8192xf32, #tpu.memory_space<hbm>>
      tpu.wait_dma2 semaphore(%arg10 : memref<!tpu.dma_semaphore, #tpu.memory_space<semaphore_mem>>) src(%dma_wait3A_296 : memref<8192xf32, #tpu.memory_space<hbm>>) dst(%dma_wait3A_294 : memref<8192xf32, #tpu.memory_space<vmem>>)
      %mul3A_297 = arith.constant 20 : i32
      %mul3A_298 = arith.constant 2048 : i32
      %mul3A_299 = arith.muli %mul3A_297, %mul3A_298 : i32
      %convert_element_type3A = arith.sitofp %mul3A_299 : i32 to f32
      %add3A_300 = vector.broadcast %convert_element_type3A : f32 to vector<16xf32>
      %add3A_301 = arith.addf %broadcast_in_dim3A_5, %add3A_300 : vector<16xf32>
      %scan3A_302 = arith.constant 0 : i32
      %scan3A_303 = arith.constant 0 : i32
      %scan3A_304 = arith.constant 64 : i32
      %scan3A_305 = arith.addi %scan3A_303, %scan3A_304 : i32
      %scan3A_306 = arith.constant 1 : i32
      %scan3A_307 = scf.for %scan3A_610 = %scan3A_303 to %scan3A_305 step %scan3A_306 iter_args(%scan3A_611 = %scan3A_302) -> (i32)  : i32 {
        %mul3A_612 = arith.constant 8 : i32
        %mul3A_613 = arith.muli %scan3A_610, %mul3A_612 : i32
        %add3A_614 = arith.constant 0 : i32
        %add3A_615 = arith.addi %mul3A_613, %add3A_614 : i32
        %mul3A_616 = arith.constant 16 : i32
        %mul3A_617 = arith.muli %add3A_615, %mul3A_616 : i32
        %get3A = arith.constant 0 : i32
        %get3A_618 = arith.index_cast %get3A : i32 to index
        %get3A_619 = arith.index_cast %mul3A_617 : i32 to index
        %get3A_620 = tpu.vector_load %arg5[%get3A_618, %get3A_619] {strides = array<i32>} : memref<4x8192xf32, #tpu.memory_space<vmem>>, vector<16xf32>,
        %mul3A_621 = arith.constant 8 : i32
        %mul3A_622 = arith.muli %scan3A_610, %mul3A_621 : i32
        %add3A_623 = arith.constant 1 : i32
        %add3A_624 = arith.addi %mul3A_622, %add3A_623 : i32
        %mul3A_625 = arith.constant 16 : i32
        %mul3A_626 = arith.muli %add3A_624, %mul3A_625 : i32
        %get3A_627 = arith.constant 0 : i32
        %get3A_628 = arith.index_cast %get3A_627 : i32 to index
        %get3A_629 = arith.index_cast %mul3A_626 : i32 to index
        %get3A_630 = tpu.vector_load %arg5[%get3A_628, %get3A_629] {strides = array<i32>} : memref<4x8192xf32, #tpu.memory_space<vmem>>, vector<16xf32>,
        %mul3A_631 = arith.constant 8 : i32
        %mul3A_632 = arith.muli %scan3A_610, %mul3A_631 : i32
        %add3A_633 = arith.constant 2 : i32
        %add3A_634 = arith.addi %mul3A_632, %add3A_633 : i32
        %mul3A_635 = arith.constant 16 : i32
        %mul3A_636 = arith.muli %add3A_634, %mul3A_635 : i32
        %get3A_637 = arith.constant 0 : i32
        %get3A_638 = arith.index_cast %get3A_637 : i32 to index
        %get3A_639 = arith.index_cast %mul3A_636 : i32 to index
        %get3A_640 = tpu.vector_load %arg5[%get3A_638, %get3A_639] {strides = array<i32>} : memref<4x8192xf32, #tpu.memory_space<vmem>>, vector<16xf32>,
        %mul3A_641 = arith.constant 8 : i32
        %mul3A_642 = arith.muli %scan3A_610, %mul3A_641 : i32
        %add3A_643 = arith.constant 3 : i32
        %add3A_644 = arith.addi %mul3A_642, %add3A_643 : i32
        %mul3A_645 = arith.constant 16 : i32
        %mul3A_646 = arith.muli %add3A_644, %mul3A_645 : i32
        %get3A_647 = arith.constant 0 : i32
        %get3A_648 = arith.index_cast %get3A_647 : i32 to index
        %get3A_649 = arith.index_cast %mul3A_646 : i32 to index
        %get3A_650 = tpu.vector_load %arg5[%get3A_648, %get3A_649] {strides = array<i32>} : memref<4x8192xf32, #tpu.memory_space<vmem>>, vector<16xf32>,
        %mul3A_651 = arith.constant 8 : i32
        %mul3A_652 = arith.muli %scan3A_610, %mul3A_651 : i32
        %add3A_653 = arith.constant 4 : i32
        %add3A_654 = arith.addi %mul3A_652, %add3A_653 : i32
        %mul3A_655 = arith.constant 16 : i32
        %mul3A_656 = arith.muli %add3A_654, %mul3A_655 : i32
        %get3A_657 = arith.constant 0 : i32
        %get3A_658 = arith.index_cast %get3A_657 : i32 to index
        %get3A_659 = arith.index_cast %mul3A_656 : i32 to index
        %get3A_660 = tpu.vector_load %arg5[%get3A_658, %get3A_659] {strides = array<i32>} : memref<4x8192xf32, #tpu.memory_space<vmem>>, vector<16xf32>,
        %mul3A_661 = arith.constant 8 : i32
        %mul3A_662 = arith.muli %scan3A_610, %mul3A_661 : i32
        %add3A_663 = arith.constant 5 : i32
        %add3A_664 = arith.addi %mul3A_662, %add3A_663 : i32
        %mul3A_665 = arith.constant 16 : i32
        %mul3A_666 = arith.muli %add3A_664, %mul3A_665 : i32
        %get3A_667 = arith.constant 0 : i32
        %get3A_668 = arith.index_cast %get3A_667 : i32 to index
        %get3A_669 = arith.index_cast %mul3A_666 : i32 to index
        %get3A_670 = tpu.vector_load %arg5[%get3A_668, %get3A_669] {strides = array<i32>} : memref<4x8192xf32, #tpu.memory_space<vmem>>, vector<16xf32>,
        %mul3A_671 = arith.constant 8 : i32
        %mul3A_672 = arith.muli %scan3A_610, %mul3A_671 : i32
        %add3A_673 = arith.constant 6 : i32
        %add3A_674 = arith.addi %mul3A_672, %add3A_673 : i32
        %mul3A_675 = arith.constant 16 : i32
        %mul3A_676 = arith.muli %add3A_674, %mul3A_675 : i32
        %get3A_677 = arith.constant 0 : i32
        %get3A_678 = arith.index_cast %get3A_677 : i32 to index
        %get3A_679 = arith.index_cast %mul3A_676 : i32 to index
        %get3A_680 = tpu.vector_load %arg5[%get3A_678, %get3A_679] {strides = array<i32>} : memref<4x8192xf32, #tpu.memory_space<vmem>>, vector<16xf32>,
        %mul3A_681 = arith.constant 8 : i32
        %mul3A_682 = arith.muli %scan3A_610, %mul3A_681 : i32
        %add3A_683 = arith.constant 7 : i32
        %add3A_684 = arith.addi %mul3A_682, %add3A_683 : i32
        %mul3A_685 = arith.constant 16 : i32
        %mul3A_686 = arith.muli %add3A_684, %mul3A_685 : i32
        %get3A_687 = arith.constant 0 : i32
        %get3A_688 = arith.index_cast %get3A_687 : i32 to index
        %get3A_689 = arith.index_cast %mul3A_686 : i32 to index
        %get3A_690 = tpu.vector_load %arg5[%get3A_688, %get3A_689] {strides = array<i32>} : memref<4x8192xf32, #tpu.memory_space<vmem>>, vector<16xf32>,
        %abs3A = math.absf %get3A_620 : vector<16xf32>
        %mul3A_691 = arith.constant 1.280000e+02 : f32
        %mul3A_692 = vector.broadcast %mul3A_691 : f32 to vector<16xf32>
        %mul3A_693 = arith.mulf %abs3A, %mul3A_692 : vector<16xf32>
        %min3A = arith.constant 1.023500e+03 : f32
        %min3A_694 = vector.broadcast %min3A : f32 to vector<16xf32>
        %min3A_695 = arith.minimumf %mul3A_693, %min3A_694 : vector<16xf32>
        %add3A_696 = arith.addf %min3A_695, %add3A_301 : vector<16xf32>
        %convert_element_type3A_697 = arith.fptosi %add3A_696 : vector<16xf32> to vector<16xi32>
        %abs3A_698 = math.absf %get3A_630 : vector<16xf32>
        %mul3A_699 = arith.constant 1.280000e+02 : f32
        %mul3A_700 = vector.broadcast %mul3A_699 : f32 to vector<16xf32>
        %mul3A_701 = arith.mulf %abs3A_698, %mul3A_700 : vector<16xf32>
        %min3A_702 = arith.constant 1.023500e+03 : f32
        %min3A_703 = vector.broadcast %min3A_702 : f32 to vector<16xf32>
        %min3A_704 = arith.minimumf %mul3A_701, %min3A_703 : vector<16xf32>
        %add3A_705 = arith.addf %min3A_704, %add3A_301 : vector<16xf32>
        %convert_element_type3A_706 = arith.fptosi %add3A_705 : vector<16xf32> to vector<16xi32>
        %abs3A_707 = math.absf %get3A_640 : vector<16xf32>
        %mul3A_708 = arith.constant 1.280000e+02 : f32
        %mul3A_709 = vector.broadcast %mul3A_708 : f32 to vector<16xf32>
        %mul3A_710 = arith.mulf %abs3A_707, %mul3A_709 : vector<16xf32>
        %min3A_711 = arith.constant 1.023500e+03 : f32
        %min3A_712 = vector.broadcast %min3A_711 : f32 to vector<16xf32>
        %min3A_713 = arith.minimumf %mul3A_710, %min3A_712 : vector<16xf32>
        %add3A_714 = arith.addf %min3A_713, %add3A_301 : vector<16xf32>
        %convert_element_type3A_715 = arith.fptosi %add3A_714 : vector<16xf32> to vector<16xi32>
        %abs3A_716 = math.absf %get3A_650 : vector<16xf32>
        %mul3A_717 = arith.constant 1.280000e+02 : f32
        %mul3A_718 = vector.broadcast %mul3A_717 : f32 to vector<16xf32>
        %mul3A_719 = arith.mulf %abs3A_716, %mul3A_718 : vector<16xf32>
        %min3A_720 = arith.constant 1.023500e+03 : f32
        %min3A_721 = vector.broadcast %min3A_720 : f32 to vector<16xf32>
        %min3A_722 = arith.minimumf %mul3A_719, %min3A_721 : vector<16xf32>
        %add3A_723 = arith.addf %min3A_722, %add3A_301 : vector<16xf32>
        %convert_element_type3A_724 = arith.fptosi %add3A_723 : vector<16xf32> to vector<16xi32>
        %abs3A_725 = math.absf %get3A_660 : vector<16xf32>
        %mul3A_726 = arith.constant 1.280000e+02 : f32
        %mul3A_727 = vector.broadcast %mul3A_726 : f32 to vector<16xf32>
        %mul3A_728 = arith.mulf %abs3A_725, %mul3A_727 : vector<16xf32>
        %min3A_729 = arith.constant 1.023500e+03 : f32
        %min3A_730 = vector.broadcast %min3A_729 : f32 to vector<16xf32>
        %min3A_731 = arith.minimumf %mul3A_728, %min3A_730 : vector<16xf32>
        %add3A_732 = arith.addf %min3A_731, %add3A_301 : vector<16xf32>
        %convert_element_type3A_733 = arith.fptosi %add3A_732 : vector<16xf32> to vector<16xi32>
        %abs3A_734 = math.absf %get3A_670 : vector<16xf32>
        %mul3A_735 = arith.constant 1.280000e+02 : f32
        %mul3A_736 = vector.broadcast %mul3A_735 : f32 to vector<16xf32>
        %mul3A_737 = arith.mulf %abs3A_734, %mul3A_736 : vector<16xf32>
        %min3A_738 = arith.constant 1.023500e+03 : f32
        %min3A_739 = vector.broadcast %min3A_738 : f32 to vector<16xf32>
        %min3A_740 = arith.minimumf %mul3A_737, %min3A_739 : vector<16xf32>
        %add3A_741 = arith.addf %min3A_740, %add3A_301 : vector<16xf32>
        %convert_element_type3A_742 = arith.fptosi %add3A_741 : vector<16xf32> to vector<16xi32>
        %abs3A_743 = math.absf %get3A_680 : vector<16xf32>
        %mul3A_744 = arith.constant 1.280000e+02 : f32
        %mul3A_745 = vector.broadcast %mul3A_744 : f32 to vector<16xf32>
        %mul3A_746 = arith.mulf %abs3A_743, %mul3A_745 : vector<16xf32>
        %min3A_747 = arith.constant 1.023500e+03 : f32
        %min3A_748 = vector.broadcast %min3A_747 : f32 to vector<16xf32>
        %min3A_749 = arith.minimumf %mul3A_746, %min3A_748 : vector<16xf32>
        %add3A_750 = arith.addf %min3A_749, %add3A_301 : vector<16xf32>
        %convert_element_type3A_751 = arith.fptosi %add3A_750 : vector<16xf32> to vector<16xi32>
        %abs3A_752 = math.absf %get3A_690 : vector<16xf32>
        %mul3A_753 = arith.constant 1.280000e+02 : f32
        %mul3A_754 = vector.broadcast %mul3A_753 : f32 to vector<16xf32>
        %mul3A_755 = arith.mulf %abs3A_752, %mul3A_754 : vector<16xf32>
        %min3A_756 = arith.constant 1.023500e+03 : f32
        %min3A_757 = vector.broadcast %min3A_756 : f32 to vector<16xf32>
        %min3A_758 = arith.minimumf %mul3A_755, %min3A_757 : vector<16xf32>
        %add3A_759 = arith.addf %min3A_758, %add3A_301 : vector<16xf32>
        %convert_element_type3A_760 = arith.fptosi %add3A_759 : vector<16xf32> to vector<16xi32>
        tpu.vector_store_idx %arg9[%convert_element_type3A_697], %broadcast_in_dim3A_1 {add = true} : memref<43008xf32, #tpu.memory_space<vmem>>[vector<16xi32>], vector<16xf32>,
        tpu.vector_store_idx %arg9[%convert_element_type3A_706], %broadcast_in_dim3A_1 {add = true} : memref<43008xf32, #tpu.memory_space<vmem>>[vector<16xi32>], vector<16xf32>,
        tpu.vector_store_idx %arg9[%convert_element_type3A_715], %broadcast_in_dim3A_1 {add = true} : memref<43008xf32, #tpu.memory_space<vmem>>[vector<16xi32>], vector<16xf32>,
        tpu.vector_store_idx %arg9[%convert_element_type3A_724], %broadcast_in_dim3A_1 {add = true} : memref<43008xf32, #tpu.memory_space<vmem>>[vector<16xi32>], vector<16xf32>,
        tpu.vector_store_idx %arg9[%convert_element_type3A_733], %broadcast_in_dim3A_1 {add = true} : memref<43008xf32, #tpu.memory_space<vmem>>[vector<16xi32>], vector<16xf32>,
        tpu.vector_store_idx %arg9[%convert_element_type3A_742], %broadcast_in_dim3A_1 {add = true} : memref<43008xf32, #tpu.memory_space<vmem>>[vector<16xi32>], vector<16xf32>,
        tpu.vector_store_idx %arg9[%convert_element_type3A_751], %broadcast_in_dim3A_1 {add = true} : memref<43008xf32, #tpu.memory_space<vmem>>[vector<16xi32>], vector<16xf32>,
        tpu.vector_store_idx %arg9[%convert_element_type3A_760], %broadcast_in_dim3A_1 {add = true} : memref<43008xf32, #tpu.memory_space<vmem>>[vector<16xi32>], vector<16xf32>,
        %scan3A_761 = arith.constant 0 : i32
        scf.yield %scan3A_761 : i32
      }
      %scan3A_308 = arith.constant 64 : i32
      %dma_wait3A_309 = arith.constant 0 : i32
      %dma_wait3A_310 = tpu.memref_slice %arg2[%dma_wait3A_309] : memref<22020096xf32, #tpu.memory_space<hbm>> -> memref<22020096xf32, #tpu.memory_space<hbm>>
      tpu.wait_indirect_dma semaphore(%arg16 : memref<!tpu.dma_semaphore, #tpu.memory_space<semaphore_mem>>) src(%dma_wait3A_310 : memref<22020096xf32, #tpu.memory_space<hbm>>) dst(%arg8 : memref<8192xf32, #tpu.memory_space<vmem>>)
      %scan3A_311 = arith.constant 0 : i32
      %scan3A_312 = arith.constant 0 : i32
      %scan3A_313 = arith.constant 128 : i32
      %scan3A_314 = arith.addi %scan3A_312, %scan3A_313 : i32
      %scan3A_315 = arith.constant 1 : i32
      %scan3A_316 = scf.for %scan3A_610 = %scan3A_312 to %scan3A_314 step %scan3A_315 iter_args(%scan3A_611 = %scan3A_311) -> (i32)  : i32 {
        %mul3A_612 = arith.constant 4 : i32
        %mul3A_613 = arith.muli %scan3A_610, %mul3A_612 : i32
        %add3A_614 = arith.constant 0 : i32
        %add3A_615 = arith.addi %mul3A_613, %add3A_614 : i32
        %mul3A_616 = arith.constant 16 : i32
        %mul3A_617 = arith.muli %add3A_615, %mul3A_616 : i32
        %get3A = arith.index_cast %mul3A_617 : i32 to index
        %get3A_618 = tpu.vector_load %arg8[%get3A] {strides = array<i32>} : memref<8192xf32, #tpu.memory_space<vmem>>, vector<16xf32>,
        %get3A_619 = arith.constant 0 : i32
        %get3A_620 = arith.index_cast %get3A_619 : i32 to index
        %get3A_621 = arith.index_cast %mul3A_617 : i32 to index
        %get3A_622 = tpu.vector_load %arg6[%get3A_620, %get3A_621] {strides = array<i32>} : memref<2x8192xi32, #tpu.memory_space<vmem>>, vector<16xi32>,
        %mul3A_623 = arith.constant 4 : i32
        %mul3A_624 = arith.muli %scan3A_610, %mul3A_623 : i32
        %add3A_625 = arith.constant 1 : i32
        %add3A_626 = arith.addi %mul3A_624, %add3A_625 : i32
        %mul3A_627 = arith.constant 16 : i32
        %mul3A_628 = arith.muli %add3A_626, %mul3A_627 : i32
        %get3A_629 = arith.index_cast %mul3A_628 : i32 to index
        %get3A_630 = tpu.vector_load %arg8[%get3A_629] {strides = array<i32>} : memref<8192xf32, #tpu.memory_space<vmem>>, vector<16xf32>,
        %get3A_631 = arith.constant 0 : i32
        %get3A_632 = arith.index_cast %get3A_631 : i32 to index
        %get3A_633 = arith.index_cast %mul3A_628 : i32 to index
        %get3A_634 = tpu.vector_load %arg6[%get3A_632, %get3A_633] {strides = array<i32>} : memref<2x8192xi32, #tpu.memory_space<vmem>>, vector<16xi32>,
        %mul3A_635 = arith.constant 4 : i32
        %mul3A_636 = arith.muli %scan3A_610, %mul3A_635 : i32
        %add3A_637 = arith.constant 2 : i32
        %add3A_638 = arith.addi %mul3A_636, %add3A_637 : i32
        %mul3A_639 = arith.constant 16 : i32
        %mul3A_640 = arith.muli %add3A_638, %mul3A_639 : i32
        %get3A_641 = arith.index_cast %mul3A_640 : i32 to index
        %get3A_642 = tpu.vector_load %arg8[%get3A_641] {strides = array<i32>} : memref<8192xf32, #tpu.memory_space<vmem>>, vector<16xf32>,
        %get3A_643 = arith.constant 0 : i32
        %get3A_644 = arith.index_cast %get3A_643 : i32 to index
        %get3A_645 = arith.index_cast %mul3A_640 : i32 to index
        %get3A_646 = tpu.vector_load %arg6[%get3A_644, %get3A_645] {strides = array<i32>} : memref<2x8192xi32, #tpu.memory_space<vmem>>, vector<16xi32>,
        %mul3A_647 = arith.constant 4 : i32
        %mul3A_648 = arith.muli %scan3A_610, %mul3A_647 : i32
        %add3A_649 = arith.constant 3 : i32
        %add3A_650 = arith.addi %mul3A_648, %add3A_649 : i32
        %mul3A_651 = arith.constant 16 : i32
        %mul3A_652 = arith.muli %add3A_650, %mul3A_651 : i32
        %get3A_653 = arith.index_cast %mul3A_652 : i32 to index
        %get3A_654 = tpu.vector_load %arg8[%get3A_653] {strides = array<i32>} : memref<8192xf32, #tpu.memory_space<vmem>>, vector<16xf32>,
        %get3A_655 = arith.constant 0 : i32
        %get3A_656 = arith.index_cast %get3A_655 : i32 to index
        %get3A_657 = arith.index_cast %mul3A_652 : i32 to index
        %get3A_658 = tpu.vector_load %arg6[%get3A_656, %get3A_657] {strides = array<i32>} : memref<2x8192xi32, #tpu.memory_space<vmem>>, vector<16xi32>,
        %mul3A_659 = arith.constant 2048 : i32
        %mul3A_660 = vector.broadcast %mul3A_659 : i32 to vector<16xi32>
        %mul3A_661 = arith.muli %get3A_622, %mul3A_660 : vector<16xi32>
        %abs3A = math.absf %get3A_618 : vector<16xf32>
        %mul3A_662 = arith.constant 1.280000e+02 : f32
        %mul3A_663 = vector.broadcast %mul3A_662 : f32 to vector<16xf32>
        %mul3A_664 = arith.mulf %abs3A, %mul3A_663 : vector<16xf32>
        %min3A = arith.constant 1.023500e+03 : f32
        %min3A_665 = vector.broadcast %min3A : f32 to vector<16xf32>
        %min3A_666 = arith.minimumf %mul3A_664, %min3A_665 : vector<16xf32>
        %sub3A_667 = arith.constant 1.000000e+00 : f32
        %sub3A_668 = vector.broadcast %sub3A_667 : f32 to vector<16xf32>
        %sub3A_669 = arith.subf %sub3A_668, %get3A_618 : vector<16xf32>
        %abs3A_670 = math.absf %sub3A_669 : vector<16xf32>
        %mul3A_671 = arith.constant 1.280000e+02 : f32
        %mul3A_672 = vector.broadcast %mul3A_671 : f32 to vector<16xf32>
        %mul3A_673 = arith.mulf %abs3A_670, %mul3A_672 : vector<16xf32>
        %min3A_674 = arith.constant 1.023500e+03 : f32
        %min3A_675 = vector.broadcast %min3A_674 : f32 to vector<16xf32>
        %min3A_676 = arith.minimumf %mul3A_673, %min3A_675 : vector<16xf32>
        %convert_element_type3A_677 = arith.fptosi %min3A_666 : vector<16xf32> to vector<16xi32>
        %add3A_678 = arith.addi %convert_element_type3A_677, %mul3A_661 : vector<16xi32>
        %convert_element_type3A_679 = arith.fptosi %min3A_676 : vector<16xf32> to vector<16xi32>
        %add3A_680 = arith.constant 1024 : i32
        %add3A_681 = vector.broadcast %add3A_680 : i32 to vector<16xi32>
        %add3A_682 = arith.addi %mul3A_661, %add3A_681 : vector<16xi32>
        %add3A_683 = arith.addi %convert_element_type3A_679, %add3A_682 : vector<16xi32>
        %mul3A_684 = arith.constant 2048 : i32
        %mul3A_685 = vector.broadcast %mul3A_684 : i32 to vector<16xi32>
        %mul3A_686 = arith.muli %get3A_634, %mul3A_685 : vector<16xi32>
        %abs3A_687 = math.absf %get3A_630 : vector<16xf32>
        %mul3A_688 = arith.constant 1.280000e+02 : f32
        %mul3A_689 = vector.broadcast %mul3A_688 : f32 to vector<16xf32>
        %mul3A_690 = arith.mulf %abs3A_687, %mul3A_689 : vector<16xf32>
        %min3A_691 = arith.constant 1.023500e+03 : f32
        %min3A_692 = vector.broadcast %min3A_691 : f32 to vector<16xf32>
        %min3A_693 = arith.minimumf %mul3A_690, %min3A_692 : vector<16xf32>
        %sub3A_694 = arith.constant 1.000000e+00 : f32
        %sub3A_695 = vector.broadcast %sub3A_694 : f32 to vector<16xf32>
        %sub3A_696 = arith.subf %sub3A_695, %get3A_630 : vector<16xf32>
        %abs3A_697 = math.absf %sub3A_696 : vector<16xf32>
        %mul3A_698 = arith.constant 1.280000e+02 : f32
        %mul3A_699 = vector.broadcast %mul3A_698 : f32 to vector<16xf32>
        %mul3A_700 = arith.mulf %abs3A_697, %mul3A_699 : vector<16xf32>
        %min3A_701 = arith.constant 1.023500e+03 : f32
        %min3A_702 = vector.broadcast %min3A_701 : f32 to vector<16xf32>
        %min3A_703 = arith.minimumf %mul3A_700, %min3A_702 : vector<16xf32>
        %convert_element_type3A_704 = arith.fptosi %min3A_693 : vector<16xf32> to vector<16xi32>
        %add3A_705 = arith.addi %convert_element_type3A_704, %mul3A_686 : vector<16xi32>
        %convert_element_type3A_706 = arith.fptosi %min3A_703 : vector<16xf32> to vector<16xi32>
        %add3A_707 = arith.constant 1024 : i32
        %add3A_708 = vector.broadcast %add3A_707 : i32 to vector<16xi32>
        %add3A_709 = arith.addi %mul3A_686, %add3A_708 : vector<16xi32>
        %add3A_710 = arith.addi %convert_element_type3A_706, %add3A_709 : vector<16xi32>
        %mul3A_711 = arith.constant 2048 : i32
        %mul3A_712 = vector.broadcast %mul3A_711 : i32 to vector<16xi32>
        %mul3A_713 = arith.muli %get3A_646, %mul3A_712 : vector<16xi32>
        %abs3A_714 = math.absf %get3A_642 : vector<16xf32>
        %mul3A_715 = arith.constant 1.280000e+02 : f32
        %mul3A_716 = vector.broadcast %mul3A_715 : f32 to vector<16xf32>
        %mul3A_717 = arith.mulf %abs3A_714, %mul3A_716 : vector<16xf32>
        %min3A_718 = arith.constant 1.023500e+03 : f32
        %min3A_719 = vector.broadcast %min3A_718 : f32 to vector<16xf32>
        %min3A_720 = arith.minimumf %mul3A_717, %min3A_719 : vector<16xf32>
        %sub3A_721 = arith.constant 1.000000e+00 : f32
        %sub3A_722 = vector.broadcast %sub3A_721 : f32 to vector<16xf32>
        %sub3A_723 = arith.subf %sub3A_722, %get3A_642 : vector<16xf32>
        %abs3A_724 = math.absf %sub3A_723 : vector<16xf32>
        %mul3A_725 = arith.constant 1.280000e+02 : f32
        %mul3A_726 = vector.broadcast %mul3A_725 : f32 to vector<16xf32>
        %mul3A_727 = arith.mulf %abs3A_724, %mul3A_726 : vector<16xf32>
        %min3A_728 = arith.constant 1.023500e+03 : f32
        %min3A_729 = vector.broadcast %min3A_728 : f32 to vector<16xf32>
        %min3A_730 = arith.minimumf %mul3A_727, %min3A_729 : vector<16xf32>
        %convert_element_type3A_731 = arith.fptosi %min3A_720 : vector<16xf32> to vector<16xi32>
        %add3A_732 = arith.addi %convert_element_type3A_731, %mul3A_713 : vector<16xi32>
        %convert_element_type3A_733 = arith.fptosi %min3A_730 : vector<16xf32> to vector<16xi32>
        %add3A_734 = arith.constant 1024 : i32
        %add3A_735 = vector.broadcast %add3A_734 : i32 to vector<16xi32>
        %add3A_736 = arith.addi %mul3A_713, %add3A_735 : vector<16xi32>
        %add3A_737 = arith.addi %convert_element_type3A_733, %add3A_736 : vector<16xi32>
        %mul3A_738 = arith.constant 2048 : i32
        %mul3A_739 = vector.broadcast %mul3A_738 : i32 to vector<16xi32>
        %mul3A_740 = arith.muli %get3A_658, %mul3A_739 : vector<16xi32>
        %abs3A_741 = math.absf %get3A_654 : vector<16xf32>
        %mul3A_742 = arith.constant 1.280000e+02 : f32
        %mul3A_743 = vector.broadcast %mul3A_742 : f32 to vector<16xf32>
        %mul3A_744 = arith.mulf %abs3A_741, %mul3A_743 : vector<16xf32>
        %min3A_745 = arith.constant 1.023500e+03 : f32
        %min3A_746 = vector.broadcast %min3A_745 : f32 to vector<16xf32>
        %min3A_747 = arith.minimumf %mul3A_744, %min3A_746 : vector<16xf32>
        %sub3A_748 = arith.constant 1.000000e+00 : f32
        %sub3A_749 = vector.broadcast %sub3A_748 : f32 to vector<16xf32>
        %sub3A_750 = arith.subf %sub3A_749, %get3A_654 : vector<16xf32>
        %abs3A_751 = math.absf %sub3A_750 : vector<16xf32>
        %mul3A_752 = arith.constant 1.280000e+02 : f32
        %mul3A_753 = vector.broadcast %mul3A_752 : f32 to vector<16xf32>
        %mul3A_754 = arith.mulf %abs3A_751, %mul3A_753 : vector<16xf32>
        %min3A_755 = arith.constant 1.023500e+03 : f32
        %min3A_756 = vector.broadcast %min3A_755 : f32 to vector<16xf32>
        %min3A_757 = arith.minimumf %mul3A_754, %min3A_756 : vector<16xf32>
        %convert_element_type3A_758 = arith.fptosi %min3A_747 : vector<16xf32> to vector<16xi32>
        %add3A_759 = arith.addi %convert_element_type3A_758, %mul3A_740 : vector<16xi32>
        %convert_element_type3A_760 = arith.fptosi %min3A_757 : vector<16xf32> to vector<16xi32>
        %add3A_761 = arith.constant 1024 : i32
        %add3A_762 = vector.broadcast %add3A_761 : i32 to vector<16xi32>
        %add3A_763 = arith.addi %mul3A_740, %add3A_762 : vector<16xi32>
        %add3A_764 = arith.addi %convert_element_type3A_760, %add3A_763 : vector<16xi32>
        tpu.vector_store_idx %arg9[%add3A_678], %neg3A_3 {add = true} : memref<43008xf32, #tpu.memory_space<vmem>>[vector<16xi32>], vector<16xf32>,
        tpu.vector_store_idx %arg9[%add3A_683], %broadcast_in_dim3A_1 {add = true} : memref<43008xf32, #tpu.memory_space<vmem>>[vector<16xi32>], vector<16xf32>,
        tpu.vector_store_idx %arg9[%add3A_705], %neg3A_3 {add = true} : memref<43008xf32, #tpu.memory_space<vmem>>[vector<16xi32>], vector<16xf32>,
        tpu.vector_store_idx %arg9[%add3A_710], %broadcast_in_dim3A_1 {add = true} : memref<43008xf32, #tpu.memory_space<vmem>>[vector<16xi32>], vector<16xf32>,
        tpu.vector_store_idx %arg9[%add3A_732], %neg3A_3 {add = true} : memref<43008xf32, #tpu.memory_space<vmem>>[vector<16xi32>], vector<16xf32>,
        tpu.vector_store_idx %arg9[%add3A_737], %broadcast_in_dim3A_1 {add = true} : memref<43008xf32, #tpu.memory_space<vmem>>[vector<16xi32>], vector<16xf32>,
        tpu.vector_store_idx %arg9[%add3A_759], %neg3A_3 {add = true} : memref<43008xf32, #tpu.memory_space<vmem>>[vector<16xi32>], vector<16xf32>,
        tpu.vector_store_idx %arg9[%add3A_764], %broadcast_in_dim3A_1 {add = true} : memref<43008xf32, #tpu.memory_space<vmem>>[vector<16xi32>], vector<16xf32>,
        %scan3A_765 = arith.constant 0 : i32
        scf.yield %scan3A_765 : i32
      }
      %scan3A_317 = arith.constant 128 : i32
      %add3A_318 = arith.constant 1 : i32
      %add3A_319 = arith.addi %add3A_35, %add3A_318 : i32
      %add3A_320 = arith.constant 1 : i32
      %add3A_321 = arith.addi %scan3A_31, %add3A_320 : i32
      %lt3A_322 = arith.constant 2 : i32
      %lt3A_323 = arith.cmpi slt, %add3A_321, %lt3A_322 : i32
      %add3A_324 = arith.constant 2 : i32
      %add3A_325 = arith.addi %add3A_35, %add3A_324 : i32
      %dma_wait3A_326 = arith.constant 1 : i32
      %dma_wait3A_327 = arith.constant 0 : i32
      %dma_wait3A_328 = tpu.memref_slice %arg6[%dma_wait3A_326, %dma_wait3A_327] : memref<2x8192xi32, #tpu.memory_space<vmem>> -> memref<1x8192xi32, #tpu.memory_space<vmem>>
      %dma_wait3A_329 = tpu.memref_squeeze %dma_wait3A_328 : memref<1x8192xi32, #tpu.memory_space<vmem>> -> memref<8192xi32, #tpu.memory_space<vmem>>
      %dma_wait3A_330 = arith.constant 0 : i32
      %dma_wait3A_331 = tpu.memref_slice %arg3[%dma_wait3A_330] : memref<1048576xi32, #tpu.memory_space<hbm>> -> memref<8192xi32, #tpu.memory_space<hbm>>
      %dma_wait3A_332 = arith.constant 0 : i32
      %dma_wait3A_333 = tpu.memref_slice %arg6[%dma_wait3A_326, %dma_wait3A_332] : memref<2x8192xi32, #tpu.memory_space<vmem>> -> memref<1x8192xi32, #tpu.memory_space<vmem>>
      %dma_wait3A_334 = tpu.memref_squeeze %dma_wait3A_333 : memref<1x8192xi32, #tpu.memory_space<vmem>> -> memref<8192xi32, #tpu.memory_space<vmem>>
      %dma_wait3A_335 = arith.constant 0 : i32
      %dma_wait3A_336 = tpu.memref_slice %arg3[%dma_wait3A_335] : memref<1048576xi32, #tpu.memory_space<hbm>> -> memref<8192xi32, #tpu.memory_space<hbm>>
      tpu.wait_dma2 semaphore(%arg15 : memref<!tpu.dma_semaphore, #tpu.memory_space<semaphore_mem>>) src(%dma_wait3A_336 : memref<8192xi32, #tpu.memory_space<hbm>>) dst(%dma_wait3A_334 : memref<8192xi32, #tpu.memory_space<vmem>>)
      %jit3A_337 = arith.constant 32 : i32
      %div3A_338 = arith.divsi %add3A_319, %jit3A_337 : i32
      %sign3A_339 = arith.constant 0 : i32
      %sign3A_340 = arith.cmpi sgt, %add3A_319, %sign3A_339 : i32
      %sign3A_341 = arith.extui %sign3A_340 : i1 to i32
      %sign3A_342 = arith.constant 0 : i32
      %sign3A_343 = arith.cmpi slt, %add3A_319, %sign3A_342 : i32
      %sign3A_344 = arith.extui %sign3A_343 : i1 to i32
      %sign3A_345 = arith.subi %sign3A_341, %sign3A_344 : i32
      %sign3A_346 = arith.constant 0 : i32
      %sign3A_347 = arith.cmpi sgt, %jit3A_337, %sign3A_346 : i32
      %sign3A_348 = arith.extui %sign3A_347 : i1 to i32
      %sign3A_349 = arith.constant 0 : i32
      %sign3A_350 = arith.cmpi slt, %jit3A_337, %sign3A_349 : i32
      %sign3A_351 = arith.extui %sign3A_350 : i1 to i32
      %sign3A_352 = arith.subi %sign3A_348, %sign3A_351 : i32
      %ne3A_353 = arith.cmpi ne, %sign3A_345, %sign3A_352 : i32
      %rem3A_354 = arith.remsi %add3A_319, %jit3A_337 : i32
      %ne3A_355 = arith.constant 0 : i32
      %ne3A_356 = arith.cmpi ne, %rem3A_354, %ne3A_355 : i32
      %and3A_357 = arith.andi %ne3A_353, %ne3A_356 : i1
      %sub3A_358 = arith.constant 1 : i32
      %sub3A_359 = arith.subi %div3A_338, %sub3A_358 : i32
      %select_n3A_360 = arith.select %and3A_357, %sub3A_359, %div3A_338 : i32
      %jit3A_361 = arith.constant 32 : i32
      %eq3A_362 = arith.constant 0 : i32
      %eq3A_363 = arith.cmpi eq, %jit3A_361, %eq3A_362 : i32
      %jit3A_364 = arith.constant 1 : i32
      %select_n3A_365 = arith.select %eq3A_363, %jit3A_364, %jit3A_361 : i32
      %rem3A_366 = arith.remsi %add3A_319, %select_n3A_365 : i32
      %ne3A_367 = arith.constant 0 : i32
      %ne3A_368 = arith.cmpi ne, %rem3A_366, %ne3A_367 : i32
      %lt3A_369 = arith.constant 0 : i32
      %lt3A_370 = arith.cmpi slt, %rem3A_366, %lt3A_369 : i32
      %lt3A_371 = arith.constant 0 : i32
      %lt3A_372 = arith.cmpi slt, %select_n3A_365, %lt3A_371 : i32
      %ne3A_373 = arith.xori %lt3A_370, %lt3A_372 : i1
      %and3A_374 = arith.andi %ne3A_373, %ne3A_368 : i1
      %add3A_375 = arith.addi %rem3A_366, %select_n3A_365 : i32
      %select_n3A_376 = arith.select %and3A_374, %add3A_375, %rem3A_366 : i32
      %mul3A_377 = arith.constant 8192 : i32
      %mul3A_378 = arith.muli %select_n3A_376, %mul3A_377 : i32
      %mul3A_379 = arith.constant 21 : i32
      %mul3A_380 = arith.muli %select_n3A_360, %mul3A_379 : i32
      %add3A_381 = arith.constant 0 : i32
      %add3A_382 = arith.addi %mul3A_380, %add3A_381 : i32
      %mul3A_383 = arith.constant 262144 : i32
      %mul3A_384 = arith.muli %add3A_382, %mul3A_383 : i32
      %add3A_385 = arith.addi %mul3A_384, %mul3A_378 : i32
      %dma_start3A_386 = arith.constant 0 : i32
      %dma_start3A_387 = arith.constant 0 : i32
      %dma_start3A_388 = tpu.memref_slice %arg5[%dma_start3A_386, %dma_start3A_387] : memref<4x8192xf32, #tpu.memory_space<vmem>> -> memref<1x8192xf32, #tpu.memory_space<vmem>>
      %dma_start3A_389 = tpu.memref_squeeze %dma_start3A_388 : memref<1x8192xf32, #tpu.memory_space<vmem>> -> memref<8192xf32, #tpu.memory_space<vmem>>
      %dma_start3A_390 = tpu.memref_slice %arg2[%add3A_385] : memref<22020096xf32, #tpu.memory_space<hbm>> -> memref<8192xf32, #tpu.memory_space<hbm>>
      %dma_start3A_391 = arith.constant 0 : i32
      %dma_start3A_392 = tpu.memref_slice %arg5[%dma_start3A_386, %dma_start3A_391] : memref<4x8192xf32, #tpu.memory_space<vmem>> -> memref<1x8192xf32, #tpu.memory_space<vmem>>
      %dma_start3A_393 = tpu.memref_squeeze %dma_start3A_392 : memref<1x8192xf32, #tpu.memory_space<vmem>> -> memref<8192xf32, #tpu.memory_space<vmem>>
      %dma_start3A_394 = tpu.memref_slice %arg2[%add3A_385] : memref<22020096xf32, #tpu.memory_space<hbm>> -> memref<8192xf32, #tpu.memory_space<hbm>>
      tpu.enqueue_dma source(%dma_start3A_394 : memref<8192xf32, #tpu.memory_space<hbm>>) target(%dma_start3A_393 : memref<8192xf32, #tpu.memory_space<vmem>>) target_semaphore(%arg10 : memref<!tpu.dma_semaphore, #tpu.memory_space<semaphore_mem>>)
      %jit3A_395 = arith.constant 32 : i32
      %div3A_396 = arith.divsi %add3A_319, %jit3A_395 : i32
      %sign3A_397 = arith.constant 0 : i32
      %sign3A_398 = arith.cmpi sgt, %add3A_319, %sign3A_397 : i32
      %sign3A_399 = arith.extui %sign3A_398 : i1 to i32
      %sign3A_400 = arith.constant 0 : i32
      %sign3A_401 = arith.cmpi slt, %add3A_319, %sign3A_400 : i32
      %sign3A_402 = arith.extui %sign3A_401 : i1 to i32
      %sign3A_403 = arith.subi %sign3A_399, %sign3A_402 : i32
      %sign3A_404 = arith.constant 0 : i32
      %sign3A_405 = arith.cmpi sgt, %jit3A_395, %sign3A_404 : i32
      %sign3A_406 = arith.extui %sign3A_405 : i1 to i32
      %sign3A_407 = arith.constant 0 : i32
      %sign3A_408 = arith.cmpi slt, %jit3A_395, %sign3A_407 : i32
      %sign3A_409 = arith.extui %sign3A_408 : i1 to i32
      %sign3A_410 = arith.subi %sign3A_406, %sign3A_409 : i32
      %ne3A_411 = arith.cmpi ne, %sign3A_403, %sign3A_410 : i32
      %rem3A_412 = arith.remsi %add3A_319, %jit3A_395 : i32
      %ne3A_413 = arith.constant 0 : i32
      %ne3A_414 = arith.cmpi ne, %rem3A_412, %ne3A_413 : i32
      %and3A_415 = arith.andi %ne3A_411, %ne3A_414 : i1
      %sub3A_416 = arith.constant 1 : i32
      %sub3A_417 = arith.subi %div3A_396, %sub3A_416 : i32
      %select_n3A_418 = arith.select %and3A_415, %sub3A_417, %div3A_396 : i32
      %jit3A_419 = arith.constant 32 : i32
      %eq3A_420 = arith.constant 0 : i32
      %eq3A_421 = arith.cmpi eq, %jit3A_419, %eq3A_420 : i32
      %jit3A_422 = arith.constant 1 : i32
      %select_n3A_423 = arith.select %eq3A_421, %jit3A_422, %jit3A_419 : i32
      %rem3A_424 = arith.remsi %add3A_319, %select_n3A_423 : i32
      %ne3A_425 = arith.constant 0 : i32
      %ne3A_426 = arith.cmpi ne, %rem3A_424, %ne3A_425 : i32
      %lt3A_427 = arith.constant 0 : i32
      %lt3A_428 = arith.cmpi slt, %rem3A_424, %lt3A_427 : i32
      %lt3A_429 = arith.constant 0 : i32
      %lt3A_430 = arith.cmpi slt, %select_n3A_423, %lt3A_429 : i32
      %ne3A_431 = arith.xori %lt3A_428, %lt3A_430 : i1
      %and3A_432 = arith.andi %ne3A_431, %ne3A_426 : i1
      %add3A_433 = arith.addi %rem3A_424, %select_n3A_423 : i32
      %select_n3A_434 = arith.select %and3A_432, %add3A_433, %rem3A_424 : i32
      %mul3A_435 = arith.constant 8192 : i32
      %mul3A_436 = arith.muli %select_n3A_434, %mul3A_435 : i32
      %mul3A_437 = arith.constant 21 : i32
      %mul3A_438 = arith.muli %select_n3A_418, %mul3A_437 : i32
      %add3A_439 = arith.constant 1 : i32
      %add3A_440 = arith.addi %mul3A_438, %add3A_439 : i32
      %mul3A_441 = arith.constant 262144 : i32
      %mul3A_442 = arith.muli %add3A_440, %mul3A_441 : i32
      %add3A_443 = arith.addi %mul3A_442, %mul3A_436 : i32
      %dma_start3A_444 = arith.constant 1 : i32
      %dma_start3A_445 = arith.constant 0 : i32
      %dma_start3A_446 = tpu.memref_slice %arg5[%dma_start3A_444, %dma_start3A_445] : memref<4x8192xf32, #tpu.memory_space<vmem>> -> memref<1x8192xf32, #tpu.memory_space<vmem>>
      %dma_start3A_447 = tpu.memref_squeeze %dma_start3A_446 : memref<1x8192xf32, #tpu.memory_space<vmem>> -> memref<8192xf32, #tpu.memory_space<vmem>>
      %dma_start3A_448 = tpu.memref_slice %arg2[%add3A_443] : memref<22020096xf32, #tpu.memory_space<hbm>> -> memref<8192xf32, #tpu.memory_space<hbm>>
      %dma_start3A_449 = arith.constant 0 : i32
      %dma_start3A_450 = tpu.memref_slice %arg5[%dma_start3A_444, %dma_start3A_449] : memref<4x8192xf32, #tpu.memory_space<vmem>> -> memref<1x8192xf32, #tpu.memory_space<vmem>>
      %dma_start3A_451 = tpu.memref_squeeze %dma_start3A_450 : memref<1x8192xf32, #tpu.memory_space<vmem>> -> memref<8192xf32, #tpu.memory_space<vmem>>
      %dma_start3A_452 = tpu.memref_slice %arg2[%add3A_443] : memref<22020096xf32, #tpu.memory_space<hbm>> -> memref<8192xf32, #tpu.memory_space<hbm>>
      tpu.enqueue_dma source(%dma_start3A_452 : memref<8192xf32, #tpu.memory_space<hbm>>) target(%dma_start3A_451 : memref<8192xf32, #tpu.memory_space<vmem>>) target_semaphore(%arg11 : memref<!tpu.dma_semaphore, #tpu.memory_space<semaphore_mem>>)
      %jit3A_453 = arith.constant 32 : i32
      %div3A_454 = arith.divsi %add3A_319, %jit3A_453 : i32
      %sign3A_455 = arith.constant 0 : i32
      %sign3A_456 = arith.cmpi sgt, %add3A_319, %sign3A_455 : i32
      %sign3A_457 = arith.extui %sign3A_456 : i1 to i32
      %sign3A_458 = arith.constant 0 : i32
      %sign3A_459 = arith.cmpi slt, %add3A_319, %sign3A_458 : i32
      %sign3A_460 = arith.extui %sign3A_459 : i1 to i32
      %sign3A_461 = arith.subi %sign3A_457, %sign3A_460 : i32
      %sign3A_462 = arith.constant 0 : i32
      %sign3A_463 = arith.cmpi sgt, %jit3A_453, %sign3A_462 : i32
      %sign3A_464 = arith.extui %sign3A_463 : i1 to i32
      %sign3A_465 = arith.constant 0 : i32
      %sign3A_466 = arith.cmpi slt, %jit3A_453, %sign3A_465 : i32
      %sign3A_467 = arith.extui %sign3A_466 : i1 to i32
      %sign3A_468 = arith.subi %sign3A_464, %sign3A_467 : i32
      %ne3A_469 = arith.cmpi ne, %sign3A_461, %sign3A_468 : i32
      %rem3A_470 = arith.remsi %add3A_319, %jit3A_453 : i32
      %ne3A_471 = arith.constant 0 : i32
      %ne3A_472 = arith.cmpi ne, %rem3A_470, %ne3A_471 : i32
      %and3A_473 = arith.andi %ne3A_469, %ne3A_472 : i1
      %sub3A_474 = arith.constant 1 : i32
      %sub3A_475 = arith.subi %div3A_454, %sub3A_474 : i32
      %select_n3A_476 = arith.select %and3A_473, %sub3A_475, %div3A_454 : i32
      %jit3A_477 = arith.constant 32 : i32
      %eq3A_478 = arith.constant 0 : i32
      %eq3A_479 = arith.cmpi eq, %jit3A_477, %eq3A_478 : i32
      %jit3A_480 = arith.constant 1 : i32
      %select_n3A_481 = arith.select %eq3A_479, %jit3A_480, %jit3A_477 : i32
      %rem3A_482 = arith.remsi %add3A_319, %select_n3A_481 : i32
      %ne3A_483 = arith.constant 0 : i32
      %ne3A_484 = arith.cmpi ne, %rem3A_482, %ne3A_483 : i32
      %lt3A_485 = arith.constant 0 : i32
      %lt3A_486 = arith.cmpi slt, %rem3A_482, %lt3A_485 : i32
      %lt3A_487 = arith.constant 0 : i32
      %lt3A_488 = arith.cmpi slt, %select_n3A_481, %lt3A_487 : i32
      %ne3A_489 = arith.xori %lt3A_486, %lt3A_488 : i1
      %and3A_490 = arith.andi %ne3A_489, %ne3A_484 : i1
      %add3A_491 = arith.addi %rem3A_482, %select_n3A_481 : i32
      %select_n3A_492 = arith.select %and3A_490, %add3A_491, %rem3A_482 : i32
      %mul3A_493 = arith.constant 8192 : i32
      %mul3A_494 = arith.muli %select_n3A_492, %mul3A_493 : i32
      %mul3A_495 = arith.constant 21 : i32
      %mul3A_496 = arith.muli %select_n3A_476, %mul3A_495 : i32
      %add3A_497 = arith.constant 2 : i32
      %add3A_498 = arith.addi %mul3A_496, %add3A_497 : i32
      %mul3A_499 = arith.constant 262144 : i32
      %mul3A_500 = arith.muli %add3A_498, %mul3A_499 : i32
      %add3A_501 = arith.addi %mul3A_500, %mul3A_494 : i32
      %dma_start3A_502 = arith.constant 2 : i32
      %dma_start3A_503 = arith.constant 0 : i32
      %dma_start3A_504 = tpu.memref_slice %arg5[%dma_start3A_502, %dma_start3A_503] : memref<4x8192xf32, #tpu.memory_space<vmem>> -> memref<1x8192xf32, #tpu.memory_space<vmem>>
      %dma_start3A_505 = tpu.memref_squeeze %dma_start3A_504 : memref<1x8192xf32, #tpu.memory_space<vmem>> -> memref<8192xf32, #tpu.memory_space<vmem>>
      %dma_start3A_506 = tpu.memref_slice %arg2[%add3A_501] : memref<22020096xf32, #tpu.memory_space<hbm>> -> memref<8192xf32, #tpu.memory_space<hbm>>
      %dma_start3A_507 = arith.constant 0 : i32
      %dma_start3A_508 = tpu.memref_slice %arg5[%dma_start3A_502, %dma_start3A_507] : memref<4x8192xf32, #tpu.memory_space<vmem>> -> memref<1x8192xf32, #tpu.memory_space<vmem>>
      %dma_start3A_509 = tpu.memref_squeeze %dma_start3A_508 : memref<1x8192xf32, #tpu.memory_space<vmem>> -> memref<8192xf32, #tpu.memory_space<vmem>>
      %dma_start3A_510 = tpu.memref_slice %arg2[%add3A_501] : memref<22020096xf32, #tpu.memory_space<hbm>> -> memref<8192xf32, #tpu.memory_space<hbm>>
      tpu.enqueue_dma source(%dma_start3A_510 : memref<8192xf32, #tpu.memory_space<hbm>>) target(%dma_start3A_509 : memref<8192xf32, #tpu.memory_space<vmem>>) target_semaphore(%arg12 : memref<!tpu.dma_semaphore, #tpu.memory_space<semaphore_mem>>)
      %convert_element_type3A_511 = arith.extui %lt3A_323 : i1 to i32
      %cond3A = arith.constant 0 : i32
      %cond3A_512 = arith.cmpi ne, %convert_element_type3A_511, %cond3A : i32
      scf.if %cond3A_512 {
        %mul3A_610 = arith.constant 8192 : i32
        %mul3A_611 = arith.muli %add3A_325, %mul3A_610 : i32
        %dma_start3A_612 = arith.constant 0 : i32
        %dma_start3A_613 = arith.constant 0 : i32
        %dma_start3A_614 = tpu.memref_slice %arg6[%dma_start3A_612, %dma_start3A_613] : memref<2x8192xi32, #tpu.memory_space<vmem>> -> memref<1x8192xi32, #tpu.memory_space<vmem>>
        %dma_start3A_615 = tpu.memref_squeeze %dma_start3A_614 : memref<1x8192xi32, #tpu.memory_space<vmem>> -> memref<8192xi32, #tpu.memory_space<vmem>>
        %dma_start3A_616 = tpu.memref_slice %arg3[%mul3A_611] : memref<1048576xi32, #tpu.memory_space<hbm>> -> memref<8192xi32, #tpu.memory_space<hbm>>
        %dma_start3A_617 = arith.constant 0 : i32
        %dma_start3A_618 = tpu.memref_slice %arg6[%dma_start3A_612, %dma_start3A_617] : memref<2x8192xi32, #tpu.memory_space<vmem>> -> memref<1x8192xi32, #tpu.memory_space<vmem>>
        %dma_start3A_619 = tpu.memref_squeeze %dma_start3A_618 : memref<1x8192xi32, #tpu.memory_space<vmem>> -> memref<8192xi32, #tpu.memory_space<vmem>>
        %dma_start3A_620 = tpu.memref_slice %arg3[%mul3A_611] : memref<1048576xi32, #tpu.memory_space<hbm>> -> memref<8192xi32, #tpu.memory_space<hbm>>
        tpu.enqueue_dma source(%dma_start3A_620 : memref<8192xi32, #tpu.memory_space<hbm>>) target(%dma_start3A_619 : memref<8192xi32, #tpu.memory_space<vmem>>) target_semaphore(%arg14 : memref<!tpu.dma_semaphore, #tpu.memory_space<semaphore_mem>>)
      } else {
      }
      %jit3A_513 = arith.constant 32 : i32
      %div3A_514 = arith.divsi %add3A_319, %jit3A_513 : i32
      %sign3A_515 = arith.constant 0 : i32
      %sign3A_516 = arith.cmpi sgt, %add3A_319, %sign3A_515 : i32
      %sign3A_517 = arith.extui %sign3A_516 : i1 to i32
      %sign3A_518 = arith.constant 0 : i32
      %sign3A_519 = arith.cmpi slt, %add3A_319, %sign3A_518 : i32
      %sign3A_520 = arith.extui %sign3A_519 : i1 to i32
      %sign3A_521 = arith.subi %sign3A_517, %sign3A_520 : i32
      %sign3A_522 = arith.constant 0 : i32
      %sign3A_523 = arith.cmpi sgt, %jit3A_513, %sign3A_522 : i32
      %sign3A_524 = arith.extui %sign3A_523 : i1 to i32
      %sign3A_525 = arith.constant 0 : i32
      %sign3A_526 = arith.cmpi slt, %jit3A_513, %sign3A_525 : i32
      %sign3A_527 = arith.extui %sign3A_526 : i1 to i32
      %sign3A_528 = arith.subi %sign3A_524, %sign3A_527 : i32
      %ne3A_529 = arith.cmpi ne, %sign3A_521, %sign3A_528 : i32
      %rem3A_530 = arith.remsi %add3A_319, %jit3A_513 : i32
      %ne3A_531 = arith.constant 0 : i32
      %ne3A_532 = arith.cmpi ne, %rem3A_530, %ne3A_531 : i32
      %and3A_533 = arith.andi %ne3A_529, %ne3A_532 : i1
      %sub3A_534 = arith.constant 1 : i32
      %sub3A_535 = arith.subi %div3A_514, %sub3A_534 : i32
      %select_n3A_536 = arith.select %and3A_533, %sub3A_535, %div3A_514 : i32
      %jit3A_537 = arith.constant 32 : i32
      %eq3A_538 = arith.constant 0 : i32
      %eq3A_539 = arith.cmpi eq, %jit3A_537, %eq3A_538 : i32
      %jit3A_540 = arith.constant 1 : i32
      %select_n3A_541 = arith.select %eq3A_539, %jit3A_540, %jit3A_537 : i32
      %rem3A_542 = arith.remsi %add3A_319, %select_n3A_541 : i32
      %ne3A_543 = arith.constant 0 : i32
      %ne3A_544 = arith.cmpi ne, %rem3A_542, %ne3A_543 : i32
      %lt3A_545 = arith.constant 0 : i32
      %lt3A_546 = arith.cmpi slt, %rem3A_542, %lt3A_545 : i32
      %lt3A_547 = arith.constant 0 : i32
      %lt3A_548 = arith.cmpi slt, %select_n3A_541, %lt3A_547 : i32
      %ne3A_549 = arith.xori %lt3A_546, %lt3A_548 : i1
      %and3A_550 = arith.andi %ne3A_549, %ne3A_544 : i1
      %add3A_551 = arith.addi %rem3A_542, %select_n3A_541 : i32
      %select_n3A_552 = arith.select %and3A_550, %add3A_551, %rem3A_542 : i32
      %mul3A_553 = arith.constant 8192 : i32
      %mul3A_554 = arith.muli %select_n3A_552, %mul3A_553 : i32
      %mul3A_555 = arith.constant 21 : i32
      %mul3A_556 = arith.muli %select_n3A_536, %mul3A_555 : i32
      %mul3A_557 = arith.constant 262144 : i32
      %mul3A_558 = arith.muli %mul3A_556, %mul3A_557 : i32
      %add3A_559 = arith.addi %mul3A_558, %mul3A_554 : i32
      %scan3A_560 = arith.constant 0 : i32
      %scan3A_561 = arith.constant 0 : i32
      %scan3A_562 = arith.constant 128 : i32
      %scan3A_563 = arith.addi %scan3A_561, %scan3A_562 : i32
      %scan3A_564 = arith.constant 1 : i32
      %scan3A_565 = scf.for %scan3A_610 = %scan3A_561 to %scan3A_563 step %scan3A_564 iter_args(%scan3A_611 = %scan3A_560) -> (i32)  : i32 {
        %mul3A_612 = arith.constant 4 : i32
        %mul3A_613 = arith.muli %scan3A_610, %mul3A_612 : i32
        %add3A_614 = arith.constant 0 : i32
        %add3A_615 = arith.addi %mul3A_613, %add3A_614 : i32
        %mul3A_616 = arith.constant 16 : i32
        %mul3A_617 = arith.muli %add3A_615, %mul3A_616 : i32
        %get3A = arith.constant 1 : i32
        %get3A_618 = arith.index_cast %get3A : i32 to index
        %get3A_619 = arith.index_cast %mul3A_617 : i32 to index
        %get3A_620 = tpu.vector_load %arg6[%get3A_618, %get3A_619] {strides = array<i32>} : memref<2x8192xi32, #tpu.memory_space<vmem>>, vector<16xi32>,
        %mul3A_621 = arith.constant 262144 : i32
        %mul3A_622 = vector.broadcast %mul3A_621 : i32 to vector<16xi32>
        %mul3A_623 = arith.muli %get3A_620, %mul3A_622 : vector<16xi32>
        %add3A_624 = arith.addi %add3A_559, %mul3A_617 : i32
        %add3A_625 = vector.broadcast %add3A_624 : i32 to vector<16xi32>
        %add3A_626 = arith.addi %iota3A, %add3A_625 : vector<16xi32>
        %add3A_627 = arith.addi %mul3A_623, %add3A_626 : vector<16xi32>
        %swap3A = arith.index_cast %mul3A_617 : i32 to index
        %swap3A_628 = tpu.vector_load %arg7[%swap3A] {strides = array<i32>} : memref<8192xi32, #tpu.memory_space<vmem>>, vector<16xi32>,
        tpu.vector_store %arg7[%swap3A], %add3A_627 {strides = array<i32>} : memref<8192xi32, #tpu.memory_space<vmem>>, vector<16xi32>,
        %mul3A_629 = arith.constant 4 : i32
        %mul3A_630 = arith.muli %scan3A_610, %mul3A_629 : i32
        %add3A_631 = arith.constant 1 : i32
        %add3A_632 = arith.addi %mul3A_630, %add3A_631 : i32
        %mul3A_633 = arith.constant 16 : i32
        %mul3A_634 = arith.muli %add3A_632, %mul3A_633 : i32
        %get3A_635 = arith.constant 1 : i32
        %get3A_636 = arith.index_cast %get3A_635 : i32 to index
        %get3A_637 = arith.index_cast %mul3A_634 : i32 to index
        %get3A_638 = tpu.vector_load %arg6[%get3A_636, %get3A_637] {strides = array<i32>} : memref<2x8192xi32, #tpu.memory_space<vmem>>, vector<16xi32>,
        %mul3A_639 = arith.constant 262144 : i32
        %mul3A_640 = vector.broadcast %mul3A_639 : i32 to vector<16xi32>
        %mul3A_641 = arith.muli %get3A_638, %mul3A_640 : vector<16xi32>
        %add3A_642 = arith.addi %add3A_559, %mul3A_634 : i32
        %add3A_643 = vector.broadcast %add3A_642 : i32 to vector<16xi32>
        %add3A_644 = arith.addi %iota3A, %add3A_643 : vector<16xi32>
        %add3A_645 = arith.addi %mul3A_641, %add3A_644 : vector<16xi32>
        %swap3A_646 = arith.index_cast %mul3A_634 : i32 to index
        %swap3A_647 = tpu.vector_load %arg7[%swap3A_646] {strides = array<i32>} : memref<8192xi32, #tpu.memory_space<vmem>>, vector<16xi32>,
        tpu.vector_store %arg7[%swap3A_646], %add3A_645 {strides = array<i32>} : memref<8192xi32, #tpu.memory_space<vmem>>, vector<16xi32>,
        %mul3A_648 = arith.constant 4 : i32
        %mul3A_649 = arith.muli %scan3A_610, %mul3A_648 : i32
        %add3A_650 = arith.constant 2 : i32
        %add3A_651 = arith.addi %mul3A_649, %add3A_650 : i32
        %mul3A_652 = arith.constant 16 : i32
        %mul3A_653 = arith.muli %add3A_651, %mul3A_652 : i32
        %get3A_654 = arith.constant 1 : i32
        %get3A_655 = arith.index_cast %get3A_654 : i32 to index
        %get3A_656 = arith.index_cast %mul3A_653 : i32 to index
        %get3A_657 = tpu.vector_load %arg6[%get3A_655, %get3A_656] {strides = array<i32>} : memref<2x8192xi32, #tpu.memory_space<vmem>>, vector<16xi32>,
        %mul3A_658 = arith.constant 262144 : i32
        %mul3A_659 = vector.broadcast %mul3A_658 : i32 to vector<16xi32>
        %mul3A_660 = arith.muli %get3A_657, %mul3A_659 : vector<16xi32>
        %add3A_661 = arith.addi %add3A_559, %mul3A_653 : i32
        %add3A_662 = vector.broadcast %add3A_661 : i32 to vector<16xi32>
        %add3A_663 = arith.addi %iota3A, %add3A_662 : vector<16xi32>
        %add3A_664 = arith.addi %mul3A_660, %add3A_663 : vector<16xi32>
        %swap3A_665 = arith.index_cast %mul3A_653 : i32 to index
        %swap3A_666 = tpu.vector_load %arg7[%swap3A_665] {strides = array<i32>} : memref<8192xi32, #tpu.memory_space<vmem>>, vector<16xi32>,
        tpu.vector_store %arg7[%swap3A_665], %add3A_664 {strides = array<i32>} : memref<8192xi32, #tpu.memory_space<vmem>>, vector<16xi32>,
        %mul3A_667 = arith.constant 4 : i32
        %mul3A_668 = arith.muli %scan3A_610, %mul3A_667 : i32
        %add3A_669 = arith.constant 3 : i32
        %add3A_670 = arith.addi %mul3A_668, %add3A_669 : i32
        %mul3A_671 = arith.constant 16 : i32
        %mul3A_672 = arith.muli %add3A_670, %mul3A_671 : i32
        %get3A_673 = arith.constant 1 : i32
        %get3A_674 = arith.index_cast %get3A_673 : i32 to index
        %get3A_675 = arith.index_cast %mul3A_672 : i32 to index
        %get3A_676 = tpu.vector_load %arg6[%get3A_674, %get3A_675] {strides = array<i32>} : memref<2x8192xi32, #tpu.memory_space<vmem>>, vector<16xi32>,
        %mul3A_677 = arith.constant 262144 : i32
        %mul3A_678 = vector.broadcast %mul3A_677 : i32 to vector<16xi32>
        %mul3A_679 = arith.muli %get3A_676, %mul3A_678 : vector<16xi32>
        %add3A_680 = arith.addi %add3A_559, %mul3A_672 : i32
        %add3A_681 = vector.broadcast %add3A_680 : i32 to vector<16xi32>
        %add3A_682 = arith.addi %iota3A, %add3A_681 : vector<16xi32>
        %add3A_683 = arith.addi %mul3A_679, %add3A_682 : vector<16xi32>
        %swap3A_684 = arith.index_cast %mul3A_672 : i32 to index
        %swap3A_685 = tpu.vector_load %arg7[%swap3A_684] {strides = array<i32>} : memref<8192xi32, #tpu.memory_space<vmem>>, vector<16xi32>,
        tpu.vector_store %arg7[%swap3A_684], %add3A_683 {strides = array<i32>} : memref<8192xi32, #tpu.memory_space<vmem>>, vector<16xi32>,
        %scan3A_686 = arith.constant 0 : i32
        scf.yield %scan3A_686 : i32
      }
      %scan3A_566 = arith.constant 128 : i32
      %dma_start3A_567 = arith.constant 0 : i32
      %dma_start3A_568 = tpu.memref_slice %arg2[%dma_start3A_567] : memref<22020096xf32, #tpu.memory_space<hbm>> -> memref<22020096xf32, #tpu.memory_space<hbm>>
      tpu.enqueue_indirect_dma source(%dma_start3A_568 : memref<22020096xf32, #tpu.memory_space<hbm>>) target(%arg8 : memref<8192xf32, #tpu.memory_space<vmem>>) offsets(%arg7 : memref<8192xi32, #tpu.memory_space<vmem>>) semaphore(%arg17 : memref<!tpu.dma_semaphore, #tpu.memory_space<semaphore_mem>>)
      %scan3A_569 = arith.constant 0 : i32
      %scan3A_570 = arith.constant 0 : i32
      %scan3A_571 = arith.constant 5 : i32
      %scan3A_572 = arith.addi %scan3A_570, %scan3A_571 : i32
      %scan3A_573 = arith.constant 1 : i32
      %scan3A_574 = scf.for %scan3A_610 = %scan3A_570 to %scan3A_572 step %scan3A_573 iter_args(%scan3A_611 = %scan3A_569) -> (i32)  : i32 {
        %mul3A_612 = arith.constant 4 : i32
        %mul3A_613 = arith.muli %mul3A_612, %scan3A_610 : i32
        %dma_wait3A_614 = arith.constant 0 : i32
        %dma_wait3A_615 = arith.constant 0 : i32
        %dma_wait3A_616 = tpu.memref_slice %arg5[%dma_wait3A_614, %dma_wait3A_615] : memref<4x8192xf32, #tpu.memory_space<vmem>> -> memref<1x8192xf32, #tpu.memory_space<vmem>>
        %dma_wait3A_617 = tpu.memref_squeeze %dma_wait3A_616 : memref<1x8192xf32, #tpu.memory_space<vmem>> -> memref<8192xf32, #tpu.memory_space<vmem>>
        %dma_wait3A_618 = arith.constant 0 : i32
        %dma_wait3A_619 = tpu.memref_slice %arg2[%dma_wait3A_618] : memref<22020096xf32, #tpu.memory_space<hbm>> -> memref<8192xf32, #tpu.memory_space<hbm>>
        %dma_wait3A_620 = arith.constant 0 : i32
        %dma_wait3A_621 = tpu.memref_slice %arg5[%dma_wait3A_614, %dma_wait3A_620] : memref<4x8192xf32, #tpu.memory_space<vmem>> -> memref<1x8192xf32, #tpu.memory_space<vmem>>
        %dma_wait3A_622 = tpu.memref_squeeze %dma_wait3A_621 : memref<1x8192xf32, #tpu.memory_space<vmem>> -> memref<8192xf32, #tpu.memory_space<vmem>>
        %dma_wait3A_623 = arith.constant 0 : i32
        %dma_wait3A_624 = tpu.memref_slice %arg2[%dma_wait3A_623] : memref<22020096xf32, #tpu.memory_space<hbm>> -> memref<8192xf32, #tpu.memory_space<hbm>>
        tpu.wait_dma2 semaphore(%arg10 : memref<!tpu.dma_semaphore, #tpu.memory_space<semaphore_mem>>) src(%dma_wait3A_624 : memref<8192xf32, #tpu.memory_space<hbm>>) dst(%dma_wait3A_622 : memref<8192xf32, #tpu.memory_space<vmem>>)
        %add3A_625 = arith.constant 3 : i32
        %add3A_626 = arith.addi %mul3A_613, %add3A_625 : i32
        %jit3A_627 = arith.constant 32 : i32
        %div3A_628 = arith.divsi %add3A_319, %jit3A_627 : i32
        %sign3A_629 = arith.constant 0 : i32
        %sign3A_630 = arith.cmpi sgt, %add3A_319, %sign3A_629 : i32
        %sign3A_631 = arith.extui %sign3A_630 : i1 to i32
        %sign3A_632 = arith.constant 0 : i32
        %sign3A_633 = arith.cmpi slt, %add3A_319, %sign3A_632 : i32
        %sign3A_634 = arith.extui %sign3A_633 : i1 to i32
        %sign3A_635 = arith.subi %sign3A_631, %sign3A_634 : i32
        %sign3A_636 = arith.constant 0 : i32
        %sign3A_637 = arith.cmpi sgt, %jit3A_627, %sign3A_636 : i32
        %sign3A_638 = arith.extui %sign3A_637 : i1 to i32
        %sign3A_639 = arith.constant 0 : i32
        %sign3A_640 = arith.cmpi slt, %jit3A_627, %sign3A_639 : i32
        %sign3A_641 = arith.extui %sign3A_640 : i1 to i32
        %sign3A_642 = arith.subi %sign3A_638, %sign3A_641 : i32
        %ne3A_643 = arith.cmpi ne, %sign3A_635, %sign3A_642 : i32
        %rem3A_644 = arith.remsi %add3A_319, %jit3A_627 : i32
        %ne3A_645 = arith.constant 0 : i32
        %ne3A_646 = arith.cmpi ne, %rem3A_644, %ne3A_645 : i32
        %and3A_647 = arith.andi %ne3A_643, %ne3A_646 : i1
        %sub3A_648 = arith.constant 1 : i32
        %sub3A_649 = arith.subi %div3A_628, %sub3A_648 : i32
        %select_n3A_650 = arith.select %and3A_647, %sub3A_649, %div3A_628 : i32
        %jit3A_651 = arith.constant 32 : i32
        %eq3A_652 = arith.constant 0 : i32
        %eq3A_653 = arith.cmpi eq, %jit3A_651, %eq3A_652 : i32
        %jit3A_654 = arith.constant 1 : i32
        %select_n3A_655 = arith.select %eq3A_653, %jit3A_654, %jit3A_651 : i32
        %rem3A_656 = arith.remsi %add3A_319, %select_n3A_655 : i32
        %ne3A_657 = arith.constant 0 : i32
        %ne3A_658 = arith.cmpi ne, %rem3A_656, %ne3A_657 : i32
        %lt3A_659 = arith.constant 0 : i32
        %lt3A_660 = arith.cmpi slt, %rem3A_656, %lt3A_659 : i32
        %lt3A_661 = arith.constant 0 : i32
        %lt3A_662 = arith.cmpi slt, %select_n3A_655, %lt3A_661 : i32
        %ne3A_663 = arith.xori %lt3A_660, %lt3A_662 : i1
        %and3A_664 = arith.andi %ne3A_663, %ne3A_658 : i1
        %add3A_665 = arith.addi %rem3A_656, %select_n3A_655 : i32
        %select_n3A_666 = arith.select %and3A_664, %add3A_665, %rem3A_656 : i32
        %mul3A_667 = arith.constant 8192 : i32
        %mul3A_668 = arith.muli %select_n3A_666, %mul3A_667 : i32
        %mul3A_669 = arith.constant 21 : i32
        %mul3A_670 = arith.muli %select_n3A_650, %mul3A_669 : i32
        %add3A_671 = arith.addi %mul3A_670, %add3A_626 : i32
        %mul3A_672 = arith.constant 262144 : i32
        %mul3A_673 = arith.muli %add3A_671, %mul3A_672 : i32
        %add3A_674 = arith.addi %mul3A_673, %mul3A_668 : i32
        %dma_start3A_675 = arith.constant 3 : i32
        %dma_start3A_676 = arith.constant 0 : i32
        %dma_start3A_677 = tpu.memref_slice %arg5[%dma_start3A_675, %dma_start3A_676] : memref<4x8192xf32, #tpu.memory_space<vmem>> -> memref<1x8192xf32, #tpu.memory_space<vmem>>
        %dma_start3A_678 = tpu.memref_squeeze %dma_start3A_677 : memref<1x8192xf32, #tpu.memory_space<vmem>> -> memref<8192xf32, #tpu.memory_space<vmem>>
        %dma_start3A_679 = tpu.memref_slice %arg2[%add3A_674] : memref<22020096xf32, #tpu.memory_space<hbm>> -> memref<8192xf32, #tpu.memory_space<hbm>>
        %dma_start3A_680 = arith.constant 0 : i32
        %dma_start3A_681 = tpu.memref_slice %arg5[%dma_start3A_675, %dma_start3A_680] : memref<4x8192xf32, #tpu.memory_space<vmem>> -> memref<1x8192xf32, #tpu.memory_space<vmem>>
        %dma_start3A_682 = tpu.memref_squeeze %dma_start3A_681 : memref<1x8192xf32, #tpu.memory_space<vmem>> -> memref<8192xf32, #tpu.memory_space<vmem>>
        %dma_start3A_683 = tpu.memref_slice %arg2[%add3A_674] : memref<22020096xf32, #tpu.memory_space<hbm>> -> memref<8192xf32, #tpu.memory_space<hbm>>
        tpu.enqueue_dma source(%dma_start3A_683 : memref<8192xf32, #tpu.memory_space<hbm>>) target(%dma_start3A_682 : memref<8192xf32, #tpu.memory_space<vmem>>) target_semaphore(%arg13 : memref<!tpu.dma_semaphore, #tpu.memory_space<semaphore_mem>>)
        %mul3A_684 = arith.constant 2048 : i32
        %mul3A_685 = arith.muli %mul3A_613, %mul3A_684 : i32
        %convert_element_type3A_686 = arith.sitofp %mul3A_685 : i32 to f32
        %add3A_687 = vector.broadcast %convert_element_type3A_686 : f32 to vector<16xf32>
        %add3A_688 = arith.addf %broadcast_in_dim3A_5, %add3A_687 : vector<16xf32>
        %scan3A_689 = arith.constant 0 : i32
        %scan3A_690 = arith.constant 0 : i32
        %scan3A_691 = arith.constant 64 : i32
        %scan3A_692 = arith.addi %scan3A_690, %scan3A_691 : i32
        %scan3A_693 = arith.constant 1 : i32
        %scan3A_694 = scf.for %scan3A_793 = %scan3A_690 to %scan3A_692 step %scan3A_693 iter_args(%scan3A_794 = %scan3A_689) -> (i32)  : i32 {
          %mul3A_795 = arith.constant 8 : i32
          %mul3A_796 = arith.muli %scan3A_793, %mul3A_795 : i32
          %add3A_797 = arith.constant 0 : i32
          %add3A_798 = arith.addi %mul3A_796, %add3A_797 : i32
          %mul3A_799 = arith.constant 16 : i32
          %mul3A_800 = arith.muli %add3A_798, %mul3A_799 : i32
          %get3A = arith.constant 0 : i32
          %get3A_801 = arith.index_cast %get3A : i32 to index
          %get3A_802 = arith.index_cast %mul3A_800 : i32 to index
          %get3A_803 = tpu.vector_load %arg5[%get3A_801, %get3A_802] {strides = array<i32>} : memref<4x8192xf32, #tpu.memory_space<vmem>>, vector<16xf32>,
          %mul3A_804 = arith.constant 8 : i32
          %mul3A_805 = arith.muli %scan3A_793, %mul3A_804 : i32
          %add3A_806 = arith.constant 1 : i32
          %add3A_807 = arith.addi %mul3A_805, %add3A_806 : i32
          %mul3A_808 = arith.constant 16 : i32
          %mul3A_809 = arith.muli %add3A_807, %mul3A_808 : i32
          %get3A_810 = arith.constant 0 : i32
          %get3A_811 = arith.index_cast %get3A_810 : i32 to index
          %get3A_812 = arith.index_cast %mul3A_809 : i32 to index
          %get3A_813 = tpu.vector_load %arg5[%get3A_811, %get3A_812] {strides = array<i32>} : memref<4x8192xf32, #tpu.memory_space<vmem>>, vector<16xf32>,
          %mul3A_814 = arith.constant 8 : i32
          %mul3A_815 = arith.muli %scan3A_793, %mul3A_814 : i32
          %add3A_816 = arith.constant 2 : i32
          %add3A_817 = arith.addi %mul3A_815, %add3A_816 : i32
          %mul3A_818 = arith.constant 16 : i32
          %mul3A_819 = arith.muli %add3A_817, %mul3A_818 : i32
          %get3A_820 = arith.constant 0 : i32
          %get3A_821 = arith.index_cast %get3A_820 : i32 to index
          %get3A_822 = arith.index_cast %mul3A_819 : i32 to index
          %get3A_823 = tpu.vector_load %arg5[%get3A_821, %get3A_822] {strides = array<i32>} : memref<4x8192xf32, #tpu.memory_space<vmem>>, vector<16xf32>,
          %mul3A_824 = arith.constant 8 : i32
          %mul3A_825 = arith.muli %scan3A_793, %mul3A_824 : i32
          %add3A_826 = arith.constant 3 : i32
          %add3A_827 = arith.addi %mul3A_825, %add3A_826 : i32
          %mul3A_828 = arith.constant 16 : i32
          %mul3A_829 = arith.muli %add3A_827, %mul3A_828 : i32
          %get3A_830 = arith.constant 0 : i32
          %get3A_831 = arith.index_cast %get3A_830 : i32 to index
          %get3A_832 = arith.index_cast %mul3A_829 : i32 to index
          %get3A_833 = tpu.vector_load %arg5[%get3A_831, %get3A_832] {strides = array<i32>} : memref<4x8192xf32, #tpu.memory_space<vmem>>, vector<16xf32>,
          %mul3A_834 = arith.constant 8 : i32
          %mul3A_835 = arith.muli %scan3A_793, %mul3A_834 : i32
          %add3A_836 = arith.constant 4 : i32
          %add3A_837 = arith.addi %mul3A_835, %add3A_836 : i32
          %mul3A_838 = arith.constant 16 : i32
          %mul3A_839 = arith.muli %add3A_837, %mul3A_838 : i32
          %get3A_840 = arith.constant 0 : i32
          %get3A_841 = arith.index_cast %get3A_840 : i32 to index
          %get3A_842 = arith.index_cast %mul3A_839 : i32 to index
          %get3A_843 = tpu.vector_load %arg5[%get3A_841, %get3A_842] {strides = array<i32>} : memref<4x8192xf32, #tpu.memory_space<vmem>>, vector<16xf32>,
          %mul3A_844 = arith.constant 8 : i32
          %mul3A_845 = arith.muli %scan3A_793, %mul3A_844 : i32
          %add3A_846 = arith.constant 5 : i32
          %add3A_847 = arith.addi %mul3A_845, %add3A_846 : i32
          %mul3A_848 = arith.constant 16 : i32
          %mul3A_849 = arith.muli %add3A_847, %mul3A_848 : i32
          %get3A_850 = arith.constant 0 : i32
          %get3A_851 = arith.index_cast %get3A_850 : i32 to index
          %get3A_852 = arith.index_cast %mul3A_849 : i32 to index
          %get3A_853 = tpu.vector_load %arg5[%get3A_851, %get3A_852] {strides = array<i32>} : memref<4x8192xf32, #tpu.memory_space<vmem>>, vector<16xf32>,
          %mul3A_854 = arith.constant 8 : i32
          %mul3A_855 = arith.muli %scan3A_793, %mul3A_854 : i32
          %add3A_856 = arith.constant 6 : i32
          %add3A_857 = arith.addi %mul3A_855, %add3A_856 : i32
          %mul3A_858 = arith.constant 16 : i32
          %mul3A_859 = arith.muli %add3A_857, %mul3A_858 : i32
          %get3A_860 = arith.constant 0 : i32
          %get3A_861 = arith.index_cast %get3A_860 : i32 to index
          %get3A_862 = arith.index_cast %mul3A_859 : i32 to index
          %get3A_863 = tpu.vector_load %arg5[%get3A_861, %get3A_862] {strides = array<i32>} : memref<4x8192xf32, #tpu.memory_space<vmem>>, vector<16xf32>,
          %mul3A_864 = arith.constant 8 : i32
          %mul3A_865 = arith.muli %scan3A_793, %mul3A_864 : i32
          %add3A_866 = arith.constant 7 : i32
          %add3A_867 = arith.addi %mul3A_865, %add3A_866 : i32
          %mul3A_868 = arith.constant 16 : i32
          %mul3A_869 = arith.muli %add3A_867, %mul3A_868 : i32
          %get3A_870 = arith.constant 0 : i32
          %get3A_871 = arith.index_cast %get3A_870 : i32 to index
          %get3A_872 = arith.index_cast %mul3A_869 : i32 to index
          %get3A_873 = tpu.vector_load %arg5[%get3A_871, %get3A_872] {strides = array<i32>} : memref<4x8192xf32, #tpu.memory_space<vmem>>, vector<16xf32>,
          %abs3A = math.absf %get3A_803 : vector<16xf32>
          %mul3A_874 = arith.constant 1.280000e+02 : f32
          %mul3A_875 = vector.broadcast %mul3A_874 : f32 to vector<16xf32>
          %mul3A_876 = arith.mulf %abs3A, %mul3A_875 : vector<16xf32>
          %min3A = arith.constant 1.023500e+03 : f32
          %min3A_877 = vector.broadcast %min3A : f32 to vector<16xf32>
          %min3A_878 = arith.minimumf %mul3A_876, %min3A_877 : vector<16xf32>
          %add3A_879 = arith.addf %min3A_878, %add3A_688 : vector<16xf32>
          %convert_element_type3A_880 = arith.fptosi %add3A_879 : vector<16xf32> to vector<16xi32>
          %abs3A_881 = math.absf %get3A_813 : vector<16xf32>
          %mul3A_882 = arith.constant 1.280000e+02 : f32
          %mul3A_883 = vector.broadcast %mul3A_882 : f32 to vector<16xf32>
          %mul3A_884 = arith.mulf %abs3A_881, %mul3A_883 : vector<16xf32>
          %min3A_885 = arith.constant 1.023500e+03 : f32
          %min3A_886 = vector.broadcast %min3A_885 : f32 to vector<16xf32>
          %min3A_887 = arith.minimumf %mul3A_884, %min3A_886 : vector<16xf32>
          %add3A_888 = arith.addf %min3A_887, %add3A_688 : vector<16xf32>
          %convert_element_type3A_889 = arith.fptosi %add3A_888 : vector<16xf32> to vector<16xi32>
          %abs3A_890 = math.absf %get3A_823 : vector<16xf32>
          %mul3A_891 = arith.constant 1.280000e+02 : f32
          %mul3A_892 = vector.broadcast %mul3A_891 : f32 to vector<16xf32>
          %mul3A_893 = arith.mulf %abs3A_890, %mul3A_892 : vector<16xf32>
          %min3A_894 = arith.constant 1.023500e+03 : f32
          %min3A_895 = vector.broadcast %min3A_894 : f32 to vector<16xf32>
          %min3A_896 = arith.minimumf %mul3A_893, %min3A_895 : vector<16xf32>
          %add3A_897 = arith.addf %min3A_896, %add3A_688 : vector<16xf32>
          %convert_element_type3A_898 = arith.fptosi %add3A_897 : vector<16xf32> to vector<16xi32>
          %abs3A_899 = math.absf %get3A_833 : vector<16xf32>
          %mul3A_900 = arith.constant 1.280000e+02 : f32
          %mul3A_901 = vector.broadcast %mul3A_900 : f32 to vector<16xf32>
          %mul3A_902 = arith.mulf %abs3A_899, %mul3A_901 : vector<16xf32>
          %min3A_903 = arith.constant 1.023500e+03 : f32
          %min3A_904 = vector.broadcast %min3A_903 : f32 to vector<16xf32>
          %min3A_905 = arith.minimumf %mul3A_902, %min3A_904 : vector<16xf32>
          %add3A_906 = arith.addf %min3A_905, %add3A_688 : vector<16xf32>
          %convert_element_type3A_907 = arith.fptosi %add3A_906 : vector<16xf32> to vector<16xi32>
          %abs3A_908 = math.absf %get3A_843 : vector<16xf32>
          %mul3A_909 = arith.constant 1.280000e+02 : f32
          %mul3A_910 = vector.broadcast %mul3A_909 : f32 to vector<16xf32>
          %mul3A_911 = arith.mulf %abs3A_908, %mul3A_910 : vector<16xf32>
          %min3A_912 = arith.constant 1.023500e+03 : f32
          %min3A_913 = vector.broadcast %min3A_912 : f32 to vector<16xf32>
          %min3A_914 = arith.minimumf %mul3A_911, %min3A_913 : vector<16xf32>
          %add3A_915 = arith.addf %min3A_914, %add3A_688 : vector<16xf32>
          %convert_element_type3A_916 = arith.fptosi %add3A_915 : vector<16xf32> to vector<16xi32>
          %abs3A_917 = math.absf %get3A_853 : vector<16xf32>
          %mul3A_918 = arith.constant 1.280000e+02 : f32
          %mul3A_919 = vector.broadcast %mul3A_918 : f32 to vector<16xf32>
          %mul3A_920 = arith.mulf %abs3A_917, %mul3A_919 : vector<16xf32>
          %min3A_921 = arith.constant 1.023500e+03 : f32
          %min3A_922 = vector.broadcast %min3A_921 : f32 to vector<16xf32>
          %min3A_923 = arith.minimumf %mul3A_920, %min3A_922 : vector<16xf32>
          %add3A_924 = arith.addf %min3A_923, %add3A_688 : vector<16xf32>
          %convert_element_type3A_925 = arith.fptosi %add3A_924 : vector<16xf32> to vector<16xi32>
          %abs3A_926 = math.absf %get3A_863 : vector<16xf32>
          %mul3A_927 = arith.constant 1.280000e+02 : f32
          %mul3A_928 = vector.broadcast %mul3A_927 : f32 to vector<16xf32>
          %mul3A_929 = arith.mulf %abs3A_926, %mul3A_928 : vector<16xf32>
          %min3A_930 = arith.constant 1.023500e+03 : f32
          %min3A_931 = vector.broadcast %min3A_930 : f32 to vector<16xf32>
          %min3A_932 = arith.minimumf %mul3A_929, %min3A_931 : vector<16xf32>
          %add3A_933 = arith.addf %min3A_932, %add3A_688 : vector<16xf32>
          %convert_element_type3A_934 = arith.fptosi %add3A_933 : vector<16xf32> to vector<16xi32>
          %abs3A_935 = math.absf %get3A_873 : vector<16xf32>
          %mul3A_936 = arith.constant 1.280000e+02 : f32
          %mul3A_937 = vector.broadcast %mul3A_936 : f32 to vector<16xf32>
          %mul3A_938 = arith.mulf %abs3A_935, %mul3A_937 : vector<16xf32>
          %min3A_939 = arith.constant 1.023500e+03 : f32
          %min3A_940 = vector.broadcast %min3A_939 : f32 to vector<16xf32>
          %min3A_941 = arith.minimumf %mul3A_938, %min3A_940 : vector<16xf32>
          %add3A_942 = arith.addf %min3A_941, %add3A_688 : vector<16xf32>
          %convert_element_type3A_943 = arith.fptosi %add3A_942 : vector<16xf32> to vector<16xi32>
          tpu.vector_store_idx %arg9[%convert_element_type3A_880], %broadcast_in_dim3A_1 {add = true} : memref<43008xf32, #tpu.memory_space<vmem>>[vector<16xi32>], vector<16xf32>,
          tpu.vector_store_idx %arg9[%convert_element_type3A_889], %broadcast_in_dim3A_1 {add = true} : memref<43008xf32, #tpu.memory_space<vmem>>[vector<16xi32>], vector<16xf32>,
          tpu.vector_store_idx %arg9[%convert_element_type3A_898], %broadcast_in_dim3A_1 {add = true} : memref<43008xf32, #tpu.memory_space<vmem>>[vector<16xi32>], vector<16xf32>,
          tpu.vector_store_idx %arg9[%convert_element_type3A_907], %broadcast_in_dim3A_1 {add = true} : memref<43008xf32, #tpu.memory_space<vmem>>[vector<16xi32>], vector<16xf32>,
          tpu.vector_store_idx %arg9[%convert_element_type3A_916], %broadcast_in_dim3A_1 {add = true} : memref<43008xf32, #tpu.memory_space<vmem>>[vector<16xi32>], vector<16xf32>,
          tpu.vector_store_idx %arg9[%convert_element_type3A_925], %broadcast_in_dim3A_1 {add = true} : memref<43008xf32, #tpu.memory_space<vmem>>[vector<16xi32>], vector<16xf32>,
          tpu.vector_store_idx %arg9[%convert_element_type3A_934], %broadcast_in_dim3A_1 {add = true} : memref<43008xf32, #tpu.memory_space<vmem>>[vector<16xi32>], vector<16xf32>,
          tpu.vector_store_idx %arg9[%convert_element_type3A_943], %broadcast_in_dim3A_1 {add = true} : memref<43008xf32, #tpu.memory_space<vmem>>[vector<16xi32>], vector<16xf32>,
          %scan3A_944 = arith.constant 0 : i32
          scf.yield %scan3A_944 : i32
        }
        %scan3A_695 = arith.constant 64 : i32
        %dma_wait3A_696 = arith.constant 1 : i32
        %dma_wait3A_697 = arith.constant 0 : i32
        %dma_wait3A_698 = tpu.memref_slice %arg5[%dma_wait3A_696, %dma_wait3A_697] : memref<4x8192xf32, #tpu.memory_space<vmem>> -> memref<1x8192xf32, #tpu.memory_space<vmem>>
        %dma_wait3A_699 = tpu.memref_squeeze %dma_wait3A_698 : memref<1x8192xf32, #tpu.memory_space<vmem>> -> memref<8192xf32, #tpu.memory_space<vmem>>
        %dma_wait3A_700 = arith.constant 0 : i32
        %dma_wait3A_701 = tpu.memref_slice %arg2[%dma_wait3A_700] : memref<22020096xf32, #tpu.memory_space<hbm>> -> memref<8192xf32, #tpu.memory_space<hbm>>
        %dma_wait3A_702 = arith.constant 0 : i32
        %dma_wait3A_703 = tpu.memref_slice %arg5[%dma_wait3A_696, %dma_wait3A_702] : memref<4x8192xf32, #tpu.memory_space<vmem>> -> memref<1x8192xf32, #tpu.memory_space<vmem>>
        %dma_wait3A_704 = tpu.memref_squeeze %dma_wait3A_703 : memref<1x8192xf32, #tpu.memory_space<vmem>> -> memref<8192xf32, #tpu.memory_space<vmem>>
        %dma_wait3A_705 = arith.constant 0 : i32
        %dma_wait3A_706 = tpu.memref_slice %arg2[%dma_wait3A_705] : memref<22020096xf32, #tpu.memory_space<hbm>> -> memref<8192xf32, #tpu.memory_space<hbm>>
        tpu.wait_dma2 semaphore(%arg11 : memref<!tpu.dma_semaphore, #tpu.memory_space<semaphore_mem>>) src(%dma_wait3A_706 : memref<8192xf32, #tpu.memory_space<hbm>>) dst(%dma_wait3A_704 : memref<8192xf32, #tpu.memory_space<vmem>>)
        %add3A_707 = arith.constant 4 : i32
        %add3A_708 = arith.addi %mul3A_613, %add3A_707 : i32
        %lt3A_709 = arith.constant 21 : i32
        %lt3A_710 = arith.cmpi slt, %add3A_708, %lt3A_709 : i32
        %convert_element_type3A_711 = arith.extui %lt3A_710 : i1 to i32
        %cond3A_712 = arith.constant 0 : i32
        %cond3A_713 = arith.cmpi ne, %convert_element_type3A_711, %cond3A_712 : i32
        scf.if %cond3A_713 {
          %add3A_793 = arith.constant 4 : i32
          %add3A_794 = arith.addi %mul3A_613, %add3A_793 : i32
          %jit3A_795 = arith.constant 32 : i32
          %div3A_796 = arith.divsi %add3A_319, %jit3A_795 : i32
          %sign3A_797 = arith.constant 0 : i32
          %sign3A_798 = arith.cmpi sgt, %add3A_319, %sign3A_797 : i32
          %sign3A_799 = arith.extui %sign3A_798 : i1 to i32
          %sign3A_800 = arith.constant 0 : i32
          %sign3A_801 = arith.cmpi slt, %add3A_319, %sign3A_800 : i32
          %sign3A_802 = arith.extui %sign3A_801 : i1 to i32
          %sign3A_803 = arith.subi %sign3A_799, %sign3A_802 : i32
          %sign3A_804 = arith.constant 0 : i32
          %sign3A_805 = arith.cmpi sgt, %jit3A_795, %sign3A_804 : i32
          %sign3A_806 = arith.extui %sign3A_805 : i1 to i32
          %sign3A_807 = arith.constant 0 : i32
          %sign3A_808 = arith.cmpi slt, %jit3A_795, %sign3A_807 : i32
          %sign3A_809 = arith.extui %sign3A_808 : i1 to i32
          %sign3A_810 = arith.subi %sign3A_806, %sign3A_809 : i32
          %ne3A_811 = arith.cmpi ne, %sign3A_803, %sign3A_810 : i32
          %rem3A_812 = arith.remsi %add3A_319, %jit3A_795 : i32
          %ne3A_813 = arith.constant 0 : i32
          %ne3A_814 = arith.cmpi ne, %rem3A_812, %ne3A_813 : i32
          %and3A_815 = arith.andi %ne3A_811, %ne3A_814 : i1
          %sub3A_816 = arith.constant 1 : i32
          %sub3A_817 = arith.subi %div3A_796, %sub3A_816 : i32
          %select_n3A_818 = arith.select %and3A_815, %sub3A_817, %div3A_796 : i32
          %jit3A_819 = arith.constant 32 : i32
          %eq3A_820 = arith.constant 0 : i32
          %eq3A_821 = arith.cmpi eq, %jit3A_819, %eq3A_820 : i32
          %jit3A_822 = arith.constant 1 : i32
          %select_n3A_823 = arith.select %eq3A_821, %jit3A_822, %jit3A_819 : i32
          %rem3A_824 = arith.remsi %add3A_319, %select_n3A_823 : i32
          %ne3A_825 = arith.constant 0 : i32
          %ne3A_826 = arith.cmpi ne, %rem3A_824, %ne3A_825 : i32
          %lt3A_827 = arith.constant 0 : i32
          %lt3A_828 = arith.cmpi slt, %rem3A_824, %lt3A_827 : i32
          %lt3A_829 = arith.constant 0 : i32
          %lt3A_830 = arith.cmpi slt, %select_n3A_823, %lt3A_829 : i32
          %ne3A_831 = arith.xori %lt3A_828, %lt3A_830 : i1
          %and3A_832 = arith.andi %ne3A_831, %ne3A_826 : i1
          %add3A_833 = arith.addi %rem3A_824, %select_n3A_823 : i32
          %select_n3A_834 = arith.select %and3A_832, %add3A_833, %rem3A_824 : i32
          %mul3A_835 = arith.constant 8192 : i32
          %mul3A_836 = arith.muli %select_n3A_834, %mul3A_835 : i32
          %mul3A_837 = arith.constant 21 : i32
          %mul3A_838 = arith.muli %select_n3A_818, %mul3A_837 : i32
          %add3A_839 = arith.addi %mul3A_838, %add3A_794 : i32
          %mul3A_840 = arith.constant 262144 : i32
          %mul3A_841 = arith.muli %add3A_839, %mul3A_840 : i32
          %add3A_842 = arith.addi %mul3A_841, %mul3A_836 : i32
          %dma_start3A_843 = arith.constant 0 : i32
          %dma_start3A_844 = arith.constant 0 : i32
          %dma_start3A_845 = tpu.memref_slice %arg5[%dma_start3A_843, %dma_start3A_844] : memref<4x8192xf32, #tpu.memory_space<vmem>> -> memref<1x8192xf32, #tpu.memory_space<vmem>>
          %dma_start3A_846 = tpu.memref_squeeze %dma_start3A_845 : memref<1x8192xf32, #tpu.memory_space<vmem>> -> memref<8192xf32, #tpu.memory_space<vmem>>
          %dma_start3A_847 = tpu.memref_slice %arg2[%add3A_842] : memref<22020096xf32, #tpu.memory_space<hbm>> -> memref<8192xf32, #tpu.memory_space<hbm>>
          %dma_start3A_848 = arith.constant 0 : i32
          %dma_start3A_849 = tpu.memref_slice %arg5[%dma_start3A_843, %dma_start3A_848] : memref<4x8192xf32, #tpu.memory_space<vmem>> -> memref<1x8192xf32, #tpu.memory_space<vmem>>
          %dma_start3A_850 = tpu.memref_squeeze %dma_start3A_849 : memref<1x8192xf32, #tpu.memory_space<vmem>> -> memref<8192xf32, #tpu.memory_space<vmem>>
          %dma_start3A_851 = tpu.memref_slice %arg2[%add3A_842] : memref<22020096xf32, #tpu.memory_space<hbm>> -> memref<8192xf32, #tpu.memory_space<hbm>>
          tpu.enqueue_dma source(%dma_start3A_851 : memref<8192xf32, #tpu.memory_space<hbm>>) target(%dma_start3A_850 : memref<8192xf32, #tpu.memory_space<vmem>>) target_semaphore(%arg10 : memref<!tpu.dma_semaphore, #tpu.memory_space<semaphore_mem>>)
        } else {
        }
        %add3A_714 = arith.constant 1 : i32
        %add3A_715 = arith.addi %mul3A_613, %add3A_714 : i32
        %mul3A_716 = arith.constant 2048 : i32
        %mul3A_717 = arith.muli %add3A_715, %mul3A_716 : i32
        %convert_element_type3A_718 = arith.sitofp %mul3A_717 : i32 to f32
        %add3A_719 = vector.broadcast %convert_element_type3A_718 : f32 to vector<16xf32>
        %add3A_720 = arith.addf %broadcast_in_dim3A_5, %add3A_719 : vector<16xf32>
        %scan3A_721 = arith.constant 0 : i32
        %scan3A_722 = arith.constant 0 : i32
        %scan3A_723 = arith.constant 64 : i32
        %scan3A_724 = arith.addi %scan3A_722, %scan3A_723 : i32
        %scan3A_725 = arith.constant 1 : i32
        %scan3A_726 = scf.for %scan3A_793 = %scan3A_722 to %scan3A_724 step %scan3A_725 iter_args(%scan3A_794 = %scan3A_721) -> (i32)  : i32 {
          %mul3A_795 = arith.constant 8 : i32
          %mul3A_796 = arith.muli %scan3A_793, %mul3A_795 : i32
          %add3A_797 = arith.constant 0 : i32
          %add3A_798 = arith.addi %mul3A_796, %add3A_797 : i32
          %mul3A_799 = arith.constant 16 : i32
          %mul3A_800 = arith.muli %add3A_798, %mul3A_799 : i32
          %get3A = arith.constant 1 : i32
          %get3A_801 = arith.index_cast %get3A : i32 to index
          %get3A_802 = arith.index_cast %mul3A_800 : i32 to index
          %get3A_803 = tpu.vector_load %arg5[%get3A_801, %get3A_802] {strides = array<i32>} : memref<4x8192xf32, #tpu.memory_space<vmem>>, vector<16xf32>,
          %mul3A_804 = arith.constant 8 : i32
          %mul3A_805 = arith.muli %scan3A_793, %mul3A_804 : i32
          %add3A_806 = arith.constant 1 : i32
          %add3A_807 = arith.addi %mul3A_805, %add3A_806 : i32
          %mul3A_808 = arith.constant 16 : i32
          %mul3A_809 = arith.muli %add3A_807, %mul3A_808 : i32
          %get3A_810 = arith.constant 1 : i32
          %get3A_811 = arith.index_cast %get3A_810 : i32 to index
          %get3A_812 = arith.index_cast %mul3A_809 : i32 to index
          %get3A_813 = tpu.vector_load %arg5[%get3A_811, %get3A_812] {strides = array<i32>} : memref<4x8192xf32, #tpu.memory_space<vmem>>, vector<16xf32>,
          %mul3A_814 = arith.constant 8 : i32
          %mul3A_815 = arith.muli %scan3A_793, %mul3A_814 : i32
          %add3A_816 = arith.constant 2 : i32
          %add3A_817 = arith.addi %mul3A_815, %add3A_816 : i32
          %mul3A_818 = arith.constant 16 : i32
          %mul3A_819 = arith.muli %add3A_817, %mul3A_818 : i32
          %get3A_820 = arith.constant 1 : i32
          %get3A_821 = arith.index_cast %get3A_820 : i32 to index
          %get3A_822 = arith.index_cast %mul3A_819 : i32 to index
          %get3A_823 = tpu.vector_load %arg5[%get3A_821, %get3A_822] {strides = array<i32>} : memref<4x8192xf32, #tpu.memory_space<vmem>>, vector<16xf32>,
          %mul3A_824 = arith.constant 8 : i32
          %mul3A_825 = arith.muli %scan3A_793, %mul3A_824 : i32
          %add3A_826 = arith.constant 3 : i32
          %add3A_827 = arith.addi %mul3A_825, %add3A_826 : i32
          %mul3A_828 = arith.constant 16 : i32
          %mul3A_829 = arith.muli %add3A_827, %mul3A_828 : i32
          %get3A_830 = arith.constant 1 : i32
          %get3A_831 = arith.index_cast %get3A_830 : i32 to index
          %get3A_832 = arith.index_cast %mul3A_829 : i32 to index
          %get3A_833 = tpu.vector_load %arg5[%get3A_831, %get3A_832] {strides = array<i32>} : memref<4x8192xf32, #tpu.memory_space<vmem>>, vector<16xf32>,
          %mul3A_834 = arith.constant 8 : i32
          %mul3A_835 = arith.muli %scan3A_793, %mul3A_834 : i32
          %add3A_836 = arith.constant 4 : i32
          %add3A_837 = arith.addi %mul3A_835, %add3A_836 : i32
          %mul3A_838 = arith.constant 16 : i32
          %mul3A_839 = arith.muli %add3A_837, %mul3A_838 : i32
          %get3A_840 = arith.constant 1 : i32
          %get3A_841 = arith.index_cast %get3A_840 : i32 to index
          %get3A_842 = arith.index_cast %mul3A_839 : i32 to index
          %get3A_843 = tpu.vector_load %arg5[%get3A_841, %get3A_842] {strides = array<i32>} : memref<4x8192xf32, #tpu.memory_space<vmem>>, vector<16xf32>,
          %mul3A_844 = arith.constant 8 : i32
          %mul3A_845 = arith.muli %scan3A_793, %mul3A_844 : i32
          %add3A_846 = arith.constant 5 : i32
          %add3A_847 = arith.addi %mul3A_845, %add3A_846 : i32
          %mul3A_848 = arith.constant 16 : i32
          %mul3A_849 = arith.muli %add3A_847, %mul3A_848 : i32
          %get3A_850 = arith.constant 1 : i32
          %get3A_851 = arith.index_cast %get3A_850 : i32 to index
          %get3A_852 = arith.index_cast %mul3A_849 : i32 to index
          %get3A_853 = tpu.vector_load %arg5[%get3A_851, %get3A_852] {strides = array<i32>} : memref<4x8192xf32, #tpu.memory_space<vmem>>, vector<16xf32>,
          %mul3A_854 = arith.constant 8 : i32
          %mul3A_855 = arith.muli %scan3A_793, %mul3A_854 : i32
          %add3A_856 = arith.constant 6 : i32
          %add3A_857 = arith.addi %mul3A_855, %add3A_856 : i32
          %mul3A_858 = arith.constant 16 : i32
          %mul3A_859 = arith.muli %add3A_857, %mul3A_858 : i32
          %get3A_860 = arith.constant 1 : i32
          %get3A_861 = arith.index_cast %get3A_860 : i32 to index
          %get3A_862 = arith.index_cast %mul3A_859 : i32 to index
          %get3A_863 = tpu.vector_load %arg5[%get3A_861, %get3A_862] {strides = array<i32>} : memref<4x8192xf32, #tpu.memory_space<vmem>>, vector<16xf32>,
          %mul3A_864 = arith.constant 8 : i32
          %mul3A_865 = arith.muli %scan3A_793, %mul3A_864 : i32
          %add3A_866 = arith.constant 7 : i32
          %add3A_867 = arith.addi %mul3A_865, %add3A_866 : i32
          %mul3A_868 = arith.constant 16 : i32
          %mul3A_869 = arith.muli %add3A_867, %mul3A_868 : i32
          %get3A_870 = arith.constant 1 : i32
          %get3A_871 = arith.index_cast %get3A_870 : i32 to index
          %get3A_872 = arith.index_cast %mul3A_869 : i32 to index
          %get3A_873 = tpu.vector_load %arg5[%get3A_871, %get3A_872] {strides = array<i32>} : memref<4x8192xf32, #tpu.memory_space<vmem>>, vector<16xf32>,
          %abs3A = math.absf %get3A_803 : vector<16xf32>
          %mul3A_874 = arith.constant 1.280000e+02 : f32
          %mul3A_875 = vector.broadcast %mul3A_874 : f32 to vector<16xf32>
          %mul3A_876 = arith.mulf %abs3A, %mul3A_875 : vector<16xf32>
          %min3A = arith.constant 1.023500e+03 : f32
          %min3A_877 = vector.broadcast %min3A : f32 to vector<16xf32>
          %min3A_878 = arith.minimumf %mul3A_876, %min3A_877 : vector<16xf32>
          %add3A_879 = arith.addf %min3A_878, %add3A_720 : vector<16xf32>
          %convert_element_type3A_880 = arith.fptosi %add3A_879 : vector<16xf32> to vector<16xi32>
          %abs3A_881 = math.absf %get3A_813 : vector<16xf32>
          %mul3A_882 = arith.constant 1.280000e+02 : f32
          %mul3A_883 = vector.broadcast %mul3A_882 : f32 to vector<16xf32>
          %mul3A_884 = arith.mulf %abs3A_881, %mul3A_883 : vector<16xf32>
          %min3A_885 = arith.constant 1.023500e+03 : f32
          %min3A_886 = vector.broadcast %min3A_885 : f32 to vector<16xf32>
          %min3A_887 = arith.minimumf %mul3A_884, %min3A_886 : vector<16xf32>
          %add3A_888 = arith.addf %min3A_887, %add3A_720 : vector<16xf32>
          %convert_element_type3A_889 = arith.fptosi %add3A_888 : vector<16xf32> to vector<16xi32>
          %abs3A_890 = math.absf %get3A_823 : vector<16xf32>
          %mul3A_891 = arith.constant 1.280000e+02 : f32
          %mul3A_892 = vector.broadcast %mul3A_891 : f32 to vector<16xf32>
          %mul3A_893 = arith.mulf %abs3A_890, %mul3A_892 : vector<16xf32>
          %min3A_894 = arith.constant 1.023500e+03 : f32
          %min3A_895 = vector.broadcast %min3A_894 : f32 to vector<16xf32>
          %min3A_896 = arith.minimumf %mul3A_893, %min3A_895 : vector<16xf32>
          %add3A_897 = arith.addf %min3A_896, %add3A_720 : vector<16xf32>
          %convert_element_type3A_898 = arith.fptosi %add3A_897 : vector<16xf32> to vector<16xi32>
          %abs3A_899 = math.absf %get3A_833 : vector<16xf32>
          %mul3A_900 = arith.constant 1.280000e+02 : f32
          %mul3A_901 = vector.broadcast %mul3A_900 : f32 to vector<16xf32>
          %mul3A_902 = arith.mulf %abs3A_899, %mul3A_901 : vector<16xf32>
          %min3A_903 = arith.constant 1.023500e+03 : f32
          %min3A_904 = vector.broadcast %min3A_903 : f32 to vector<16xf32>
          %min3A_905 = arith.minimumf %mul3A_902, %min3A_904 : vector<16xf32>
          %add3A_906 = arith.addf %min3A_905, %add3A_720 : vector<16xf32>
          %convert_element_type3A_907 = arith.fptosi %add3A_906 : vector<16xf32> to vector<16xi32>
          %abs3A_908 = math.absf %get3A_843 : vector<16xf32>
          %mul3A_909 = arith.constant 1.280000e+02 : f32
          %mul3A_910 = vector.broadcast %mul3A_909 : f32 to vector<16xf32>
          %mul3A_911 = arith.mulf %abs3A_908, %mul3A_910 : vector<16xf32>
          %min3A_912 = arith.constant 1.023500e+03 : f32
          %min3A_913 = vector.broadcast %min3A_912 : f32 to vector<16xf32>
          %min3A_914 = arith.minimumf %mul3A_911, %min3A_913 : vector<16xf32>
          %add3A_915 = arith.addf %min3A_914, %add3A_720 : vector<16xf32>
          %convert_element_type3A_916 = arith.fptosi %add3A_915 : vector<16xf32> to vector<16xi32>
          %abs3A_917 = math.absf %get3A_853 : vector<16xf32>
          %mul3A_918 = arith.constant 1.280000e+02 : f32
          %mul3A_919 = vector.broadcast %mul3A_918 : f32 to vector<16xf32>
          %mul3A_920 = arith.mulf %abs3A_917, %mul3A_919 : vector<16xf32>
          %min3A_921 = arith.constant 1.023500e+03 : f32
          %min3A_922 = vector.broadcast %min3A_921 : f32 to vector<16xf32>
          %min3A_923 = arith.minimumf %mul3A_920, %min3A_922 : vector<16xf32>
          %add3A_924 = arith.addf %min3A_923, %add3A_720 : vector<16xf32>
          %convert_element_type3A_925 = arith.fptosi %add3A_924 : vector<16xf32> to vector<16xi32>
          %abs3A_926 = math.absf %get3A_863 : vector<16xf32>
          %mul3A_927 = arith.constant 1.280000e+02 : f32
          %mul3A_928 = vector.broadcast %mul3A_927 : f32 to vector<16xf32>
          %mul3A_929 = arith.mulf %abs3A_926, %mul3A_928 : vector<16xf32>
          %min3A_930 = arith.constant 1.023500e+03 : f32
          %min3A_931 = vector.broadcast %min3A_930 : f32 to vector<16xf32>
          %min3A_932 = arith.minimumf %mul3A_929, %min3A_931 : vector<16xf32>
          %add3A_933 = arith.addf %min3A_932, %add3A_720 : vector<16xf32>
          %convert_element_type3A_934 = arith.fptosi %add3A_933 : vector<16xf32> to vector<16xi32>
          %abs3A_935 = math.absf %get3A_873 : vector<16xf32>
          %mul3A_936 = arith.constant 1.280000e+02 : f32
          %mul3A_937 = vector.broadcast %mul3A_936 : f32 to vector<16xf32>
          %mul3A_938 = arith.mulf %abs3A_935, %mul3A_937 : vector<16xf32>
          %min3A_939 = arith.constant 1.023500e+03 : f32
          %min3A_940 = vector.broadcast %min3A_939 : f32 to vector<16xf32>
          %min3A_941 = arith.minimumf %mul3A_938, %min3A_940 : vector<16xf32>
          %add3A_942 = arith.addf %min3A_941, %add3A_720 : vector<16xf32>
          %convert_element_type3A_943 = arith.fptosi %add3A_942 : vector<16xf32> to vector<16xi32>
          tpu.vector_store_idx %arg9[%convert_element_type3A_880], %broadcast_in_dim3A_1 {add = true} : memref<43008xf32, #tpu.memory_space<vmem>>[vector<16xi32>], vector<16xf32>,
          tpu.vector_store_idx %arg9[%convert_element_type3A_889], %broadcast_in_dim3A_1 {add = true} : memref<43008xf32, #tpu.memory_space<vmem>>[vector<16xi32>], vector<16xf32>,
          tpu.vector_store_idx %arg9[%convert_element_type3A_898], %broadcast_in_dim3A_1 {add = true} : memref<43008xf32, #tpu.memory_space<vmem>>[vector<16xi32>], vector<16xf32>,
          tpu.vector_store_idx %arg9[%convert_element_type3A_907], %broadcast_in_dim3A_1 {add = true} : memref<43008xf32, #tpu.memory_space<vmem>>[vector<16xi32>], vector<16xf32>,
          tpu.vector_store_idx %arg9[%convert_element_type3A_916], %broadcast_in_dim3A_1 {add = true} : memref<43008xf32, #tpu.memory_space<vmem>>[vector<16xi32>], vector<16xf32>,
          tpu.vector_store_idx %arg9[%convert_element_type3A_925], %broadcast_in_dim3A_1 {add = true} : memref<43008xf32, #tpu.memory_space<vmem>>[vector<16xi32>], vector<16xf32>,
          tpu.vector_store_idx %arg9[%convert_element_type3A_934], %broadcast_in_dim3A_1 {add = true} : memref<43008xf32, #tpu.memory_space<vmem>>[vector<16xi32>], vector<16xf32>,
          tpu.vector_store_idx %arg9[%convert_element_type3A_943], %broadcast_in_dim3A_1 {add = true} : memref<43008xf32, #tpu.memory_space<vmem>>[vector<16xi32>], vector<16xf32>,
          %scan3A_944 = arith.constant 0 : i32
          scf.yield %scan3A_944 : i32
        }
        %scan3A_727 = arith.constant 64 : i32
        %dma_wait3A_728 = arith.constant 2 : i32
        %dma_wait3A_729 = arith.constant 0 : i32
        %dma_wait3A_730 = tpu.memref_slice %arg5[%dma_wait3A_728, %dma_wait3A_729] : memref<4x8192xf32, #tpu.memory_space<vmem>> -> memref<1x8192xf32, #tpu.memory_space<vmem>>
        %dma_wait3A_731 = tpu.memref_squeeze %dma_wait3A_730 : memref<1x8192xf32, #tpu.memory_space<vmem>> -> memref<8192xf32, #tpu.memory_space<vmem>>
        %dma_wait3A_732 = arith.constant 0 : i32
        %dma_wait3A_733 = tpu.memref_slice %arg2[%dma_wait3A_732] : memref<22020096xf32, #tpu.memory_space<hbm>> -> memref<8192xf32, #tpu.memory_space<hbm>>
        %dma_wait3A_734 = arith.constant 0 : i32
        %dma_wait3A_735 = tpu.memref_slice %arg5[%dma_wait3A_728, %dma_wait3A_734] : memref<4x8192xf32, #tpu.memory_space<vmem>> -> memref<1x8192xf32, #tpu.memory_space<vmem>>
        %dma_wait3A_736 = tpu.memref_squeeze %dma_wait3A_735 : memref<1x8192xf32, #tpu.memory_space<vmem>> -> memref<8192xf32, #tpu.memory_space<vmem>>
        %dma_wait3A_737 = arith.constant 0 : i32
        %dma_wait3A_738 = tpu.memref_slice %arg2[%dma_wait3A_737] : memref<22020096xf32, #tpu.memory_space<hbm>> -> memref<8192xf32, #tpu.memory_space<hbm>>
        tpu.wait_dma2 semaphore(%arg12 : memref<!tpu.dma_semaphore, #tpu.memory_space<semaphore_mem>>) src(%dma_wait3A_738 : memref<8192xf32, #tpu.memory_space<hbm>>) dst(%dma_wait3A_736 : memref<8192xf32, #tpu.memory_space<vmem>>)
        %add3A_739 = arith.constant 5 : i32
        %add3A_740 = arith.addi %mul3A_613, %add3A_739 : i32
        %lt3A_741 = arith.constant 21 : i32
        %lt3A_742 = arith.cmpi slt, %add3A_740, %lt3A_741 : i32
        %convert_element_type3A_743 = arith.extui %lt3A_742 : i1 to i32
        %cond3A_744 = arith.constant 0 : i32
        %cond3A_745 = arith.cmpi ne, %convert_element_type3A_743, %cond3A_744 : i32
        scf.if %cond3A_745 {
          %add3A_793 = arith.constant 5 : i32
          %add3A_794 = arith.addi %mul3A_613, %add3A_793 : i32
          %jit3A_795 = arith.constant 32 : i32
          %div3A_796 = arith.divsi %add3A_319, %jit3A_795 : i32
          %sign3A_797 = arith.constant 0 : i32
          %sign3A_798 = arith.cmpi sgt, %add3A_319, %sign3A_797 : i32
          %sign3A_799 = arith.extui %sign3A_798 : i1 to i32
          %sign3A_800 = arith.constant 0 : i32
          %sign3A_801 = arith.cmpi slt, %add3A_319, %sign3A_800 : i32
          %sign3A_802 = arith.extui %sign3A_801 : i1 to i32
          %sign3A_803 = arith.subi %sign3A_799, %sign3A_802 : i32
          %sign3A_804 = arith.constant 0 : i32
          %sign3A_805 = arith.cmpi sgt, %jit3A_795, %sign3A_804 : i32
          %sign3A_806 = arith.extui %sign3A_805 : i1 to i32
          %sign3A_807 = arith.constant 0 : i32
          %sign3A_808 = arith.cmpi slt, %jit3A_795, %sign3A_807 : i32
          %sign3A_809 = arith.extui %sign3A_808 : i1 to i32
          %sign3A_810 = arith.subi %sign3A_806, %sign3A_809 : i32
          %ne3A_811 = arith.cmpi ne, %sign3A_803, %sign3A_810 : i32
          %rem3A_812 = arith.remsi %add3A_319, %jit3A_795 : i32
          %ne3A_813 = arith.constant 0 : i32
          %ne3A_814 = arith.cmpi ne, %rem3A_812, %ne3A_813 : i32
          %and3A_815 = arith.andi %ne3A_811, %ne3A_814 : i1
          %sub3A_816 = arith.constant 1 : i32
          %sub3A_817 = arith.subi %div3A_796, %sub3A_816 : i32
          %select_n3A_818 = arith.select %and3A_815, %sub3A_817, %div3A_796 : i32
          %jit3A_819 = arith.constant 32 : i32
          %eq3A_820 = arith.constant 0 : i32
          %eq3A_821 = arith.cmpi eq, %jit3A_819, %eq3A_820 : i32
          %jit3A_822 = arith.constant 1 : i32
          %select_n3A_823 = arith.select %eq3A_821, %jit3A_822, %jit3A_819 : i32
          %rem3A_824 = arith.remsi %add3A_319, %select_n3A_823 : i32
          %ne3A_825 = arith.constant 0 : i32
          %ne3A_826 = arith.cmpi ne, %rem3A_824, %ne3A_825 : i32
          %lt3A_827 = arith.constant 0 : i32
          %lt3A_828 = arith.cmpi slt, %rem3A_824, %lt3A_827 : i32
          %lt3A_829 = arith.constant 0 : i32
          %lt3A_830 = arith.cmpi slt, %select_n3A_823, %lt3A_829 : i32
          %ne3A_831 = arith.xori %lt3A_828, %lt3A_830 : i1
          %and3A_832 = arith.andi %ne3A_831, %ne3A_826 : i1
          %add3A_833 = arith.addi %rem3A_824, %select_n3A_823 : i32
          %select_n3A_834 = arith.select %and3A_832, %add3A_833, %rem3A_824 : i32
          %mul3A_835 = arith.constant 8192 : i32
          %mul3A_836 = arith.muli %select_n3A_834, %mul3A_835 : i32
          %mul3A_837 = arith.constant 21 : i32
          %mul3A_838 = arith.muli %select_n3A_818, %mul3A_837 : i32
          %add3A_839 = arith.addi %mul3A_838, %add3A_794 : i32
          %mul3A_840 = arith.constant 262144 : i32
          %mul3A_841 = arith.muli %add3A_839, %mul3A_840 : i32
          %add3A_842 = arith.addi %mul3A_841, %mul3A_836 : i32
          %dma_start3A_843 = arith.constant 1 : i32
          %dma_start3A_844 = arith.constant 0 : i32
          %dma_start3A_845 = tpu.memref_slice %arg5[%dma_start3A_843, %dma_start3A_844] : memref<4x8192xf32, #tpu.memory_space<vmem>> -> memref<1x8192xf32, #tpu.memory_space<vmem>>
          %dma_start3A_846 = tpu.memref_squeeze %dma_start3A_845 : memref<1x8192xf32, #tpu.memory_space<vmem>> -> memref<8192xf32, #tpu.memory_space<vmem>>
          %dma_start3A_847 = tpu.memref_slice %arg2[%add3A_842] : memref<22020096xf32, #tpu.memory_space<hbm>> -> memref<8192xf32, #tpu.memory_space<hbm>>
          %dma_start3A_848 = arith.constant 0 : i32
          %dma_start3A_849 = tpu.memref_slice %arg5[%dma_start3A_843, %dma_start3A_848] : memref<4x8192xf32, #tpu.memory_space<vmem>> -> memref<1x8192xf32, #tpu.memory_space<vmem>>
          %dma_start3A_850 = tpu.memref_squeeze %dma_start3A_849 : memref<1x8192xf32, #tpu.memory_space<vmem>> -> memref<8192xf32, #tpu.memory_space<vmem>>
          %dma_start3A_851 = tpu.memref_slice %arg2[%add3A_842] : memref<22020096xf32, #tpu.memory_space<hbm>> -> memref<8192xf32, #tpu.memory_space<hbm>>
          tpu.enqueue_dma source(%dma_start3A_851 : memref<8192xf32, #tpu.memory_space<hbm>>) target(%dma_start3A_850 : memref<8192xf32, #tpu.memory_space<vmem>>) target_semaphore(%arg11 : memref<!tpu.dma_semaphore, #tpu.memory_space<semaphore_mem>>)
        } else {
        }
        %add3A_746 = arith.constant 2 : i32
        %add3A_747 = arith.addi %mul3A_613, %add3A_746 : i32
        %mul3A_748 = arith.constant 2048 : i32
        %mul3A_749 = arith.muli %add3A_747, %mul3A_748 : i32
        %convert_element_type3A_750 = arith.sitofp %mul3A_749 : i32 to f32
        %add3A_751 = vector.broadcast %convert_element_type3A_750 : f32 to vector<16xf32>
        %add3A_752 = arith.addf %broadcast_in_dim3A_5, %add3A_751 : vector<16xf32>
        %scan3A_753 = arith.constant 0 : i32
        %scan3A_754 = arith.constant 0 : i32
        %scan3A_755 = arith.constant 64 : i32
        %scan3A_756 = arith.addi %scan3A_754, %scan3A_755 : i32
        %scan3A_757 = arith.constant 1 : i32
        %scan3A_758 = scf.for %scan3A_793 = %scan3A_754 to %scan3A_756 step %scan3A_757 iter_args(%scan3A_794 = %scan3A_753) -> (i32)  : i32 {
          %mul3A_795 = arith.constant 8 : i32
          %mul3A_796 = arith.muli %scan3A_793, %mul3A_795 : i32
          %add3A_797 = arith.constant 0 : i32
          %add3A_798 = arith.addi %mul3A_796, %add3A_797 : i32
          %mul3A_799 = arith.constant 16 : i32
          %mul3A_800 = arith.muli %add3A_798, %mul3A_799 : i32
          %get3A = arith.constant 2 : i32
          %get3A_801 = arith.index_cast %get3A : i32 to index
          %get3A_802 = arith.index_cast %mul3A_800 : i32 to index
          %get3A_803 = tpu.vector_load %arg5[%get3A_801, %get3A_802] {strides = array<i32>} : memref<4x8192xf32, #tpu.memory_space<vmem>>, vector<16xf32>,
          %mul3A_804 = arith.constant 8 : i32
          %mul3A_805 = arith.muli %scan3A_793, %mul3A_804 : i32
          %add3A_806 = arith.constant 1 : i32
          %add3A_807 = arith.addi %mul3A_805, %add3A_806 : i32
          %mul3A_808 = arith.constant 16 : i32
          %mul3A_809 = arith.muli %add3A_807, %mul3A_808 : i32
          %get3A_810 = arith.constant 2 : i32
          %get3A_811 = arith.index_cast %get3A_810 : i32 to index
          %get3A_812 = arith.index_cast %mul3A_809 : i32 to index
          %get3A_813 = tpu.vector_load %arg5[%get3A_811, %get3A_812] {strides = array<i32>} : memref<4x8192xf32, #tpu.memory_space<vmem>>, vector<16xf32>,
          %mul3A_814 = arith.constant 8 : i32
          %mul3A_815 = arith.muli %scan3A_793, %mul3A_814 : i32
          %add3A_816 = arith.constant 2 : i32
          %add3A_817 = arith.addi %mul3A_815, %add3A_816 : i32
          %mul3A_818 = arith.constant 16 : i32
          %mul3A_819 = arith.muli %add3A_817, %mul3A_818 : i32
          %get3A_820 = arith.constant 2 : i32
          %get3A_821 = arith.index_cast %get3A_820 : i32 to index
          %get3A_822 = arith.index_cast %mul3A_819 : i32 to index
          %get3A_823 = tpu.vector_load %arg5[%get3A_821, %get3A_822] {strides = array<i32>} : memref<4x8192xf32, #tpu.memory_space<vmem>>, vector<16xf32>,
          %mul3A_824 = arith.constant 8 : i32
          %mul3A_825 = arith.muli %scan3A_793, %mul3A_824 : i32
          %add3A_826 = arith.constant 3 : i32
          %add3A_827 = arith.addi %mul3A_825, %add3A_826 : i32
          %mul3A_828 = arith.constant 16 : i32
          %mul3A_829 = arith.muli %add3A_827, %mul3A_828 : i32
          %get3A_830 = arith.constant 2 : i32
          %get3A_831 = arith.index_cast %get3A_830 : i32 to index
          %get3A_832 = arith.index_cast %mul3A_829 : i32 to index
          %get3A_833 = tpu.vector_load %arg5[%get3A_831, %get3A_832] {strides = array<i32>} : memref<4x8192xf32, #tpu.memory_space<vmem>>, vector<16xf32>,
          %mul3A_834 = arith.constant 8 : i32
          %mul3A_835 = arith.muli %scan3A_793, %mul3A_834 : i32
          %add3A_836 = arith.constant 4 : i32
          %add3A_837 = arith.addi %mul3A_835, %add3A_836 : i32
          %mul3A_838 = arith.constant 16 : i32
          %mul3A_839 = arith.muli %add3A_837, %mul3A_838 : i32
          %get3A_840 = arith.constant 2 : i32
          %get3A_841 = arith.index_cast %get3A_840 : i32 to index
          %get3A_842 = arith.index_cast %mul3A_839 : i32 to index
          %get3A_843 = tpu.vector_load %arg5[%get3A_841, %get3A_842] {strides = array<i32>} : memref<4x8192xf32, #tpu.memory_space<vmem>>, vector<16xf32>,
          %mul3A_844 = arith.constant 8 : i32
          %mul3A_845 = arith.muli %scan3A_793, %mul3A_844 : i32
          %add3A_846 = arith.constant 5 : i32
          %add3A_847 = arith.addi %mul3A_845, %add3A_846 : i32
          %mul3A_848 = arith.constant 16 : i32
          %mul3A_849 = arith.muli %add3A_847, %mul3A_848 : i32
          %get3A_850 = arith.constant 2 : i32
          %get3A_851 = arith.index_cast %get3A_850 : i32 to index
          %get3A_852 = arith.index_cast %mul3A_849 : i32 to index
          %get3A_853 = tpu.vector_load %arg5[%get3A_851, %get3A_852] {strides = array<i32>} : memref<4x8192xf32, #tpu.memory_space<vmem>>, vector<16xf32>,
          %mul3A_854 = arith.constant 8 : i32
          %mul3A_855 = arith.muli %scan3A_793, %mul3A_854 : i32
          %add3A_856 = arith.constant 6 : i32
          %add3A_857 = arith.addi %mul3A_855, %add3A_856 : i32
          %mul3A_858 = arith.constant 16 : i32
          %mul3A_859 = arith.muli %add3A_857, %mul3A_858 : i32
          %get3A_860 = arith.constant 2 : i32
          %get3A_861 = arith.index_cast %get3A_860 : i32 to index
          %get3A_862 = arith.index_cast %mul3A_859 : i32 to index
          %get3A_863 = tpu.vector_load %arg5[%get3A_861, %get3A_862] {strides = array<i32>} : memref<4x8192xf32, #tpu.memory_space<vmem>>, vector<16xf32>,
          %mul3A_864 = arith.constant 8 : i32
          %mul3A_865 = arith.muli %scan3A_793, %mul3A_864 : i32
          %add3A_866 = arith.constant 7 : i32
          %add3A_867 = arith.addi %mul3A_865, %add3A_866 : i32
          %mul3A_868 = arith.constant 16 : i32
          %mul3A_869 = arith.muli %add3A_867, %mul3A_868 : i32
          %get3A_870 = arith.constant 2 : i32
          %get3A_871 = arith.index_cast %get3A_870 : i32 to index
          %get3A_872 = arith.index_cast %mul3A_869 : i32 to index
          %get3A_873 = tpu.vector_load %arg5[%get3A_871, %get3A_872] {strides = array<i32>} : memref<4x8192xf32, #tpu.memory_space<vmem>>, vector<16xf32>,
          %abs3A = math.absf %get3A_803 : vector<16xf32>
          %mul3A_874 = arith.constant 1.280000e+02 : f32
          %mul3A_875 = vector.broadcast %mul3A_874 : f32 to vector<16xf32>
          %mul3A_876 = arith.mulf %abs3A, %mul3A_875 : vector<16xf32>
          %min3A = arith.constant 1.023500e+03 : f32
          %min3A_877 = vector.broadcast %min3A : f32 to vector<16xf32>
          %min3A_878 = arith.minimumf %mul3A_876, %min3A_877 : vector<16xf32>
          %add3A_879 = arith.addf %min3A_878, %add3A_752 : vector<16xf32>
          %convert_element_type3A_880 = arith.fptosi %add3A_879 : vector<16xf32> to vector<16xi32>
          %abs3A_881 = math.absf %get3A_813 : vector<16xf32>
          %mul3A_882 = arith.constant 1.280000e+02 : f32
          %mul3A_883 = vector.broadcast %mul3A_882 : f32 to vector<16xf32>
          %mul3A_884 = arith.mulf %abs3A_881, %mul3A_883 : vector<16xf32>
          %min3A_885 = arith.constant 1.023500e+03 : f32
          %min3A_886 = vector.broadcast %min3A_885 : f32 to vector<16xf32>
          %min3A_887 = arith.minimumf %mul3A_884, %min3A_886 : vector<16xf32>
          %add3A_888 = arith.addf %min3A_887, %add3A_752 : vector<16xf32>
          %convert_element_type3A_889 = arith.fptosi %add3A_888 : vector<16xf32> to vector<16xi32>
          %abs3A_890 = math.absf %get3A_823 : vector<16xf32>
          %mul3A_891 = arith.constant 1.280000e+02 : f32
          %mul3A_892 = vector.broadcast %mul3A_891 : f32 to vector<16xf32>
          %mul3A_893 = arith.mulf %abs3A_890, %mul3A_892 : vector<16xf32>
          %min3A_894 = arith.constant 1.023500e+03 : f32
          %min3A_895 = vector.broadcast %min3A_894 : f32 to vector<16xf32>
          %min3A_896 = arith.minimumf %mul3A_893, %min3A_895 : vector<16xf32>
          %add3A_897 = arith.addf %min3A_896, %add3A_752 : vector<16xf32>
          %convert_element_type3A_898 = arith.fptosi %add3A_897 : vector<16xf32> to vector<16xi32>
          %abs3A_899 = math.absf %get3A_833 : vector<16xf32>
          %mul3A_900 = arith.constant 1.280000e+02 : f32
          %mul3A_901 = vector.broadcast %mul3A_900 : f32 to vector<16xf32>
          %mul3A_902 = arith.mulf %abs3A_899, %mul3A_901 : vector<16xf32>
          %min3A_903 = arith.constant 1.023500e+03 : f32
          %min3A_904 = vector.broadcast %min3A_903 : f32 to vector<16xf32>
          %min3A_905 = arith.minimumf %mul3A_902, %min3A_904 : vector<16xf32>
          %add3A_906 = arith.addf %min3A_905, %add3A_752 : vector<16xf32>
          %convert_element_type3A_907 = arith.fptosi %add3A_906 : vector<16xf32> to vector<16xi32>
          %abs3A_908 = math.absf %get3A_843 : vector<16xf32>
          %mul3A_909 = arith.constant 1.280000e+02 : f32
          %mul3A_910 = vector.broadcast %mul3A_909 : f32 to vector<16xf32>
          %mul3A_911 = arith.mulf %abs3A_908, %mul3A_910 : vector<16xf32>
          %min3A_912 = arith.constant 1.023500e+03 : f32
          %min3A_913 = vector.broadcast %min3A_912 : f32 to vector<16xf32>
          %min3A_914 = arith.minimumf %mul3A_911, %min3A_913 : vector<16xf32>
          %add3A_915 = arith.addf %min3A_914, %add3A_752 : vector<16xf32>
          %convert_element_type3A_916 = arith.fptosi %add3A_915 : vector<16xf32> to vector<16xi32>
          %abs3A_917 = math.absf %get3A_853 : vector<16xf32>
          %mul3A_918 = arith.constant 1.280000e+02 : f32
          %mul3A_919 = vector.broadcast %mul3A_918 : f32 to vector<16xf32>
          %mul3A_920 = arith.mulf %abs3A_917, %mul3A_919 : vector<16xf32>
          %min3A_921 = arith.constant 1.023500e+03 : f32
          %min3A_922 = vector.broadcast %min3A_921 : f32 to vector<16xf32>
          %min3A_923 = arith.minimumf %mul3A_920, %min3A_922 : vector<16xf32>
          %add3A_924 = arith.addf %min3A_923, %add3A_752 : vector<16xf32>
          %convert_element_type3A_925 = arith.fptosi %add3A_924 : vector<16xf32> to vector<16xi32>
          %abs3A_926 = math.absf %get3A_863 : vector<16xf32>
          %mul3A_927 = arith.constant 1.280000e+02 : f32
          %mul3A_928 = vector.broadcast %mul3A_927 : f32 to vector<16xf32>
          %mul3A_929 = arith.mulf %abs3A_926, %mul3A_928 : vector<16xf32>
          %min3A_930 = arith.constant 1.023500e+03 : f32
          %min3A_931 = vector.broadcast %min3A_930 : f32 to vector<16xf32>
          %min3A_932 = arith.minimumf %mul3A_929, %min3A_931 : vector<16xf32>
          %add3A_933 = arith.addf %min3A_932, %add3A_752 : vector<16xf32>
          %convert_element_type3A_934 = arith.fptosi %add3A_933 : vector<16xf32> to vector<16xi32>
          %abs3A_935 = math.absf %get3A_873 : vector<16xf32>
          %mul3A_936 = arith.constant 1.280000e+02 : f32
          %mul3A_937 = vector.broadcast %mul3A_936 : f32 to vector<16xf32>
          %mul3A_938 = arith.mulf %abs3A_935, %mul3A_937 : vector<16xf32>
          %min3A_939 = arith.constant 1.023500e+03 : f32
          %min3A_940 = vector.broadcast %min3A_939 : f32 to vector<16xf32>
          %min3A_941 = arith.minimumf %mul3A_938, %min3A_940 : vector<16xf32>
          %add3A_942 = arith.addf %min3A_941, %add3A_752 : vector<16xf32>
          %convert_element_type3A_943 = arith.fptosi %add3A_942 : vector<16xf32> to vector<16xi32>
          tpu.vector_store_idx %arg9[%convert_element_type3A_880], %broadcast_in_dim3A_1 {add = true} : memref<43008xf32, #tpu.memory_space<vmem>>[vector<16xi32>], vector<16xf32>,
          tpu.vector_store_idx %arg9[%convert_element_type3A_889], %broadcast_in_dim3A_1 {add = true} : memref<43008xf32, #tpu.memory_space<vmem>>[vector<16xi32>], vector<16xf32>,
          tpu.vector_store_idx %arg9[%convert_element_type3A_898], %broadcast_in_dim3A_1 {add = true} : memref<43008xf32, #tpu.memory_space<vmem>>[vector<16xi32>], vector<16xf32>,
          tpu.vector_store_idx %arg9[%convert_element_type3A_907], %broadcast_in_dim3A_1 {add = true} : memref<43008xf32, #tpu.memory_space<vmem>>[vector<16xi32>], vector<16xf32>,
          tpu.vector_store_idx %arg9[%convert_element_type3A_916], %broadcast_in_dim3A_1 {add = true} : memref<43008xf32, #tpu.memory_space<vmem>>[vector<16xi32>], vector<16xf32>,
          tpu.vector_store_idx %arg9[%convert_element_type3A_925], %broadcast_in_dim3A_1 {add = true} : memref<43008xf32, #tpu.memory_space<vmem>>[vector<16xi32>], vector<16xf32>,
          tpu.vector_store_idx %arg9[%convert_element_type3A_934], %broadcast_in_dim3A_1 {add = true} : memref<43008xf32, #tpu.memory_space<vmem>>[vector<16xi32>], vector<16xf32>,
          tpu.vector_store_idx %arg9[%convert_element_type3A_943], %broadcast_in_dim3A_1 {add = true} : memref<43008xf32, #tpu.memory_space<vmem>>[vector<16xi32>], vector<16xf32>,
          %scan3A_944 = arith.constant 0 : i32
          scf.yield %scan3A_944 : i32
        }
        %scan3A_759 = arith.constant 64 : i32
        %dma_wait3A_760 = arith.constant 3 : i32
        %dma_wait3A_761 = arith.constant 0 : i32
        %dma_wait3A_762 = tpu.memref_slice %arg5[%dma_wait3A_760, %dma_wait3A_761] : memref<4x8192xf32, #tpu.memory_space<vmem>> -> memref<1x8192xf32, #tpu.memory_space<vmem>>
        %dma_wait3A_763 = tpu.memref_squeeze %dma_wait3A_762 : memref<1x8192xf32, #tpu.memory_space<vmem>> -> memref<8192xf32, #tpu.memory_space<vmem>>
        %dma_wait3A_764 = arith.constant 0 : i32
        %dma_wait3A_765 = tpu.memref_slice %arg2[%dma_wait3A_764] : memref<22020096xf32, #tpu.memory_space<hbm>> -> memref<8192xf32, #tpu.memory_space<hbm>>
        %dma_wait3A_766 = arith.constant 0 : i32
        %dma_wait3A_767 = tpu.memref_slice %arg5[%dma_wait3A_760, %dma_wait3A_766] : memref<4x8192xf32, #tpu.memory_space<vmem>> -> memref<1x8192xf32, #tpu.memory_space<vmem>>
        %dma_wait3A_768 = tpu.memref_squeeze %dma_wait3A_767 : memref<1x8192xf32, #tpu.memory_space<vmem>> -> memref<8192xf32, #tpu.memory_space<vmem>>
        %dma_wait3A_769 = arith.constant 0 : i32
        %dma_wait3A_770 = tpu.memref_slice %arg2[%dma_wait3A_769] : memref<22020096xf32, #tpu.memory_space<hbm>> -> memref<8192xf32, #tpu.memory_space<hbm>>
        tpu.wait_dma2 semaphore(%arg13 : memref<!tpu.dma_semaphore, #tpu.memory_space<semaphore_mem>>) src(%dma_wait3A_770 : memref<8192xf32, #tpu.memory_space<hbm>>) dst(%dma_wait3A_768 : memref<8192xf32, #tpu.memory_space<vmem>>)
        %add3A_771 = arith.constant 6 : i32
        %add3A_772 = arith.addi %mul3A_613, %add3A_771 : i32
        %lt3A_773 = arith.constant 21 : i32
        %lt3A_774 = arith.cmpi slt, %add3A_772, %lt3A_773 : i32
        %convert_element_type3A_775 = arith.extui %lt3A_774 : i1 to i32
        %cond3A_776 = arith.constant 0 : i32
        %cond3A_777 = arith.cmpi ne, %convert_element_type3A_775, %cond3A_776 : i32
        scf.if %cond3A_777 {
          %add3A_793 = arith.constant 6 : i32
          %add3A_794 = arith.addi %mul3A_613, %add3A_793 : i32
          %jit3A_795 = arith.constant 32 : i32
          %div3A_796 = arith.divsi %add3A_319, %jit3A_795 : i32
          %sign3A_797 = arith.constant 0 : i32
          %sign3A_798 = arith.cmpi sgt, %add3A_319, %sign3A_797 : i32
          %sign3A_799 = arith.extui %sign3A_798 : i1 to i32
          %sign3A_800 = arith.constant 0 : i32
          %sign3A_801 = arith.cmpi slt, %add3A_319, %sign3A_800 : i32
          %sign3A_802 = arith.extui %sign3A_801 : i1 to i32
          %sign3A_803 = arith.subi %sign3A_799, %sign3A_802 : i32
          %sign3A_804 = arith.constant 0 : i32
          %sign3A_805 = arith.cmpi sgt, %jit3A_795, %sign3A_804 : i32
          %sign3A_806 = arith.extui %sign3A_805 : i1 to i32
          %sign3A_807 = arith.constant 0 : i32
          %sign3A_808 = arith.cmpi slt, %jit3A_795, %sign3A_807 : i32
          %sign3A_809 = arith.extui %sign3A_808 : i1 to i32
          %sign3A_810 = arith.subi %sign3A_806, %sign3A_809 : i32
          %ne3A_811 = arith.cmpi ne, %sign3A_803, %sign3A_810 : i32
          %rem3A_812 = arith.remsi %add3A_319, %jit3A_795 : i32
          %ne3A_813 = arith.constant 0 : i32
          %ne3A_814 = arith.cmpi ne, %rem3A_812, %ne3A_813 : i32
          %and3A_815 = arith.andi %ne3A_811, %ne3A_814 : i1
          %sub3A_816 = arith.constant 1 : i32
          %sub3A_817 = arith.subi %div3A_796, %sub3A_816 : i32
          %select_n3A_818 = arith.select %and3A_815, %sub3A_817, %div3A_796 : i32
          %jit3A_819 = arith.constant 32 : i32
          %eq3A_820 = arith.constant 0 : i32
          %eq3A_821 = arith.cmpi eq, %jit3A_819, %eq3A_820 : i32
          %jit3A_822 = arith.constant 1 : i32
          %select_n3A_823 = arith.select %eq3A_821, %jit3A_822, %jit3A_819 : i32
          %rem3A_824 = arith.remsi %add3A_319, %select_n3A_823 : i32
          %ne3A_825 = arith.constant 0 : i32
          %ne3A_826 = arith.cmpi ne, %rem3A_824, %ne3A_825 : i32
          %lt3A_827 = arith.constant 0 : i32
          %lt3A_828 = arith.cmpi slt, %rem3A_824, %lt3A_827 : i32
          %lt3A_829 = arith.constant 0 : i32
          %lt3A_830 = arith.cmpi slt, %select_n3A_823, %lt3A_829 : i32
          %ne3A_831 = arith.xori %lt3A_828, %lt3A_830 : i1
          %and3A_832 = arith.andi %ne3A_831, %ne3A_826 : i1
          %add3A_833 = arith.addi %rem3A_824, %select_n3A_823 : i32
          %select_n3A_834 = arith.select %and3A_832, %add3A_833, %rem3A_824 : i32
          %mul3A_835 = arith.constant 8192 : i32
          %mul3A_836 = arith.muli %select_n3A_834, %mul3A_835 : i32
          %mul3A_837 = arith.constant 21 : i32
          %mul3A_838 = arith.muli %select_n3A_818, %mul3A_837 : i32
          %add3A_839 = arith.addi %mul3A_838, %add3A_794 : i32
          %mul3A_840 = arith.constant 262144 : i32
          %mul3A_841 = arith.muli %add3A_839, %mul3A_840 : i32
          %add3A_842 = arith.addi %mul3A_841, %mul3A_836 : i32
          %dma_start3A_843 = arith.constant 2 : i32
          %dma_start3A_844 = arith.constant 0 : i32
          %dma_start3A_845 = tpu.memref_slice %arg5[%dma_start3A_843, %dma_start3A_844] : memref<4x8192xf32, #tpu.memory_space<vmem>> -> memref<1x8192xf32, #tpu.memory_space<vmem>>
          %dma_start3A_846 = tpu.memref_squeeze %dma_start3A_845 : memref<1x8192xf32, #tpu.memory_space<vmem>> -> memref<8192xf32, #tpu.memory_space<vmem>>
          %dma_start3A_847 = tpu.memref_slice %arg2[%add3A_842] : memref<22020096xf32, #tpu.memory_space<hbm>> -> memref<8192xf32, #tpu.memory_space<hbm>>
          %dma_start3A_848 = arith.constant 0 : i32
          %dma_start3A_849 = tpu.memref_slice %arg5[%dma_start3A_843, %dma_start3A_848] : memref<4x8192xf32, #tpu.memory_space<vmem>> -> memref<1x8192xf32, #tpu.memory_space<vmem>>
          %dma_start3A_850 = tpu.memref_squeeze %dma_start3A_849 : memref<1x8192xf32, #tpu.memory_space<vmem>> -> memref<8192xf32, #tpu.memory_space<vmem>>
          %dma_start3A_851 = tpu.memref_slice %arg2[%add3A_842] : memref<22020096xf32, #tpu.memory_space<hbm>> -> memref<8192xf32, #tpu.memory_space<hbm>>
          tpu.enqueue_dma source(%dma_start3A_851 : memref<8192xf32, #tpu.memory_space<hbm>>) target(%dma_start3A_850 : memref<8192xf32, #tpu.memory_space<vmem>>) target_semaphore(%arg12 : memref<!tpu.dma_semaphore, #tpu.memory_space<semaphore_mem>>)
        } else {
        }
        %add3A_778 = arith.constant 3 : i32
        %add3A_779 = arith.addi %mul3A_613, %add3A_778 : i32
        %mul3A_780 = arith.constant 2048 : i32
        %mul3A_781 = arith.muli %add3A_779, %mul3A_780 : i32
        %convert_element_type3A_782 = arith.sitofp %mul3A_781 : i32 to f32
        %add3A_783 = vector.broadcast %convert_element_type3A_782 : f32 to vector<16xf32>
        %add3A_784 = arith.addf %broadcast_in_dim3A_5, %add3A_783 : vector<16xf32>
        %scan3A_785 = arith.constant 0 : i32
        %scan3A_786 = arith.constant 0 : i32
        %scan3A_787 = arith.constant 64 : i32
        %scan3A_788 = arith.addi %scan3A_786, %scan3A_787 : i32
        %scan3A_789 = arith.constant 1 : i32
        %scan3A_790 = scf.for %scan3A_793 = %scan3A_786 to %scan3A_788 step %scan3A_789 iter_args(%scan3A_794 = %scan3A_785) -> (i32)  : i32 {
          %mul3A_795 = arith.constant 8 : i32
          %mul3A_796 = arith.muli %scan3A_793, %mul3A_795 : i32
          %add3A_797 = arith.constant 0 : i32
          %add3A_798 = arith.addi %mul3A_796, %add3A_797 : i32
          %mul3A_799 = arith.constant 16 : i32
          %mul3A_800 = arith.muli %add3A_798, %mul3A_799 : i32
          %get3A = arith.constant 3 : i32
          %get3A_801 = arith.index_cast %get3A : i32 to index
          %get3A_802 = arith.index_cast %mul3A_800 : i32 to index
          %get3A_803 = tpu.vector_load %arg5[%get3A_801, %get3A_802] {strides = array<i32>} : memref<4x8192xf32, #tpu.memory_space<vmem>>, vector<16xf32>,
          %mul3A_804 = arith.constant 8 : i32
          %mul3A_805 = arith.muli %scan3A_793, %mul3A_804 : i32
          %add3A_806 = arith.constant 1 : i32
          %add3A_807 = arith.addi %mul3A_805, %add3A_806 : i32
          %mul3A_808 = arith.constant 16 : i32
          %mul3A_809 = arith.muli %add3A_807, %mul3A_808 : i32
          %get3A_810 = arith.constant 3 : i32
          %get3A_811 = arith.index_cast %get3A_810 : i32 to index
          %get3A_812 = arith.index_cast %mul3A_809 : i32 to index
          %get3A_813 = tpu.vector_load %arg5[%get3A_811, %get3A_812] {strides = array<i32>} : memref<4x8192xf32, #tpu.memory_space<vmem>>, vector<16xf32>,
          %mul3A_814 = arith.constant 8 : i32
          %mul3A_815 = arith.muli %scan3A_793, %mul3A_814 : i32
          %add3A_816 = arith.constant 2 : i32
          %add3A_817 = arith.addi %mul3A_815, %add3A_816 : i32
          %mul3A_818 = arith.constant 16 : i32
          %mul3A_819 = arith.muli %add3A_817, %mul3A_818 : i32
          %get3A_820 = arith.constant 3 : i32
          %get3A_821 = arith.index_cast %get3A_820 : i32 to index
          %get3A_822 = arith.index_cast %mul3A_819 : i32 to index
          %get3A_823 = tpu.vector_load %arg5[%get3A_821, %get3A_822] {strides = array<i32>} : memref<4x8192xf32, #tpu.memory_space<vmem>>, vector<16xf32>,
          %mul3A_824 = arith.constant 8 : i32
          %mul3A_825 = arith.muli %scan3A_793, %mul3A_824 : i32
          %add3A_826 = arith.constant 3 : i32
          %add3A_827 = arith.addi %mul3A_825, %add3A_826 : i32
          %mul3A_828 = arith.constant 16 : i32
          %mul3A_829 = arith.muli %add3A_827, %mul3A_828 : i32
          %get3A_830 = arith.constant 3 : i32
          %get3A_831 = arith.index_cast %get3A_830 : i32 to index
          %get3A_832 = arith.index_cast %mul3A_829 : i32 to index
          %get3A_833 = tpu.vector_load %arg5[%get3A_831, %get3A_832] {strides = array<i32>} : memref<4x8192xf32, #tpu.memory_space<vmem>>, vector<16xf32>,
          %mul3A_834 = arith.constant 8 : i32
          %mul3A_835 = arith.muli %scan3A_793, %mul3A_834 : i32
          %add3A_836 = arith.constant 4 : i32
          %add3A_837 = arith.addi %mul3A_835, %add3A_836 : i32
          %mul3A_838 = arith.constant 16 : i32
          %mul3A_839 = arith.muli %add3A_837, %mul3A_838 : i32
          %get3A_840 = arith.constant 3 : i32
          %get3A_841 = arith.index_cast %get3A_840 : i32 to index
          %get3A_842 = arith.index_cast %mul3A_839 : i32 to index
          %get3A_843 = tpu.vector_load %arg5[%get3A_841, %get3A_842] {strides = array<i32>} : memref<4x8192xf32, #tpu.memory_space<vmem>>, vector<16xf32>,
          %mul3A_844 = arith.constant 8 : i32
          %mul3A_845 = arith.muli %scan3A_793, %mul3A_844 : i32
          %add3A_846 = arith.constant 5 : i32
          %add3A_847 = arith.addi %mul3A_845, %add3A_846 : i32
          %mul3A_848 = arith.constant 16 : i32
          %mul3A_849 = arith.muli %add3A_847, %mul3A_848 : i32
          %get3A_850 = arith.constant 3 : i32
          %get3A_851 = arith.index_cast %get3A_850 : i32 to index
          %get3A_852 = arith.index_cast %mul3A_849 : i32 to index
          %get3A_853 = tpu.vector_load %arg5[%get3A_851, %get3A_852] {strides = array<i32>} : memref<4x8192xf32, #tpu.memory_space<vmem>>, vector<16xf32>,
          %mul3A_854 = arith.constant 8 : i32
          %mul3A_855 = arith.muli %scan3A_793, %mul3A_854 : i32
          %add3A_856 = arith.constant 6 : i32
          %add3A_857 = arith.addi %mul3A_855, %add3A_856 : i32
          %mul3A_858 = arith.constant 16 : i32
          %mul3A_859 = arith.muli %add3A_857, %mul3A_858 : i32
          %get3A_860 = arith.constant 3 : i32
          %get3A_861 = arith.index_cast %get3A_860 : i32 to index
          %get3A_862 = arith.index_cast %mul3A_859 : i32 to index
          %get3A_863 = tpu.vector_load %arg5[%get3A_861, %get3A_862] {strides = array<i32>} : memref<4x8192xf32, #tpu.memory_space<vmem>>, vector<16xf32>,
          %mul3A_864 = arith.constant 8 : i32
          %mul3A_865 = arith.muli %scan3A_793, %mul3A_864 : i32
          %add3A_866 = arith.constant 7 : i32
          %add3A_867 = arith.addi %mul3A_865, %add3A_866 : i32
          %mul3A_868 = arith.constant 16 : i32
          %mul3A_869 = arith.muli %add3A_867, %mul3A_868 : i32
          %get3A_870 = arith.constant 3 : i32
          %get3A_871 = arith.index_cast %get3A_870 : i32 to index
          %get3A_872 = arith.index_cast %mul3A_869 : i32 to index
          %get3A_873 = tpu.vector_load %arg5[%get3A_871, %get3A_872] {strides = array<i32>} : memref<4x8192xf32, #tpu.memory_space<vmem>>, vector<16xf32>,
          %abs3A = math.absf %get3A_803 : vector<16xf32>
          %mul3A_874 = arith.constant 1.280000e+02 : f32
          %mul3A_875 = vector.broadcast %mul3A_874 : f32 to vector<16xf32>
          %mul3A_876 = arith.mulf %abs3A, %mul3A_875 : vector<16xf32>
          %min3A = arith.constant 1.023500e+03 : f32
          %min3A_877 = vector.broadcast %min3A : f32 to vector<16xf32>
          %min3A_878 = arith.minimumf %mul3A_876, %min3A_877 : vector<16xf32>
          %add3A_879 = arith.addf %min3A_878, %add3A_784 : vector<16xf32>
          %convert_element_type3A_880 = arith.fptosi %add3A_879 : vector<16xf32> to vector<16xi32>
          %abs3A_881 = math.absf %get3A_813 : vector<16xf32>
          %mul3A_882 = arith.constant 1.280000e+02 : f32
          %mul3A_883 = vector.broadcast %mul3A_882 : f32 to vector<16xf32>
          %mul3A_884 = arith.mulf %abs3A_881, %mul3A_883 : vector<16xf32>
          %min3A_885 = arith.constant 1.023500e+03 : f32
          %min3A_886 = vector.broadcast %min3A_885 : f32 to vector<16xf32>
          %min3A_887 = arith.minimumf %mul3A_884, %min3A_886 : vector<16xf32>
          %add3A_888 = arith.addf %min3A_887, %add3A_784 : vector<16xf32>
          %convert_element_type3A_889 = arith.fptosi %add3A_888 : vector<16xf32> to vector<16xi32>
          %abs3A_890 = math.absf %get3A_823 : vector<16xf32>
          %mul3A_891 = arith.constant 1.280000e+02 : f32
          %mul3A_892 = vector.broadcast %mul3A_891 : f32 to vector<16xf32>
          %mul3A_893 = arith.mulf %abs3A_890, %mul3A_892 : vector<16xf32>
          %min3A_894 = arith.constant 1.023500e+03 : f32
          %min3A_895 = vector.broadcast %min3A_894 : f32 to vector<16xf32>
          %min3A_896 = arith.minimumf %mul3A_893, %min3A_895 : vector<16xf32>
          %add3A_897 = arith.addf %min3A_896, %add3A_784 : vector<16xf32>
          %convert_element_type3A_898 = arith.fptosi %add3A_897 : vector<16xf32> to vector<16xi32>
          %abs3A_899 = math.absf %get3A_833 : vector<16xf32>
          %mul3A_900 = arith.constant 1.280000e+02 : f32
          %mul3A_901 = vector.broadcast %mul3A_900 : f32 to vector<16xf32>
          %mul3A_902 = arith.mulf %abs3A_899, %mul3A_901 : vector<16xf32>
          %min3A_903 = arith.constant 1.023500e+03 : f32
          %min3A_904 = vector.broadcast %min3A_903 : f32 to vector<16xf32>
          %min3A_905 = arith.minimumf %mul3A_902, %min3A_904 : vector<16xf32>
          %add3A_906 = arith.addf %min3A_905, %add3A_784 : vector<16xf32>
          %convert_element_type3A_907 = arith.fptosi %add3A_906 : vector<16xf32> to vector<16xi32>
          %abs3A_908 = math.absf %get3A_843 : vector<16xf32>
          %mul3A_909 = arith.constant 1.280000e+02 : f32
          %mul3A_910 = vector.broadcast %mul3A_909 : f32 to vector<16xf32>
          %mul3A_911 = arith.mulf %abs3A_908, %mul3A_910 : vector<16xf32>
          %min3A_912 = arith.constant 1.023500e+03 : f32
          %min3A_913 = vector.broadcast %min3A_912 : f32 to vector<16xf32>
          %min3A_914 = arith.minimumf %mul3A_911, %min3A_913 : vector<16xf32>
          %add3A_915 = arith.addf %min3A_914, %add3A_784 : vector<16xf32>
          %convert_element_type3A_916 = arith.fptosi %add3A_915 : vector<16xf32> to vector<16xi32>
          %abs3A_917 = math.absf %get3A_853 : vector<16xf32>
          %mul3A_918 = arith.constant 1.280000e+02 : f32
          %mul3A_919 = vector.broadcast %mul3A_918 : f32 to vector<16xf32>
          %mul3A_920 = arith.mulf %abs3A_917, %mul3A_919 : vector<16xf32>
          %min3A_921 = arith.constant 1.023500e+03 : f32
          %min3A_922 = vector.broadcast %min3A_921 : f32 to vector<16xf32>
          %min3A_923 = arith.minimumf %mul3A_920, %min3A_922 : vector<16xf32>
          %add3A_924 = arith.addf %min3A_923, %add3A_784 : vector<16xf32>
          %convert_element_type3A_925 = arith.fptosi %add3A_924 : vector<16xf32> to vector<16xi32>
          %abs3A_926 = math.absf %get3A_863 : vector<16xf32>
          %mul3A_927 = arith.constant 1.280000e+02 : f32
          %mul3A_928 = vector.broadcast %mul3A_927 : f32 to vector<16xf32>
          %mul3A_929 = arith.mulf %abs3A_926, %mul3A_928 : vector<16xf32>
          %min3A_930 = arith.constant 1.023500e+03 : f32
          %min3A_931 = vector.broadcast %min3A_930 : f32 to vector<16xf32>
          %min3A_932 = arith.minimumf %mul3A_929, %min3A_931 : vector<16xf32>
          %add3A_933 = arith.addf %min3A_932, %add3A_784 : vector<16xf32>
          %convert_element_type3A_934 = arith.fptosi %add3A_933 : vector<16xf32> to vector<16xi32>
          %abs3A_935 = math.absf %get3A_873 : vector<16xf32>
          %mul3A_936 = arith.constant 1.280000e+02 : f32
          %mul3A_937 = vector.broadcast %mul3A_936 : f32 to vector<16xf32>
          %mul3A_938 = arith.mulf %abs3A_935, %mul3A_937 : vector<16xf32>
          %min3A_939 = arith.constant 1.023500e+03 : f32
          %min3A_940 = vector.broadcast %min3A_939 : f32 to vector<16xf32>
          %min3A_941 = arith.minimumf %mul3A_938, %min3A_940 : vector<16xf32>
          %add3A_942 = arith.addf %min3A_941, %add3A_784 : vector<16xf32>
          %convert_element_type3A_943 = arith.fptosi %add3A_942 : vector<16xf32> to vector<16xi32>
          tpu.vector_store_idx %arg9[%convert_element_type3A_880], %broadcast_in_dim3A_1 {add = true} : memref<43008xf32, #tpu.memory_space<vmem>>[vector<16xi32>], vector<16xf32>,
          tpu.vector_store_idx %arg9[%convert_element_type3A_889], %broadcast_in_dim3A_1 {add = true} : memref<43008xf32, #tpu.memory_space<vmem>>[vector<16xi32>], vector<16xf32>,
          tpu.vector_store_idx %arg9[%convert_element_type3A_898], %broadcast_in_dim3A_1 {add = true} : memref<43008xf32, #tpu.memory_space<vmem>>[vector<16xi32>], vector<16xf32>,
          tpu.vector_store_idx %arg9[%convert_element_type3A_907], %broadcast_in_dim3A_1 {add = true} : memref<43008xf32, #tpu.memory_space<vmem>>[vector<16xi32>], vector<16xf32>,
          tpu.vector_store_idx %arg9[%convert_element_type3A_916], %broadcast_in_dim3A_1 {add = true} : memref<43008xf32, #tpu.memory_space<vmem>>[vector<16xi32>], vector<16xf32>,
          tpu.vector_store_idx %arg9[%convert_element_type3A_925], %broadcast_in_dim3A_1 {add = true} : memref<43008xf32, #tpu.memory_space<vmem>>[vector<16xi32>], vector<16xf32>,
          tpu.vector_store_idx %arg9[%convert_element_type3A_934], %broadcast_in_dim3A_1 {add = true} : memref<43008xf32, #tpu.memory_space<vmem>>[vector<16xi32>], vector<16xf32>,
          tpu.vector_store_idx %arg9[%convert_element_type3A_943], %broadcast_in_dim3A_1 {add = true} : memref<43008xf32, #tpu.memory_space<vmem>>[vector<16xi32>], vector<16xf32>,
          %scan3A_944 = arith.constant 0 : i32
          scf.yield %scan3A_944 : i32
        }
        %scan3A_791 = arith.constant 64 : i32
        %scan3A_792 = arith.constant 0 : i32
        scf.yield %scan3A_792 : i32
      }
      %scan3A_575 = arith.constant 5 : i32
      %dma_wait3A_576 = arith.constant 0 : i32
      %dma_wait3A_577 = arith.constant 0 : i32
      %dma_wait3A_578 = tpu.memref_slice %arg5[%dma_wait3A_576, %dma_wait3A_577] : memref<4x8192xf32, #tpu.memory_space<vmem>> -> memref<1x8192xf32, #tpu.memory_space<vmem>>
      %dma_wait3A_579 = tpu.memref_squeeze %dma_wait3A_578 : memref<1x8192xf32, #tpu.memory_space<vmem>> -> memref<8192xf32, #tpu.memory_space<vmem>>
      %dma_wait3A_580 = arith.constant 0 : i32
      %dma_wait3A_581 = tpu.memref_slice %arg2[%dma_wait3A_580] : memref<22020096xf32, #tpu.memory_space<hbm>> -> memref<8192xf32, #tpu.memory_space<hbm>>
      %dma_wait3A_582 = arith.constant 0 : i32
      %dma_wait3A_583 = tpu.memref_slice %arg5[%dma_wait3A_576, %dma_wait3A_582] : memref<4x8192xf32, #tpu.memory_space<vmem>> -> memref<1x8192xf32, #tpu.memory_space<vmem>>
      %dma_wait3A_584 = tpu.memref_squeeze %dma_wait3A_583 : memref<1x8192xf32, #tpu.memory_space<vmem>> -> memref<8192xf32, #tpu.memory_space<vmem>>
      %dma_wait3A_585 = arith.constant 0 : i32
      %dma_wait3A_586 = tpu.memref_slice %arg2[%dma_wait3A_585] : memref<22020096xf32, #tpu.memory_space<hbm>> -> memref<8192xf32, #tpu.memory_space<hbm>>
      tpu.wait_dma2 semaphore(%arg10 : memref<!tpu.dma_semaphore, #tpu.memory_space<semaphore_mem>>) src(%dma_wait3A_586 : memref<8192xf32, #tpu.memory_space<hbm>>) dst(%dma_wait3A_584 : memref<8192xf32, #tpu.memory_space<vmem>>)
      %mul3A_587 = arith.constant 20 : i32
      %mul3A_588 = arith.constant 2048 : i32
      %mul3A_589 = arith.muli %mul3A_587, %mul3A_588 : i32
      %convert_element_type3A_590 = arith.sitofp %mul3A_589 : i32 to f32
      %add3A_591 = vector.broadcast %convert_element_type3A_590 : f32 to vector<16xf32>
      %add3A_592 = arith.addf %broadcast_in_dim3A_5, %add3A_591 : vector<16xf32>
      %scan3A_593 = arith.constant 0 : i32
      %scan3A_594 = arith.constant 0 : i32
      %scan3A_595 = arith.constant 64 : i32
      %scan3A_596 = arith.addi %scan3A_594, %scan3A_595 : i32
      %scan3A_597 = arith.constant 1 : i32
      %scan3A_598 = scf.for %scan3A_610 = %scan3A_594 to %scan3A_596 step %scan3A_597 iter_args(%scan3A_611 = %scan3A_593) -> (i32)  : i32 {
        %mul3A_612 = arith.constant 8 : i32
        %mul3A_613 = arith.muli %scan3A_610, %mul3A_612 : i32
        %add3A_614 = arith.constant 0 : i32
        %add3A_615 = arith.addi %mul3A_613, %add3A_614 : i32
        %mul3A_616 = arith.constant 16 : i32
        %mul3A_617 = arith.muli %add3A_615, %mul3A_616 : i32
        %get3A = arith.constant 0 : i32
        %get3A_618 = arith.index_cast %get3A : i32 to index
        %get3A_619 = arith.index_cast %mul3A_617 : i32 to index
        %get3A_620 = tpu.vector_load %arg5[%get3A_618, %get3A_619] {strides = array<i32>} : memref<4x8192xf32, #tpu.memory_space<vmem>>, vector<16xf32>,
        %mul3A_621 = arith.constant 8 : i32
        %mul3A_622 = arith.muli %scan3A_610, %mul3A_621 : i32
        %add3A_623 = arith.constant 1 : i32
        %add3A_624 = arith.addi %mul3A_622, %add3A_623 : i32
        %mul3A_625 = arith.constant 16 : i32
        %mul3A_626 = arith.muli %add3A_624, %mul3A_625 : i32
        %get3A_627 = arith.constant 0 : i32
        %get3A_628 = arith.index_cast %get3A_627 : i32 to index
        %get3A_629 = arith.index_cast %mul3A_626 : i32 to index
        %get3A_630 = tpu.vector_load %arg5[%get3A_628, %get3A_629] {strides = array<i32>} : memref<4x8192xf32, #tpu.memory_space<vmem>>, vector<16xf32>,
        %mul3A_631 = arith.constant 8 : i32
        %mul3A_632 = arith.muli %scan3A_610, %mul3A_631 : i32
        %add3A_633 = arith.constant 2 : i32
        %add3A_634 = arith.addi %mul3A_632, %add3A_633 : i32
        %mul3A_635 = arith.constant 16 : i32
        %mul3A_636 = arith.muli %add3A_634, %mul3A_635 : i32
        %get3A_637 = arith.constant 0 : i32
        %get3A_638 = arith.index_cast %get3A_637 : i32 to index
        %get3A_639 = arith.index_cast %mul3A_636 : i32 to index
        %get3A_640 = tpu.vector_load %arg5[%get3A_638, %get3A_639] {strides = array<i32>} : memref<4x8192xf32, #tpu.memory_space<vmem>>, vector<16xf32>,
        %mul3A_641 = arith.constant 8 : i32
        %mul3A_642 = arith.muli %scan3A_610, %mul3A_641 : i32
        %add3A_643 = arith.constant 3 : i32
        %add3A_644 = arith.addi %mul3A_642, %add3A_643 : i32
        %mul3A_645 = arith.constant 16 : i32
        %mul3A_646 = arith.muli %add3A_644, %mul3A_645 : i32
        %get3A_647 = arith.constant 0 : i32
        %get3A_648 = arith.index_cast %get3A_647 : i32 to index
        %get3A_649 = arith.index_cast %mul3A_646 : i32 to index
        %get3A_650 = tpu.vector_load %arg5[%get3A_648, %get3A_649] {strides = array<i32>} : memref<4x8192xf32, #tpu.memory_space<vmem>>, vector<16xf32>,
        %mul3A_651 = arith.constant 8 : i32
        %mul3A_652 = arith.muli %scan3A_610, %mul3A_651 : i32
        %add3A_653 = arith.constant 4 : i32
        %add3A_654 = arith.addi %mul3A_652, %add3A_653 : i32
        %mul3A_655 = arith.constant 16 : i32
        %mul3A_656 = arith.muli %add3A_654, %mul3A_655 : i32
        %get3A_657 = arith.constant 0 : i32
        %get3A_658 = arith.index_cast %get3A_657 : i32 to index
        %get3A_659 = arith.index_cast %mul3A_656 : i32 to index
        %get3A_660 = tpu.vector_load %arg5[%get3A_658, %get3A_659] {strides = array<i32>} : memref<4x8192xf32, #tpu.memory_space<vmem>>, vector<16xf32>,
        %mul3A_661 = arith.constant 8 : i32
        %mul3A_662 = arith.muli %scan3A_610, %mul3A_661 : i32
        %add3A_663 = arith.constant 5 : i32
        %add3A_664 = arith.addi %mul3A_662, %add3A_663 : i32
        %mul3A_665 = arith.constant 16 : i32
        %mul3A_666 = arith.muli %add3A_664, %mul3A_665 : i32
        %get3A_667 = arith.constant 0 : i32
        %get3A_668 = arith.index_cast %get3A_667 : i32 to index
        %get3A_669 = arith.index_cast %mul3A_666 : i32 to index
        %get3A_670 = tpu.vector_load %arg5[%get3A_668, %get3A_669] {strides = array<i32>} : memref<4x8192xf32, #tpu.memory_space<vmem>>, vector<16xf32>,
        %mul3A_671 = arith.constant 8 : i32
        %mul3A_672 = arith.muli %scan3A_610, %mul3A_671 : i32
        %add3A_673 = arith.constant 6 : i32
        %add3A_674 = arith.addi %mul3A_672, %add3A_673 : i32
        %mul3A_675 = arith.constant 16 : i32
        %mul3A_676 = arith.muli %add3A_674, %mul3A_675 : i32
        %get3A_677 = arith.constant 0 : i32
        %get3A_678 = arith.index_cast %get3A_677 : i32 to index
        %get3A_679 = arith.index_cast %mul3A_676 : i32 to index
        %get3A_680 = tpu.vector_load %arg5[%get3A_678, %get3A_679] {strides = array<i32>} : memref<4x8192xf32, #tpu.memory_space<vmem>>, vector<16xf32>,
        %mul3A_681 = arith.constant 8 : i32
        %mul3A_682 = arith.muli %scan3A_610, %mul3A_681 : i32
        %add3A_683 = arith.constant 7 : i32
        %add3A_684 = arith.addi %mul3A_682, %add3A_683 : i32
        %mul3A_685 = arith.constant 16 : i32
        %mul3A_686 = arith.muli %add3A_684, %mul3A_685 : i32
        %get3A_687 = arith.constant 0 : i32
        %get3A_688 = arith.index_cast %get3A_687 : i32 to index
        %get3A_689 = arith.index_cast %mul3A_686 : i32 to index
        %get3A_690 = tpu.vector_load %arg5[%get3A_688, %get3A_689] {strides = array<i32>} : memref<4x8192xf32, #tpu.memory_space<vmem>>, vector<16xf32>,
        %abs3A = math.absf %get3A_620 : vector<16xf32>
        %mul3A_691 = arith.constant 1.280000e+02 : f32
        %mul3A_692 = vector.broadcast %mul3A_691 : f32 to vector<16xf32>
        %mul3A_693 = arith.mulf %abs3A, %mul3A_692 : vector<16xf32>
        %min3A = arith.constant 1.023500e+03 : f32
        %min3A_694 = vector.broadcast %min3A : f32 to vector<16xf32>
        %min3A_695 = arith.minimumf %mul3A_693, %min3A_694 : vector<16xf32>
        %add3A_696 = arith.addf %min3A_695, %add3A_592 : vector<16xf32>
        %convert_element_type3A_697 = arith.fptosi %add3A_696 : vector<16xf32> to vector<16xi32>
        %abs3A_698 = math.absf %get3A_630 : vector<16xf32>
        %mul3A_699 = arith.constant 1.280000e+02 : f32
        %mul3A_700 = vector.broadcast %mul3A_699 : f32 to vector<16xf32>
        %mul3A_701 = arith.mulf %abs3A_698, %mul3A_700 : vector<16xf32>
        %min3A_702 = arith.constant 1.023500e+03 : f32
        %min3A_703 = vector.broadcast %min3A_702 : f32 to vector<16xf32>
        %min3A_704 = arith.minimumf %mul3A_701, %min3A_703 : vector<16xf32>
        %add3A_705 = arith.addf %min3A_704, %add3A_592 : vector<16xf32>
        %convert_element_type3A_706 = arith.fptosi %add3A_705 : vector<16xf32> to vector<16xi32>
        %abs3A_707 = math.absf %get3A_640 : vector<16xf32>
        %mul3A_708 = arith.constant 1.280000e+02 : f32
        %mul3A_709 = vector.broadcast %mul3A_708 : f32 to vector<16xf32>
        %mul3A_710 = arith.mulf %abs3A_707, %mul3A_709 : vector<16xf32>
        %min3A_711 = arith.constant 1.023500e+03 : f32
        %min3A_712 = vector.broadcast %min3A_711 : f32 to vector<16xf32>
        %min3A_713 = arith.minimumf %mul3A_710, %min3A_712 : vector<16xf32>
        %add3A_714 = arith.addf %min3A_713, %add3A_592 : vector<16xf32>
        %convert_element_type3A_715 = arith.fptosi %add3A_714 : vector<16xf32> to vector<16xi32>
        %abs3A_716 = math.absf %get3A_650 : vector<16xf32>
        %mul3A_717 = arith.constant 1.280000e+02 : f32
        %mul3A_718 = vector.broadcast %mul3A_717 : f32 to vector<16xf32>
        %mul3A_719 = arith.mulf %abs3A_716, %mul3A_718 : vector<16xf32>
        %min3A_720 = arith.constant 1.023500e+03 : f32
        %min3A_721 = vector.broadcast %min3A_720 : f32 to vector<16xf32>
        %min3A_722 = arith.minimumf %mul3A_719, %min3A_721 : vector<16xf32>
        %add3A_723 = arith.addf %min3A_722, %add3A_592 : vector<16xf32>
        %convert_element_type3A_724 = arith.fptosi %add3A_723 : vector<16xf32> to vector<16xi32>
        %abs3A_725 = math.absf %get3A_660 : vector<16xf32>
        %mul3A_726 = arith.constant 1.280000e+02 : f32
        %mul3A_727 = vector.broadcast %mul3A_726 : f32 to vector<16xf32>
        %mul3A_728 = arith.mulf %abs3A_725, %mul3A_727 : vector<16xf32>
        %min3A_729 = arith.constant 1.023500e+03 : f32
        %min3A_730 = vector.broadcast %min3A_729 : f32 to vector<16xf32>
        %min3A_731 = arith.minimumf %mul3A_728, %min3A_730 : vector<16xf32>
        %add3A_732 = arith.addf %min3A_731, %add3A_592 : vector<16xf32>
        %convert_element_type3A_733 = arith.fptosi %add3A_732 : vector<16xf32> to vector<16xi32>
        %abs3A_734 = math.absf %get3A_670 : vector<16xf32>
        %mul3A_735 = arith.constant 1.280000e+02 : f32
        %mul3A_736 = vector.broadcast %mul3A_735 : f32 to vector<16xf32>
        %mul3A_737 = arith.mulf %abs3A_734, %mul3A_736 : vector<16xf32>
        %min3A_738 = arith.constant 1.023500e+03 : f32
        %min3A_739 = vector.broadcast %min3A_738 : f32 to vector<16xf32>
        %min3A_740 = arith.minimumf %mul3A_737, %min3A_739 : vector<16xf32>
        %add3A_741 = arith.addf %min3A_740, %add3A_592 : vector<16xf32>
        %convert_element_type3A_742 = arith.fptosi %add3A_741 : vector<16xf32> to vector<16xi32>
        %abs3A_743 = math.absf %get3A_680 : vector<16xf32>
        %mul3A_744 = arith.constant 1.280000e+02 : f32
        %mul3A_745 = vector.broadcast %mul3A_744 : f32 to vector<16xf32>
        %mul3A_746 = arith.mulf %abs3A_743, %mul3A_745 : vector<16xf32>
        %min3A_747 = arith.constant 1.023500e+03 : f32
        %min3A_748 = vector.broadcast %min3A_747 : f32 to vector<16xf32>
        %min3A_749 = arith.minimumf %mul3A_746, %min3A_748 : vector<16xf32>
        %add3A_750 = arith.addf %min3A_749, %add3A_592 : vector<16xf32>
        %convert_element_type3A_751 = arith.fptosi %add3A_750 : vector<16xf32> to vector<16xi32>
        %abs3A_752 = math.absf %get3A_690 : vector<16xf32>
        %mul3A_753 = arith.constant 1.280000e+02 : f32
        %mul3A_754 = vector.broadcast %mul3A_753 : f32 to vector<16xf32>
        %mul3A_755 = arith.mulf %abs3A_752, %mul3A_754 : vector<16xf32>
        %min3A_756 = arith.constant 1.023500e+03 : f32
        %min3A_757 = vector.broadcast %min3A_756 : f32 to vector<16xf32>
        %min3A_758 = arith.minimumf %mul3A_755, %min3A_757 : vector<16xf32>
        %add3A_759 = arith.addf %min3A_758, %add3A_592 : vector<16xf32>
        %convert_element_type3A_760 = arith.fptosi %add3A_759 : vector<16xf32> to vector<16xi32>
        tpu.vector_store_idx %arg9[%convert_element_type3A_697], %broadcast_in_dim3A_1 {add = true} : memref<43008xf32, #tpu.memory_space<vmem>>[vector<16xi32>], vector<16xf32>,
        tpu.vector_store_idx %arg9[%convert_element_type3A_706], %broadcast_in_dim3A_1 {add = true} : memref<43008xf32, #tpu.memory_space<vmem>>[vector<16xi32>], vector<16xf32>,
        tpu.vector_store_idx %arg9[%convert_element_type3A_715], %broadcast_in_dim3A_1 {add = true} : memref<43008xf32, #tpu.memory_space<vmem>>[vector<16xi32>], vector<16xf32>,
        tpu.vector_store_idx %arg9[%convert_element_type3A_724], %broadcast_in_dim3A_1 {add = true} : memref<43008xf32, #tpu.memory_space<vmem>>[vector<16xi32>], vector<16xf32>,
        tpu.vector_store_idx %arg9[%convert_element_type3A_733], %broadcast_in_dim3A_1 {add = true} : memref<43008xf32, #tpu.memory_space<vmem>>[vector<16xi32>], vector<16xf32>,
        tpu.vector_store_idx %arg9[%convert_element_type3A_742], %broadcast_in_dim3A_1 {add = true} : memref<43008xf32, #tpu.memory_space<vmem>>[vector<16xi32>], vector<16xf32>,
        tpu.vector_store_idx %arg9[%convert_element_type3A_751], %broadcast_in_dim3A_1 {add = true} : memref<43008xf32, #tpu.memory_space<vmem>>[vector<16xi32>], vector<16xf32>,
        tpu.vector_store_idx %arg9[%convert_element_type3A_760], %broadcast_in_dim3A_1 {add = true} : memref<43008xf32, #tpu.memory_space<vmem>>[vector<16xi32>], vector<16xf32>,
        %scan3A_761 = arith.constant 0 : i32
        scf.yield %scan3A_761 : i32
      }
      %scan3A_599 = arith.constant 64 : i32
      %dma_wait3A_600 = arith.constant 0 : i32
      %dma_wait3A_601 = tpu.memref_slice %arg2[%dma_wait3A_600] : memref<22020096xf32, #tpu.memory_space<hbm>> -> memref<22020096xf32, #tpu.memory_space<hbm>>
      tpu.wait_indirect_dma semaphore(%arg17 : memref<!tpu.dma_semaphore, #tpu.memory_space<semaphore_mem>>) src(%dma_wait3A_601 : memref<22020096xf32, #tpu.memory_space<hbm>>) dst(%arg8 : memref<8192xf32, #tpu.memory_space<vmem>>)
      %scan3A_602 = arith.constant 0 : i32
      %scan3A_603 = arith.constant 0 : i32
      %scan3A_604 = arith.constant 128 : i32
      %scan3A_605 = arith.addi %scan3A_603, %scan3A_604 : i32
      %scan3A_606 = arith.constant 1 : i32
      %scan3A_607 = scf.for %scan3A_610 = %scan3A_603 to %scan3A_605 step %scan3A_606 iter_args(%scan3A_611 = %scan3A_602) -> (i32)  : i32 {
        %mul3A_612 = arith.constant 4 : i32
        %mul3A_613 = arith.muli %scan3A_610, %mul3A_612 : i32
        %add3A_614 = arith.constant 0 : i32
        %add3A_615 = arith.addi %mul3A_613, %add3A_614 : i32
        %mul3A_616 = arith.constant 16 : i32
        %mul3A_617 = arith.muli %add3A_615, %mul3A_616 : i32
        %get3A = arith.index_cast %mul3A_617 : i32 to index
        %get3A_618 = tpu.vector_load %arg8[%get3A] {strides = array<i32>} : memref<8192xf32, #tpu.memory_space<vmem>>, vector<16xf32>,
        %get3A_619 = arith.constant 1 : i32
        %get3A_620 = arith.index_cast %get3A_619 : i32 to index
        %get3A_621 = arith.index_cast %mul3A_617 : i32 to index
        %get3A_622 = tpu.vector_load %arg6[%get3A_620, %get3A_621] {strides = array<i32>} : memref<2x8192xi32, #tpu.memory_space<vmem>>, vector<16xi32>,
        %mul3A_623 = arith.constant 4 : i32
        %mul3A_624 = arith.muli %scan3A_610, %mul3A_623 : i32
        %add3A_625 = arith.constant 1 : i32
        %add3A_626 = arith.addi %mul3A_624, %add3A_625 : i32
        %mul3A_627 = arith.constant 16 : i32
        %mul3A_628 = arith.muli %add3A_626, %mul3A_627 : i32
        %get3A_629 = arith.index_cast %mul3A_628 : i32 to index
        %get3A_630 = tpu.vector_load %arg8[%get3A_629] {strides = array<i32>} : memref<8192xf32, #tpu.memory_space<vmem>>, vector<16xf32>,
        %get3A_631 = arith.constant 1 : i32
        %get3A_632 = arith.index_cast %get3A_631 : i32 to index
        %get3A_633 = arith.index_cast %mul3A_628 : i32 to index
        %get3A_634 = tpu.vector_load %arg6[%get3A_632, %get3A_633] {strides = array<i32>} : memref<2x8192xi32, #tpu.memory_space<vmem>>, vector<16xi32>,
        %mul3A_635 = arith.constant 4 : i32
        %mul3A_636 = arith.muli %scan3A_610, %mul3A_635 : i32
        %add3A_637 = arith.constant 2 : i32
        %add3A_638 = arith.addi %mul3A_636, %add3A_637 : i32
        %mul3A_639 = arith.constant 16 : i32
        %mul3A_640 = arith.muli %add3A_638, %mul3A_639 : i32
        %get3A_641 = arith.index_cast %mul3A_640 : i32 to index
        %get3A_642 = tpu.vector_load %arg8[%get3A_641] {strides = array<i32>} : memref<8192xf32, #tpu.memory_space<vmem>>, vector<16xf32>,
        %get3A_643 = arith.constant 1 : i32
        %get3A_644 = arith.index_cast %get3A_643 : i32 to index
        %get3A_645 = arith.index_cast %mul3A_640 : i32 to index
        %get3A_646 = tpu.vector_load %arg6[%get3A_644, %get3A_645] {strides = array<i32>} : memref<2x8192xi32, #tpu.memory_space<vmem>>, vector<16xi32>,
        %mul3A_647 = arith.constant 4 : i32
        %mul3A_648 = arith.muli %scan3A_610, %mul3A_647 : i32
        %add3A_649 = arith.constant 3 : i32
        %add3A_650 = arith.addi %mul3A_648, %add3A_649 : i32
        %mul3A_651 = arith.constant 16 : i32
        %mul3A_652 = arith.muli %add3A_650, %mul3A_651 : i32
        %get3A_653 = arith.index_cast %mul3A_652 : i32 to index
        %get3A_654 = tpu.vector_load %arg8[%get3A_653] {strides = array<i32>} : memref<8192xf32, #tpu.memory_space<vmem>>, vector<16xf32>,
        %get3A_655 = arith.constant 1 : i32
        %get3A_656 = arith.index_cast %get3A_655 : i32 to index
        %get3A_657 = arith.index_cast %mul3A_652 : i32 to index
        %get3A_658 = tpu.vector_load %arg6[%get3A_656, %get3A_657] {strides = array<i32>} : memref<2x8192xi32, #tpu.memory_space<vmem>>, vector<16xi32>,
        %mul3A_659 = arith.constant 2048 : i32
        %mul3A_660 = vector.broadcast %mul3A_659 : i32 to vector<16xi32>
        %mul3A_661 = arith.muli %get3A_622, %mul3A_660 : vector<16xi32>
        %abs3A = math.absf %get3A_618 : vector<16xf32>
        %mul3A_662 = arith.constant 1.280000e+02 : f32
        %mul3A_663 = vector.broadcast %mul3A_662 : f32 to vector<16xf32>
        %mul3A_664 = arith.mulf %abs3A, %mul3A_663 : vector<16xf32>
        %min3A = arith.constant 1.023500e+03 : f32
        %min3A_665 = vector.broadcast %min3A : f32 to vector<16xf32>
        %min3A_666 = arith.minimumf %mul3A_664, %min3A_665 : vector<16xf32>
        %sub3A_667 = arith.constant 1.000000e+00 : f32
        %sub3A_668 = vector.broadcast %sub3A_667 : f32 to vector<16xf32>
        %sub3A_669 = arith.subf %sub3A_668, %get3A_618 : vector<16xf32>
        %abs3A_670 = math.absf %sub3A_669 : vector<16xf32>
        %mul3A_671 = arith.constant 1.280000e+02 : f32
        %mul3A_672 = vector.broadcast %mul3A_671 : f32 to vector<16xf32>
        %mul3A_673 = arith.mulf %abs3A_670, %mul3A_672 : vector<16xf32>
        %min3A_674 = arith.constant 1.023500e+03 : f32
        %min3A_675 = vector.broadcast %min3A_674 : f32 to vector<16xf32>
        %min3A_676 = arith.minimumf %mul3A_673, %min3A_675 : vector<16xf32>
        %convert_element_type3A_677 = arith.fptosi %min3A_666 : vector<16xf32> to vector<16xi32>
        %add3A_678 = arith.addi %convert_element_type3A_677, %mul3A_661 : vector<16xi32>
        %convert_element_type3A_679 = arith.fptosi %min3A_676 : vector<16xf32> to vector<16xi32>
        %add3A_680 = arith.constant 1024 : i32
        %add3A_681 = vector.broadcast %add3A_680 : i32 to vector<16xi32>
        %add3A_682 = arith.addi %mul3A_661, %add3A_681 : vector<16xi32>
        %add3A_683 = arith.addi %convert_element_type3A_679, %add3A_682 : vector<16xi32>
        %mul3A_684 = arith.constant 2048 : i32
        %mul3A_685 = vector.broadcast %mul3A_684 : i32 to vector<16xi32>
        %mul3A_686 = arith.muli %get3A_634, %mul3A_685 : vector<16xi32>
        %abs3A_687 = math.absf %get3A_630 : vector<16xf32>
        %mul3A_688 = arith.constant 1.280000e+02 : f32
        %mul3A_689 = vector.broadcast %mul3A_688 : f32 to vector<16xf32>
        %mul3A_690 = arith.mulf %abs3A_687, %mul3A_689 : vector<16xf32>
        %min3A_691 = arith.constant 1.023500e+03 : f32
        %min3A_692 = vector.broadcast %min3A_691 : f32 to vector<16xf32>
        %min3A_693 = arith.minimumf %mul3A_690, %min3A_692 : vector<16xf32>
        %sub3A_694 = arith.constant 1.000000e+00 : f32
        %sub3A_695 = vector.broadcast %sub3A_694 : f32 to vector<16xf32>
        %sub3A_696 = arith.subf %sub3A_695, %get3A_630 : vector<16xf32>
        %abs3A_697 = math.absf %sub3A_696 : vector<16xf32>
        %mul3A_698 = arith.constant 1.280000e+02 : f32
        %mul3A_699 = vector.broadcast %mul3A_698 : f32 to vector<16xf32>
        %mul3A_700 = arith.mulf %abs3A_697, %mul3A_699 : vector<16xf32>
        %min3A_701 = arith.constant 1.023500e+03 : f32
        %min3A_702 = vector.broadcast %min3A_701 : f32 to vector<16xf32>
        %min3A_703 = arith.minimumf %mul3A_700, %min3A_702 : vector<16xf32>
        %convert_element_type3A_704 = arith.fptosi %min3A_693 : vector<16xf32> to vector<16xi32>
        %add3A_705 = arith.addi %convert_element_type3A_704, %mul3A_686 : vector<16xi32>
        %convert_element_type3A_706 = arith.fptosi %min3A_703 : vector<16xf32> to vector<16xi32>
        %add3A_707 = arith.constant 1024 : i32
        %add3A_708 = vector.broadcast %add3A_707 : i32 to vector<16xi32>
        %add3A_709 = arith.addi %mul3A_686, %add3A_708 : vector<16xi32>
        %add3A_710 = arith.addi %convert_element_type3A_706, %add3A_709 : vector<16xi32>
        %mul3A_711 = arith.constant 2048 : i32
        %mul3A_712 = vector.broadcast %mul3A_711 : i32 to vector<16xi32>
        %mul3A_713 = arith.muli %get3A_646, %mul3A_712 : vector<16xi32>
        %abs3A_714 = math.absf %get3A_642 : vector<16xf32>
        %mul3A_715 = arith.constant 1.280000e+02 : f32
        %mul3A_716 = vector.broadcast %mul3A_715 : f32 to vector<16xf32>
        %mul3A_717 = arith.mulf %abs3A_714, %mul3A_716 : vector<16xf32>
        %min3A_718 = arith.constant 1.023500e+03 : f32
        %min3A_719 = vector.broadcast %min3A_718 : f32 to vector<16xf32>
        %min3A_720 = arith.minimumf %mul3A_717, %min3A_719 : vector<16xf32>
        %sub3A_721 = arith.constant 1.000000e+00 : f32
        %sub3A_722 = vector.broadcast %sub3A_721 : f32 to vector<16xf32>
        %sub3A_723 = arith.subf %sub3A_722, %get3A_642 : vector<16xf32>
        %abs3A_724 = math.absf %sub3A_723 : vector<16xf32>
        %mul3A_725 = arith.constant 1.280000e+02 : f32
        %mul3A_726 = vector.broadcast %mul3A_725 : f32 to vector<16xf32>
        %mul3A_727 = arith.mulf %abs3A_724, %mul3A_726 : vector<16xf32>
        %min3A_728 = arith.constant 1.023500e+03 : f32
        %min3A_729 = vector.broadcast %min3A_728 : f32 to vector<16xf32>
        %min3A_730 = arith.minimumf %mul3A_727, %min3A_729 : vector<16xf32>
        %convert_element_type3A_731 = arith.fptosi %min3A_720 : vector<16xf32> to vector<16xi32>
        %add3A_732 = arith.addi %convert_element_type3A_731, %mul3A_713 : vector<16xi32>
        %convert_element_type3A_733 = arith.fptosi %min3A_730 : vector<16xf32> to vector<16xi32>
        %add3A_734 = arith.constant 1024 : i32
        %add3A_735 = vector.broadcast %add3A_734 : i32 to vector<16xi32>
        %add3A_736 = arith.addi %mul3A_713, %add3A_735 : vector<16xi32>
        %add3A_737 = arith.addi %convert_element_type3A_733, %add3A_736 : vector<16xi32>
        %mul3A_738 = arith.constant 2048 : i32
        %mul3A_739 = vector.broadcast %mul3A_738 : i32 to vector<16xi32>
        %mul3A_740 = arith.muli %get3A_658, %mul3A_739 : vector<16xi32>
        %abs3A_741 = math.absf %get3A_654 : vector<16xf32>
        %mul3A_742 = arith.constant 1.280000e+02 : f32
        %mul3A_743 = vector.broadcast %mul3A_742 : f32 to vector<16xf32>
        %mul3A_744 = arith.mulf %abs3A_741, %mul3A_743 : vector<16xf32>
        %min3A_745 = arith.constant 1.023500e+03 : f32
        %min3A_746 = vector.broadcast %min3A_745 : f32 to vector<16xf32>
        %min3A_747 = arith.minimumf %mul3A_744, %min3A_746 : vector<16xf32>
        %sub3A_748 = arith.constant 1.000000e+00 : f32
        %sub3A_749 = vector.broadcast %sub3A_748 : f32 to vector<16xf32>
        %sub3A_750 = arith.subf %sub3A_749, %get3A_654 : vector<16xf32>
        %abs3A_751 = math.absf %sub3A_750 : vector<16xf32>
        %mul3A_752 = arith.constant 1.280000e+02 : f32
        %mul3A_753 = vector.broadcast %mul3A_752 : f32 to vector<16xf32>
        %mul3A_754 = arith.mulf %abs3A_751, %mul3A_753 : vector<16xf32>
        %min3A_755 = arith.constant 1.023500e+03 : f32
        %min3A_756 = vector.broadcast %min3A_755 : f32 to vector<16xf32>
        %min3A_757 = arith.minimumf %mul3A_754, %min3A_756 : vector<16xf32>
        %convert_element_type3A_758 = arith.fptosi %min3A_747 : vector<16xf32> to vector<16xi32>
        %add3A_759 = arith.addi %convert_element_type3A_758, %mul3A_740 : vector<16xi32>
        %convert_element_type3A_760 = arith.fptosi %min3A_757 : vector<16xf32> to vector<16xi32>
        %add3A_761 = arith.constant 1024 : i32
        %add3A_762 = vector.broadcast %add3A_761 : i32 to vector<16xi32>
        %add3A_763 = arith.addi %mul3A_740, %add3A_762 : vector<16xi32>
        %add3A_764 = arith.addi %convert_element_type3A_760, %add3A_763 : vector<16xi32>
        tpu.vector_store_idx %arg9[%add3A_678], %neg3A_3 {add = true} : memref<43008xf32, #tpu.memory_space<vmem>>[vector<16xi32>], vector<16xf32>,
        tpu.vector_store_idx %arg9[%add3A_683], %broadcast_in_dim3A_1 {add = true} : memref<43008xf32, #tpu.memory_space<vmem>>[vector<16xi32>], vector<16xf32>,
        tpu.vector_store_idx %arg9[%add3A_705], %neg3A_3 {add = true} : memref<43008xf32, #tpu.memory_space<vmem>>[vector<16xi32>], vector<16xf32>,
        tpu.vector_store_idx %arg9[%add3A_710], %broadcast_in_dim3A_1 {add = true} : memref<43008xf32, #tpu.memory_space<vmem>>[vector<16xi32>], vector<16xf32>,
        tpu.vector_store_idx %arg9[%add3A_732], %neg3A_3 {add = true} : memref<43008xf32, #tpu.memory_space<vmem>>[vector<16xi32>], vector<16xf32>,
        tpu.vector_store_idx %arg9[%add3A_737], %broadcast_in_dim3A_1 {add = true} : memref<43008xf32, #tpu.memory_space<vmem>>[vector<16xi32>], vector<16xf32>,
        tpu.vector_store_idx %arg9[%add3A_759], %neg3A_3 {add = true} : memref<43008xf32, #tpu.memory_space<vmem>>[vector<16xi32>], vector<16xf32>,
        tpu.vector_store_idx %arg9[%add3A_764], %broadcast_in_dim3A_1 {add = true} : memref<43008xf32, #tpu.memory_space<vmem>>[vector<16xi32>], vector<16xf32>,
        %scan3A_765 = arith.constant 0 : i32
        scf.yield %scan3A_765 : i32
      }
      %scan3A_608 = arith.constant 128 : i32
      %scan3A_609 = arith.constant 0 : i32
      scf.yield %scan3A_609 : i32
    }
    %scan3A_30 = arith.constant 2 : i32
    "tpu.region"() ({
      %run_scoped3A = tpu.sem_alloc : memref<!tpu.dma_semaphore, #tpu.memory_space<semaphore_mem>>
      %dma_start3A_31 = arith.constant 0 : i32
      %dma_start3A_32 = tpu.memref_slice %arg4[%add3A, %dma_start3A_31] : memref<32x43008xf32, #tpu.memory_space<hbm>> -> memref<1x43008xf32, #tpu.memory_space<hbm>>
      %dma_start3A_33 = tpu.memref_squeeze %dma_start3A_32 : memref<1x43008xf32, #tpu.memory_space<hbm>> -> memref<43008xf32, #tpu.memory_space<hbm>>
      %dma_start3A_34 = arith.constant 0 : i32
      %dma_start3A_35 = tpu.memref_slice %arg4[%add3A, %dma_start3A_34] : memref<32x43008xf32, #tpu.memory_space<hbm>> -> memref<1x43008xf32, #tpu.memory_space<hbm>>
      %dma_start3A_36 = tpu.memref_squeeze %dma_start3A_35 : memref<1x43008xf32, #tpu.memory_space<hbm>> -> memref<43008xf32, #tpu.memory_space<hbm>>
      tpu.enqueue_dma source(%arg9 : memref<43008xf32, #tpu.memory_space<vmem>>) target(%dma_start3A_36 : memref<43008xf32, #tpu.memory_space<hbm>>) target_semaphore(%run_scoped3A : memref<!tpu.dma_semaphore, #tpu.memory_space<semaphore_mem>>)
      %dma_wait3A = arith.constant 0 : i32
      %dma_wait3A_37 = tpu.memref_slice %arg4[%add3A, %dma_wait3A] : memref<32x43008xf32, #tpu.memory_space<hbm>> -> memref<1x43008xf32, #tpu.memory_space<hbm>>
      %dma_wait3A_38 = tpu.memref_squeeze %dma_wait3A_37 : memref<1x43008xf32, #tpu.memory_space<hbm>> -> memref<43008xf32, #tpu.memory_space<hbm>>
      %dma_wait3A_39 = arith.constant 0 : i32
      %dma_wait3A_40 = tpu.memref_slice %arg4[%add3A, %dma_wait3A_39] : memref<32x43008xf32, #tpu.memory_space<hbm>> -> memref<1x43008xf32, #tpu.memory_space<hbm>>
      %dma_wait3A_41 = tpu.memref_squeeze %dma_wait3A_40 : memref<1x43008xf32, #tpu.memory_space<hbm>> -> memref<43008xf32, #tpu.memory_space<hbm>>
      tpu.wait_dma2 semaphore(%run_scoped3A : memref<!tpu.dma_semaphore, #tpu.memory_space<semaphore_mem>>) src(%arg9 : memref<43008xf32, #tpu.memory_space<vmem>>) dst(%dma_wait3A_41 : memref<43008xf32, #tpu.memory_space<hbm>>)
      tpu.yield
    }) : () -> ()
    return
  }
}

module attributes {stable_mosaic.version = 14 : i64} {
  func.func @_tc_scan_kernel(%arg0: memref<32x42x8x128xf32, #tpu.memory_space<vmem>>, %arg1: memref<1x1xf32, #tpu.memory_space<smem>>, %arg2: memref<42x8x128xf32, #tpu.memory_space<vmem>>) attributes {dimension_semantics = [], scalar_prefetch = 0 : i64, scratch_operands = 1 : i64, tpu.core_type = #tpu.core_type<tc>} {
    %get3A = arith.constant 0 : index
    %get3A_0 = arith.constant 0 : index
    %get3A_1 = arith.constant 0 : index
    %get3A_2 = arith.constant 0 : index
    %get3A_3 = vector.load %arg0[%get3A, %get3A_0, %get3A_1, %get3A_2] : memref<32x42x8x128xf32, #tpu.memory_space<vmem>>, vector<1x42x8x128xf32>
    %get3A_4 = vector.shape_cast %get3A_3 : vector<1x42x8x128xf32> to vector<42x8x128xf32>
    %swap3A = arith.constant 0 : index
    %swap3A_5 = arith.constant 0 : index
    %swap3A_6 = arith.constant 0 : index
    %swap3A_7 = vector.load %arg2[%swap3A, %swap3A_5, %swap3A_6] : memref<42x8x128xf32, #tpu.memory_space<vmem>>, vector<42x8x128xf32>
    tpu.vector_store %arg2[%swap3A, %swap3A_5, %swap3A_6], %get3A_4 {strides = array<i32>} : memref<42x8x128xf32, #tpu.memory_space<vmem>>, vector<42x8x128xf32>,
    %scan3A = arith.constant 1 : i32
    %scan3A_8 = arith.constant 31 : i32
    %scan3A_9 = arith.addi %scan3A, %scan3A_8 : i32
    %scan3A_10 = arith.constant 1 : i32
    scf.for %scan3A_31 = %scan3A to %scan3A_9 step %scan3A_10  : i32 {
      %get3A_32 = arith.constant 0 : index
      %get3A_33 = arith.constant 0 : index
      %get3A_34 = arith.constant 0 : index
      %get3A_35 = vector.load %arg2[%get3A_32, %get3A_33, %get3A_34] : memref<42x8x128xf32, #tpu.memory_space<vmem>>, vector<42x8x128xf32>
      %get3A_36 = arith.index_cast %scan3A_31 : i32 to index
      %get3A_37 = arith.constant 0 : index
      %get3A_38 = arith.constant 0 : index
      %get3A_39 = arith.constant 0 : index
      %get3A_40 = vector.load %arg0[%get3A_36, %get3A_37, %get3A_38, %get3A_39] : memref<32x42x8x128xf32, #tpu.memory_space<vmem>>, vector<1x42x8x128xf32>
      %get3A_41 = vector.shape_cast %get3A_40 : vector<1x42x8x128xf32> to vector<42x8x128xf32>
      %add3A = arith.addf %get3A_35, %get3A_41 : vector<42x8x128xf32>
      %swap3A_42 = arith.constant 0 : index
      %swap3A_43 = arith.constant 0 : index
      %swap3A_44 = arith.constant 0 : index
      %swap3A_45 = vector.load %arg2[%swap3A_42, %swap3A_43, %swap3A_44] : memref<42x8x128xf32, #tpu.memory_space<vmem>>, vector<42x8x128xf32>
      tpu.vector_store %arg2[%swap3A_42, %swap3A_43, %swap3A_44], %add3A {strides = array<i32>} : memref<42x8x128xf32, #tpu.memory_space<vmem>>, vector<42x8x128xf32>,
    }
    %scan3A_11 = arith.constant 31 : i32
    %iota3A = tpu.iota {dimensions = array<i32: 0>} : vector<128x128xi32>
    %iota3A_12 = tpu.iota {dimensions = array<i32: 1>} : vector<128x128xi32>
    %le3A = arith.cmpi sle, %iota3A, %iota3A_12 : vector<128x128xi32>
    %convert_element_type3A = arith.extui %le3A : vector<128x128xi1> to vector<128x128xi32>
    %convert_element_type3A_13 = arith.sitofp %convert_element_type3A : vector<128x128xi32> to vector<128x128xf32>
    %broadcast_in_dim3A = arith.constant 1.000000e+00 : f32
    %broadcast_in_dim3A_14 = vector.broadcast %broadcast_in_dim3A : f32 to vector<128x128xf32>
    %iota3A_15 = tpu.iota {dimensions = array<i32: 0>} : vector<8x8xi32>
    %iota3A_16 = tpu.iota {dimensions = array<i32: 1>} : vector<8x8xi32>
    %lt3A = arith.cmpi slt, %iota3A_16, %iota3A_15 : vector<8x8xi32>
    %convert_element_type3A_17 = arith.extui %lt3A : vector<8x8xi1> to vector<8x8xi32>
    %convert_element_type3A_18 = arith.sitofp %convert_element_type3A_17 : vector<8x8xi32> to vector<8x8xf32>
    %scan3A_19 = arith.constant 7.812500e-03 : f32
    %scan3A_20 = arith.constant 0.000000e+00 : f32
    %scan3A_21 = arith.constant 0 : i32
    %scan3A_22 = arith.constant 21 : i32
    %scan3A_23 = arith.addi %scan3A_21, %scan3A_22 : i32
    %scan3A_24 = arith.constant 1 : i32
    %scan3A_25 = scf.for %scan3A_31 = %scan3A_21 to %scan3A_23 step %scan3A_24 iter_args(%scan3A_32 = %scan3A_20) -> (f32)  : i32 {
      %mul3A = arith.constant 2 : i32
      %mul3A_33 = arith.muli %mul3A, %scan3A_31 : i32
      %get3A_34 = arith.index_cast %mul3A_33 : i32 to index
      %get3A_35 = arith.constant 0 : index
      %get3A_36 = arith.constant 0 : index
      %get3A_37 = vector.load %arg2[%get3A_34, %get3A_35, %get3A_36] : memref<42x8x128xf32, #tpu.memory_space<vmem>>, vector<1x8x128xf32>
      %get3A_38 = vector.shape_cast %get3A_37 : vector<1x8x128xf32> to vector<8x128xf32>
      %mul3A_39 = arith.constant 2 : i32
      %mul3A_40 = arith.muli %mul3A_39, %scan3A_31 : i32
      %add3A = arith.constant 1 : i32
      %add3A_41 = arith.addi %mul3A_40, %add3A : i32
      %get3A_42 = arith.index_cast %add3A_41 : i32 to index
      %get3A_43 = arith.constant 0 : index
      %get3A_44 = arith.constant 0 : index
      %get3A_45 = vector.load %arg2[%get3A_42, %get3A_43, %get3A_44] : memref<42x8x128xf32, #tpu.memory_space<vmem>>, vector<1x8x128xf32>
      %get3A_46 = vector.shape_cast %get3A_45 : vector<1x8x128xf32> to vector<8x128xf32>
      %add3A_47 = arith.addf %get3A_38, %get3A_46 : vector<8x128xf32>
      %dot_general3A = arith.constant dense<0.000000e+00> : vector<8x128xf32>
      %dot_general3A_48 = tpu.matmul %add3A_47, %convert_element_type3A_13, %dot_general3A {dimension_numbers = #tpu.dot_dimension_numbers<[1], [0], [0], [1], [0, 0, 1, 1], [], []>, transpose_lhs_hint = false} : vector<8x128xf32>, vector<128x128xf32>, vector<8x128xf32> -> vector<8x128xf32>
      %dot_general3A_49 = arith.constant dense<0.000000e+00> : vector<8x128xf32>
      %dot_general3A_50 = tpu.matmul %convert_element_type3A_18, %add3A_47, %dot_general3A_49 {dimension_numbers = #tpu.dot_dimension_numbers<[1], [0], [0], [1], [0, 0, 1, 1], [], []>, transpose_lhs_hint = false} : vector<8x8xf32>, vector<8x128xf32>, vector<8x128xf32> -> vector<8x128xf32>
      %dot_general3A_51 = arith.constant dense<0.000000e+00> : vector<8x128xf32>
      %dot_general3A_52 = tpu.matmul %dot_general3A_50, %broadcast_in_dim3A_14, %dot_general3A_51 {dimension_numbers = #tpu.dot_dimension_numbers<[1], [0], [0], [1], [0, 0, 1, 1], [], []>, transpose_lhs_hint = false} : vector<8x128xf32>, vector<128x128xf32>, vector<8x128xf32> -> vector<8x128xf32>
      %add3A_53 = arith.addf %dot_general3A_48, %dot_general3A_52 : vector<8x128xf32>
      %dot_general3A_54 = arith.constant dense<0.000000e+00> : vector<8x128xf32>
      %dot_general3A_55 = tpu.matmul %get3A_46, %convert_element_type3A_13, %dot_general3A_54 {dimension_numbers = #tpu.dot_dimension_numbers<[1], [0], [0], [1], [0, 0, 1, 1], [], []>, transpose_lhs_hint = false} : vector<8x128xf32>, vector<128x128xf32>, vector<8x128xf32> -> vector<8x128xf32>
      %dot_general3A_56 = arith.constant dense<0.000000e+00> : vector<8x128xf32>
      %dot_general3A_57 = tpu.matmul %convert_element_type3A_18, %get3A_46, %dot_general3A_56 {dimension_numbers = #tpu.dot_dimension_numbers<[1], [0], [0], [1], [0, 0, 1, 1], [], []>, transpose_lhs_hint = false} : vector<8x8xf32>, vector<8x128xf32>, vector<8x128xf32> -> vector<8x128xf32>
      %dot_general3A_58 = arith.constant dense<0.000000e+00> : vector<8x128xf32>
      %dot_general3A_59 = tpu.matmul %dot_general3A_57, %broadcast_in_dim3A_14, %dot_general3A_58 {dimension_numbers = #tpu.dot_dimension_numbers<[1], [0], [0], [1], [0, 0, 1, 1], [], []>, transpose_lhs_hint = false} : vector<8x128xf32>, vector<128x128xf32>, vector<8x128xf32> -> vector<8x128xf32>
      %add3A_60 = arith.addf %dot_general3A_55, %dot_general3A_59 : vector<8x128xf32>
      %reduce_sum3A = vector.shape_cast %add3A_47 : vector<8x128xf32> to vector<1x8x128xf32>
      %reduce_sum3A_61 = arith.constant dense<0.000000e+00> : vector<1xf32>
      %reduce_sum3A_62 = vector.multi_reduction <add>, %reduce_sum3A, %reduce_sum3A_61 [1, 2] : vector<1x8x128xf32> to vector<1xf32>
      %reduce_sum3A_63 = vector.shape_cast %reduce_sum3A_62 : vector<1xf32> to vector<1x1x1xf32>
      %reduce_sum3A_64 = vector.extract %reduce_sum3A_63[0, 0, 0] : f32 from vector<1x1x1xf32>
      %reduce_sum3A_65 = vector.shape_cast %get3A_46 : vector<8x128xf32> to vector<1x8x128xf32>
      %reduce_sum3A_66 = arith.constant dense<0.000000e+00> : vector<1xf32>
      %reduce_sum3A_67 = vector.multi_reduction <add>, %reduce_sum3A_65, %reduce_sum3A_66 [1, 2] : vector<1x8x128xf32> to vector<1xf32>
      %reduce_sum3A_68 = vector.shape_cast %reduce_sum3A_67 : vector<1xf32> to vector<1x1x1xf32>
      %reduce_sum3A_69 = vector.extract %reduce_sum3A_68[0, 0, 0] : f32 from vector<1x1x1xf32>
      %sub3A = vector.broadcast %reduce_sum3A_64 : f32 to vector<8x128xf32>
      %sub3A_70 = arith.subf %sub3A, %add3A_53 : vector<8x128xf32>
      %sub3A_71 = vector.broadcast %reduce_sum3A_69 : f32 to vector<8x128xf32>
      %sub3A_72 = arith.subf %sub3A_71, %add3A_60 : vector<8x128xf32>
      %add3A_73 = vector.broadcast %reduce_sum3A_69 : f32 to vector<8x128xf32>
      %add3A_74 = arith.addf %add3A_73, %sub3A_70 : vector<8x128xf32>
      %sub3A_75 = arith.subf %add3A_74, %sub3A_72 : vector<8x128xf32>
      %gt3A = arith.constant 0.000000e+00 : f32
      %gt3A_76 = vector.broadcast %gt3A : f32 to vector<8x128xf32>
      %gt3A_77 = arith.cmpf ogt, %sub3A_70, %gt3A_76 : vector<8x128xf32>
      %sub3A_78 = vector.broadcast %reduce_sum3A_69 : f32 to vector<8x128xf32>
      %sub3A_79 = arith.subf %sub3A_78, %sub3A_72 : vector<8x128xf32>
      %div3A_80 = arith.divf %sub3A_79, %sub3A_75 : vector<8x128xf32>
      %sub3A_81 = arith.constant 1.000000e+00 : f32
      %sub3A_82 = vector.broadcast %sub3A_81 : f32 to vector<8x128xf32>
      %sub3A_83 = arith.subf %sub3A_82, %div3A_80 : vector<8x128xf32>
      %jit3A = arith.constant 0.000000e+00 : f32
      %broadcast_in_dim3A_84 = vector.broadcast %jit3A : f32 to vector<8x128xf32>
      %select_n3A = arith.select %gt3A_77, %sub3A_83, %broadcast_in_dim3A_84 : vector<8x128xi1>, vector<8x128xf32>
      %reduce_sum3A_85 = vector.shape_cast %select_n3A : vector<8x128xf32> to vector<1x8x128xf32>
      %reduce_sum3A_86 = arith.constant dense<0.000000e+00> : vector<1xf32>
      %reduce_sum3A_87 = vector.multi_reduction <add>, %reduce_sum3A_85, %reduce_sum3A_86 [1, 2] : vector<1x8x128xf32> to vector<1xf32>
      %reduce_sum3A_88 = vector.shape_cast %reduce_sum3A_87 : vector<1xf32> to vector<1x1x1xf32>
      %reduce_sum3A_89 = vector.extract %reduce_sum3A_88[0, 0, 0] : f32 from vector<1x1x1xf32>
      %add3A_90 = arith.constant 5.000000e-01 : f32
      %add3A_91 = arith.addf %reduce_sum3A_89, %add3A_90 : f32
      %mul3A_92 = arith.mulf %scan3A_19, %add3A_91 : f32
      %add3A_93 = arith.addf %scan3A_32, %mul3A_92 : f32
      scf.yield %add3A_93 : f32
    }
    %scan3A_26 = arith.constant 21 : i32
    %div3A = arith.constant 2.100000e+01 : f32
    %div3A_27 = arith.divf %scan3A_25, %div3A : f32
    %swap3A_28 = arith.constant 0 : index
    %swap3A_29 = arith.constant 0 : index
    %swap3A_30 = memref.load %arg1[%swap3A_28, %swap3A_29] : memref<1x1xf32, #tpu.memory_space<smem>>
    memref.store %div3A_27, %arg1[%swap3A_28, %swap3A_29] : memref<1x1xf32, #tpu.memory_space<smem>>
    return
  }
}

</mosaic_0001>

<sc_bundles>
// kernel: kernel.4.cloned.1.call-start
scs
__scs_entry_jumppad:
0x0: {  	(pc) =	sbr.rel $0x88, $3  }
0x1: {  	(tag) =	ssettag $0x0;
	lr =	simm.s32 $0x1  }
0x2: {  	[smem:$0x3F9F] =	sst lr;
	_ =	strace $0xD0000000  }
0x3: {  	_ = 	snop  }
0x4: {  	_ = 	snop  }
0x5: {  	_ = 	snop  }
0x6: {  	_ = 	snop  }
0x7: {  	_ = 	snop  }
__scs_overlays_trampoline_lowered:
0x8: {  	[smem:$0x3FAE] =	sst s0  }
0x9: {  	[smem:$0x3FAF] =	sst s1  }
0xa: {  	[smem:$0x3FB0] =	sst s2  }
0xb: {  	[smem:$0x3FB1] =	sst s3  }
0xc: {  	[smem:$0x3FB2] =	sst s4  }
0xd: {  	[smem:$0x3FB3] =	sst s5  }
0xe: {  	[smem:$0x3FB4] =	sst s6  }
0xf: {  	[smem:$0x3FB5] =	sst s7  }
0x10: {  	[smem:$0x3FB6] =	sst s8  }
0x11: {  	[smem:$0x3FB7] =	sst s9;
	s0 =	simm.s32 @!p0 $0x0  }
0x12: {  	s1 =	sld [smem:$0x3F9D];
	s0 =	simm.s32 @p0 $0x1  }
0x13: {  	[smem:$0x3FB8] =	sst s0;
	s0 =	simm.s32 @!p1 $0x0  }
0x14: {  	s2 =	sld [smem:$0x3F9C];
	s0 =	simm.s32 @p1 $0x1  }
0x15: {  	[smem:$0x3FB9] =	sst s0;
	s0 =	simm.s32 @!p2 $0x0  }
0x16: {  	s3 =	sld [smem:$0x3FDB];
	s0 =	simm.s32 @p2 $0x1  }
0x17: {  	s4 =	simm.s32 $0x1BF5;
	[smem:$0x3FBB] =	sst s0  }
0x18: {  	s0 =	sld [smem:$0x3F9E];
	_ =	swait.ge [sflag:s4], $0x0  }
0x19: {  	s7 =	sld [smem:$0x3F9F]  }
0x1a: {  	s8 =	sadd.s32 $0xFFFFE003, lr  }
0x1b: {  	s9 =	sadd.s32 $0xFFFFFEF7, lr;
	s5 =	simm.s32 $0xFFFFFFFF;
	p2 =	slt.u32 s8, $0xFFFFF086  }
0x1c: {  	p1 =	slt.u32 s9, $0xF7A;
	s5 =	simm.s32 @!p2 $0x0  }
0x1d: {  	s5 =	simm.s32 @p1 $0x1;
	p0 =	seq.s32 s7, s2  }
0x1e: {  	s7 =	smul.u32 @!p0 $0xF7A, s2;
	p2 =	seq.s32 @!p0 s5, $0x0  }
0x1f: {  	s9 =	smul.u32 $0xF7A, s1;
	s8 =	simm.s32 @!p0 $0x1BF5;
	p2 =	por !p2, p0  }
0x20: {  	[sflag:s8] =	ssyncset.s32 @!p0 $0xFFFFF086;
	s6 =	sadd.s32 @!p0 s3, s7;
	s7 =	simm.s32 @!p0 $0x108  }
0x21: {  	s3 =	sadd.s32 s3, s9;
	s6 =	sadd.s32 @!p0 $0x88, s6;
	s7 =	simm.s32 @p2 $0x1082  }
0x22: {  	[simem:s7], [sflag:s8] =	dma.local @!p0 [hbm:s6], $0xF7A  }
0x23: {  	s9 =	sor.u32 $0xD0000000, s2;
	s6 =	simm.s32 $0x108;
	_ =	swait.ge @!p0 [sflag:s8], $0x0  }
0x24: {  	s3 =	sadd.s32 $0x88, s3;
	s6 =	simm.s32 @!p1 $0x1082;
	[sflag:s4] =	ssyncset.s32 $0xFFFFF086  }
0x25: {  	[simem:s6], [sflag:s4] =	dma.local [hbm:s3], $0xF7A  }
0x26: {  	[smem:$0x3F9F] =	sst s1;
	(tag) =	ssettag s2;
	_ =	strace s9  }
0x27: {  	s1 =	sld [smem:$0x3FAF]  }
0x28: {  	s2 =	sld [smem:$0x3FB0]  }
0x29: {  	s4 =	sld [smem:$0x3FB2]  }
0x2a: {  	p0 =	seq.s32 s5, $0x0;
	s5 =	sld [smem:$0x3FB3]  }
0x2b: {  	s6 =	sld [smem:$0x3FB4]  }
0x2c: {  	s7 =	sld [smem:$0x3FB5]  }
0x2d: {  	s3 =	simm.s32 $0x108;
	s8 =	sld [smem:$0x3FB6]  }
0x2e: {  	s3 =	simm.s32 @!p0 $0x1082;
	s9 =	sld [smem:$0x3FB7]  }
0x2f: {  	lr =	sadd.s32 s0, s3;
	s0 =	sld [smem:$0x3FAE]  }
0x30: {  	s3 =	sld [smem:$0x3FB1]  }
0x31: {  	[smem:$0x3FBA] =	sst s10  }
0x32: {  	s10 =	sld [smem:$0x3FB8];
	_ =	sdelay $0x3  }
0x33: {  	p0 =	seq.s32 s10, $0x1;
	s10 =	sld [smem:$0x3FBA];
	_ =	sdelay $0x3  }
0x34: {  	[smem:$0x3FBA] =	sst s10  }
0x35: {  	s10 =	sld [smem:$0x3FB9];
	_ =	sdelay $0x3  }
0x36: {  	p1 =	seq.s32 s10, $0x1;
	s10 =	sld [smem:$0x3FBA];
	_ =	sdelay $0x3  }
0x37: {  	[smem:$0x3FBA] =	sst s10  }
0x38: {  	s10 =	sld [smem:$0x3FBB]  }
0x39: {  	_ = 	snop;
	(pc) =	sbr.ind lr, $3  }
0x3a: {  	_ = 	snop  }
0x3b: {  	_ = 	snop  }
0x3c: {  	p2 =	seq.s32 s10, $0x1;
	s10 =	sld [smem:$0x3FBA]  }
0x3d: {  	_ =	shalt  }
0x3e: {  	_ =	shalt  }
0x3f: {  	_ =	shalt  }
0x40: {  	_ =	shalt  }
0x41: {  	_ =	shalt  }
0x42: {  	_ =	shalt  }
0x43: {  	_ =	shalt  }
0x44: {  	_ =	shalt  }
0x45: {  	_ =	shalt  }
0x46: {  	_ =	shalt  }
0x47: {  	_ =	shalt  }
0x48: {  	_ =	shalt  }
0x49: {  	_ =	shalt  }
0x4a: {  	_ =	shalt  }
0x4b: {  	_ =	shalt  }
0x4c: {  	_ =	shalt  }
0x4d: {  	_ =	shalt  }
0x4e: {  	_ =	shalt  }
0x4f: {  	_ =	shalt  }
0x50: {  	_ =	shalt  }
0x51: {  	_ =	shalt  }
0x52: {  	_ =	shalt  }
0x53: {  	_ =	shalt  }
0x54: {  	_ =	shalt  }
0x55: {  	_ =	shalt  }
0x56: {  	_ =	shalt  }
0x57: {  	_ =	shalt  }
0x58: {  	_ =	shalt  }
0x59: {  	_ =	shalt  }
0x5a: {  	_ =	shalt  }
0x5b: {  	_ =	shalt  }
0x5c: {  	_ =	shalt  }
0x5d: {  	_ =	shalt  }
0x5e: {  	_ =	shalt  }
0x5f: {  	_ =	shalt  }
0x60: {  	_ =	shalt  }
0x61: {  	_ =	shalt  }
0x62: {  	_ =	shalt  }
0x63: {  	_ =	shalt  }
0x64: {  	_ =	shalt  }
0x65: {  	_ =	shalt  }
0x66: {  	_ =	shalt  }
0x67: {  	_ =	shalt  }
0x68: {  	_ =	shalt  }
0x69: {  	_ =	shalt  }
0x6a: {  	_ =	shalt  }
0x6b: {  	_ =	shalt  }
0x6c: {  	_ =	shalt  }
0x6d: {  	_ =	shalt  }
0x6e: {  	_ =	shalt  }
0x6f: {  	_ =	shalt  }
0x70: {  	_ =	shalt  }
0x71: {  	_ =	shalt  }
0x72: {  	_ =	shalt  }
0x73: {  	_ =	shalt  }
0x74: {  	_ =	shalt  }
0x75: {  	_ =	shalt  }
0x76: {  	_ =	shalt  }
0x77: {  	_ =	shalt  }
0x78: {  	_ =	shalt  }
0x79: {  	_ =	shalt  }
0x7a: {  	_ =	shalt  }
0x7b: {  	_ =	shalt  }
0x7c: {  	_ =	shalt  }
0x7d: {  	_ =	shalt  }
0x7e: {  	_ =	shalt  }
0x7f: {  	_ =	shalt  }
0x80: {  	_ =	shalt  }
0x81: {  	_ =	shalt  }
0x82: {  	_ =	shalt  }
0x83: {  	_ =	shalt  }
0x84: {  	_ =	shalt  }
0x85: {  	_ =	shalt  }
0x86: {  	_ =	shalt  }
0x87: {  	_ =	shalt  }
.Lfunc_end0:
.L_simem_size_0:
called_computation.1_lowered:
.L_overlay_start_0:
0x88: {  	s2 =	sld [smem:$0x3FD9]  }
0x89: {  	s3 =	sld [smem:$0x3FFE];
	_ =	sdelay $0x1  }
0x8a: {  	s1 =	srdreg.scid  }
0x8b: {  	s0 =	sand.u32 $0x1, s1  }
0x8c: {  	s16 =	sshll.u32 s0, $0xA;
	s2 =	sadd.s32 s3, s2  }
0x8d: {  	s2 =	sadd.s32 s2, s16  }
0x8e: {  	[smem:$0x3FC6] =	sst s2  }
0x8f: {  	_ = 	snop  }
0x90: {  	(tm) =	ssettm $0x1  }
0x91: {  	s17 =	sld [smem:$0x3FFB];
	_ =	sdelay $0x3  }
0x92: {  	_ =	strace s17  }
0x93: {  	s2 =	sld [smem:$0x3FFC];
	_ =	sdelay $0x3  }
0x94: {  	_ =	strace s2  }
0x95: {  	s2 =	sld [smem:$0x3FFD];
	_ =	sdelay $0x3  }
0x96: {  	_ =	strace s2  }
0x97: {  	_ =	strace $0x8FFFFFFF  }
0x98: {  	s18 =	sld [smem:$0x3FDB];
	_ =	sdelay $0x1  }
0x99: {  	s19 =	simm.s32 $_scs_section_size  }
0x9a: {  	s4 =	simm.s32 $_size__tile_overlayer_lowered;
	s5 =	simm.s32 $_tile_overlayer_lowered  }
0x9b: {  	s22 =	simm.s32 $0x1BFF;
	s21 =	sshll.u32 s5, $0x1;
	s2 =	sadd.s32 s19, s18  }
0x9c: {  	s6 =	simm.s32 $0x0;
	s20 =	sshll.u32 s4, $0x1;
	s4 =	sadd.s32 s21, s2  }
0x9d: {  	[timem:s6], [sflag:s22] =	dma.local [hbm:s4], s20  }
0x9e: {  	_ =	swait.ge [sflag:s22], s20  }
0x9f: {  	s3 =	ssub.s32 $0x0, s20;
	[sflag:s22] =	ssyncset.done $0x0  }
0xa0: {  	[sflag:s22] =	ssyncadd.s32 s3;
	_ =	sdelay $0x1  }
0xa1: {  	s23 =	simm.s32 $0x1B8B  }
0xa2: {  	_ =	swait.ge [sflag:s23], $0x1  }
0xa3: {  	[sflag:s23] =	ssyncset.done $0x0  }
0xa4: {  	s25 =	simm.s32 $0x1B8E;
	s24 =	sld [smem:$0x3FFE];
	[sflag:s23] =	ssyncadd.s32 $0xFFFFFFFF  }
0xa5: {  	s26 =	simm.s32 $execute0_lowered;
	[smem:$0x3FD2] =	sst s25  }
0xa6: {  	s4 =	sshll.u32 s26, $0x1;
	_ =	strace $0x80000049;
	[dreg:$0x1] =	wrdreg $0xFFFFFFFF  }
0xa7: {  	s28 =	simm.s32 $_size_execute0_lowered;
	s2 =	sadd.s32 s2, s4;
	[dreg:$0x0] =	wrdreg $0x0  }
0xa8: {  	s4 =	sshll.u32 s28, $0x1;
	[dreg:$0x2] =	wrdreg s2  }
0xa9: {  	[dreg:$0x3] =	wrdreg s4  }
0xaa: {  	[dreg:$0x4] =	wrdreg $0xC0  }
0xab: {  	_ =	task [dreg:s6], $0x5FFFF  }
0xac: {  	[dreg:$0x1] =	wrdreg $0xFFFFFFFF  }
0xad: {  	[dreg:$0x0] =	wrdreg $0x60  }
0xae: {  	[dreg:$0x2] =	wrdreg s24  }
0xaf: {  	[dreg:$0x3] =	wrdreg $0x9  }
0xb0: {  	_ =	task.clear_ibuf [dreg:s6], $0x4FFFF;
	_ =	strace $0x90000049  }
0xb1: {  	s29 =	simm.s32 $0x9;
	_ =	strace $0x8000004B  }
0xb2: {  	_ =	swait.ge [sflag:s29], $0x1  }
0xb3: {  	[sflag:s29] =	ssyncadd.s32 $0xFFFFFFFF  }
0xb4: {  	_ =	strace $0x9000004B  }
0xb5: {  	_ =	sfence  }
0xb6: {  	s30 =	sld [smem:$0x0];
	_ =	sdelay $0x2  }
0xb7: {  	s31 =	sshll.u32 s1, $0xD;
	s1 =	sshrl.u32 s1, $0x2  }
0xb8: {  	s3 =	sand.u32 $0x4000, s31;
	s1 =	sadd.s32 s1, s30  }
0xb9: {  	s0 =	sor.u32 s3, s0;
	s1 =	sshll.u32 s1, $0x11  }
0xba: {  	s0 =	sor.u32 s1, s0  }
0xbb: {  	s0 =	sadd.s32 $0x8F2B, s0  }
0xbc: {  	[sflag:s0] =	ssyncadd.remote.s32 $0x1  }
0xbd: {  	_ =	sfence.sel $0xFFFF  }
0xbe: {  	[dreg:$0x0] =	wrdreg $0xFFFFFFFF;
	(pc) =	sbr.abs _section_cstart, $3  }
0xbf: {  	[dreg:$0x1] =	wrdreg $0xFFFFFFFF  }
0xc0: {  	_ =	task.clear_ibuf [dreg:s6], $0x2FFFF;
	_ =	strace $0x9FFFFFFF  }
0xc1: {  	(tm) =	ssettm $0x7FFFFFFF  }
tec
execute0_lowered:
.L_overlay_start_1:
0x0: {  	(tag) =	ssettag $0x1  }
0x1: {  	s0 =	srdreg.scid;
	s10 =	stileid.u32  }
0x2: {  	s1 =	rddreg [dreg:$0x0];
	s29 =	simm.s32 $0x2000;
	s30 =	simm.s32 $0xC000  }
0x3: {  	s31 =	simm.s32 $0xE000;
	s22 =	simm.s32 $0x1;
	s23 =	simm.s32 $0x10000  }
0x4: {  	s24 =	simm.s32 $0x2;
	s0 =	sand.u32 $0x1, s0;
	s6 =	sshrl.u32 s10, $0x2  }
0x5: {  	s2 =	sshll.u32 s10, $0x1;
	s11 =	sadd.s32 $0x2A0A00, s1;
	s3 =	smul.u32 $0x54000, s6  }
0x6: {  	s25 =	sshll.u32 s10, $0x3;
	s4 =	sor.u32 s0, s2;
	s12 =	smul.u32 $0x540000, s6  }
0x7: {  	s2 =	simm.s32 $0x0;
	s7 =	ssub.s32 $0x2, s0;
	s6 =	smul.u32 $0x15, s6  }
0x8: {  	s0 =	sshll.u32 s0, $0x2;
	s5 =	sshll.u32 s4, $0x7;
	[smem:$0x7FF] =	sst s2  }
0x9: {  	s8 =	sshrl.u32 s7, $0x1;
	s9 =	sshll.u32 s4, $0xC;
	s4 =	sshll.u32 s4, $0x2  }
0xa: {  	s0 =	sor.u32 s0, s25;
	_ =	strace $0x8000004A;
	[dreg:$0x4] =	wrdreg s4  }
0xb: {  	s25 =	simm.s32 $0x3;
	s5 =	sand.u32 $0x380, s5;
	[dreg:$0x2] =	wrdreg s11  }
0xc: {  	s7 =	ssub.s32 s7, s8;
	s20 =	sadd.s32 $0x40000, s12;
	[dreg:$0xb] =	wrdreg s0  }
0xd: {  	s21 =	sadd.s32 $0x80000, s12;
	s28 =	sadd.s32 $0x5, s6;
	[dreg:$0x3] =	wrdreg s12  }
0xe: {  	s13 =	sadd.s32 $0x6, s6;
	s4 =	simm.s32 $0x0;
	[dreg:$0x6] =	wrdreg s20  }
0xf: {  	s5 =	sor.u32 s3, s5;
	s3 =	sadd.s32 $0xA00, s1;
	[dreg:$0x7] =	wrdreg s21  }
0x10: {  	s26 =	smax.u32 s7, $0x1;
	[dreg:$0x8] =	wrdreg s28;
	s5 =	sshrl.u32 s5, $0x3  }
0x11: {  	[dreg:$0xa] =	wrdreg s26;
	s1 =	sadd.s32 s5, s1;
	s5 =	sadd.s32 s11, s9  }
0x12: {  	v0 =	vimm.f32 $0.0e+00;
	s26 =	simm.s32 $0x4;
	s1 =	sadd.s32 $0x2C0A00, s1;
	[dreg:$0x5] =	wrdreg s5  }
0x13: {  	v1 =	vlaneseq.u32;
	v2 =	vimm.f32 $1.000000000e+00;
	v3 =	vimm.f32 $-1.000000000e+00;
	s11 =	sadd.s32 $0x4, s6;
	s14 =	sadd.s32 $0x800, s5;
	[dreg:$0x9] =	wrdreg s1  }
.LBB2_1:
0x14: {  	[dreg:$0xc] =	wrdreg s4;
	s0 =	simm.s32 $0x0  }
.LBB2_2:
0x15: {  	p0 =	sne.s32 s0, $0x29FC0  }
.Ltmp0:
0x16: {  	_ = 	snop;
	(pc) =	sbr.rel @p0 .LBB2_2-.Ltmp0, $3  }
0x17: {  	_ =	sdelay $0x1  }
0x18: {  	s1 =	sshra.s32 s0, $0x2  }
0x19: {  	s0 =	sadd.s32 $0x40, s0;
	[tilespmem:s1+$0x10000] =	vst v0  }
0x1a: {  	s0 =	simm.s32 $0x0;
	s1 =	simm.s32 $0x8000;
	s4 =	simm.s32 $0x0  }
.LBB2_4:
0x1b: {  	p0 =	seq.s32 s4, $0x3F0  }
.Ltmp1:
0x1c: {  	_ = 	snop;
	(pc) =	sbr.rel @!p0 .LBB2_4-.Ltmp1, $4  }
0x1d: {  	_ = 	snop  }
0x1e: {  	s7 =	sadd.s32 s4, s5  }
0x1f: {  	[tilespmem:s1], [sflag:$0x5] =	stream.linear.gather [hbm4b:s7+s0], $0x80, $0x38;
	[tilespmem:$0x1A800] =	vst v63  }
0x20: {  	s4 =	sadd.s32 $0x10, s4;
	s1 =	sadd.s32 $0x100, s1  }
0x21: {  	p1 =	por $0x1, $0x1  }
.LBB2_7:
0x22: {  	s1 =	rddreg [dreg:$0x4]  }
0x23: {  	s1 =	sor.u32 s1, s0  }
0x24: {  	s4 =	sshll.u32 s1, $0xD  }
0x25: {  	s16 =	sand.u32 $0x3C000, s4  }
0x26: {  	s5 =	simm.s32 $0x5;
	s7 =	simm.s32 $0x0;
	s4 =	sor.u32 s12, s16  }
0x27: {  	p0 =	por p1, p1;
	_ =	swait.ge [sflag:s5], $0x2000;
	s4 =	sshrl.u32 s4, $0x3  }
0x28: {  	s8 =	simm.s32 $0x10;
	[sflag:s5] =	ssyncset.done $0x0;
	s4 =	sadd.s32 s3, s4  }
0x29: {  	s15 =	simm.s32 $0x200;
	[sflag:s5] =	ssyncadd.s32 $0xFFFFE000;
	s17 =	sadd.s32 $0x0, s4  }
.LBB2_8:
0x2a: {  	[tilespmem:s7], [sflag:$0x1] =	stream.linear.gather [hbm4b:s17+s2], $0x80, $0x38;
	[tilespmem:$0x1A800] =	vst v63  }
0x2b: {  	s17 =	smov.u32 s8;
	s7 =	smov.u32 s15;
	p1 =	sne.s32 s8, $0x3F0  }
.Ltmp2:
0x2c: {  	s8 =	sadd.s32 $0x10, s8;
	(pc) =	sbr.rel @p1 .LBB2_8-.Ltmp2, $2  }
0x2d: {  	_ =	sdelay $0x2  }
0x2e: {  	s15 =	sadd.s32 $0x200, s15;
	s17 =	sadd.s32 s17, s4  }
0x2f: {  	[tilespmem:s7], [sflag:$0x1] =	stream.linear.gather [hbm4b:s17+s2], $0x80, $0x38;
	[tilespmem:$0x1A800] =	vst v63  }
0x30: {  	s4 =	sor.u32 s20, s16  }
0x31: {  	s4 =	sshrl.u32 s4, $0x3  }
0x32: {  	s7 =	simm.s32 $0x80;
	s4 =	sadd.s32 s3, s4  }
0x33: {  	s8 =	simm.s32 $0x10;
	s15 =	simm.s32 $0x280;
	s17 =	sadd.s32 $0x0, s4  }
.LBB2_10:
0x34: {  	[tilespmem:s7], [sflag:$0x2] =	stream.linear.gather [hbm4b:s17+s2], $0x80, $0x38;
	[tilespmem:$0x1A800] =	vst v63  }
0x35: {  	s17 =	smov.u32 s8;
	s7 =	smov.u32 s15;
	p1 =	sne.s32 s8, $0x3F0  }
.Ltmp3:
0x36: {  	s8 =	sadd.s32 $0x10, s8;
	(pc) =	sbr.rel @p1 .LBB2_10-.Ltmp3, $2  }
0x37: {  	_ =	sdelay $0x2  }
0x38: {  	s15 =	sadd.s32 $0x200, s15;
	s17 =	sadd.s32 s17, s4  }
0x39: {  	[tilespmem:s7], [sflag:$0x2] =	stream.linear.gather [hbm4b:s17+s2], $0x80, $0x38;
	[tilespmem:$0x1A800] =	vst v63  }
0x3a: {  	s4 =	sor.u32 s21, s16  }
0x3b: {  	s4 =	sshrl.u32 s4, $0x3  }
0x3c: {  	s7 =	simm.s32 $0x100;
	s4 =	sadd.s32 s3, s4  }
0x3d: {  	s8 =	simm.s32 $0x10;
	s15 =	simm.s32 $0x300;
	s17 =	sadd.s32 $0x0, s4  }
.LBB2_12:
0x3e: {  	[tilespmem:s7], [sflag:$0x3] =	stream.linear.gather [hbm4b:s17+s2], $0x80, $0x38;
	[tilespmem:$0x1A800] =	vst v63  }
0x3f: {  	s17 =	smov.u32 s8;
	s7 =	smov.u32 s15;
	p1 =	sne.s32 s8, $0x3F0  }
.Ltmp4:
0x40: {  	s8 =	sadd.s32 $0x10, s8;
	(pc) =	sbr.rel @p1 .LBB2_12-.Ltmp4, $2  }
0x41: {  	_ =	sdelay $0x2  }
0x42: {  	s15 =	sadd.s32 $0x200, s15;
	s17 =	sadd.s32 s17, s4  }
0x43: {  	[tilespmem:s7], [sflag:$0x3] =	stream.linear.gather [hbm4b:s17+s2], $0x80, $0x38;
	[tilespmem:$0x1A800] =	vst v63  }
0x44: {  	s1 =	sor.u32 $0x1, s1  }
0x45: {  	[dreg:$0xe] =	wrdreg s1;
	s1 =	sshll.u32 s1, $0xA  }
0x46: {  	s4 =	rddreg [dreg:$0x2];
	s1 =	sand.u32 $0x1FFFFC00, s1  }
0x47: {  	s7 =	simm.s32 $0x10;
	s1 =	sadd.s32 s4, s1  }
0x48: {  	s8 =	simm.s32 $0x8180;
	s4 =	simm.s32 $0x8080;
	s17 =	sadd.s32 $0x0, s1  }
.LBB2_14:
0x49: {  	[tilespmem:s4], [sflag:$0x6] =	stream.linear.gather [hbm4b:s17+s2], $0x80, $0x38;
	[tilespmem:$0x1A800] =	vst v63  }
0x4a: {  	s17 =	smov.u32 s7;
	s4 =	smov.u32 s8;
	p1 =	sne.s32 s7, $0x3F0  }
.Ltmp5:
0x4b: {  	s7 =	sadd.s32 $0x10, s7;
	(pc) =	sbr.rel @p1 .LBB2_14-.Ltmp5, $2  }
0x4c: {  	_ =	sdelay $0x2  }
0x4d: {  	s8 =	sadd.s32 $0x100, s8;
	s17 =	sadd.s32 s17, s1  }
0x4e: {  	[tilespmem:s4], [sflag:$0x6] =	stream.linear.gather [hbm4b:s17+s2], $0x80, $0x38;
	[tilespmem:$0x1A800] =	vst v63  }
0x4f: {  	s1 =	simm.s32 $0x0  }
0x50: {  	s10 =	sand.u32 $0xFC00, s1  }
0x51: {  	s4 =	sshrl.u32 s10, $0x2  }
0x52: {  	s1 =	sand.u32 $0x40, s1;
	s7 =	sor.u32 $0x8000, s4  }
0x53: {  	s1 =	sor.u32 s1, s7  }
0x54: {  	s15 =	rddreg [dreg:$0xb];
	v4 =	vld [tilespmem:s1+$0x0]  }
0x55: {  	s0 =	sadd.s32 s0, s15  }
0x56: {  	[dreg:$0xd] =	wrdreg s0;
	s0 =	sshll.u32 s0, $0xD  }
0x57: {  	s0 =	sand.u32 $0x3C000, s0  }
0x58: {  	s0 =	sadd.s32 s0, s12  }
0x59: {  	s19 =	sadd.s32 $0x0, s0;
	v4 =	vshll.u32 v4, $0x12  }
0x5a: {  	s8 =	simm.s32 $0x10;
	v4 =	vadd.s32 s19, v4  }
0x5b: {  	s8 =	sand.u32 $0x50, s8;
	s4 =	simm.s32 $0xC020;
	v4 =	vadd.s32 v1, v4  }
0x5c: {  	s8 =	sor.u32 s8, s7;
	[tilespmem:s4+$0xFFFFFFE0] =	vst v4  }
0x5d: {  	v4 =	vld [tilespmem:s8+$0x0];
	_ =	sdelay $0x4  }
0x5e: {  	s17 =	sadd.s32 $0x10, s19;
	v4 =	vshll.u32 v4, $0x12  }
0x5f: {  	s18 =	simm.s32 $0x20;
	v4 =	vadd.s32 s17, v4  }
0x60: {  	s8 =	sand.u32 $0x60, s18;
	v4 =	vadd.s32 v1, v4  }
0x61: {  	s8 =	sor.u32 s8, s7;
	[tilespmem:s4+$0xFFFFFFF0] =	vst v4  }
0x62: {  	v4 =	vld [tilespmem:s8+$0x0];
	_ =	sdelay $0x4  }
0x63: {  	s20 =	sadd.s32 $0x20, s19;
	v4 =	vshll.u32 v4, $0x12  }
0x64: {  	s21 =	simm.s32 $0x30;
	v4 =	vadd.s32 s20, v4  }
0x65: {  	s8 =	sand.u32 $0x70, s21;
	v4 =	vadd.s32 v1, v4  }
0x66: {  	s7 =	sor.u32 s8, s7;
	[tilespmem:s4+$0x0] =	vst v4  }
0x67: {  	v4 =	vld [tilespmem:s7+$0x0];
	_ =	sdelay $0x3  }
0x68: {  	s19 =	sadd.s32 $0x30, s19;
	s8 =	simm.s32 $0x200  }
0x69: {  	s17 =	simm.s32 $0x80;
	s18 =	sand.u32 $0xFC00, s8;
	s7 =	simm.s32 $0x40;
	v4 =	vshll.u32 v4, $0x12  }
.LBB2_16:
0x6a: {  	p1 =	sne.s32 s17, $0x1FC0;
	s18 =	sshrl.u32 s18, $0x2;
	v4 =	vadd.s32 s19, v4  }
0x6b: {  	s19 =	sand.u32 $0x40, s7;
	s18 =	sor.u32 $0x8000, s18;
	v4 =	vadd.s32 v1, v4  }
0x6c: {  	s19 =	sor.u32 s19, s18;
	[tilespmem:s4+$0x10] =	vst v4  }
0x6d: {  	v4 =	vld [tilespmem:s19+$0x0];
	_ =	sdelay $0x4  }
0x6e: {  	s19 =	sadd.s32 s7, s0;
	v4 =	vshll.u32 v4, $0x12  }
0x6f: {  	s20 =	sadd.s32 $0x10, s7;
	v4 =	vadd.s32 s19, v4  }
0x70: {  	s20 =	sand.u32 $0x50, s20;
	s4 =	sadd.s32 $0x40, s4;
	v4 =	vadd.s32 v1, v4  }
0x71: {  	s20 =	sor.u32 s20, s18;
	[tilespmem:s4+$0xFFFFFFE0] =	vst v4  }
0x72: {  	v4 =	vld [tilespmem:s20+$0x0];
	_ =	sdelay $0x4  }
0x73: {  	s20 =	sadd.s32 $0x10, s19;
	v4 =	vshll.u32 v4, $0x12  }
0x74: {  	v4 =	vadd.s32 s20, v4;
	s20 =	sadd.s32 $0x20, s7  }
0x75: {  	v4 =	vadd.s32 v1, v4;
	s20 =	sand.u32 $0x60, s20  }
0x76: {  	[tilespmem:s4+$0xFFFFFFF0] =	vst v4;
	s20 =	sor.u32 s20, s18  }
0x77: {  	v4 =	vld [tilespmem:s20+$0x0];
	_ =	sdelay $0x4  }
0x78: {  	s20 =	sadd.s32 $0x20, s19;
	v4 =	vshll.u32 v4, $0x12  }
0x79: {  	v4 =	vadd.s32 s20, v4;
	s20 =	sadd.s32 $0x30, s7;
	s7 =	smov.u32 s17  }
0x7a: {  	v4 =	vadd.s32 v1, v4;
	s20 =	sand.u32 $0x70, s20  }
0x7b: {  	[tilespmem:s4+$0x0] =	vst v4;
	s18 =	sor.u32 s20, s18  }
0x7c: {  	v4 =	vld [tilespmem:s18+$0x0]  }
.Ltmp6:
0x7d: {  	(pc) =	sbr.rel @p1 .LBB2_16-.Ltmp6, $3  }
0x7e: {  	_ =	sdelay $0x1  }
0x7f: {  	s8 =	sadd.s32 $0x200, s8  }
0x80: {  	s19 =	sadd.s32 $0x30, s19;
	s17 =	sadd.s32 $0x40, s17;
	s18 =	sand.u32 $0xFC00, s8;
	v4 =	vshll.u32 v4, $0x12  }
0x81: {  	s8 =	sshrl.u32 s18, $0x2;
	v4 =	vadd.s32 s19, v4  }
0x82: {  	s17 =	sand.u32 $0x40, s7;
	s8 =	sor.u32 $0x8000, s8;
	v4 =	vadd.s32 v1, v4  }
0x83: {  	s17 =	sor.u32 s17, s8;
	[tilespmem:s4+$0x10] =	vst v4  }
0x84: {  	v4 =	vld [tilespmem:s17+$0x0];
	_ =	sdelay $0x4  }
0x85: {  	s0 =	sadd.s32 s7, s0;
	v4 =	vshll.u32 v4, $0x12  }
0x86: {  	s12 =	sadd.s32 $0x10, s7;
	v4 =	vadd.s32 s0, v4  }
0x87: {  	s15 =	sadd.s32 $0x40, s4;
	s17 =	sand.u32 $0x50, s12;
	v4 =	vadd.s32 v1, v4  }
0x88: {  	s17 =	sor.u32 s17, s8;
	[tilespmem:s15+$0xFFFFFFE0] =	vst v4  }
0x89: {  	v4 =	vld [tilespmem:s17+$0x0];
	_ =	sdelay $0x4  }
0x8a: {  	s18 =	sadd.s32 $0x10, s0;
	v4 =	vshll.u32 v4, $0x12  }
0x8b: {  	s19 =	sadd.s32 $0x20, s7;
	v4 =	vadd.s32 s18, v4  }
0x8c: {  	s17 =	sand.u32 $0x60, s19;
	v4 =	vadd.s32 v1, v4  }
0x8d: {  	s17 =	sor.u32 s17, s8;
	[tilespmem:s15+$0xFFFFFFF0] =	vst v4  }
0x8e: {  	v4 =	vld [tilespmem:s17+$0x0];
	_ =	sdelay $0x4  }
0x8f: {  	s20 =	sadd.s32 $0x20, s0;
	v4 =	vshll.u32 v4, $0x12  }
0x90: {  	s21 =	sadd.s32 $0x30, s7;
	v4 =	vadd.s32 s20, v4  }
0x91: {  	s7 =	sand.u32 $0x70, s21;
	v4 =	vadd.s32 v1, v4  }
0x92: {  	s7 =	sor.u32 s7, s8;
	[tilespmem:s15+$0x0] =	vst v4  }
0x93: {  	v4 =	vld [tilespmem:s7+$0x0];
	_ =	sdelay $0x4  }
0x94: {  	s0 =	sadd.s32 $0x30, s0;
	v4 =	vshll.u32 v4, $0x12  }
0x95: {  	v4 =	vadd.s32 s0, v4  }
0x96: {  	v4 =	vadd.s32 v1, v4  }
0x97: {  	s0 =	simm.s32 $0x0;
	[tilespmem:s15+$0x10] =	vst v4  }
0x98: {  	[tilespmem:s31], [sflag:$0x7] =	stream.indirect.gather [hbm4b:s3+s29], $0x1, s30, s29, $0xb8;
	[tilespmem:$0x1A800] =	vst v63  }
.LBB2_18:
0x99: {  	s31 =	sshllo.u32 s0, $0x2  }
0x9a: {  	s4 =	sadd.s32 s6, s31  }
0x9b: {  	s4 =	sshll.u32 s4, $0x12  }
0x9c: {  	_ =	swait.ge [sflag:s22], $0x2000;
	s7 =	sor.u32 s16, s4  }
0x9d: {  	s8 =	simm.s32 $0x180;
	s17 =	simm.s32 $0x10;
	s7 =	sshrl.u32 s7, $0x3  }
0x9e: {  	s18 =	simm.s32 $0x380;
	[sflag:s22] =	ssyncset.done $0x0;
	s7 =	sadd.s32 s3, s7  }
0x9f: {  	[sflag:s22] =	ssyncadd.s32 $0xFFFFE000;
	s4 =	sshll.u32 s0, $0x2;
	s19 =	sadd.s32 $0x0, s7  }
.LBB2_19:
0xa0: {  	[tilespmem:s8], [sflag:$0x4] =	stream.linear.gather [hbm4b:s19+s2], $0x80, $0x38;
	[tilespmem:$0x1A800] =	vst v63  }
0xa1: {  	s19 =	smov.u32 s17;
	s8 =	smov.u32 s18;
	p1 =	sne.s32 s17, $0x3F0  }
.Ltmp7:
0xa2: {  	s17 =	sadd.s32 $0x10, s17;
	(pc) =	sbr.rel @p1 .LBB2_19-.Ltmp7, $2  }
0xa3: {  	_ =	sdelay $0x2  }
0xa4: {  	s18 =	sadd.s32 $0x200, s18;
	s19 =	sadd.s32 s19, s7  }
0xa5: {  	[tilespmem:s8], [sflag:$0x4] =	stream.linear.gather [hbm4b:s19+s2], $0x80, $0x38;
	[tilespmem:$0x1A800] =	vst v63  }
0xa6: {  	s30 =	simm.s32 $0x0  }
0xa7: {  	v4 =	vld [tilespmem:s30+$0x20]  }
0xa8: {  	v5 =	vld [tilespmem:s30+$0x10]  }
0xa9: {  	v6 =	vld [tilespmem:s30+$0x0]  }
0xaa: {  	v7 =	vld [tilespmem:s30+$0x30]  }
0xab: {  	v8 =	vld [tilespmem:s30+$0x40]  }
0xac: {  	v10 =	vld [tilespmem:s30+$0x70];
	_ =	sdelay $0x1  }
0xad: {  	s7 =	sshll.u32 s0, $0xD;
	v4 =	vand.u32 $0x7FFFFFFF, v4;
	v5 =	vand.u32 $0x7FFFFFFF, v5  }
0xae: {  	s17 =	scvt.s32.f32 s7;
	v11 =	vld [tilespmem:s30+$0x60];
	v6 =	vand.u32 $0x7FFFFFFF, v6;
	v7 =	vand.u32 $0x7FFFFFFF, v7;
	v5 =	vmul.f32 $1.280000000e+02, v5  }
0xaf: {  	v8 =	vand.u32 $0x7FFFFFFF, v8;
	v9 =	vmul.f32 $1.280000000e+02, v4;
	v6 =	vmul.f32 $1.280000000e+02, v6  }
0xb0: {  	v12 =	vld [tilespmem:s30+$0x50];
	v10 =	vand.u32 $0x7FFFFFFF, v10;
	v4 =	vmov s17;
	v5 =	vmin.f32 v5, $1.023500000e+03  }
0xb1: {  	v9 =	vmin.f32 v9, $1.023500000e+03;
	v6 =	vmin.f32 v6, $1.023500000e+03;
	v5 =	vadd.f32 v5, v4  }
0xb2: {  	v8 =	vmul.f32 $1.280000000e+02, v8;
	v9 =	vadd.f32 v9, v4;
	v6 =	vadd.f32 v6, v4  }
0xb3: {  	v11 =	vand.u32 $0x7FFFFFFF, v11;
	v7 =	vmul.f32 $1.280000000e+02, v7;
	v5 =	vtrunc.f32 v5  }
0xb4: {  	v8 =	vmin.f32 v8, $1.023500000e+03;
	v9 =	vtrunc.f32 v9;
	v6 =	vtrunc.f32 v6  }
0xb5: {  	v13 =	vcvt.f32.s32 v6;
	v6 =	vadd.f32 v8, v4;
	v8 =	vand.u32 $0x7FFFFFFF, v12  }
0xb6: {  	v63 =	vcvt.f32.s32 v5;
	v5 =	vmin.f32 v7, $1.023500000e+03;
	v7 =	vmul.f32 $1.280000000e+02, v8  }
0xb7: {  	v8 =	vmul.f32 $1.280000000e+02, v11;
	v11 =	vcvt.f32.s32 v9;
	v5 =	vadd.f32 v5, v4  }
0xb8: {  	v9 =	vmul.f32 $1.280000000e+02, v10;
	v6 =	vtrunc.f32 v6;
	v7 =	vmin.f32 v7, $1.023500000e+03  }
0xb9: {  	v8 =	vmin.f32 v8, $1.023500000e+03;
	v5 =	vtrunc.f32 v5;
	v7 =	vadd.f32 v7, v4  }
0xba: {  	v9 =	vmin.f32 v9, $1.023500000e+03;
	v8 =	vadd.f32 v8, v4;
	v5 =	vcvt.f32.s32 v5  }
0xbb: {  	v6 =	vcvt.f32.s32 v6;
	v9 =	vadd.f32 v9, v4;
	v7 =	vtrunc.f32 v7;
	[tilespmem:v13+s23+$0x0] =	vst.idx.add.f32.msk $0xffff, v2  }
0xbc: {  	v8 =	vtrunc.f32 v8;
	v7 =	vcvt.f32.s32 v7;
	[tilespmem:v63+s23+$0x0] =	vst.idx.add.f32.msk $0xffff, v2  }
0xbd: {  	s8 =	simm.s32 $0x200;
	s17 =	simm.s32 $0x1000;
	v9 =	vtrunc.f32 v9;
	v8 =	vcvt.f32.s32 v8;
	[tilespmem:v11+s23+$0x0] =	vst.idx.add.f32.msk $0xffff, v2  }
.LBB2_21:
0xbe: {  	p1 =	sne.s32 s17, $0x1F800;
	v9 =	vcvt.f32.s32 v9;
	s18 =	smov.u32 s17;
	s17 =	sadd.s32 $0x800, s17  }
0xbf: {  	_ = 	snop  }
0xc0: {  	[tilespmem:v5+s23+$0x0] =	vst.idx.add.f32.msk $0xffff, v2  }
0xc1: {  	[tilespmem:v6+s23+$0x0] =	vst.idx.add.f32.msk $0xffff, v2  }
0xc2: {  	s18 =	sshra.s32 s18, $0x2;
	[tilespmem:v7+s23+$0x0] =	vst.idx.add.f32.msk $0xffff, v2  }
0xc3: {  	[tilespmem:v8+s23+$0x0] =	vst.idx.add.f32.msk $0xffff, v2  }
0xc4: {  	[tilespmem:v9+s23+$0x0] =	vst.idx.add.f32.msk $0xffff, v2  }
0xc5: {  	v5 =	vld [tilespmem:s8+$0x20]  }
0xc6: {  	v6 =	vld [tilespmem:s8+$0x10]  }
0xc7: {  	v7 =	vld [tilespmem:s8+$0x0]  }
0xc8: {  	v8 =	vld [tilespmem:s8+$0x70]  }
0xc9: {  	v9 =	vld [tilespmem:s8+$0x30]  }
0xca: {  	v10 =	vld [tilespmem:s8+$0x40];
	v5 =	vand.u32 $0x7FFFFFFF, v5  }
0xcb: {  	v11 =	vld [tilespmem:s8+$0x50];
	v6 =	vand.u32 $0x7FFFFFFF, v6;
	v5 =	vmul.f32 $1.280000000e+02, v5  }
0xcc: {  	v12 =	vld [tilespmem:s8+$0x60];
	v7 =	vand.u32 $0x7FFFFFFF, v7;
	v6 =	vmul.f32 $1.280000000e+02, v6;
	s8 =	smov.u32 s18  }
0xcd: {  	v7 =	vmul.f32 $1.280000000e+02, v7;
	v5 =	vmin.f32 v5, $1.023500000e+03;
	v8 =	vand.u32 $0x7FFFFFFF, v8  }
0xce: {  	v6 =	vmin.f32 v6, $1.023500000e+03;
	v5 =	vadd.f32 v5, v4;
	v9 =	vand.u32 $0x7FFFFFFF, v9  }
0xcf: {  	v7 =	vmin.f32 v7, $1.023500000e+03;
	v6 =	vadd.f32 v6, v4;
	v10 =	vand.u32 $0x7FFFFFFF, v10  }
0xd0: {  	v9 =	vmul.f32 $1.280000000e+02, v9;
	v7 =	vadd.f32 v7, v4;
	v10 =	vmul.f32 $1.280000000e+02, v10  }
0xd1: {  	v5 =	vtrunc.f32 v5;
	v6 =	vtrunc.f32 v6;
	v12 =	vand.u32 $0x7FFFFFFF, v12  }
0xd2: {  	v7 =	vtrunc.f32 v7;
	v10 =	vmin.f32 v10, $1.023500000e+03;
	v12 =	vmul.f32 $1.280000000e+02, v12  }
0xd3: {  	v11 =	vand.u32 $0x7FFFFFFF, v11;
	v7 =	vcvt.f32.s32 v7;
	v10 =	vadd.f32 v10, v4  }
0xd4: {  	v13 =	vcvt.f32.s32 v6;
	v6 =	vmin.f32 v9, $1.023500000e+03;
	v9 =	vmul.f32 $1.280000000e+02, v11  }
0xd5: {  	v11 =	vcvt.f32.s32 v5;
	v5 =	vadd.f32 v6, v4;
	v6 =	vtrunc.f32 v10  }
0xd6: {  	v8 =	vmul.f32 $1.280000000e+02, v8;
	v9 =	vmin.f32 v9, $1.023500000e+03;
	v10 =	vmin.f32 v12, $1.023500000e+03  }
.Ltmp8:
0xd7: {  	v5 =	vtrunc.f32 v5;
	v9 =	vadd.f32 v9, v4;
	v10 =	vadd.f32 v10, v4;
	(pc) =	sbr.rel @p1 .LBB2_21-.Ltmp8, $4  }
0xd8: {  	v8 =	vmin.f32 v8, $1.023500000e+03;
	v5 =	vcvt.f32.s32 v5  }
0xd9: {  	v12 =	vadd.f32 v8, v4;
	v6 =	vcvt.f32.s32 v6;
	v9 =	vtrunc.f32 v9;
	[tilespmem:v7+s23+$0x0] =	vst.idx.add.f32.msk $0xffff, v2  }
0xda: {  	v8 =	vtrunc.f32 v10;
	v7 =	vcvt.f32.s32 v9;
	[tilespmem:v13+s23+$0x0] =	vst.idx.add.f32.msk $0xffff, v2  }
0xdb: {  	v8 =	vcvt.f32.s32 v8;
	v9 =	vtrunc.f32 v12;
	[tilespmem:v11+s23+$0x0] =	vst.idx.add.f32.msk $0xffff, v2  }
0xdc: {  	_ =	sdelay $0x1  }
0xdd: {  	v9 =	vcvt.f32.s32 v9;
	_ =	sdelay $0x1  }
0xde: {  	[tilespmem:v5+s23+$0x0] =	vst.idx.add.f32.msk $0xffff, v2  }
0xdf: {  	[tilespmem:v6+s23+$0x0] =	vst.idx.add.f32.msk $0xffff, v2  }
0xe0: {  	[tilespmem:v7+s23+$0x0] =	vst.idx.add.f32.msk $0xffff, v2  }
0xe1: {  	[tilespmem:v8+s23+$0x0] =	vst.idx.add.f32.msk $0xffff, v2  }
0xe2: {  	[tilespmem:v9+s23+$0x0] =	vst.idx.add.f32.msk $0xffff, v2  }
0xe3: {  	v5 =	vld [tilespmem:s8+$0x20]  }
0xe4: {  	v6 =	vld [tilespmem:s8+$0x10]  }
0xe5: {  	v7 =	vld [tilespmem:s8+$0x0]  }
0xe6: {  	v8 =	vld [tilespmem:s8+$0x30]  }
0xe7: {  	v9 =	vld [tilespmem:s8+$0x40]  }
0xe8: {  	v10 =	vld [tilespmem:s8+$0x70]  }
0xe9: {  	v11 =	vld [tilespmem:s8+$0x60]  }
0xea: {  	v12 =	vld [tilespmem:s8+$0x50]  }
0xeb: {  	v5 =	vand.u32 $0x7FFFFFFF, v5;
	v6 =	vand.u32 $0x7FFFFFFF, v6  }
0xec: {  	v7 =	vand.u32 $0x7FFFFFFF, v7;
	v8 =	vand.u32 $0x7FFFFFFF, v8;
	v9 =	vand.u32 $0x7FFFFFFF, v9  }
0xed: {  	v10 =	vand.u32 $0x7FFFFFFF, v10;
	v5 =	vmul.f32 $1.280000000e+02, v5;
	v6 =	vmul.f32 $1.280000000e+02, v6  }
0xee: {  	v11 =	vand.u32 $0x7FFFFFFF, v11;
	v7 =	vmul.f32 $1.280000000e+02, v7;
	v8 =	vmul.f32 $1.280000000e+02, v8  }
0xef: {  	v12 =	vand.u32 $0x7FFFFFFF, v12;
	v9 =	vmul.f32 $1.280000000e+02, v9;
	v11 =	vmul.f32 $1.280000000e+02, v11  }
0xf0: {  	v12 =	vmul.f32 $1.280000000e+02, v12;
	v10 =	vmul.f32 $1.280000000e+02, v10  }
0xf1: {  	v5 =	vmin.f32 v5, $1.023500000e+03;
	v6 =	vmin.f32 v6, $1.023500000e+03;
	v7 =	vmin.f32 v7, $1.023500000e+03  }
0xf2: {  	v9 =	vmin.f32 v9, $1.023500000e+03;
	v8 =	vmin.f32 v8, $1.023500000e+03;
	v7 =	vadd.f32 v7, v4  }
0xf3: {  	v12 =	vmin.f32 v12, $1.023500000e+03;
	v11 =	vmin.f32 v11, $1.023500000e+03;
	v6 =	vadd.f32 v6, v4  }
0xf4: {  	v10 =	vmin.f32 v10, $1.023500000e+03;
	v5 =	vadd.f32 v5, v4;
	v7 =	vtrunc.f32 v7  }
0xf5: {  	v8 =	vadd.f32 v8, v4;
	v6 =	vtrunc.f32 v6;
	v7 =	vcvt.f32.s32 v7  }
0xf6: {  	v9 =	vadd.f32 v9, v4;
	v5 =	vtrunc.f32 v5;
	v6 =	vcvt.f32.s32 v6  }
0xf7: {  	v12 =	vadd.f32 v12, v4;
	v8 =	vtrunc.f32 v8;
	v5 =	vcvt.f32.s32 v5  }
0xf8: {  	v11 =	vadd.f32 v11, v4;
	v9 =	vtrunc.f32 v9;
	v8 =	vcvt.f32.s32 v8  }
0xf9: {  	v4 =	vadd.f32 v10, v4;
	v12 =	vtrunc.f32 v12;
	v9 =	vcvt.f32.s32 v9  }
0xfa: {  	v11 =	vtrunc.f32 v11;
	v62 =	vcvt.f32.s32 v12  }
0xfb: {  	v4 =	vtrunc.f32 v4;
	v63 =	vcvt.f32.s32 v11;
	[tilespmem:v7+s23+$0x0] =	vst.idx.add.f32.msk $0xffff, v2  }
0xfc: {  	v4 =	vcvt.f32.s32 v4;
	[tilespmem:v6+s23+$0x0] =	vst.idx.add.f32.msk $0xffff, v2  }
0xfd: {  	[tilespmem:v5+s23+$0x0] =	vst.idx.add.f32.msk $0xffff, v2  }
0xfe: {  	[tilespmem:v8+s23+$0x0] =	vst.idx.add.f32.msk $0xffff, v2  }
0xff: {  	[tilespmem:v9+s23+$0x0] =	vst.idx.add.f32.msk $0xffff, v2  }
0x100: {  	s30 =	sadd.s32 s4, s11;
	[tilespmem:v62+s23+$0x0] =	vst.idx.add.f32.msk $0xffff, v2  }
0x101: {  	s8 =	sshll.u32 s30, $0x12;
	[tilespmem:v63+s23+$0x0] =	vst.idx.add.f32.msk $0xffff, v2  }
0x102: {  	s8 =	sor.u32 s16, s8;
	[tilespmem:v4+s23+$0x0] =	vst.idx.add.f32.msk $0xffff, v2  }
0x103: {  	s17 =	simm.s32 $0x0;
	s8 =	sshrl.u32 s8, $0x3;
	_ =	swait.ge [sflag:s24], $0x2000  }
0x104: {  	s18 =	simm.s32 $0x10;
	s8 =	sadd.s32 s3, s8;
	[sflag:s24] =	ssyncset.done $0x0  }
0x105: {  	s19 =	simm.s32 $0x200;
	s20 =	sadd.s32 $0x0, s8;
	[sflag:s24] =	ssyncadd.s32 $0xFFFFE000  }
.LBB2_23:
0x106: {  	[tilespmem:s17], [sflag:$0x1] =	stream.linear.gather [hbm4b:s20+s2], $0x80, $0x38;
	[tilespmem:$0x1A800] =	vst v63  }
0x107: {  	s20 =	smov.u32 s18;
	s17 =	smov.u32 s19;
	p1 =	sne.s32 s18, $0x3F0  }
.Ltmp9:
0x108: {  	s18 =	sadd.s32 $0x10, s18;
	(pc) =	sbr.rel @p1 .LBB2_23-.Ltmp9, $2  }
0x109: {  	_ =	sdelay $0x2  }
0x10a: {  	s19 =	sadd.s32 $0x200, s19;
	s20 =	sadd.s32 s20, s8  }
0x10b: {  	[tilespmem:s17], [sflag:$0x1] =	stream.linear.gather [hbm4b:s20+s2], $0x80, $0x38;
	[tilespmem:$0x1A800] =	vst v63  }
0x10c: {  	s8 =	simm.s32 $0x0  }
0x10d: {  	v4 =	vld [tilespmem:s8+$0xA0]  }
0x10e: {  	v5 =	vld [tilespmem:s8+$0x90]  }
0x10f: {  	v6 =	vld [tilespmem:s8+$0x80]  }
0x110: {  	v7 =	vld [tilespmem:s8+$0xB0]  }
0x111: {  	v8 =	vld [tilespmem:s8+$0xC0]  }
0x112: {  	v10 =	vld [tilespmem:s8+$0xF0];
	_ =	sdelay $0x1  }
0x113: {  	s30 =	sor.u32 $0x800, s7;
	v4 =	vand.u32 $0x7FFFFFFF, v4;
	v5 =	vand.u32 $0x7FFFFFFF, v5  }
0x114: {  	s17 =	scvt.s32.f32 s30;
	v11 =	vld [tilespmem:s8+$0xE0];
	v6 =	vand.u32 $0x7FFFFFFF, v6;
	v7 =	vand.u32 $0x7FFFFFFF, v7;
	v5 =	vmul.f32 $1.280000000e+02, v5  }
0x115: {  	v8 =	vand.u32 $0x7FFFFFFF, v8;
	v9 =	vmul.f32 $1.280000000e+02, v4;
	v6 =	vmul.f32 $1.280000000e+02, v6  }
0x116: {  	v12 =	vld [tilespmem:s8+$0xD0];
	v10 =	vand.u32 $0x7FFFFFFF, v10;
	v4 =	vmov s17;
	v5 =	vmin.f32 v5, $1.023500000e+03  }
0x117: {  	v9 =	vmin.f32 v9, $1.023500000e+03;
	v6 =	vmin.f32 v6, $1.023500000e+03;
	v5 =	vadd.f32 v5, v4  }
0x118: {  	v8 =	vmul.f32 $1.280000000e+02, v8;
	v9 =	vadd.f32 v9, v4;
	v6 =	vadd.f32 v6, v4  }
0x119: {  	v11 =	vand.u32 $0x7FFFFFFF, v11;
	v7 =	vmul.f32 $1.280000000e+02, v7;
	v5 =	vtrunc.f32 v5  }
0x11a: {  	v8 =	vmin.f32 v8, $1.023500000e+03;
	v9 =	vtrunc.f32 v9;
	v6 =	vtrunc.f32 v6  }
0x11b: {  	v13 =	vcvt.f32.s32 v6;
	v6 =	vadd.f32 v8, v4;
	v8 =	vand.u32 $0x7FFFFFFF, v12  }
0x11c: {  	v63 =	vcvt.f32.s32 v5;
	v5 =	vmin.f32 v7, $1.023500000e+03;
	v7 =	vmul.f32 $1.280000000e+02, v8  }
0x11d: {  	v8 =	vmul.f32 $1.280000000e+02, v11;
	v11 =	vcvt.f32.s32 v9;
	v5 =	vadd.f32 v5, v4  }
0x11e: {  	v9 =	vmul.f32 $1.280000000e+02, v10;
	v6 =	vtrunc.f32 v6;
	v7 =	vmin.f32 v7, $1.023500000e+03  }
0x11f: {  	v8 =	vmin.f32 v8, $1.023500000e+03;
	v5 =	vtrunc.f32 v5;
	v7 =	vadd.f32 v7, v4  }
0x120: {  	v9 =	vmin.f32 v9, $1.023500000e+03;
	v8 =	vadd.f32 v8, v4;
	v5 =	vcvt.f32.s32 v5  }
0x121: {  	v6 =	vcvt.f32.s32 v6;
	v9 =	vadd.f32 v9, v4;
	v7 =	vtrunc.f32 v7;
	[tilespmem:v13+s23+$0x0] =	vst.idx.add.f32.msk $0xffff, v2  }
0x122: {  	v8 =	vtrunc.f32 v8;
	v7 =	vcvt.f32.s32 v7;
	[tilespmem:v63+s23+$0x0] =	vst.idx.add.f32.msk $0xffff, v2  }
0x123: {  	s8 =	simm.s32 $0x200;
	s17 =	simm.s32 $0x1000;
	v9 =	vtrunc.f32 v9;
	v8 =	vcvt.f32.s32 v8;
	[tilespmem:v11+s23+$0x0] =	vst.idx.add.f32.msk $0xffff, v2  }
.LBB2_25:
0x124: {  	p1 =	sne.s32 s17, $0x1F800;
	v9 =	vcvt.f32.s32 v9;
	s18 =	smov.u32 s17;
	s17 =	sadd.s32 $0x800, s17  }
0x125: {  	_ = 	snop  }
0x126: {  	[tilespmem:v5+s23+$0x0] =	vst.idx.add.f32.msk $0xffff, v2  }
0x127: {  	[tilespmem:v6+s23+$0x0] =	vst.idx.add.f32.msk $0xffff, v2  }
0x128: {  	s18 =	sshra.s32 s18, $0x2;
	[tilespmem:v7+s23+$0x0] =	vst.idx.add.f32.msk $0xffff, v2  }
0x129: {  	[tilespmem:v8+s23+$0x0] =	vst.idx.add.f32.msk $0xffff, v2  }
0x12a: {  	[tilespmem:v9+s23+$0x0] =	vst.idx.add.f32.msk $0xffff, v2  }
0x12b: {  	v5 =	vld [tilespmem:s8+$0xA0]  }
0x12c: {  	v6 =	vld [tilespmem:s8+$0x90]  }
0x12d: {  	v7 =	vld [tilespmem:s8+$0x80]  }
0x12e: {  	v8 =	vld [tilespmem:s8+$0xF0]  }
0x12f: {  	v9 =	vld [tilespmem:s8+$0xB0]  }
0x130: {  	v10 =	vld [tilespmem:s8+$0xC0];
	v5 =	vand.u32 $0x7FFFFFFF, v5  }
0x131: {  	v11 =	vld [tilespmem:s8+$0xD0];
	v6 =	vand.u32 $0x7FFFFFFF, v6;
	v5 =	vmul.f32 $1.280000000e+02, v5  }
0x132: {  	v12 =	vld [tilespmem:s8+$0xE0];
	v7 =	vand.u32 $0x7FFFFFFF, v7;
	v6 =	vmul.f32 $1.280000000e+02, v6;
	s8 =	smov.u32 s18  }
0x133: {  	v7 =	vmul.f32 $1.280000000e+02, v7;
	v5 =	vmin.f32 v5, $1.023500000e+03;
	v8 =	vand.u32 $0x7FFFFFFF, v8  }
0x134: {  	v6 =	vmin.f32 v6, $1.023500000e+03;
	v5 =	vadd.f32 v5, v4;
	v9 =	vand.u32 $0x7FFFFFFF, v9  }
0x135: {  	v7 =	vmin.f32 v7, $1.023500000e+03;
	v6 =	vadd.f32 v6, v4;
	v10 =	vand.u32 $0x7FFFFFFF, v10  }
0x136: {  	v9 =	vmul.f32 $1.280000000e+02, v9;
	v7 =	vadd.f32 v7, v4;
	v10 =	vmul.f32 $1.280000000e+02, v10  }
0x137: {  	v5 =	vtrunc.f32 v5;
	v6 =	vtrunc.f32 v6;
	v12 =	vand.u32 $0x7FFFFFFF, v12  }
0x138: {  	v7 =	vtrunc.f32 v7;
	v10 =	vmin.f32 v10, $1.023500000e+03;
	v12 =	vmul.f32 $1.280000000e+02, v12  }
0x139: {  	v11 =	vand.u32 $0x7FFFFFFF, v11;
	v7 =	vcvt.f32.s32 v7;
	v10 =	vadd.f32 v10, v4  }
0x13a: {  	v13 =	vcvt.f32.s32 v6;
	v6 =	vmin.f32 v9, $1.023500000e+03;
	v9 =	vmul.f32 $1.280000000e+02, v11  }
0x13b: {  	v11 =	vcvt.f32.s32 v5;
	v5 =	vadd.f32 v6, v4;
	v6 =	vtrunc.f32 v10  }
0x13c: {  	v8 =	vmul.f32 $1.280000000e+02, v8;
	v9 =	vmin.f32 v9, $1.023500000e+03;
	v10 =	vmin.f32 v12, $1.023500000e+03  }
.Ltmp10:
0x13d: {  	v5 =	vtrunc.f32 v5;
	v9 =	vadd.f32 v9, v4;
	v10 =	vadd.f32 v10, v4;
	(pc) =	sbr.rel @p1 .LBB2_25-.Ltmp10, $4  }
0x13e: {  	v8 =	vmin.f32 v8, $1.023500000e+03;
	v5 =	vcvt.f32.s32 v5  }
0x13f: {  	v12 =	vadd.f32 v8, v4;
	v6 =	vcvt.f32.s32 v6;
	v9 =	vtrunc.f32 v9;
	[tilespmem:v7+s23+$0x0] =	vst.idx.add.f32.msk $0xffff, v2  }
0x140: {  	v8 =	vtrunc.f32 v10;
	v7 =	vcvt.f32.s32 v9;
	[tilespmem:v13+s23+$0x0] =	vst.idx.add.f32.msk $0xffff, v2  }
0x141: {  	v8 =	vcvt.f32.s32 v8;
	v9 =	vtrunc.f32 v12;
	[tilespmem:v11+s23+$0x0] =	vst.idx.add.f32.msk $0xffff, v2  }
0x142: {  	_ =	sdelay $0x1  }
0x143: {  	v9 =	vcvt.f32.s32 v9;
	_ =	sdelay $0x1  }
0x144: {  	[tilespmem:v5+s23+$0x0] =	vst.idx.add.f32.msk $0xffff, v2  }
0x145: {  	[tilespmem:v6+s23+$0x0] =	vst.idx.add.f32.msk $0xffff, v2  }
0x146: {  	[tilespmem:v7+s23+$0x0] =	vst.idx.add.f32.msk $0xffff, v2  }
0x147: {  	[tilespmem:v8+s23+$0x0] =	vst.idx.add.f32.msk $0xffff, v2  }
0x148: {  	[tilespmem:v9+s23+$0x0] =	vst.idx.add.f32.msk $0xffff, v2  }
0x149: {  	v5 =	vld [tilespmem:s8+$0xA0]  }
0x14a: {  	v6 =	vld [tilespmem:s8+$0x90]  }
0x14b: {  	v7 =	vld [tilespmem:s8+$0x80]  }
0x14c: {  	v8 =	vld [tilespmem:s8+$0xB0]  }
0x14d: {  	v9 =	vld [tilespmem:s8+$0xC0]  }
0x14e: {  	v10 =	vld [tilespmem:s8+$0xF0]  }
0x14f: {  	v11 =	vld [tilespmem:s8+$0xE0]  }
0x150: {  	v12 =	vld [tilespmem:s8+$0xD0]  }
0x151: {  	v5 =	vand.u32 $0x7FFFFFFF, v5;
	v6 =	vand.u32 $0x7FFFFFFF, v6  }
0x152: {  	v7 =	vand.u32 $0x7FFFFFFF, v7;
	v8 =	vand.u32 $0x7FFFFFFF, v8;
	v9 =	vand.u32 $0x7FFFFFFF, v9  }
0x153: {  	v10 =	vand.u32 $0x7FFFFFFF, v10;
	v5 =	vmul.f32 $1.280000000e+02, v5;
	v6 =	vmul.f32 $1.280000000e+02, v6  }
0x154: {  	v11 =	vand.u32 $0x7FFFFFFF, v11;
	v7 =	vmul.f32 $1.280000000e+02, v7;
	v8 =	vmul.f32 $1.280000000e+02, v8  }
0x155: {  	v12 =	vand.u32 $0x7FFFFFFF, v12;
	v9 =	vmul.f32 $1.280000000e+02, v9;
	v11 =	vmul.f32 $1.280000000e+02, v11  }
0x156: {  	v12 =	vmul.f32 $1.280000000e+02, v12;
	v10 =	vmul.f32 $1.280000000e+02, v10  }
0x157: {  	v5 =	vmin.f32 v5, $1.023500000e+03;
	v6 =	vmin.f32 v6, $1.023500000e+03;
	v7 =	vmin.f32 v7, $1.023500000e+03  }
0x158: {  	v9 =	vmin.f32 v9, $1.023500000e+03;
	v8 =	vmin.f32 v8, $1.023500000e+03;
	v7 =	vadd.f32 v7, v4  }
0x159: {  	v12 =	vmin.f32 v12, $1.023500000e+03;
	v11 =	vmin.f32 v11, $1.023500000e+03;
	v6 =	vadd.f32 v6, v4  }
0x15a: {  	v10 =	vmin.f32 v10, $1.023500000e+03;
	v5 =	vadd.f32 v5, v4;
	v7 =	vtrunc.f32 v7  }
0x15b: {  	v8 =	vadd.f32 v8, v4;
	v6 =	vtrunc.f32 v6;
	v7 =	vcvt.f32.s32 v7  }
0x15c: {  	v9 =	vadd.f32 v9, v4;
	v5 =	vtrunc.f32 v5;
	v6 =	vcvt.f32.s32 v6  }
0x15d: {  	v12 =	vadd.f32 v12, v4;
	v8 =	vtrunc.f32 v8;
	v5 =	vcvt.f32.s32 v5  }
0x15e: {  	v11 =	vadd.f32 v11, v4;
	v9 =	vtrunc.f32 v9;
	v8 =	vcvt.f32.s32 v8  }
0x15f: {  	v4 =	vadd.f32 v10, v4;
	v12 =	vtrunc.f32 v12;
	v9 =	vcvt.f32.s32 v9  }
0x160: {  	v11 =	vtrunc.f32 v11;
	v62 =	vcvt.f32.s32 v12  }
0x161: {  	v4 =	vtrunc.f32 v4;
	v63 =	vcvt.f32.s32 v11;
	[tilespmem:v7+s23+$0x0] =	vst.idx.add.f32.msk $0xffff, v2  }
0x162: {  	v4 =	vcvt.f32.s32 v4;
	[tilespmem:v6+s23+$0x0] =	vst.idx.add.f32.msk $0xffff, v2  }
0x163: {  	[tilespmem:v5+s23+$0x0] =	vst.idx.add.f32.msk $0xffff, v2  }
0x164: {  	[tilespmem:v8+s23+$0x0] =	vst.idx.add.f32.msk $0xffff, v2  }
0x165: {  	[tilespmem:v9+s23+$0x0] =	vst.idx.add.f32.msk $0xffff, v2  }
0x166: {  	p1 =	seq.s32 s0, $0x4;
	[tilespmem:v62+s23+$0x0] =	vst.idx.add.f32.msk $0xffff, v2  }
.Ltmp11:
0x167: {  	[tilespmem:v63+s23+$0x0] =	vst.idx.add.f32.msk $0xffff, v2;
	(pc) =	sbr.rel @p1 .LBB2_30-.Ltmp11, $4  }
0x168: {  	[tilespmem:v4+s23+$0x0] =	vst.idx.add.f32.msk $0xffff, v2  }
0x169: {  	_ =	swait.ge [sflag:s25], $0x2000  }
0x16a: {  	[sflag:s25] =	ssyncset.done $0x0  }
0x16b: {  	[sflag:s25] =	ssyncadd.s32 $0xFFFFE000  }
0x16c: {  	s8 =	sadd.s32 s4, s28  }
0x16d: {  	s8 =	sshll.u32 s8, $0x12  }
0x16e: {  	s8 =	sor.u32 s16, s8  }
0x16f: {  	s8 =	sshrl.u32 s8, $0x3  }
0x170: {  	s17 =	simm.s32 $0x80;
	s8 =	sadd.s32 s3, s8  }
0x171: {  	s18 =	simm.s32 $0x10;
	s19 =	simm.s32 $0x280;
	s20 =	sadd.s32 $0x0, s8  }
.LBB2_28:
0x172: {  	[tilespmem:s17], [sflag:$0x2] =	stream.linear.gather [hbm4b:s20+s2], $0x80, $0x38;
	[tilespmem:$0x1A800] =	vst v63  }
0x173: {  	s20 =	smov.u32 s18;
	s17 =	smov.u32 s19;
	p2 =	sne.s32 s18, $0x3F0  }
.Ltmp12:
0x174: {  	s18 =	sadd.s32 $0x10, s18;
	(pc) =	sbr.rel @p2 .LBB2_28-.Ltmp12, $2  }
0x175: {  	_ =	sdelay $0x2  }
0x176: {  	s19 =	sadd.s32 $0x200, s19;
	s20 =	sadd.s32 s20, s8  }
0x177: {  	[tilespmem:s17], [sflag:$0x2] =	stream.linear.gather [hbm4b:s20+s2], $0x80, $0x38;
	[tilespmem:$0x1A800] =	vst v63  }
.LBB2_30:
0x178: {  	s8 =	simm.s32 $0x0  }
0x179: {  	v4 =	vld [tilespmem:s8+$0x120]  }
0x17a: {  	v5 =	vld [tilespmem:s8+$0x110]  }
0x17b: {  	v6 =	vld [tilespmem:s8+$0x100]  }
0x17c: {  	v7 =	vld [tilespmem:s8+$0x130]  }
0x17d: {  	v8 =	vld [tilespmem:s8+$0x140]  }
0x17e: {  	v10 =	vld [tilespmem:s8+$0x170];
	_ =	sdelay $0x1  }
0x17f: {  	s7 =	sor.u32 $0x1000, s7;
	v4 =	vand.u32 $0x7FFFFFFF, v4;
	v5 =	vand.u32 $0x7FFFFFFF, v5  }
0x180: {  	s7 =	scvt.s32.f32 s7;
	v11 =	vld [tilespmem:s8+$0x160];
	v6 =	vand.u32 $0x7FFFFFFF, v6;
	v7 =	vand.u32 $0x7FFFFFFF, v7;
	v5 =	vmul.f32 $1.280000000e+02, v5  }
0x181: {  	v8 =	vand.u32 $0x7FFFFFFF, v8;
	v9 =	vmul.f32 $1.280000000e+02, v4;
	v6 =	vmul.f32 $1.280000000e+02, v6  }
0x182: {  	v12 =	vld [tilespmem:s8+$0x150];
	v10 =	vand.u32 $0x7FFFFFFF, v10;
	v4 =	vmov s7;
	v5 =	vmin.f32 v5, $1.023500000e+03  }
0x183: {  	v9 =	vmin.f32 v9, $1.023500000e+03;
	v6 =	vmin.f32 v6, $1.023500000e+03;
	v5 =	vadd.f32 v5, v4  }
0x184: {  	v8 =	vmul.f32 $1.280000000e+02, v8;
	v9 =	vadd.f32 v9, v4;
	v6 =	vadd.f32 v6, v4  }
0x185: {  	v11 =	vand.u32 $0x7FFFFFFF, v11;
	v7 =	vmul.f32 $1.280000000e+02, v7;
	v5 =	vtrunc.f32 v5  }
0x186: {  	v8 =	vmin.f32 v8, $1.023500000e+03;
	v9 =	vtrunc.f32 v9;
	v6 =	vtrunc.f32 v6  }
0x187: {  	v13 =	vcvt.f32.s32 v6;
	v6 =	vadd.f32 v8, v4;
	v8 =	vand.u32 $0x7FFFFFFF, v12  }
0x188: {  	v63 =	vcvt.f32.s32 v5;
	v5 =	vmin.f32 v7, $1.023500000e+03;
	v7 =	vmul.f32 $1.280000000e+02, v8  }
0x189: {  	v8 =	vmul.f32 $1.280000000e+02, v11;
	v11 =	vcvt.f32.s32 v9;
	v5 =	vadd.f32 v5, v4  }
0x18a: {  	v9 =	vmul.f32 $1.280000000e+02, v10;
	v6 =	vtrunc.f32 v6;
	v7 =	vmin.f32 v7, $1.023500000e+03  }
0x18b: {  	v8 =	vmin.f32 v8, $1.023500000e+03;
	v5 =	vtrunc.f32 v5;
	v7 =	vadd.f32 v7, v4  }
0x18c: {  	v9 =	vmin.f32 v9, $1.023500000e+03;
	v8 =	vadd.f32 v8, v4;
	v5 =	vcvt.f32.s32 v5  }
0x18d: {  	v6 =	vcvt.f32.s32 v6;
	v9 =	vadd.f32 v9, v4;
	v7 =	vtrunc.f32 v7;
	[tilespmem:v13+s23+$0x0] =	vst.idx.add.f32.msk $0xffff, v2  }
0x18e: {  	v8 =	vtrunc.f32 v8;
	v7 =	vcvt.f32.s32 v7;
	[tilespmem:v63+s23+$0x0] =	vst.idx.add.f32.msk $0xffff, v2  }
0x18f: {  	s8 =	simm.s32 $0x1000;
	s7 =	simm.s32 $0x200;
	v9 =	vtrunc.f32 v9;
	v8 =	vcvt.f32.s32 v8;
	[tilespmem:v11+s23+$0x0] =	vst.idx.add.f32.msk $0xffff, v2  }
.LBB2_31:
0x190: {  	p2 =	sne.s32 s8, $0x1F800;
	v9 =	vcvt.f32.s32 v9;
	s17 =	smov.u32 s8;
	s8 =	sadd.s32 $0x800, s8  }
0x191: {  	_ = 	snop  }
0x192: {  	[tilespmem:v5+s23+$0x0] =	vst.idx.add.f32.msk $0xffff, v2  }
0x193: {  	[tilespmem:v6+s23+$0x0] =	vst.idx.add.f32.msk $0xffff, v2  }
0x194: {  	s17 =	sshra.s32 s17, $0x2;
	[tilespmem:v7+s23+$0x0] =	vst.idx.add.f32.msk $0xffff, v2  }
0x195: {  	[tilespmem:v8+s23+$0x0] =	vst.idx.add.f32.msk $0xffff, v2  }
0x196: {  	[tilespmem:v9+s23+$0x0] =	vst.idx.add.f32.msk $0xffff, v2  }
0x197: {  	v5 =	vld [tilespmem:s7+$0x120]  }
0x198: {  	v6 =	vld [tilespmem:s7+$0x110]  }
0x199: {  	v7 =	vld [tilespmem:s7+$0x100]  }
0x19a: {  	v8 =	vld [tilespmem:s7+$0x170]  }
0x19b: {  	v9 =	vld [tilespmem:s7+$0x130]  }
0x19c: {  	v10 =	vld [tilespmem:s7+$0x140];
	v5 =	vand.u32 $0x7FFFFFFF, v5  }
0x19d: {  	v11 =	vld [tilespmem:s7+$0x150];
	v6 =	vand.u32 $0x7FFFFFFF, v6;
	v5 =	vmul.f32 $1.280000000e+02, v5  }
0x19e: {  	v12 =	vld [tilespmem:s7+$0x160];
	v7 =	vand.u32 $0x7FFFFFFF, v7;
	v6 =	vmul.f32 $1.280000000e+02, v6;
	s7 =	smov.u32 s17  }
0x19f: {  	v7 =	vmul.f32 $1.280000000e+02, v7;
	v5 =	vmin.f32 v5, $1.023500000e+03;
	v8 =	vand.u32 $0x7FFFFFFF, v8  }
0x1a0: {  	v6 =	vmin.f32 v6, $1.023500000e+03;
	v5 =	vadd.f32 v5, v4;
	v9 =	vand.u32 $0x7FFFFFFF, v9  }
0x1a1: {  	v7 =	vmin.f32 v7, $1.023500000e+03;
	v6 =	vadd.f32 v6, v4;
	v10 =	vand.u32 $0x7FFFFFFF, v10  }
0x1a2: {  	v9 =	vmul.f32 $1.280000000e+02, v9;
	v7 =	vadd.f32 v7, v4;
	v10 =	vmul.f32 $1.280000000e+02, v10  }
0x1a3: {  	v5 =	vtrunc.f32 v5;
	v6 =	vtrunc.f32 v6;
	v12 =	vand.u32 $0x7FFFFFFF, v12  }
0x1a4: {  	v7 =	vtrunc.f32 v7;
	v10 =	vmin.f32 v10, $1.023500000e+03;
	v12 =	vmul.f32 $1.280000000e+02, v12  }
0x1a5: {  	v11 =	vand.u32 $0x7FFFFFFF, v11;
	v7 =	vcvt.f32.s32 v7;
	v10 =	vadd.f32 v10, v4  }
0x1a6: {  	v13 =	vcvt.f32.s32 v6;
	v6 =	vmin.f32 v9, $1.023500000e+03;
	v9 =	vmul.f32 $1.280000000e+02, v11  }
0x1a7: {  	v11 =	vcvt.f32.s32 v5;
	v5 =	vadd.f32 v6, v4;
	v6 =	vtrunc.f32 v10  }
0x1a8: {  	v8 =	vmul.f32 $1.280000000e+02, v8;
	v9 =	vmin.f32 v9, $1.023500000e+03;
	v10 =	vmin.f32 v12, $1.023500000e+03  }
.Ltmp13:
0x1a9: {  	v5 =	vtrunc.f32 v5;
	v9 =	vadd.f32 v9, v4;
	v10 =	vadd.f32 v10, v4;
	(pc) =	sbr.rel @p2 .LBB2_31-.Ltmp13, $4  }
0x1aa: {  	v8 =	vmin.f32 v8, $1.023500000e+03;
	v5 =	vcvt.f32.s32 v5  }
0x1ab: {  	v12 =	vadd.f32 v8, v4;
	v6 =	vcvt.f32.s32 v6;
	v9 =	vtrunc.f32 v9;
	[tilespmem:v7+s23+$0x0] =	vst.idx.add.f32.msk $0xffff, v2  }
0x1ac: {  	v8 =	vtrunc.f32 v10;
	v7 =	vcvt.f32.s32 v9;
	[tilespmem:v13+s23+$0x0] =	vst.idx.add.f32.msk $0xffff, v2  }
0x1ad: {  	v8 =	vcvt.f32.s32 v8;
	v9 =	vtrunc.f32 v12;
	[tilespmem:v11+s23+$0x0] =	vst.idx.add.f32.msk $0xffff, v2  }
0x1ae: {  	_ =	sdelay $0x1  }
0x1af: {  	v9 =	vcvt.f32.s32 v9;
	_ =	sdelay $0x1  }
0x1b0: {  	[tilespmem:v5+s23+$0x0] =	vst.idx.add.f32.msk $0xffff, v2  }
0x1b1: {  	[tilespmem:v6+s23+$0x0] =	vst.idx.add.f32.msk $0xffff, v2  }
0x1b2: {  	[tilespmem:v7+s23+$0x0] =	vst.idx.add.f32.msk $0xffff, v2  }
0x1b3: {  	[tilespmem:v8+s23+$0x0] =	vst.idx.add.f32.msk $0xffff, v2  }
0x1b4: {  	[tilespmem:v9+s23+$0x0] =	vst.idx.add.f32.msk $0xffff, v2  }
0x1b5: {  	v5 =	vld [tilespmem:s7+$0x120]  }
0x1b6: {  	v6 =	vld [tilespmem:s7+$0x110]  }
0x1b7: {  	v7 =	vld [tilespmem:s7+$0x100]  }
0x1b8: {  	v8 =	vld [tilespmem:s7+$0x130]  }
0x1b9: {  	v9 =	vld [tilespmem:s7+$0x140]  }
0x1ba: {  	v10 =	vld [tilespmem:s7+$0x170]  }
0x1bb: {  	v11 =	vld [tilespmem:s7+$0x160]  }
0x1bc: {  	v12 =	vld [tilespmem:s7+$0x150]  }
0x1bd: {  	v5 =	vand.u32 $0x7FFFFFFF, v5;
	v6 =	vand.u32 $0x7FFFFFFF, v6  }
0x1be: {  	v7 =	vand.u32 $0x7FFFFFFF, v7;
	v8 =	vand.u32 $0x7FFFFFFF, v8;
	v9 =	vand.u32 $0x7FFFFFFF, v9  }
0x1bf: {  	v10 =	vand.u32 $0x7FFFFFFF, v10;
	v5 =	vmul.f32 $1.280000000e+02, v5;
	v6 =	vmul.f32 $1.280000000e+02, v6  }
0x1c0: {  	v11 =	vand.u32 $0x7FFFFFFF, v11;
	v7 =	vmul.f32 $1.280000000e+02, v7;
	v8 =	vmul.f32 $1.280000000e+02, v8  }
0x1c1: {  	v12 =	vand.u32 $0x7FFFFFFF, v12;
	v9 =	vmul.f32 $1.280000000e+02, v9;
	v11 =	vmul.f32 $1.280000000e+02, v11  }
0x1c2: {  	v12 =	vmul.f32 $1.280000000e+02, v12;
	v10 =	vmul.f32 $1.280000000e+02, v10  }
0x1c3: {  	v5 =	vmin.f32 v5, $1.023500000e+03;
	v6 =	vmin.f32 v6, $1.023500000e+03;
	v7 =	vmin.f32 v7, $1.023500000e+03  }
0x1c4: {  	v9 =	vmin.f32 v9, $1.023500000e+03;
	v8 =	vmin.f32 v8, $1.023500000e+03;
	v7 =	vadd.f32 v7, v4  }
0x1c5: {  	v12 =	vmin.f32 v12, $1.023500000e+03;
	v11 =	vmin.f32 v11, $1.023500000e+03;
	v6 =	vadd.f32 v6, v4  }
0x1c6: {  	v10 =	vmin.f32 v10, $1.023500000e+03;
	v5 =	vadd.f32 v5, v4;
	v7 =	vtrunc.f32 v7  }
0x1c7: {  	v8 =	vadd.f32 v8, v4;
	v6 =	vtrunc.f32 v6;
	v7 =	vcvt.f32.s32 v7  }
0x1c8: {  	v9 =	vadd.f32 v9, v4;
	v5 =	vtrunc.f32 v5;
	v6 =	vcvt.f32.s32 v6  }
0x1c9: {  	v12 =	vadd.f32 v12, v4;
	v8 =	vtrunc.f32 v8;
	v5 =	vcvt.f32.s32 v5  }
0x1ca: {  	v11 =	vadd.f32 v11, v4;
	v9 =	vtrunc.f32 v9;
	v8 =	vcvt.f32.s32 v8  }
0x1cb: {  	v4 =	vadd.f32 v10, v4;
	v12 =	vtrunc.f32 v12;
	v9 =	vcvt.f32.s32 v9  }
0x1cc: {  	v11 =	vtrunc.f32 v11;
	v62 =	vcvt.f32.s32 v12  }
0x1cd: {  	v4 =	vtrunc.f32 v4;
	v63 =	vcvt.f32.s32 v11;
	[tilespmem:v7+s23+$0x0] =	vst.idx.add.f32.msk $0xffff, v2  }
0x1ce: {  	v4 =	vcvt.f32.s32 v4;
	[tilespmem:v6+s23+$0x0] =	vst.idx.add.f32.msk $0xffff, v2  }
0x1cf: {  	[tilespmem:v5+s23+$0x0] =	vst.idx.add.f32.msk $0xffff, v2  }
0x1d0: {  	[tilespmem:v8+s23+$0x0] =	vst.idx.add.f32.msk $0xffff, v2  }
0x1d1: {  	[tilespmem:v9+s23+$0x0] =	vst.idx.add.f32.msk $0xffff, v2  }
0x1d2: {  	[tilespmem:v62+s23+$0x0] =	vst.idx.add.f32.msk $0xffff, v2  }
.Ltmp14:
0x1d3: {  	[tilespmem:v63+s23+$0x0] =	vst.idx.add.f32.msk $0xffff, v2;
	(pc) =	sbr.rel @p1 .LBB2_36-.Ltmp14, $4  }
0x1d4: {  	[tilespmem:v4+s23+$0x0] =	vst.idx.add.f32.msk $0xffff, v2  }
0x1d5: {  	_ =	swait.ge [sflag:s26], $0x2000  }
0x1d6: {  	[sflag:s26] =	ssyncset.done $0x0  }
0x1d7: {  	[sflag:s26] =	ssyncadd.s32 $0xFFFFE000  }
0x1d8: {  	s4 =	sadd.s32 s4, s13  }
0x1d9: {  	s4 =	sshll.u32 s4, $0x12  }
0x1da: {  	s4 =	sor.u32 s16, s4  }
0x1db: {  	s4 =	sshrl.u32 s4, $0x3  }
0x1dc: {  	s7 =	simm.s32 $0x100;
	s4 =	sadd.s32 s3, s4  }
0x1dd: {  	s8 =	simm.s32 $0x10;
	s17 =	simm.s32 $0x300;
	s18 =	sadd.s32 $0x0, s4  }
.LBB2_34:
0x1de: {  	[tilespmem:s7], [sflag:$0x3] =	stream.linear.gather [hbm4b:s18+s2], $0x80, $0x38;
	[tilespmem:$0x1A800] =	vst v63  }
0x1df: {  	s18 =	smov.u32 s8;
	s7 =	smov.u32 s17;
	p1 =	sne.s32 s8, $0x3F0  }
.Ltmp15:
0x1e0: {  	s8 =	sadd.s32 $0x10, s8;
	(pc) =	sbr.rel @p1 .LBB2_34-.Ltmp15, $2  }
0x1e1: {  	_ =	sdelay $0x2  }
0x1e2: {  	s17 =	sadd.s32 $0x200, s17;
	s18 =	sadd.s32 s18, s4  }
0x1e3: {  	[tilespmem:s7], [sflag:$0x3] =	stream.linear.gather [hbm4b:s18+s2], $0x80, $0x38;
	[tilespmem:$0x1A800] =	vst v63  }
.LBB2_36:
0x1e4: {  	s4 =	simm.s32 $0x0  }
0x1e5: {  	v4 =	vld [tilespmem:s4+$0x1A0]  }
0x1e6: {  	v5 =	vld [tilespmem:s4+$0x190]  }
0x1e7: {  	v6 =	vld [tilespmem:s4+$0x180]  }
0x1e8: {  	v7 =	vld [tilespmem:s4+$0x1B0]  }
0x1e9: {  	v8 =	vld [tilespmem:s4+$0x1C0]  }
0x1ea: {  	v10 =	vld [tilespmem:s4+$0x1F0];
	_ =	sdelay $0x1  }
0x1eb: {  	s7 =	sshll.u32 s31, $0xB;
	v4 =	vand.u32 $0x7FFFFFFF, v4;
	v5 =	vand.u32 $0x7FFFFFFF, v5  }
0x1ec: {  	s7 =	scvt.s32.f32 s7;
	v11 =	vld [tilespmem:s4+$0x1E0];
	v6 =	vand.u32 $0x7FFFFFFF, v6;
	v7 =	vand.u32 $0x7FFFFFFF, v7;
	v5 =	vmul.f32 $1.280000000e+02, v5  }
0x1ed: {  	v8 =	vand.u32 $0x7FFFFFFF, v8;
	v9 =	vmul.f32 $1.280000000e+02, v4;
	v6 =	vmul.f32 $1.280000000e+02, v6  }
0x1ee: {  	v12 =	vld [tilespmem:s4+$0x1D0];
	v10 =	vand.u32 $0x7FFFFFFF, v10;
	v4 =	vmov s7;
	v5 =	vmin.f32 v5, $1.023500000e+03  }
0x1ef: {  	v9 =	vmin.f32 v9, $1.023500000e+03;
	v6 =	vmin.f32 v6, $1.023500000e+03;
	v5 =	vadd.f32 v5, v4  }
0x1f0: {  	v8 =	vmul.f32 $1.280000000e+02, v8;
	v9 =	vadd.f32 v9, v4;
	v6 =	vadd.f32 v6, v4  }
0x1f1: {  	v11 =	vand.u32 $0x7FFFFFFF, v11;
	v7 =	vmul.f32 $1.280000000e+02, v7;
	v5 =	vtrunc.f32 v5  }
0x1f2: {  	v8 =	vmin.f32 v8, $1.023500000e+03;
	v9 =	vtrunc.f32 v9;
	v6 =	vtrunc.f32 v6  }
0x1f3: {  	v13 =	vcvt.f32.s32 v6;
	v6 =	vadd.f32 v8, v4;
	v8 =	vand.u32 $0x7FFFFFFF, v12  }
0x1f4: {  	v63 =	vcvt.f32.s32 v5;
	v5 =	vmin.f32 v7, $1.023500000e+03;
	v7 =	vmul.f32 $1.280000000e+02, v8  }
0x1f5: {  	v8 =	vmul.f32 $1.280000000e+02, v11;
	v11 =	vcvt.f32.s32 v9;
	v5 =	vadd.f32 v5, v4  }
0x1f6: {  	v9 =	vmul.f32 $1.280000000e+02, v10;
	v6 =	vtrunc.f32 v6;
	v7 =	vmin.f32 v7, $1.023500000e+03  }
0x1f7: {  	v8 =	vmin.f32 v8, $1.023500000e+03;
	v5 =	vtrunc.f32 v5;
	v7 =	vadd.f32 v7, v4  }
0x1f8: {  	v9 =	vmin.f32 v9, $1.023500000e+03;
	v8 =	vadd.f32 v8, v4;
	v5 =	vcvt.f32.s32 v5  }
0x1f9: {  	v6 =	vcvt.f32.s32 v6;
	v9 =	vadd.f32 v9, v4;
	v7 =	vtrunc.f32 v7;
	[tilespmem:v13+s23+$0x0] =	vst.idx.add.f32.msk $0xffff, v2  }
0x1fa: {  	v8 =	vtrunc.f32 v8;
	v7 =	vcvt.f32.s32 v7;
	[tilespmem:v63+s23+$0x0] =	vst.idx.add.f32.msk $0xffff, v2  }
0x1fb: {  	s4 =	simm.s32 $0x200;
	s7 =	simm.s32 $0x1000;
	v9 =	vtrunc.f32 v9;
	v8 =	vcvt.f32.s32 v8;
	[tilespmem:v11+s23+$0x0] =	vst.idx.add.f32.msk $0xffff, v2  }
.LBB2_37:
0x1fc: {  	p1 =	sne.s32 s7, $0x1F800;
	v9 =	vcvt.f32.s32 v9;
	s8 =	smov.u32 s7;
	s7 =	sadd.s32 $0x800, s7  }
0x1fd: {  	_ = 	snop  }
0x1fe: {  	[tilespmem:v5+s23+$0x0] =	vst.idx.add.f32.msk $0xffff, v2  }
0x1ff: {  	[tilespmem:v6+s23+$0x0] =	vst.idx.add.f32.msk $0xffff, v2  }
0x200: {  	s8 =	sshra.s32 s8, $0x2;
	[tilespmem:v7+s23+$0x0] =	vst.idx.add.f32.msk $0xffff, v2  }
0x201: {  	[tilespmem:v8+s23+$0x0] =	vst.idx.add.f32.msk $0xffff, v2  }
0x202: {  	[tilespmem:v9+s23+$0x0] =	vst.idx.add.f32.msk $0xffff, v2  }
0x203: {  	v5 =	vld [tilespmem:s4+$0x1A0]  }
0x204: {  	v6 =	vld [tilespmem:s4+$0x190]  }
0x205: {  	v7 =	vld [tilespmem:s4+$0x180]  }
0x206: {  	v8 =	vld [tilespmem:s4+$0x1F0]  }
0x207: {  	v9 =	vld [tilespmem:s4+$0x1B0]  }
0x208: {  	v10 =	vld [tilespmem:s4+$0x1C0];
	v5 =	vand.u32 $0x7FFFFFFF, v5  }
0x209: {  	v11 =	vld [tilespmem:s4+$0x1D0];
	v6 =	vand.u32 $0x7FFFFFFF, v6;
	v5 =	vmul.f32 $1.280000000e+02, v5  }
0x20a: {  	v12 =	vld [tilespmem:s4+$0x1E0];
	v7 =	vand.u32 $0x7FFFFFFF, v7;
	v6 =	vmul.f32 $1.280000000e+02, v6;
	s4 =	smov.u32 s8  }
0x20b: {  	v7 =	vmul.f32 $1.280000000e+02, v7;
	v5 =	vmin.f32 v5, $1.023500000e+03;
	v8 =	vand.u32 $0x7FFFFFFF, v8  }
0x20c: {  	v6 =	vmin.f32 v6, $1.023500000e+03;
	v5 =	vadd.f32 v5, v4;
	v9 =	vand.u32 $0x7FFFFFFF, v9  }
0x20d: {  	v7 =	vmin.f32 v7, $1.023500000e+03;
	v6 =	vadd.f32 v6, v4;
	v10 =	vand.u32 $0x7FFFFFFF, v10  }
0x20e: {  	v9 =	vmul.f32 $1.280000000e+02, v9;
	v7 =	vadd.f32 v7, v4;
	v10 =	vmul.f32 $1.280000000e+02, v10  }
0x20f: {  	v5 =	vtrunc.f32 v5;
	v6 =	vtrunc.f32 v6;
	v12 =	vand.u32 $0x7FFFFFFF, v12  }
0x210: {  	v7 =	vtrunc.f32 v7;
	v10 =	vmin.f32 v10, $1.023500000e+03;
	v12 =	vmul.f32 $1.280000000e+02, v12  }
0x211: {  	v11 =	vand.u32 $0x7FFFFFFF, v11;
	v7 =	vcvt.f32.s32 v7;
	v10 =	vadd.f32 v10, v4  }
0x212: {  	v13 =	vcvt.f32.s32 v6;
	v6 =	vmin.f32 v9, $1.023500000e+03;
	v9 =	vmul.f32 $1.280000000e+02, v11  }
0x213: {  	v11 =	vcvt.f32.s32 v5;
	v5 =	vadd.f32 v6, v4;
	v6 =	vtrunc.f32 v10  }
0x214: {  	v8 =	vmul.f32 $1.280000000e+02, v8;
	v9 =	vmin.f32 v9, $1.023500000e+03;
	v10 =	vmin.f32 v12, $1.023500000e+03  }
.Ltmp16:
0x215: {  	v5 =	vtrunc.f32 v5;
	v9 =	vadd.f32 v9, v4;
	v10 =	vadd.f32 v10, v4;
	(pc) =	sbr.rel @p1 .LBB2_37-.Ltmp16, $4  }
0x216: {  	v8 =	vmin.f32 v8, $1.023500000e+03;
	v5 =	vcvt.f32.s32 v5  }
0x217: {  	v12 =	vadd.f32 v8, v4;
	v6 =	vcvt.f32.s32 v6;
	v9 =	vtrunc.f32 v9;
	[tilespmem:v7+s23+$0x0] =	vst.idx.add.f32.msk $0xffff, v2  }
0x218: {  	v8 =	vtrunc.f32 v10;
	v7 =	vcvt.f32.s32 v9;
	[tilespmem:v13+s23+$0x0] =	vst.idx.add.f32.msk $0xffff, v2  }
0x219: {  	v8 =	vcvt.f32.s32 v8;
	v9 =	vtrunc.f32 v12;
	[tilespmem:v11+s23+$0x0] =	vst.idx.add.f32.msk $0xffff, v2  }
0x21a: {  	_ =	sdelay $0x1  }
0x21b: {  	v9 =	vcvt.f32.s32 v9;
	_ =	sdelay $0x1  }
0x21c: {  	[tilespmem:v5+s23+$0x0] =	vst.idx.add.f32.msk $0xffff, v2  }
0x21d: {  	[tilespmem:v6+s23+$0x0] =	vst.idx.add.f32.msk $0xffff, v2  }
0x21e: {  	[tilespmem:v7+s23+$0x0] =	vst.idx.add.f32.msk $0xffff, v2  }
0x21f: {  	[tilespmem:v8+s23+$0x0] =	vst.idx.add.f32.msk $0xffff, v2  }
0x220: {  	[tilespmem:v9+s23+$0x0] =	vst.idx.add.f32.msk $0xffff, v2  }
0x221: {  	v5 =	vld [tilespmem:s4+$0x1A0]  }
0x222: {  	v6 =	vld [tilespmem:s4+$0x190]  }
0x223: {  	v7 =	vld [tilespmem:s4+$0x180]  }
0x224: {  	v8 =	vld [tilespmem:s4+$0x1B0]  }
0x225: {  	v9 =	vld [tilespmem:s4+$0x1C0]  }
0x226: {  	v10 =	vld [tilespmem:s4+$0x1F0]  }
0x227: {  	v11 =	vld [tilespmem:s4+$0x1E0]  }
0x228: {  	v12 =	vld [tilespmem:s4+$0x1D0]  }
0x229: {  	v5 =	vand.u32 $0x7FFFFFFF, v5;
	v6 =	vand.u32 $0x7FFFFFFF, v6  }
0x22a: {  	v7 =	vand.u32 $0x7FFFFFFF, v7;
	v8 =	vand.u32 $0x7FFFFFFF, v8;
	v9 =	vand.u32 $0x7FFFFFFF, v9  }
0x22b: {  	v10 =	vand.u32 $0x7FFFFFFF, v10;
	v5 =	vmul.f32 $1.280000000e+02, v5;
	v6 =	vmul.f32 $1.280000000e+02, v6  }
0x22c: {  	v11 =	vand.u32 $0x7FFFFFFF, v11;
	v7 =	vmul.f32 $1.280000000e+02, v7;
	v8 =	vmul.f32 $1.280000000e+02, v8  }
0x22d: {  	v12 =	vand.u32 $0x7FFFFFFF, v12;
	v9 =	vmul.f32 $1.280000000e+02, v9;
	v11 =	vmul.f32 $1.280000000e+02, v11  }
0x22e: {  	v12 =	vmul.f32 $1.280000000e+02, v12;
	v10 =	vmul.f32 $1.280000000e+02, v10  }
0x22f: {  	v5 =	vmin.f32 v5, $1.023500000e+03;
	v6 =	vmin.f32 v6, $1.023500000e+03;
	v7 =	vmin.f32 v7, $1.023500000e+03  }
0x230: {  	v9 =	vmin.f32 v9, $1.023500000e+03;
	v8 =	vmin.f32 v8, $1.023500000e+03;
	v7 =	vadd.f32 v7, v4  }
0x231: {  	v12 =	vmin.f32 v12, $1.023500000e+03;
	v11 =	vmin.f32 v11, $1.023500000e+03;
	v6 =	vadd.f32 v6, v4  }
0x232: {  	v10 =	vmin.f32 v10, $1.023500000e+03;
	v5 =	vadd.f32 v5, v4;
	v7 =	vtrunc.f32 v7  }
0x233: {  	v8 =	vadd.f32 v8, v4;
	v6 =	vtrunc.f32 v6;
	v7 =	vcvt.f32.s32 v7  }
0x234: {  	v9 =	vadd.f32 v9, v4;
	v5 =	vtrunc.f32 v5;
	v6 =	vcvt.f32.s32 v6  }
0x235: {  	v12 =	vadd.f32 v12, v4;
	v8 =	vtrunc.f32 v8;
	v5 =	vcvt.f32.s32 v5  }
0x236: {  	v11 =	vadd.f32 v11, v4;
	v9 =	vtrunc.f32 v9;
	v8 =	vcvt.f32.s32 v8  }
0x237: {  	v4 =	vadd.f32 v10, v4;
	v12 =	vtrunc.f32 v12;
	v9 =	vcvt.f32.s32 v9  }
0x238: {  	v11 =	vtrunc.f32 v11;
	v62 =	vcvt.f32.s32 v12  }
0x239: {  	v4 =	vtrunc.f32 v4;
	v63 =	vcvt.f32.s32 v11;
	[tilespmem:v7+s23+$0x0] =	vst.idx.add.f32.msk $0xffff, v2  }
0x23a: {  	s0 =	sadd.s32 $0x1, s0;
	v4 =	vcvt.f32.s32 v4;
	[tilespmem:v6+s23+$0x0] =	vst.idx.add.f32.msk $0xffff, v2  }
0x23b: {  	p1 =	sne.s32 s0, $0x5;
	[tilespmem:v5+s23+$0x0] =	vst.idx.add.f32.msk $0xffff, v2  }
.Ltmp17:
0x23c: {  	[tilespmem:v8+s23+$0x0] =	vst.idx.add.f32.msk $0xffff, v2;
	(pc) =	sbr.rel @p1 .LBB2_18-.Ltmp17, $4  }
0x23d: {  	[tilespmem:v9+s23+$0x0] =	vst.idx.add.f32.msk $0xffff, v2  }
0x23e: {  	[tilespmem:v62+s23+$0x0] =	vst.idx.add.f32.msk $0xffff, v2  }
0x23f: {  	[tilespmem:v63+s23+$0x0] =	vst.idx.add.f32.msk $0xffff, v2  }
0x240: {  	[tilespmem:v4+s23+$0x0] =	vst.idx.add.f32.msk $0xffff, v2  }
0x241: {  	_ =	swait.ge [sflag:s22], $0x2000  }
0x242: {  	[sflag:s22] =	ssyncset.done $0x0  }
0x243: {  	s0 =	simm.s32 $0x0;
	[sflag:s22] =	ssyncadd.s32 $0xFFFFE000  }
0x244: {  	v4 =	vld [tilespmem:s0+$0x20]  }
0x245: {  	v5 =	vld [tilespmem:s0+$0x10]  }
0x246: {  	v6 =	vld [tilespmem:s0+$0x0]  }
0x247: {  	v7 =	vld [tilespmem:s0+$0x30]  }
0x248: {  	v8 =	vld [tilespmem:s0+$0x40]  }
0x249: {  	v9 =	vld [tilespmem:s0+$0x70]  }
0x24a: {  	v10 =	vld [tilespmem:s0+$0x60];
	_ =	sdelay $0x1  }
0x24b: {  	v4 =	vand.u32 $0x7FFFFFFF, v4  }
0x24c: {  	v11 =	vld [tilespmem:s0+$0x50];
	v5 =	vand.u32 $0x7FFFFFFF, v5;
	v6 =	vand.u32 $0x7FFFFFFF, v6;
	v7 =	vand.u32 $0x7FFFFFFF, v7  }
0x24d: {  	v8 =	vand.u32 $0x7FFFFFFF, v8;
	v5 =	vmul.f32 $1.280000000e+02, v5;
	v6 =	vmul.f32 $1.280000000e+02, v6  }
0x24e: {  	v9 =	vand.u32 $0x7FFFFFFF, v9;
	v10 =	vand.u32 $0x7FFFFFFF, v10;
	v4 =	vmul.f32 $1.280000000e+02, v4  }
0x24f: {  	v8 =	vmul.f32 $1.280000000e+02, v8;
	v5 =	vmin.f32 v5, $1.023500000e+03;
	v6 =	vmin.f32 v6, $1.023500000e+03  }
0x250: {  	v4 =	vmin.f32 v4, $1.023500000e+03;
	v5 =	vadd.f32 $4.096000000e+04, v5;
	v6 =	vadd.f32 $4.096000000e+04, v6  }
0x251: {  	v11 =	vand.u32 $0x7FFFFFFF, v11;
	v7 =	vmul.f32 $1.280000000e+02, v7;
	v4 =	vadd.f32 $4.096000000e+04, v4  }
0x252: {  	v8 =	vmin.f32 v8, $1.023500000e+03;
	v5 =	vtrunc.f32 v5;
	v6 =	vtrunc.f32 v6  }
0x253: {  	v8 =	vadd.f32 $4.096000000e+04, v8;
	v4 =	vtrunc.f32 v4;
	v6 =	vcvt.f32.s32 v6  }
0x254: {  	v12 =	vcvt.f32.s32 v5;
	v5 =	vmin.f32 v7, $1.023500000e+03;
	v7 =	vmul.f32 $1.280000000e+02, v11  }
0x255: {  	v10 =	vmul.f32 $1.280000000e+02, v10;
	v11 =	vcvt.f32.s32 v4;
	v4 =	vadd.f32 $4.096000000e+04, v5  }
0x256: {  	v5 =	vtrunc.f32 v8;
	v8 =	vmul.f32 $1.280000000e+02, v9;
	v7 =	vmin.f32 v7, $1.023500000e+03  }
0x257: {  	v9 =	vmin.f32 v10, $1.023500000e+03;
	v4 =	vtrunc.f32 v4;
	v7 =	vadd.f32 $4.096000000e+04, v7  }
0x258: {  	v9 =	vadd.f32 $4.096000000e+04, v9;
	v8 =	vmin.f32 v8, $1.023500000e+03;
	v4 =	vcvt.f32.s32 v4  }
0x259: {  	v5 =	vcvt.f32.s32 v5;
	v8 =	vadd.f32 $4.096000000e+04, v8;
	v7 =	vtrunc.f32 v7;
	[tilespmem:v6+s23+$0x0] =	vst.idx.add.f32.msk $0xffff, v2  }
0x25a: {  	v6 =	vcvt.f32.s32 v7;
	v7 =	vtrunc.f32 v9;
	[tilespmem:v12+s23+$0x0] =	vst.idx.add.f32.msk $0xffff, v2  }
0x25b: {  	s4 =	simm.s32 $0x1000;
	s0 =	simm.s32 $0x200;
	v8 =	vtrunc.f32 v8;
	v7 =	vcvt.f32.s32 v7;
	[tilespmem:v11+s23+$0x0] =	vst.idx.add.f32.msk $0xffff, v2  }
.LBB2_40:
0x25c: {  	p1 =	sne.s32 s4, $0x1F800;
	v8 =	vcvt.f32.s32 v8;
	s7 =	smov.u32 s4;
	s4 =	sadd.s32 $0x800, s4  }
0x25d: {  	_ = 	snop  }
0x25e: {  	[tilespmem:v4+s23+$0x0] =	vst.idx.add.f32.msk $0xffff, v2  }
0x25f: {  	[tilespmem:v5+s23+$0x0] =	vst.idx.add.f32.msk $0xffff, v2  }
0x260: {  	s7 =	sshra.s32 s7, $0x2;
	[tilespmem:v6+s23+$0x0] =	vst.idx.add.f32.msk $0xffff, v2  }
0x261: {  	[tilespmem:v7+s23+$0x0] =	vst.idx.add.f32.msk $0xffff, v2  }
0x262: {  	[tilespmem:v8+s23+$0x0] =	vst.idx.add.f32.msk $0xffff, v2  }
0x263: {  	v4 =	vld [tilespmem:s0+$0x20]  }
0x264: {  	v5 =	vld [tilespmem:s0+$0x10]  }
0x265: {  	v6 =	vld [tilespmem:s0+$0x0]  }
0x266: {  	v7 =	vld [tilespmem:s0+$0x70]  }
0x267: {  	v8 =	vld [tilespmem:s0+$0x30]  }
0x268: {  	v9 =	vld [tilespmem:s0+$0x40];
	v4 =	vand.u32 $0x7FFFFFFF, v4  }
0x269: {  	v10 =	vld [tilespmem:s0+$0x50];
	v5 =	vand.u32 $0x7FFFFFFF, v5;
	v4 =	vmul.f32 $1.280000000e+02, v4  }
0x26a: {  	v11 =	vld [tilespmem:s0+$0x60];
	v6 =	vand.u32 $0x7FFFFFFF, v6;
	v5 =	vmul.f32 $1.280000000e+02, v5;
	s0 =	smov.u32 s7  }
0x26b: {  	v6 =	vmul.f32 $1.280000000e+02, v6;
	v4 =	vmin.f32 v4, $1.023500000e+03;
	v7 =	vand.u32 $0x7FFFFFFF, v7  }
0x26c: {  	v5 =	vmin.f32 v5, $1.023500000e+03;
	v4 =	vadd.f32 $4.096000000e+04, v4;
	v8 =	vand.u32 $0x7FFFFFFF, v8  }
0x26d: {  	v6 =	vmin.f32 v6, $1.023500000e+03;
	v5 =	vadd.f32 $4.096000000e+04, v5;
	v9 =	vand.u32 $0x7FFFFFFF, v9  }
0x26e: {  	v8 =	vmul.f32 $1.280000000e+02, v8;
	v6 =	vadd.f32 $4.096000000e+04, v6;
	v9 =	vmul.f32 $1.280000000e+02, v9  }
0x26f: {  	v4 =	vtrunc.f32 v4;
	v5 =	vtrunc.f32 v5;
	v11 =	vand.u32 $0x7FFFFFFF, v11  }
0x270: {  	v6 =	vtrunc.f32 v6;
	v9 =	vmin.f32 v9, $1.023500000e+03;
	v11 =	vmul.f32 $1.280000000e+02, v11  }
0x271: {  	v10 =	vand.u32 $0x7FFFFFFF, v10;
	v6 =	vcvt.f32.s32 v6;
	v9 =	vadd.f32 $4.096000000e+04, v9  }
0x272: {  	v12 =	vcvt.f32.s32 v5;
	v5 =	vmin.f32 v8, $1.023500000e+03;
	v8 =	vmul.f32 $1.280000000e+02, v10  }
0x273: {  	v10 =	vcvt.f32.s32 v4;
	v4 =	vadd.f32 $4.096000000e+04, v5;
	v5 =	vtrunc.f32 v9  }
0x274: {  	v7 =	vmul.f32 $1.280000000e+02, v7;
	v8 =	vmin.f32 v8, $1.023500000e+03;
	v9 =	vmin.f32 v11, $1.023500000e+03  }
.Ltmp18:
0x275: {  	v4 =	vtrunc.f32 v4;
	v8 =	vadd.f32 $4.096000000e+04, v8;
	v9 =	vadd.f32 $4.096000000e+04, v9;
	(pc) =	sbr.rel @p1 .LBB2_40-.Ltmp18, $4  }
0x276: {  	v7 =	vmin.f32 v7, $1.023500000e+03;
	v4 =	vcvt.f32.s32 v4  }
0x277: {  	v11 =	vadd.f32 $4.096000000e+04, v7;
	v5 =	vcvt.f32.s32 v5;
	v8 =	vtrunc.f32 v8;
	[tilespmem:v6+s23+$0x0] =	vst.idx.add.f32.msk $0xffff, v2  }
0x278: {  	v7 =	vtrunc.f32 v9;
	v6 =	vcvt.f32.s32 v8;
	[tilespmem:v12+s23+$0x0] =	vst.idx.add.f32.msk $0xffff, v2  }
0x279: {  	v7 =	vcvt.f32.s32 v7;
	v8 =	vtrunc.f32 v11;
	[tilespmem:v10+s23+$0x0] =	vst.idx.add.f32.msk $0xffff, v2  }
0x27a: {  	_ =	sdelay $0x1  }
0x27b: {  	v8 =	vcvt.f32.s32 v8;
	_ =	sdelay $0x1  }
0x27c: {  	[tilespmem:v4+s23+$0x0] =	vst.idx.add.f32.msk $0xffff, v2  }
0x27d: {  	[tilespmem:v5+s23+$0x0] =	vst.idx.add.f32.msk $0xffff, v2  }
0x27e: {  	[tilespmem:v6+s23+$0x0] =	vst.idx.add.f32.msk $0xffff, v2  }
0x27f: {  	[tilespmem:v7+s23+$0x0] =	vst.idx.add.f32.msk $0xffff, v2  }
0x280: {  	[tilespmem:v8+s23+$0x0] =	vst.idx.add.f32.msk $0xffff, v2  }
0x281: {  	v4 =	vld [tilespmem:s0+$0x20]  }
0x282: {  	v5 =	vld [tilespmem:s0+$0x10]  }
0x283: {  	v6 =	vld [tilespmem:s0+$0x0]  }
0x284: {  	v7 =	vld [tilespmem:s0+$0x30]  }
0x285: {  	v8 =	vld [tilespmem:s0+$0x40]  }
0x286: {  	v9 =	vld [tilespmem:s0+$0x70]  }
0x287: {  	v10 =	vld [tilespmem:s0+$0x60]  }
0x288: {  	v11 =	vld [tilespmem:s0+$0x50]  }
0x289: {  	v4 =	vand.u32 $0x7FFFFFFF, v4;
	v5 =	vand.u32 $0x7FFFFFFF, v5  }
0x28a: {  	v6 =	vand.u32 $0x7FFFFFFF, v6;
	v7 =	vand.u32 $0x7FFFFFFF, v7;
	v8 =	vand.u32 $0x7FFFFFFF, v8  }
0x28b: {  	v9 =	vand.u32 $0x7FFFFFFF, v9;
	v4 =	vmul.f32 $1.280000000e+02, v4;
	v5 =	vmul.f32 $1.280000000e+02, v5  }
0x28c: {  	v10 =	vand.u32 $0x7FFFFFFF, v10;
	v6 =	vmul.f32 $1.280000000e+02, v6;
	v7 =	vmul.f32 $1.280000000e+02, v7  }
0x28d: {  	v11 =	vand.u32 $0x7FFFFFFF, v11;
	v8 =	vmul.f32 $1.280000000e+02, v8;
	v10 =	vmul.f32 $1.280000000e+02, v10  }
0x28e: {  	v11 =	vmul.f32 $1.280000000e+02, v11;
	v9 =	vmul.f32 $1.280000000e+02, v9  }
0x28f: {  	v4 =	vmin.f32 v4, $1.023500000e+03;
	v5 =	vmin.f32 v5, $1.023500000e+03;
	v6 =	vmin.f32 v6, $1.023500000e+03  }
0x290: {  	v8 =	vmin.f32 v8, $1.023500000e+03;
	v7 =	vmin.f32 v7, $1.023500000e+03;
	v6 =	vadd.f32 $4.096000000e+04, v6  }
0x291: {  	v11 =	vmin.f32 v11, $1.023500000e+03;
	v10 =	vmin.f32 v10, $1.023500000e+03;
	v5 =	vadd.f32 $4.096000000e+04, v5  }
0x292: {  	v9 =	vmin.f32 v9, $1.023500000e+03;
	v4 =	vadd.f32 $4.096000000e+04, v4;
	v6 =	vtrunc.f32 v6  }
0x293: {  	v7 =	vadd.f32 $4.096000000e+04, v7;
	v5 =	vtrunc.f32 v5;
	v6 =	vcvt.f32.s32 v6  }
0x294: {  	v8 =	vadd.f32 $4.096000000e+04, v8;
	v4 =	vtrunc.f32 v4;
	v5 =	vcvt.f32.s32 v5  }
0x295: {  	v11 =	vadd.f32 $4.096000000e+04, v11;
	v7 =	vtrunc.f32 v7;
	v4 =	vcvt.f32.s32 v4  }
0x296: {  	v10 =	vadd.f32 $4.096000000e+04, v10;
	v8 =	vtrunc.f32 v8;
	v7 =	vcvt.f32.s32 v7  }
0x297: {  	v9 =	vadd.f32 $4.096000000e+04, v9;
	v11 =	vtrunc.f32 v11;
	v8 =	vcvt.f32.s32 v8  }
0x298: {  	v10 =	vtrunc.f32 v10;
	v11 =	vcvt.f32.s32 v11  }
0x299: {  	v9 =	vtrunc.f32 v9;
	[tilespmem:v6+s23+$0x0] =	vst.idx.add.f32.msk $0xffff, v2;
	v6 =	vcvt.f32.s32 v10  }
0x29a: {  	[tilespmem:v5+s23+$0x0] =	vst.idx.add.f32.msk $0xffff, v2;
	v5 =	vcvt.f32.s32 v9  }
0x29b: {  	[tilespmem:v4+s23+$0x0] =	vst.idx.add.f32.msk $0xffff, v2  }
0x29c: {  	[tilespmem:v7+s23+$0x0] =	vst.idx.add.f32.msk $0xffff, v2  }
0x29d: {  	[tilespmem:v8+s23+$0x0] =	vst.idx.add.f32.msk $0xffff, v2  }
0x29e: {  	[tilespmem:v11+s23+$0x0] =	vst.idx.add.f32.msk $0xffff, v2  }
0x29f: {  	[tilespmem:v6+s23+$0x0] =	vst.idx.add.f32.msk $0xffff, v2  }
0x2a0: {  	s21 =	simm.s32 $0x0;
	s1 =	simm.s32 $0x7;
	[tilespmem:v5+s23+$0x0] =	vst.idx.add.f32.msk $0xffff, v2  }
0x2a1: {  	s4 =	sand.u32 $0x40, s21;
	s7 =	sand.u32 $0x1F80, s21;
	_ =	swait.ge [sflag:s1], $0x2000  }
0x2a2: {  	s7 =	sor.u32 $0xE000, s7;
	s8 =	sor.u32 $0x30, s4;
	[sflag:s1] =	ssyncset.done $0x0  }
0x2a3: {  	s16 =	sor.u32 s8, s7;
	[sflag:s1] =	ssyncadd.s32 $0xFFFFE000  }
0x2a4: {  	s17 =	simm.s32 $0xE000;
	s29 =	sor.u32 $0x10, s4;
	v4 =	vld [tilespmem:s16+$0x0]  }
0x2a5: {  	s30 =	sor.u32 s29, s7;
	v5 =	vld [tilespmem:s17+$0x0]  }
0x2a6: {  	s1 =	sor.u32 $0x20, s4;
	v6 =	vld [tilespmem:s30+$0x0]  }
0x2a7: {  	s7 =	sor.u32 s1, s7  }
0x2a8: {  	v12 =	vld [tilespmem:s7+$0x0]  }
0x2a9: {  	v7 =	vsub.f32 $1.000000000e+00, v4  }
0x2aa: {  	s5 =	simm.s32 $0x40;
	s18 =	simm.s32 $0xE040;
	v4 =	vand.u32 $0x7FFFFFFF, v4;
	v8 =	vand.u32 $0x7FFFFFFF, v5;
	v5 =	vsub.f32 $1.000000000e+00, v5  }
0x2ab: {  	s28 =	simm.s32 $0x80;
	s10 =	sand.u32 $0x1F80, s5;
	s0 =	sand.u32 $0x3F00, s21;
	v15 =	vand.u32 $0x7FFFFFFF, v7;
	v7 =	vand.u32 $0x7FFFFFFF, v6;
	v6 =	vsub.f32 $1.000000000e+00, v6  }
0x2ac: {  	s15 =	sor.u32 $0xE000, s10;
	s21 =	simm.s32 $0x80;
	s0 =	sor.u32 $0x8000, s0;
	v4 =	vmul.f32 $1.280000000e+02, v4;
	v8 =	vmul.f32 $1.280000000e+02, v8;
	v5 =	vand.u32 $0x7FFFFFFF, v5  }
0x2ad: {  	s12 =	sand.u32 $0x3F00, s21;
	s20 =	sor.u32 s4, s0;
	s29 =	sor.u32 s29, s0;
	v14 =	vsub.f32 $1.000000000e+00, v12;
	v5 =	vmul.f32 $1.280000000e+02, v5;
	v6 =	vand.u32 $0x7FFFFFFF, v6  }
0x2ae: {  	s19 =	sor.u32 s8, s0;
	s8 =	sand.u32 $0x40, s5;
	s9 =	sor.u32 $0x8000, s12;
	v8 =	vmin.f32 v8, $1.023500000e+03;
	v7 =	vmul.f32 $1.280000000e+02, v7;
	v13 =	vmul.f32 $1.280000000e+02, v6;
	v6 =	vld [tilespmem:s20+$0x0]  }
0x2af: {  	s31 =	sor.u32 $0x10, s8;
	s10 =	sor.u32 $0x20, s8;
	s5 =	sor.u32 $0x30, s8;
	v9 =	vld [tilespmem:s29+$0x0];
	v4 =	vmin.f32 v4, $1.023500000e+03;
	v8 =	vtrunc.f32 v8;
	v5 =	vmin.f32 v5, $1.023500000e+03  }
0x2b0: {  	s4 =	sor.u32 s8, s9;
	s8 =	sor.u32 s10, s15;
	s30 =	sor.u32 s1, s0;
	v10 =	vcvt.f32.s32 v8;
	v11 =	vmin.f32 v7, $1.023500000e+03;
	v5 =	vtrunc.f32 v5  }
0x2b1: {  	s16 =	sor.u32 s31, s15;
	s17 =	sor.u32 s5, s15;
	s0 =	sor.u32 s10, s9;
	v7 =	vcvt.f32.s32 v5;
	v8 =	vmin.f32 v13, $1.023500000e+03;
	v13 =	vand.u32 $0x7FFFFFFF, v14  }
0x2b2: {  	s7 =	sor.u32 s31, s9;
	s31 =	sor.u32 s5, s9;
	s20 =	simm.s32 $0xE040;
	v5 =	vld [tilespmem:s30+$0x0];
	v14 =	vand.u32 $0x7FFFFFFF, v12;
	v12 =	vmul.f32 $1.280000000e+02, v15;
	v13 =	vmul.f32 $1.280000000e+02, v13  }
.LBB2_42:
0x2b3: {  	p1 =	sne.s32 s28, $0x1FC0;
	s21 =	sadd.s32 $0x80, s21;
	s18 =	sadd.s32 $0x40, s18;
	v6 =	vshll.u32 v6, $0xB;
	v11 =	vtrunc.f32 v11;
	v14 =	vmul.f32 $1.280000000e+02, v14  }
0x2b4: {  	s5 =	smov.u32 s28;
	s28 =	sadd.s32 $0x40, s28;
	v10 =	vadd.s32 v10, v6;
	v9 =	vshll.u32 v9, $0xB;
	v13 =	vmin.f32 v13, $1.023500000e+03  }
0x2b5: {  	v11 =	vcvt.f32.s32 v11;
	v12 =	vmin.f32 v12, $1.023500000e+03;
	v13 =	vtrunc.f32 v13  }
0x2b6: {  	v6 =	vadd.s32 v6, v7;
	v7 =	vtrunc.f32 v8;
	v8 =	vcvt.f32.s32 v13  }
0x2b7: {  	v6 =	vadd.s32 $0x400, v6;
	v7 =	vcvt.f32.s32 v7;
	v14 =	vmin.f32 v14, $1.023500000e+03;
	v13 =	vld [tilespmem:s19+$0x0];
	s19 =	smov.u32 s31  }
0x2b8: {  	s9 =	sand.u32 $0x40, s5;
	s10 =	sand.u32 $0x3F00, s21;
	s5 =	sand.u32 $0x1F80, s5;
	v11 =	vadd.s32 v11, v9;
	v14 =	vtrunc.f32 v14;
	v5 =	vshll.u32 v5, $0xB  }
0x2b9: {  	s10 =	sor.u32 $0x8000, s10;
	s29 =	sor.u32 $0x10, s9;
	s5 =	sor.u32 $0xE000, s5;
	v7 =	vadd.s32 v9, v7;
	v9 =	vcvt.f32.s32 v14;
	v8 =	vadd.s32 v5, v8;
	[tilespmem:v10+s23+$0x0] =	vst.idx.add.f32.msk $0xffff, v3  }
0x2ba: {  	v4 =	vtrunc.f32 v4;
	s15 =	sor.u32 $0x30, s9;
	s1 =	sor.u32 s29, s5;
	s31 =	sor.u32 $0x20, s9;
	v7 =	vadd.s32 $0x400, v7;
	v10 =	vtrunc.f32 v12  }
0x2bb: {  	v4 =	vcvt.f32.s32 v4;
	s9 =	sor.u32 s9, s10;
	s12 =	sor.u32 s31, s5;
	s5 =	sor.u32 s15, s5;
	v5 =	vadd.s32 v9, v5;
	v9 =	vcvt.f32.s32 v10  }
0x2bc: {  	s30 =	sor.u32 s29, s10;
	s29 =	sor.u32 s31, s10;
	s31 =	sor.u32 s15, s10;
	v8 =	vadd.s32 $0x400, v8;
	v10 =	vshll.u32 v13, $0xB;
	[tilespmem:v6+s23+$0x0] =	vst.idx.add.f32.msk $0xffff, v2  }
0x2bd: {  	v4 =	vadd.s32 v4, v10;
	v6 =	vadd.s32 v10, v9;
	[tilespmem:v11+s23+$0x0] =	vst.idx.add.f32.msk $0xffff, v3  }
0x2be: {  	v6 =	vadd.s32 $0x400, v6  }
0x2bf: {  	[tilespmem:v7+s23+$0x0] =	vst.idx.add.f32.msk $0xffff, v2  }
0x2c0: {  	[tilespmem:v5+s23+$0x0] =	vst.idx.add.f32.msk $0xffff, v3  }
0x2c1: {  	[tilespmem:v8+s23+$0x0] =	vst.idx.add.f32.msk $0xffff, v2  }
0x2c2: {  	[tilespmem:v4+s23+$0x0] =	vst.idx.add.f32.msk $0xffff, v3  }
0x2c3: {  	[tilespmem:v6+s23+$0x0] =	vst.idx.add.f32.msk $0xffff, v2  }
0x2c4: {  	v4 =	vld [tilespmem:s17+$0x0];
	s17 =	smov.u32 s5  }
0x2c5: {  	v5 =	vld [tilespmem:s20+$0x0];
	s20 =	smov.u32 s18;
	_ =	sdelay $0x1  }
0x2c6: {  	v6 =	vld [tilespmem:s16+$0x0];
	s16 =	smov.u32 s1;
	_ =	sdelay $0x1  }
0x2c7: {  	v7 =	vand.u32 $0x7FFFFFFF, v4;
	v4 =	vsub.f32 $1.000000000e+00, v4  }
0x2c8: {  	v12 =	vld [tilespmem:s8+$0x0];
	v8 =	vand.u32 $0x7FFFFFFF, v5;
	v5 =	vsub.f32 $1.000000000e+00, v5;
	v7 =	vmul.f32 $1.280000000e+02, v7;
	s8 =	smov.u32 s12  }
0x2c9: {  	v8 =	vmul.f32 $1.280000000e+02, v8;
	v15 =	vand.u32 $0x7FFFFFFF, v4  }
0x2ca: {  	v4 =	vand.u32 $0x7FFFFFFF, v5;
	v5 =	vand.u32 $0x7FFFFFFF, v6;
	v9 =	vsub.f32 $1.000000000e+00, v6  }
0x2cb: {  	v6 =	vld [tilespmem:s4+$0x0];
	v8 =	vmin.f32 v8, $1.023500000e+03;
	v10 =	vmul.f32 $1.280000000e+02, v4;
	v5 =	vmul.f32 $1.280000000e+02, v5;
	s4 =	smov.u32 s9  }
.Ltmp19:
0x2cc: {  	v4 =	vmin.f32 v7, $1.023500000e+03;
	v8 =	vtrunc.f32 v8;
	v11 =	vand.u32 $0x7FFFFFFF, v9;
	(pc) =	sbr.rel @p1 .LBB2_42-.Ltmp19, $4  }
0x2cd: {  	v9 =	vld [tilespmem:s7+$0x0];
	v7 =	vmin.f32 v10, $1.023500000e+03;
	v13 =	vmul.f32 $1.280000000e+02, v11;
	v14 =	vsub.f32 $1.000000000e+00, v12;
	s7 =	smov.u32 s30  }
0x2ce: {  	v10 =	vcvt.f32.s32 v8;
	v11 =	vmin.f32 v5, $1.023500000e+03;
	v7 =	vtrunc.f32 v7  }
0x2cf: {  	v7 =	vcvt.f32.s32 v7;
	v8 =	vmin.f32 v13, $1.023500000e+03;
	v13 =	vand.u32 $0x7FFFFFFF, v14  }
0x2d0: {  	v14 =	vand.u32 $0x7FFFFFFF, v12;
	v12 =	vmul.f32 $1.280000000e+02, v15;
	v5 =	vld [tilespmem:s0+$0x0];
	v13 =	vmul.f32 $1.280000000e+02, v13;
	s0 =	smov.u32 s29  }
0x2d1: {  	v6 =	vshll.u32 v6, $0xB;
	v11 =	vtrunc.f32 v11;
	v14 =	vmul.f32 $1.280000000e+02, v14  }
0x2d2: {  	v47 =	vtrunc.f32 v8;
	v4 =	vtrunc.f32 v4;
	v10 =	vadd.s32 v10, v6  }
0x2d3: {  	v9 =	vshll.u32 v9, $0xB;
	v13 =	vmin.f32 v13, $1.023500000e+03;
	v11 =	vcvt.f32.s32 v11  }
0x2d4: {  	v12 =	vmin.f32 v12, $1.023500000e+03;
	v6 =	vadd.s32 v6, v7;
	v7 =	vcvt.f32.s32 v47  }
0x2d5: {  	v49 =	vld [tilespmem:s19+$0x0];
	v4 =	vcvt.f32.s32 v4;
	v13 =	vtrunc.f32 v13;
	v14 =	vmin.f32 v14, $1.023500000e+03  }
0x2d6: {  	v6 =	vadd.s32 $0x400, v6;
	v48 =	vcvt.f32.s32 v13;
	v14 =	vtrunc.f32 v14  }
0x2d7: {  	v11 =	vadd.s32 v11, v9;
	v7 =	vadd.s32 v9, v7;
	v50 =	vcvt.f32.s32 v14  }
0x2d8: {  	v12 =	vtrunc.f32 v12;
	v5 =	vshll.u32 v5, $0xB;
	v7 =	vadd.s32 $0x400, v7  }
0x2d9: {  	v51 =	vcvt.f32.s32 v12;
	v8 =	vadd.s32 v5, v48;
	v5 =	vadd.s32 v50, v5  }
0x2da: {  	v52 =	vshll.u32 v49, $0xB;
	[tilespmem:v10+s23+$0x0] =	vst.idx.add.f32.msk $0xffff, v3;
	v8 =	vadd.s32 $0x400, v8  }
0x2db: {  	v4 =	vadd.s32 v4, v52;
	v53 =	vadd.s32 v52, v51;
	[tilespmem:v6+s23+$0x0] =	vst.idx.add.f32.msk $0xffff, v2  }
0x2dc: {  	v6 =	vadd.s32 $0x400, v53;
	[tilespmem:v11+s23+$0x0] =	vst.idx.add.f32.msk $0xffff, v3  }
0x2dd: {  	[tilespmem:v7+s23+$0x0] =	vst.idx.add.f32.msk $0xffff, v2  }
0x2de: {  	[tilespmem:v5+s23+$0x0] =	vst.idx.add.f32.msk $0xffff, v3  }
0x2df: {  	[tilespmem:v8+s23+$0x0] =	vst.idx.add.f32.msk $0xffff, v2  }
0x2e0: {  	[tilespmem:v4+s23+$0x0] =	vst.idx.add.f32.msk $0xffff, v3  }
0x2e1: {  	[tilespmem:v6+s23+$0x0] =	vst.idx.add.f32.msk $0xffff, v2  }
0x2e2: {  	v4 =	vld [tilespmem:s17+$0x0]  }
0x2e3: {  	v5 =	vld [tilespmem:s20+$0x0]  }
0x2e4: {  	v6 =	vld [tilespmem:s16+$0x0]  }
0x2e5: {  	v8 =	vld [tilespmem:s8+$0x0]  }
0x2e6: {  	v11 =	vld [tilespmem:s4+$0x0]  }
0x2e7: {  	v57 =	vld [tilespmem:s7+$0x0]  }
0x2e8: {  	v54 =	vsub.f32 $1.000000000e+00, v4  }
0x2e9: {  	v4 =	vand.u32 $0x7FFFFFFF, v4;
	v55 =	vand.u32 $0x7FFFFFFF, v5;
	v5 =	vsub.f32 $1.000000000e+00, v5  }
0x2ea: {  	v56 =	vand.u32 $0x7FFFFFFF, v6;
	v6 =	vsub.f32 $1.000000000e+00, v6;
	v58 =	vsub.f32 $1.000000000e+00, v8  }
0x2eb: {  	v8 =	vand.u32 $0x7FFFFFFF, v8;
	v11 =	vshll.u32 v11, $0xB;
	v4 =	vmul.f32 $1.280000000e+02, v4  }
0x2ec: {  	v12 =	vshll.u32 v57, $0xB;
	v9 =	vmul.f32 $1.280000000e+02, v55;
	v10 =	vmul.f32 $1.280000000e+02, v56  }
0x2ed: {  	v8 =	vmul.f32 $1.280000000e+02, v8;
	v7 =	vand.u32 $0x7FFFFFFF, v54;
	v5 =	vand.u32 $0x7FFFFFFF, v5  }
0x2ee: {  	v59 =	vld [tilespmem:s0+$0x0];
	v6 =	vand.u32 $0x7FFFFFFF, v6;
	v13 =	vand.u32 $0x7FFFFFFF, v58;
	v9 =	vmin.f32 v9, $1.023500000e+03  }
0x2ef: {  	v5 =	vmul.f32 $1.280000000e+02, v5;
	v4 =	vmin.f32 v4, $1.023500000e+03;
	v6 =	vmul.f32 $1.280000000e+02, v6  }
0x2f0: {  	v10 =	vmin.f32 v10, $1.023500000e+03;
	v13 =	vmul.f32 $1.280000000e+02, v13;
	v7 =	vmul.f32 $1.280000000e+02, v7  }
0x2f1: {  	v8 =	vmin.f32 v8, $1.023500000e+03;
	v9 =	vtrunc.f32 v9;
	v10 =	vtrunc.f32 v10  }
0x2f2: {  	v8 =	vtrunc.f32 v8;
	v4 =	vtrunc.f32 v4;
	v5 =	vmin.f32 v5, $1.023500000e+03  }
0x2f3: {  	v14 =	vshll.u32 v59, $0xB;
	v9 =	vcvt.f32.s32 v9;
	v5 =	vtrunc.f32 v5  }
0x2f4: {  	v6 =	vmin.f32 v6, $1.023500000e+03;
	v13 =	vmin.f32 v13, $1.023500000e+03;
	v5 =	vcvt.f32.s32 v5  }
0x2f5: {  	v10 =	vcvt.f32.s32 v10;
	v7 =	vmin.f32 v7, $1.023500000e+03;
	v6 =	vtrunc.f32 v6  }
0x2f6: {  	v61 =	vld [tilespmem:s31+$0x0];
	v9 =	vadd.s32 v9, v11;
	v6 =	vcvt.f32.s32 v6;
	v5 =	vadd.s32 v11, v5  }
0x2f7: {  	v8 =	vcvt.f32.s32 v8;
	v13 =	vtrunc.f32 v13;
	v5 =	vadd.s32 $0x400, v5  }
0x2f8: {  	v60 =	vcvt.f32.s32 v13;
	v10 =	vadd.s32 v10, v12;
	v6 =	vadd.s32 v12, v6  }
0x2f9: {  	v4 =	vcvt.f32.s32 v4;
	v7 =	vtrunc.f32 v7;
	v6 =	vadd.s32 $0x400, v6  }
0x2fa: {  	v8 =	vadd.s32 v8, v14;
	v7 =	vcvt.f32.s32 v7;
	v11 =	vadd.s32 v14, v60  }
0x2fb: {  	v63 =	vshll.u32 v61, $0xB;
	v62 =	vadd.s32 $0x400, v11;
	[tilespmem:v9+s23+$0x0] =	vst.idx.add.f32.msk $0xffff, v3  }
0x2fc: {  	v4 =	vadd.s32 v4, v63;
	[tilespmem:v5+s23+$0x0] =	vst.idx.add.f32.msk $0xffff, v2;
	v5 =	vadd.s32 v63, v7  }
0x2fd: {  	[tilespmem:v10+s23+$0x0] =	vst.idx.add.f32.msk $0xffff, v3;
	v5 =	vadd.s32 $0x400, v5  }
0x2fe: {  	[tilespmem:v6+s23+$0x0] =	vst.idx.add.f32.msk $0xffff, v2  }
0x2ff: {  	[tilespmem:v8+s23+$0x0] =	vst.idx.add.f32.msk $0xffff, v3  }
0x300: {  	[tilespmem:v62+s23+$0x0] =	vst.idx.add.f32.msk $0xffff, v2  }
0x301: {  	[tilespmem:v4+s23+$0x0] =	vst.idx.add.f32.msk $0xffff, v3  }
0x302: {  	s1 =	simm.s32 $0x6;
	s31 =	rddreg [dreg:$0xe];
	[tilespmem:v5+s23+$0x0] =	vst.idx.add.f32.msk $0xffff, v2  }
0x303: {  	s0 =	sshll.u32 s31, $0xD;
	_ =	swait.ge [sflag:s1], $0x2000  }
0x304: {  	s15 =	sand.u32 $0x3E000, s0;
	s12 =	rddreg [dreg:$0x3]  }
0x305: {  	s0 =	sor.u32 s12, s15  }
0x306: {  	s4 =	simm.s32 $0x0;
	s0 =	sshrl.u32 s0, $0x3  }
0x307: {  	s7 =	simm.s32 $0x10;
	[sflag:s1] =	ssyncset.done $0x0;
	s0 =	sadd.s32 s3, s0  }
0x308: {  	s8 =	simm.s32 $0x200;
	[sflag:s1] =	ssyncadd.s32 $0xFFFFE000;
	s16 =	sadd.s32 $0x0, s0  }
.LBB2_44:
0x309: {  	[tilespmem:s4], [sflag:$0x1] =	stream.linear.gather [hbm4b:s16+s2], $0x80, $0x38;
	[tilespmem:$0x1A800] =	vst v63  }
0x30a: {  	s1 =	smov.u32 s7;
	s4 =	smov.u32 s8;
	p1 =	sne.s32 s7, $0x3F0  }
.Ltmp20:
0x30b: {  	s7 =	sadd.s32 $0x10, s7;
	(pc) =	sbr.rel @p1 .LBB2_44-.Ltmp20, $2  }
0x30c: {  	_ =	sdelay $0x2  }
0x30d: {  	s8 =	sadd.s32 $0x200, s8;
	s16 =	sadd.s32 s1, s0  }
0x30e: {  	[tilespmem:s4], [sflag:$0x1] =	stream.linear.gather [hbm4b:s16+s2], $0x80, $0x38;
	[tilespmem:$0x1A800] =	vst v63  }
0x30f: {  	s20 =	rddreg [dreg:$0x6]  }
0x310: {  	s4 =	simm.s32 $0x80;
	s7 =	simm.s32 $0x10;
	s0 =	sor.u32 s20, s15  }
0x311: {  	s8 =	simm.s32 $0x280;
	s21 =	rddreg [dreg:$0x7];
	s0 =	sshrl.u32 s0, $0x3  }
0x312: {  	s28 =	rddreg [dreg:$0x8];
	s29 =	simm.s32 $0x2000;
	s0 =	sadd.s32 s3, s0  }
0x313: {  	s30 =	simm.s32 $0xC000;
	s31 =	simm.s32 $0xE000;
	s16 =	sadd.s32 $0x0, s0  }
.LBB2_46:
0x314: {  	[tilespmem:s4], [sflag:$0x2] =	stream.linear.gather [hbm4b:s16+s2], $0x80, $0x38;
	[tilespmem:$0x1A800] =	vst v63  }
0x315: {  	s1 =	smov.u32 s7;
	s4 =	smov.u32 s8;
	p1 =	sne.s32 s7, $0x3F0  }
.Ltmp21:
0x316: {  	s7 =	sadd.s32 $0x10, s7;
	(pc) =	sbr.rel @p1 .LBB2_46-.Ltmp21, $2  }
0x317: {  	_ =	sdelay $0x2  }
0x318: {  	s8 =	sadd.s32 $0x200, s8;
	s16 =	sadd.s32 s1, s0  }
0x319: {  	[tilespmem:s4], [sflag:$0x2] =	stream.linear.gather [hbm4b:s16+s2], $0x80, $0x38;
	[tilespmem:$0x1A800] =	vst v63  }
0x31a: {  	s0 =	sor.u32 s21, s15  }
0x31b: {  	s0 =	sshrl.u32 s0, $0x3  }
0x31c: {  	s4 =	simm.s32 $0x100;
	s0 =	sadd.s32 s3, s0  }
0x31d: {  	s7 =	simm.s32 $0x10;
	s8 =	simm.s32 $0x300;
	s16 =	sadd.s32 $0x0, s0  }
.LBB2_48:
0x31e: {  	[tilespmem:s4], [sflag:$0x3] =	stream.linear.gather [hbm4b:s16+s2], $0x80, $0x38;
	[tilespmem:$0x1A800] =	vst v63  }
0x31f: {  	s1 =	smov.u32 s7;
	s4 =	smov.u32 s8;
	p1 =	sne.s32 s7, $0x3F0  }
.Ltmp22:
0x320: {  	s7 =	sadd.s32 $0x10, s7;
	(pc) =	sbr.rel @p1 .LBB2_48-.Ltmp22, $2  }
0x321: {  	_ =	sdelay $0x2  }
0x322: {  	s8 =	sadd.s32 $0x200, s8;
	s16 =	sadd.s32 s1, s0  }
.Ltmp23:
0x323: {  	(pc) =	sbr.rel @!p0 .LBB2_53-.Ltmp23, $2  }
0x324: {  	_ =	sdelay $0x2  }
0x325: {  	[tilespmem:s4], [sflag:$0x3] =	stream.linear.gather [hbm4b:s16+s2], $0x80, $0x38;
	[tilespmem:$0x1A800] =	vst v63  }
0x326: {  	s0 =	simm.s32 $0x8000  }
0x327: {  	s4 =	simm.s32 $0x10;
	s8 =	sadd.s32 $0x0, s14;
	s7 =	simm.s32 $0x8100  }
.LBB2_51:
0x328: {  	[tilespmem:s0], [sflag:$0x5] =	stream.linear.gather [hbm4b:s8+s2], $0x80, $0x38;
	[tilespmem:$0x1A800] =	vst v63  }
0x329: {  	s1 =	smov.u32 s4;
	s0 =	smov.u32 s7;
	p1 =	sne.s32 s4, $0x3F0  }
.Ltmp24:
0x32a: {  	s4 =	sadd.s32 $0x10, s4;
	(pc) =	sbr.rel @p1 .LBB2_51-.Ltmp24, $2  }
0x32b: {  	_ =	sdelay $0x2  }
0x32c: {  	s7 =	sadd.s32 $0x100, s7;
	s8 =	sadd.s32 s1, s14  }
0x32d: {  	[tilespmem:s0], [sflag:$0x5] =	stream.linear.gather [hbm4b:s8+s2], $0x80, $0x38;
	[tilespmem:$0x1A800] =	vst v63  }
.LBB2_53:
0x32e: {  	s0 =	simm.s32 $0x0  }
0x32f: {  	s0 =	sand.u32 $0xFC00, s0  }
0x330: {  	s1 =	simm.s32 $0x0;
	s0 =	sshrl.u32 s0, $0x2  }
0x331: {  	s1 =	sand.u32 $0x40, s1;
	s4 =	sor.u32 $0x8000, s0  }
0x332: {  	s0 =	sor.u32 s1, s4  }
0x333: {  	s9 =	rddreg [dreg:$0xd];
	v4 =	vld [tilespmem:s0+$0x80]  }
0x334: {  	s0 =	sand.u32 $0x1F, s9  }
0x335: {  	s0 =	sshll.u32 s0, $0xD  }
0x336: {  	s1 =	sadd.s32 s0, s12  }
0x337: {  	s5 =	sadd.s32 $0x20, s1  }
0x338: {  	s10 =	sadd.s32 $0x1FE0, s5;
	v4 =	vshll.u32 v4, $0x12  }
0x339: {  	s7 =	simm.s32 $0x10;
	v4 =	vadd.s32 s10, v4  }
0x33a: {  	s7 =	sand.u32 $0x50, s7;
	s0 =	simm.s32 $0xC020;
	v4 =	vadd.s32 v1, v4  }
0x33b: {  	s7 =	sor.u32 s7, s4;
	[tilespmem:s0+$0xFFFFFFE0] =	vst v4  }
0x33c: {  	v4 =	vld [tilespmem:s7+$0x80];
	_ =	sdelay $0x4  }
0x33d: {  	s16 =	sadd.s32 $0x1FF0, s5;
	v4 =	vshll.u32 v4, $0x12  }
0x33e: {  	s8 =	simm.s32 $0x20;
	v4 =	vadd.s32 s16, v4  }
0x33f: {  	s17 =	sand.u32 $0x60, s8;
	v4 =	vadd.s32 v1, v4  }
0x340: {  	s7 =	sor.u32 s17, s4;
	[tilespmem:s0+$0xFFFFFFF0] =	vst v4  }
0x341: {  	v4 =	vld [tilespmem:s7+$0x80];
	_ =	sdelay $0x4  }
0x342: {  	s18 =	sadd.s32 $0x2000, s5;
	v4 =	vshll.u32 v4, $0x12  }
0x343: {  	s19 =	simm.s32 $0x30;
	v4 =	vadd.s32 s18, v4  }
0x344: {  	s7 =	sand.u32 $0x70, s19;
	v4 =	vadd.s32 v1, v4  }
0x345: {  	s4 =	sor.u32 s7, s4;
	[tilespmem:s0+$0x0] =	vst v4  }
0x346: {  	v4 =	vld [tilespmem:s4+$0x80];
	_ =	sdelay $0x3  }
0x347: {  	s8 =	simm.s32 $0xA0;
	s7 =	simm.s32 $0x200  }
0x348: {  	s17 =	sadd.s32 $0x2010, s5;
	s16 =	sand.u32 $0xFC00, s7;
	s4 =	simm.s32 $0x60;
	v4 =	vshll.u32 v4, $0x12  }
.LBB2_54:
0x349: {  	p1 =	sne.s32 s8, $0x1FE0;
	s5 =	sadd.s32 $0xFFFFFFE0, s4;
	s9 =	sshrl.u32 s16, $0x2;
	v4 =	vadd.s32 s17, v4  }
0x34a: {  	s5 =	sand.u32 $0x40, s5;
	s9 =	sor.u32 $0x8000, s9;
	v4 =	vadd.s32 v1, v4  }
0x34b: {  	s5 =	sor.u32 s5, s9;
	[tilespmem:s0+$0x10] =	vst v4  }
0x34c: {  	v4 =	vld [tilespmem:s5+$0x80];
	_ =	sdelay $0x3  }
0x34d: {  	s5 =	sadd.s32 s4, s1  }
0x34e: {  	s10 =	sadd.s32 $0x1FE0, s5;
	v4 =	vshll.u32 v4, $0x12  }
0x34f: {  	v4 =	vadd.s32 s10, v4;
	s10 =	sadd.s32 $0xFFFFFFF0, s4  }
0x350: {  	s0 =	sadd.s32 $0x40, s0;
	v4 =	vadd.s32 v1, v4;
	s10 =	sand.u32 $0x50, s10  }
0x351: {  	[tilespmem:s0+$0xFFFFFFE0] =	vst v4;
	s10 =	sor.u32 s10, s9  }
0x352: {  	v4 =	vld [tilespmem:s10+$0x80];
	_ =	sdelay $0x4  }
0x353: {  	s10 =	sadd.s32 $0x1FF0, s5;
	v4 =	vshll.u32 v4, $0x12  }
0x354: {  	v4 =	vadd.s32 s10, v4  }
0x355: {  	s10 =	sand.u32 $0x60, s4;
	v4 =	vadd.s32 v1, v4  }
0x356: {  	s10 =	sor.u32 s10, s9;
	[tilespmem:s0+$0xFFFFFFF0] =	vst v4  }
0x357: {  	v4 =	vld [tilespmem:s10+$0x80];
	_ =	sdelay $0x4  }
0x358: {  	s10 =	sadd.s32 $0x2000, s5;
	v4 =	vshll.u32 v4, $0x12  }
0x359: {  	v4 =	vadd.s32 s10, v4;
	s10 =	sadd.s32 $0x10, s4;
	s4 =	smov.u32 s8  }
0x35a: {  	v4 =	vadd.s32 v1, v4;
	s10 =	sand.u32 $0x70, s10  }
0x35b: {  	[tilespmem:s0+$0x0] =	vst v4;
	s9 =	sor.u32 s10, s9  }
0x35c: {  	v4 =	vld [tilespmem:s9+$0x80]  }
.Ltmp25:
0x35d: {  	(pc) =	sbr.rel @p1 .LBB2_54-.Ltmp25, $3  }
0x35e: {  	_ =	sdelay $0x1  }
0x35f: {  	s7 =	sadd.s32 $0x200, s7  }
0x360: {  	s16 =	sand.u32 $0xFC00, s7;
	s17 =	sadd.s32 $0x2010, s5;
	s8 =	sadd.s32 $0x40, s8;
	v4 =	vshll.u32 v4, $0x12  }
0x361: {  	s5 =	sadd.s32 $0xFFFFFFE0, s4;
	s7 =	sshrl.u32 s16, $0x2;
	v4 =	vadd.s32 s17, v4  }
0x362: {  	s5 =	sand.u32 $0x40, s5;
	s7 =	sor.u32 $0x8000, s7;
	v4 =	vadd.s32 v1, v4  }
0x363: {  	s5 =	sor.u32 s5, s7;
	[tilespmem:s0+$0x10] =	vst v4  }
0x364: {  	v4 =	vld [tilespmem:s5+$0x80];
	_ =	sdelay $0x3  }
0x365: {  	s1 =	sadd.s32 s4, s1  }
0x366: {  	s8 =	sadd.s32 $0x1FE0, s1;
	v4 =	vshll.u32 v4, $0x12  }
0x367: {  	s9 =	sadd.s32 $0xFFFFFFF0, s4;
	v4 =	vadd.s32 s8, v4  }
0x368: {  	s10 =	sadd.s32 $0x40, s0;
	s5 =	sand.u32 $0x50, s9;
	v4 =	vadd.s32 v1, v4  }
0x369: {  	s5 =	sor.u32 s5, s7;
	[tilespmem:s10+$0xFFFFFFE0] =	vst v4  }
0x36a: {  	v4 =	vld [tilespmem:s5+$0x80];
	_ =	sdelay $0x4  }
0x36b: {  	s16 =	sadd.s32 $0x1FF0, s1;
	v4 =	vshll.u32 v4, $0x12  }
0x36c: {  	v4 =	vadd.s32 s16, v4  }
0x36d: {  	s17 =	sand.u32 $0x60, s4;
	v4 =	vadd.s32 v1, v4  }
0x36e: {  	s5 =	sor.u32 s17, s7;
	[tilespmem:s10+$0xFFFFFFF0] =	vst v4  }
0x36f: {  	v4 =	vld [tilespmem:s5+$0x80];
	_ =	sdelay $0x4  }
0x370: {  	s18 =	sadd.s32 $0x2000, s1;
	v4 =	vshll.u32 v4, $0x12  }
0x371: {  	s19 =	sadd.s32 $0x10, s4;
	v4 =	vadd.s32 s18, v4  }
0x372: {  	s4 =	sand.u32 $0x70, s19;
	v4 =	vadd.s32 v1, v4  }
0x373: {  	s4 =	sor.u32 s4, s7;
	[tilespmem:s10+$0x0] =	vst v4  }
0x374: {  	v4 =	vld [tilespmem:s4+$0x80];
	_ =	sdelay $0x4  }
0x375: {  	s1 =	sadd.s32 $0x2010, s1;
	v4 =	vshll.u32 v4, $0x12  }
0x376: {  	v4 =	vadd.s32 s1, v4  }
0x377: {  	v4 =	vadd.s32 v1, v4  }
0x378: {  	s0 =	simm.s32 $0x0;
	[tilespmem:s10+$0x10] =	vst v4  }
0x379: {  	[tilespmem:s31], [sflag:$0x8] =	stream.indirect.gather [hbm4b:s3+s29], $0x1, s30, s29, $0xb8;
	[tilespmem:$0x1A800] =	vst v63  }
.LBB2_56:
0x37a: {  	s1 =	sshllo.u32 s0, $0x2  }
0x37b: {  	s4 =	sadd.s32 s6, s1  }
0x37c: {  	s4 =	sshll.u32 s4, $0x12  }
0x37d: {  	_ =	swait.ge [sflag:s22], $0x2000;
	s5 =	sor.u32 s15, s4  }
0x37e: {  	s8 =	simm.s32 $0x180;
	s16 =	simm.s32 $0x10;
	s5 =	sshrl.u32 s5, $0x3  }
0x37f: {  	s17 =	simm.s32 $0x380;
	[sflag:s22] =	ssyncset.done $0x0;
	s7 =	sadd.s32 s3, s5  }
0x380: {  	[sflag:s22] =	ssyncadd.s32 $0xFFFFE000;
	s4 =	sshll.u32 s0, $0x2;
	s18 =	sadd.s32 $0x0, s7  }
.LBB2_57:
0x381: {  	[tilespmem:s8], [sflag:$0x4] =	stream.linear.gather [hbm4b:s18+s2], $0x80, $0x38;
	[tilespmem:$0x1A800] =	vst v63  }
0x382: {  	s5 =	smov.u32 s16;
	s8 =	smov.u32 s17;
	p1 =	sne.s32 s16, $0x3F0  }
.Ltmp26:
0x383: {  	s16 =	sadd.s32 $0x10, s16;
	(pc) =	sbr.rel @p1 .LBB2_57-.Ltmp26, $2  }
0x384: {  	_ =	sdelay $0x2  }
0x385: {  	s17 =	sadd.s32 $0x200, s17;
	s18 =	sadd.s32 s5, s7  }
0x386: {  	[tilespmem:s8], [sflag:$0x4] =	stream.linear.gather [hbm4b:s18+s2], $0x80, $0x38;
	[tilespmem:$0x1A800] =	vst v63  }
0x387: {  	s5 =	simm.s32 $0x0  }
0x388: {  	v4 =	vld [tilespmem:s5+$0x20]  }
0x389: {  	v5 =	vld [tilespmem:s5+$0x10]  }
0x38a: {  	v6 =	vld [tilespmem:s5+$0x0]  }
0x38b: {  	v7 =	vld [tilespmem:s5+$0x30]  }
0x38c: {  	v8 =	vld [tilespmem:s5+$0x40]  }
0x38d: {  	v10 =	vld [tilespmem:s5+$0x70];
	_ =	sdelay $0x1  }
0x38e: {  	s7 =	sshll.u32 s0, $0xD;
	v4 =	vand.u32 $0x7FFFFFFF, v4;
	v5 =	vand.u32 $0x7FFFFFFF, v5  }
0x38f: {  	s19 =	scvt.s32.f32 s7;
	v11 =	vld [tilespmem:s5+$0x60];
	v6 =	vand.u32 $0x7FFFFFFF, v6;
	v7 =	vand.u32 $0x7FFFFFFF, v7;
	v5 =	vmul.f32 $1.280000000e+02, v5  }
0x390: {  	v8 =	vand.u32 $0x7FFFFFFF, v8;
	v9 =	vmul.f32 $1.280000000e+02, v4;
	v6 =	vmul.f32 $1.280000000e+02, v6  }
0x391: {  	v12 =	vld [tilespmem:s5+$0x50];
	v10 =	vand.u32 $0x7FFFFFFF, v10;
	v4 =	vmov s19;
	v5 =	vmin.f32 v5, $1.023500000e+03  }
0x392: {  	v9 =	vmin.f32 v9, $1.023500000e+03;
	v6 =	vmin.f32 v6, $1.023500000e+03;
	v5 =	vadd.f32 v5, v4  }
0x393: {  	v8 =	vmul.f32 $1.280000000e+02, v8;
	v9 =	vadd.f32 v9, v4;
	v6 =	vadd.f32 v6, v4  }
0x394: {  	v11 =	vand.u32 $0x7FFFFFFF, v11;
	v7 =	vmul.f32 $1.280000000e+02, v7;
	v5 =	vtrunc.f32 v5  }
0x395: {  	v8 =	vmin.f32 v8, $1.023500000e+03;
	v9 =	vtrunc.f32 v9;
	v6 =	vtrunc.f32 v6  }
0x396: {  	v13 =	vcvt.f32.s32 v6;
	v6 =	vadd.f32 v8, v4;
	v8 =	vand.u32 $0x7FFFFFFF, v12  }
0x397: {  	v63 =	vcvt.f32.s32 v5;
	v5 =	vmin.f32 v7, $1.023500000e+03;
	v7 =	vmul.f32 $1.280000000e+02, v8  }
0x398: {  	v8 =	vmul.f32 $1.280000000e+02, v11;
	v11 =	vcvt.f32.s32 v9;
	v5 =	vadd.f32 v5, v4  }
0x399: {  	v9 =	vmul.f32 $1.280000000e+02, v10;
	v6 =	vtrunc.f32 v6;
	v7 =	vmin.f32 v7, $1.023500000e+03  }
0x39a: {  	v8 =	vmin.f32 v8, $1.023500000e+03;
	v5 =	vtrunc.f32 v5;
	v7 =	vadd.f32 v7, v4  }
0x39b: {  	v9 =	vmin.f32 v9, $1.023500000e+03;
	v8 =	vadd.f32 v8, v4;
	v5 =	vcvt.f32.s32 v5  }
0x39c: {  	v6 =	vcvt.f32.s32 v6;
	v9 =	vadd.f32 v9, v4;
	v7 =	vtrunc.f32 v7;
	[tilespmem:v13+s23+$0x0] =	vst.idx.add.f32.msk $0xffff, v2  }
0x39d: {  	v8 =	vtrunc.f32 v8;
	v7 =	vcvt.f32.s32 v7;
	[tilespmem:v63+s23+$0x0] =	vst.idx.add.f32.msk $0xffff, v2  }
0x39e: {  	s16 =	simm.s32 $0x1000;
	s8 =	simm.s32 $0x200;
	v9 =	vtrunc.f32 v9;
	v8 =	vcvt.f32.s32 v8;
	[tilespmem:v11+s23+$0x0] =	vst.idx.add.f32.msk $0xffff, v2  }
.LBB2_59:
0x39f: {  	p1 =	sne.s32 s16, $0x1F800;
	v9 =	vcvt.f32.s32 v9;
	s5 =	smov.u32 s16;
	s16 =	sadd.s32 $0x800, s16  }
0x3a0: {  	_ = 	snop  }
0x3a1: {  	[tilespmem:v5+s23+$0x0] =	vst.idx.add.f32.msk $0xffff, v2  }
0x3a2: {  	[tilespmem:v6+s23+$0x0] =	vst.idx.add.f32.msk $0xffff, v2  }
0x3a3: {  	s5 =	sshra.s32 s5, $0x2;
	[tilespmem:v7+s23+$0x0] =	vst.idx.add.f32.msk $0xffff, v2  }
0x3a4: {  	[tilespmem:v8+s23+$0x0] =	vst.idx.add.f32.msk $0xffff, v2  }
0x3a5: {  	[tilespmem:v9+s23+$0x0] =	vst.idx.add.f32.msk $0xffff, v2  }
0x3a6: {  	v5 =	vld [tilespmem:s8+$0x20]  }
0x3a7: {  	v6 =	vld [tilespmem:s8+$0x10]  }
0x3a8: {  	v7 =	vld [tilespmem:s8+$0x0]  }
0x3a9: {  	v8 =	vld [tilespmem:s8+$0x70]  }
0x3aa: {  	v9 =	vld [tilespmem:s8+$0x30]  }
0x3ab: {  	v10 =	vld [tilespmem:s8+$0x40];
	v5 =	vand.u32 $0x7FFFFFFF, v5  }
0x3ac: {  	v11 =	vld [tilespmem:s8+$0x50];
	v6 =	vand.u32 $0x7FFFFFFF, v6;
	v5 =	vmul.f32 $1.280000000e+02, v5  }
0x3ad: {  	v12 =	vld [tilespmem:s8+$0x60];
	v7 =	vand.u32 $0x7FFFFFFF, v7;
	v6 =	vmul.f32 $1.280000000e+02, v6;
	s8 =	smov.u32 s5  }
0x3ae: {  	v7 =	vmul.f32 $1.280000000e+02, v7;
	v5 =	vmin.f32 v5, $1.023500000e+03;
	v8 =	vand.u32 $0x7FFFFFFF, v8  }
0x3af: {  	v6 =	vmin.f32 v6, $1.023500000e+03;
	v5 =	vadd.f32 v5, v4;
	v9 =	vand.u32 $0x7FFFFFFF, v9  }
0x3b0: {  	v7 =	vmin.f32 v7, $1.023500000e+03;
	v6 =	vadd.f32 v6, v4;
	v10 =	vand.u32 $0x7FFFFFFF, v10  }
0x3b1: {  	v9 =	vmul.f32 $1.280000000e+02, v9;
	v7 =	vadd.f32 v7, v4;
	v10 =	vmul.f32 $1.280000000e+02, v10  }
0x3b2: {  	v5 =	vtrunc.f32 v5;
	v6 =	vtrunc.f32 v6;
	v12 =	vand.u32 $0x7FFFFFFF, v12  }
0x3b3: {  	v7 =	vtrunc.f32 v7;
	v10 =	vmin.f32 v10, $1.023500000e+03;
	v12 =	vmul.f32 $1.280000000e+02, v12  }
0x3b4: {  	v11 =	vand.u32 $0x7FFFFFFF, v11;
	v7 =	vcvt.f32.s32 v7;
	v10 =	vadd.f32 v10, v4  }
0x3b5: {  	v13 =	vcvt.f32.s32 v6;
	v6 =	vmin.f32 v9, $1.023500000e+03;
	v9 =	vmul.f32 $1.280000000e+02, v11  }
0x3b6: {  	v11 =	vcvt.f32.s32 v5;
	v5 =	vadd.f32 v6, v4;
	v6 =	vtrunc.f32 v10  }
0x3b7: {  	v8 =	vmul.f32 $1.280000000e+02, v8;
	v9 =	vmin.f32 v9, $1.023500000e+03;
	v10 =	vmin.f32 v12, $1.023500000e+03  }
.Ltmp27:
0x3b8: {  	v5 =	vtrunc.f32 v5;
	v9 =	vadd.f32 v9, v4;
	v10 =	vadd.f32 v10, v4;
	(pc) =	sbr.rel @p1 .LBB2_59-.Ltmp27, $4  }
0x3b9: {  	v8 =	vmin.f32 v8, $1.023500000e+03;
	v5 =	vcvt.f32.s32 v5  }
0x3ba: {  	v12 =	vadd.f32 v8, v4;
	v6 =	vcvt.f32.s32 v6;
	v9 =	vtrunc.f32 v9;
	[tilespmem:v7+s23+$0x0] =	vst.idx.add.f32.msk $0xffff, v2  }
0x3bb: {  	v8 =	vtrunc.f32 v10;
	v7 =	vcvt.f32.s32 v9;
	[tilespmem:v13+s23+$0x0] =	vst.idx.add.f32.msk $0xffff, v2  }
0x3bc: {  	v8 =	vcvt.f32.s32 v8;
	v9 =	vtrunc.f32 v12;
	[tilespmem:v11+s23+$0x0] =	vst.idx.add.f32.msk $0xffff, v2  }
0x3bd: {  	_ =	sdelay $0x1  }
0x3be: {  	v9 =	vcvt.f32.s32 v9;
	_ =	sdelay $0x1  }
0x3bf: {  	[tilespmem:v5+s23+$0x0] =	vst.idx.add.f32.msk $0xffff, v2  }
0x3c0: {  	[tilespmem:v6+s23+$0x0] =	vst.idx.add.f32.msk $0xffff, v2  }
0x3c1: {  	[tilespmem:v7+s23+$0x0] =	vst.idx.add.f32.msk $0xffff, v2  }
0x3c2: {  	[tilespmem:v8+s23+$0x0] =	vst.idx.add.f32.msk $0xffff, v2  }
0x3c3: {  	[tilespmem:v9+s23+$0x0] =	vst.idx.add.f32.msk $0xffff, v2  }
0x3c4: {  	v5 =	vld [tilespmem:s8+$0x20]  }
0x3c5: {  	v6 =	vld [tilespmem:s8+$0x10]  }
0x3c6: {  	v7 =	vld [tilespmem:s8+$0x0]  }
0x3c7: {  	v8 =	vld [tilespmem:s8+$0x30]  }
0x3c8: {  	v9 =	vld [tilespmem:s8+$0x40]  }
0x3c9: {  	v10 =	vld [tilespmem:s8+$0x70]  }
0x3ca: {  	v11 =	vld [tilespmem:s8+$0x60]  }
0x3cb: {  	v12 =	vld [tilespmem:s8+$0x50]  }
0x3cc: {  	v5 =	vand.u32 $0x7FFFFFFF, v5;
	v6 =	vand.u32 $0x7FFFFFFF, v6  }
0x3cd: {  	v7 =	vand.u32 $0x7FFFFFFF, v7;
	v8 =	vand.u32 $0x7FFFFFFF, v8;
	v9 =	vand.u32 $0x7FFFFFFF, v9  }
0x3ce: {  	v10 =	vand.u32 $0x7FFFFFFF, v10;
	v5 =	vmul.f32 $1.280000000e+02, v5;
	v6 =	vmul.f32 $1.280000000e+02, v6  }
0x3cf: {  	v11 =	vand.u32 $0x7FFFFFFF, v11;
	v7 =	vmul.f32 $1.280000000e+02, v7;
	v8 =	vmul.f32 $1.280000000e+02, v8  }
0x3d0: {  	v12 =	vand.u32 $0x7FFFFFFF, v12;
	v9 =	vmul.f32 $1.280000000e+02, v9;
	v11 =	vmul.f32 $1.280000000e+02, v11  }
0x3d1: {  	v12 =	vmul.f32 $1.280000000e+02, v12;
	v10 =	vmul.f32 $1.280000000e+02, v10  }
0x3d2: {  	v5 =	vmin.f32 v5, $1.023500000e+03;
	v6 =	vmin.f32 v6, $1.023500000e+03;
	v7 =	vmin.f32 v7, $1.023500000e+03  }
0x3d3: {  	v9 =	vmin.f32 v9, $1.023500000e+03;
	v8 =	vmin.f32 v8, $1.023500000e+03;
	v7 =	vadd.f32 v7, v4  }
0x3d4: {  	v12 =	vmin.f32 v12, $1.023500000e+03;
	v11 =	vmin.f32 v11, $1.023500000e+03;
	v6 =	vadd.f32 v6, v4  }
0x3d5: {  	v10 =	vmin.f32 v10, $1.023500000e+03;
	v5 =	vadd.f32 v5, v4;
	v7 =	vtrunc.f32 v7  }
0x3d6: {  	v8 =	vadd.f32 v8, v4;
	v6 =	vtrunc.f32 v6;
	v7 =	vcvt.f32.s32 v7  }
0x3d7: {  	v9 =	vadd.f32 v9, v4;
	v5 =	vtrunc.f32 v5;
	v6 =	vcvt.f32.s32 v6  }
0x3d8: {  	v12 =	vadd.f32 v12, v4;
	v8 =	vtrunc.f32 v8;
	v5 =	vcvt.f32.s32 v5  }
0x3d9: {  	v11 =	vadd.f32 v11, v4;
	v9 =	vtrunc.f32 v9;
	v8 =	vcvt.f32.s32 v8  }
0x3da: {  	v4 =	vadd.f32 v10, v4;
	v12 =	vtrunc.f32 v12;
	v9 =	vcvt.f32.s32 v9  }
0x3db: {  	v11 =	vtrunc.f32 v11;
	v62 =	vcvt.f32.s32 v12  }
0x3dc: {  	v4 =	vtrunc.f32 v4;
	v63 =	vcvt.f32.s32 v11;
	[tilespmem:v7+s23+$0x0] =	vst.idx.add.f32.msk $0xffff, v2  }
0x3dd: {  	v4 =	vcvt.f32.s32 v4;
	[tilespmem:v6+s23+$0x0] =	vst.idx.add.f32.msk $0xffff, v2  }
0x3de: {  	[tilespmem:v5+s23+$0x0] =	vst.idx.add.f32.msk $0xffff, v2  }
0x3df: {  	[tilespmem:v8+s23+$0x0] =	vst.idx.add.f32.msk $0xffff, v2  }
0x3e0: {  	[tilespmem:v9+s23+$0x0] =	vst.idx.add.f32.msk $0xffff, v2  }
0x3e1: {  	s5 =	sadd.s32 s4, s11;
	[tilespmem:v62+s23+$0x0] =	vst.idx.add.f32.msk $0xffff, v2  }
0x3e2: {  	s5 =	sshll.u32 s5, $0x12;
	[tilespmem:v63+s23+$0x0] =	vst.idx.add.f32.msk $0xffff, v2  }
0x3e3: {  	s5 =	sor.u32 s15, s5;
	[tilespmem:v4+s23+$0x0] =	vst.idx.add.f32.msk $0xffff, v2  }
0x3e4: {  	s16 =	simm.s32 $0x0;
	s5 =	sshrl.u32 s5, $0x3;
	_ =	swait.ge [sflag:s24], $0x2000  }
0x3e5: {  	s17 =	simm.s32 $0x10;
	s8 =	sadd.s32 s3, s5;
	[sflag:s24] =	ssyncset.done $0x0  }
0x3e6: {  	s18 =	simm.s32 $0x200;
	s19 =	sadd.s32 $0x0, s8;
	[sflag:s24] =	ssyncadd.s32 $0xFFFFE000  }
.LBB2_61:
0x3e7: {  	[tilespmem:s16], [sflag:$0x1] =	stream.linear.gather [hbm4b:s19+s2], $0x80, $0x38;
	[tilespmem:$0x1A800] =	vst v63  }
0x3e8: {  	s5 =	smov.u32 s17;
	s16 =	smov.u32 s18;
	p1 =	sne.s32 s17, $0x3F0  }
.Ltmp28:
0x3e9: {  	s17 =	sadd.s32 $0x10, s17;
	(pc) =	sbr.rel @p1 .LBB2_61-.Ltmp28, $2  }
0x3ea: {  	_ =	sdelay $0x2  }
0x3eb: {  	s18 =	sadd.s32 $0x200, s18;
	s19 =	sadd.s32 s5, s8  }
0x3ec: {  	[tilespmem:s16], [sflag:$0x1] =	stream.linear.gather [hbm4b:s19+s2], $0x80, $0x38;
	[tilespmem:$0x1A800] =	vst v63  }
0x3ed: {  	s5 =	simm.s32 $0x0  }
0x3ee: {  	v4 =	vld [tilespmem:s5+$0xA0]  }
0x3ef: {  	v5 =	vld [tilespmem:s5+$0x90]  }
0x3f0: {  	v6 =	vld [tilespmem:s5+$0x80]  }
0x3f1: {  	v7 =	vld [tilespmem:s5+$0xB0]  }
0x3f2: {  	v8 =	vld [tilespmem:s5+$0xC0]  }
0x3f3: {  	v10 =	vld [tilespmem:s5+$0xF0];
	_ =	sdelay $0x1  }
0x3f4: {  	s8 =	sor.u32 $0x800, s7;
	v4 =	vand.u32 $0x7FFFFFFF, v4;
	v5 =	vand.u32 $0x7FFFFFFF, v5  }
0x3f5: {  	s8 =	scvt.s32.f32 s8;
	v11 =	vld [tilespmem:s5+$0xE0];
	v6 =	vand.u32 $0x7FFFFFFF, v6;
	v7 =	vand.u32 $0x7FFFFFFF, v7;
	v5 =	vmul.f32 $1.280000000e+02, v5  }
0x3f6: {  	v8 =	vand.u32 $0x7FFFFFFF, v8;
	v9 =	vmul.f32 $1.280000000e+02, v4;
	v6 =	vmul.f32 $1.280000000e+02, v6  }
0x3f7: {  	v12 =	vld [tilespmem:s5+$0xD0];
	v10 =	vand.u32 $0x7FFFFFFF, v10;
	v4 =	vmov s8;
	v5 =	vmin.f32 v5, $1.023500000e+03  }
0x3f8: {  	v9 =	vmin.f32 v9, $1.023500000e+03;
	v6 =	vmin.f32 v6, $1.023500000e+03;
	v5 =	vadd.f32 v5, v4  }
0x3f9: {  	v8 =	vmul.f32 $1.280000000e+02, v8;
	v9 =	vadd.f32 v9, v4;
	v6 =	vadd.f32 v6, v4  }
0x3fa: {  	v11 =	vand.u32 $0x7FFFFFFF, v11;
	v7 =	vmul.f32 $1.280000000e+02, v7;
	v5 =	vtrunc.f32 v5  }
0x3fb: {  	v8 =	vmin.f32 v8, $1.023500000e+03;
	v9 =	vtrunc.f32 v9;
	v6 =	vtrunc.f32 v6  }
0x3fc: {  	v13 =	vcvt.f32.s32 v6;
	v6 =	vadd.f32 v8, v4;
	v8 =	vand.u32 $0x7FFFFFFF, v12  }
0x3fd: {  	v63 =	vcvt.f32.s32 v5;
	v5 =	vmin.f32 v7, $1.023500000e+03;
	v7 =	vmul.f32 $1.280000000e+02, v8  }
0x3fe: {  	v8 =	vmul.f32 $1.280000000e+02, v11;
	v11 =	vcvt.f32.s32 v9;
	v5 =	vadd.f32 v5, v4  }
0x3ff: {  	v9 =	vmul.f32 $1.280000000e+02, v10;
	v6 =	vtrunc.f32 v6;
	v7 =	vmin.f32 v7, $1.023500000e+03  }
0x400: {  	v8 =	vmin.f32 v8, $1.023500000e+03;
	v5 =	vtrunc.f32 v5;
	v7 =	vadd.f32 v7, v4  }
0x401: {  	v9 =	vmin.f32 v9, $1.023500000e+03;
	v8 =	vadd.f32 v8, v4;
	v5 =	vcvt.f32.s32 v5  }
0x402: {  	v6 =	vcvt.f32.s32 v6;
	v9 =	vadd.f32 v9, v4;
	v7 =	vtrunc.f32 v7;
	[tilespmem:v13+s23+$0x0] =	vst.idx.add.f32.msk $0xffff, v2  }
0x403: {  	v8 =	vtrunc.f32 v8;
	v7 =	vcvt.f32.s32 v7;
	[tilespmem:v63+s23+$0x0] =	vst.idx.add.f32.msk $0xffff, v2  }
0x404: {  	s16 =	simm.s32 $0x1000;
	s8 =	simm.s32 $0x200;
	v9 =	vtrunc.f32 v9;
	v8 =	vcvt.f32.s32 v8;
	[tilespmem:v11+s23+$0x0] =	vst.idx.add.f32.msk $0xffff, v2  }
.LBB2_63:
0x405: {  	p1 =	sne.s32 s16, $0x1F800;
	v9 =	vcvt.f32.s32 v9;
	s5 =	smov.u32 s16;
	s16 =	sadd.s32 $0x800, s16  }
0x406: {  	_ = 	snop  }
0x407: {  	[tilespmem:v5+s23+$0x0] =	vst.idx.add.f32.msk $0xffff, v2  }
0x408: {  	[tilespmem:v6+s23+$0x0] =	vst.idx.add.f32.msk $0xffff, v2  }
0x409: {  	s5 =	sshra.s32 s5, $0x2;
	[tilespmem:v7+s23+$0x0] =	vst.idx.add.f32.msk $0xffff, v2  }
0x40a: {  	[tilespmem:v8+s23+$0x0] =	vst.idx.add.f32.msk $0xffff, v2  }
0x40b: {  	[tilespmem:v9+s23+$0x0] =	vst.idx.add.f32.msk $0xffff, v2  }
0x40c: {  	v5 =	vld [tilespmem:s8+$0xA0]  }
0x40d: {  	v6 =	vld [tilespmem:s8+$0x90]  }
0x40e: {  	v7 =	vld [tilespmem:s8+$0x80]  }
0x40f: {  	v8 =	vld [tilespmem:s8+$0xF0]  }
0x410: {  	v9 =	vld [tilespmem:s8+$0xB0]  }
0x411: {  	v10 =	vld [tilespmem:s8+$0xC0];
	v5 =	vand.u32 $0x7FFFFFFF, v5  }
0x412: {  	v11 =	vld [tilespmem:s8+$0xD0];
	v6 =	vand.u32 $0x7FFFFFFF, v6;
	v5 =	vmul.f32 $1.280000000e+02, v5  }
0x413: {  	v12 =	vld [tilespmem:s8+$0xE0];
	v7 =	vand.u32 $0x7FFFFFFF, v7;
	v6 =	vmul.f32 $1.280000000e+02, v6;
	s8 =	smov.u32 s5  }
0x414: {  	v7 =	vmul.f32 $1.280000000e+02, v7;
	v5 =	vmin.f32 v5, $1.023500000e+03;
	v8 =	vand.u32 $0x7FFFFFFF, v8  }
0x415: {  	v6 =	vmin.f32 v6, $1.023500000e+03;
	v5 =	vadd.f32 v5, v4;
	v9 =	vand.u32 $0x7FFFFFFF, v9  }
0x416: {  	v7 =	vmin.f32 v7, $1.023500000e+03;
	v6 =	vadd.f32 v6, v4;
	v10 =	vand.u32 $0x7FFFFFFF, v10  }
0x417: {  	v9 =	vmul.f32 $1.280000000e+02, v9;
	v7 =	vadd.f32 v7, v4;
	v10 =	vmul.f32 $1.280000000e+02, v10  }
0x418: {  	v5 =	vtrunc.f32 v5;
	v6 =	vtrunc.f32 v6;
	v12 =	vand.u32 $0x7FFFFFFF, v12  }
0x419: {  	v7 =	vtrunc.f32 v7;
	v10 =	vmin.f32 v10, $1.023500000e+03;
	v12 =	vmul.f32 $1.280000000e+02, v12  }
0x41a: {  	v11 =	vand.u32 $0x7FFFFFFF, v11;
	v7 =	vcvt.f32.s32 v7;
	v10 =	vadd.f32 v10, v4  }
0x41b: {  	v13 =	vcvt.f32.s32 v6;
	v6 =	vmin.f32 v9, $1.023500000e+03;
	v9 =	vmul.f32 $1.280000000e+02, v11  }
0x41c: {  	v11 =	vcvt.f32.s32 v5;
	v5 =	vadd.f32 v6, v4;
	v6 =	vtrunc.f32 v10  }
0x41d: {  	v8 =	vmul.f32 $1.280000000e+02, v8;
	v9 =	vmin.f32 v9, $1.023500000e+03;
	v10 =	vmin.f32 v12, $1.023500000e+03  }
.Ltmp29:
0x41e: {  	v5 =	vtrunc.f32 v5;
	v9 =	vadd.f32 v9, v4;
	v10 =	vadd.f32 v10, v4;
	(pc) =	sbr.rel @p1 .LBB2_63-.Ltmp29, $4  }
0x41f: {  	v8 =	vmin.f32 v8, $1.023500000e+03;
	v5 =	vcvt.f32.s32 v5  }
0x420: {  	v12 =	vadd.f32 v8, v4;
	v6 =	vcvt.f32.s32 v6;
	v9 =	vtrunc.f32 v9;
	[tilespmem:v7+s23+$0x0] =	vst.idx.add.f32.msk $0xffff, v2  }
0x421: {  	v8 =	vtrunc.f32 v10;
	v7 =	vcvt.f32.s32 v9;
	[tilespmem:v13+s23+$0x0] =	vst.idx.add.f32.msk $0xffff, v2  }
0x422: {  	v8 =	vcvt.f32.s32 v8;
	v9 =	vtrunc.f32 v12;
	[tilespmem:v11+s23+$0x0] =	vst.idx.add.f32.msk $0xffff, v2  }
0x423: {  	_ =	sdelay $0x1  }
0x424: {  	v9 =	vcvt.f32.s32 v9;
	_ =	sdelay $0x1  }
0x425: {  	[tilespmem:v5+s23+$0x0] =	vst.idx.add.f32.msk $0xffff, v2  }
0x426: {  	[tilespmem:v6+s23+$0x0] =	vst.idx.add.f32.msk $0xffff, v2  }
0x427: {  	[tilespmem:v7+s23+$0x0] =	vst.idx.add.f32.msk $0xffff, v2  }
0x428: {  	[tilespmem:v8+s23+$0x0] =	vst.idx.add.f32.msk $0xffff, v2  }
0x429: {  	[tilespmem:v9+s23+$0x0] =	vst.idx.add.f32.msk $0xffff, v2  }
0x42a: {  	v5 =	vld [tilespmem:s8+$0xA0]  }
0x42b: {  	v6 =	vld [tilespmem:s8+$0x90]  }
0x42c: {  	v7 =	vld [tilespmem:s8+$0x80]  }
0x42d: {  	v8 =	vld [tilespmem:s8+$0xB0]  }
0x42e: {  	v9 =	vld [tilespmem:s8+$0xC0]  }
0x42f: {  	v10 =	vld [tilespmem:s8+$0xF0]  }
0x430: {  	v11 =	vld [tilespmem:s8+$0xE0]  }
0x431: {  	v12 =	vld [tilespmem:s8+$0xD0]  }
0x432: {  	v5 =	vand.u32 $0x7FFFFFFF, v5;
	v6 =	vand.u32 $0x7FFFFFFF, v6  }
0x433: {  	v7 =	vand.u32 $0x7FFFFFFF, v7;
	v8 =	vand.u32 $0x7FFFFFFF, v8;
	v9 =	vand.u32 $0x7FFFFFFF, v9  }
0x434: {  	v10 =	vand.u32 $0x7FFFFFFF, v10;
	v5 =	vmul.f32 $1.280000000e+02, v5;
	v6 =	vmul.f32 $1.280000000e+02, v6  }
0x435: {  	v11 =	vand.u32 $0x7FFFFFFF, v11;
	v7 =	vmul.f32 $1.280000000e+02, v7;
	v8 =	vmul.f32 $1.280000000e+02, v8  }
0x436: {  	v12 =	vand.u32 $0x7FFFFFFF, v12;
	v9 =	vmul.f32 $1.280000000e+02, v9;
	v11 =	vmul.f32 $1.280000000e+02, v11  }
0x437: {  	v12 =	vmul.f32 $1.280000000e+02, v12;
	v10 =	vmul.f32 $1.280000000e+02, v10  }
0x438: {  	v5 =	vmin.f32 v5, $1.023500000e+03;
	v6 =	vmin.f32 v6, $1.023500000e+03;
	v7 =	vmin.f32 v7, $1.023500000e+03  }
0x439: {  	v9 =	vmin.f32 v9, $1.023500000e+03;
	v8 =	vmin.f32 v8, $1.023500000e+03;
	v7 =	vadd.f32 v7, v4  }
0x43a: {  	v12 =	vmin.f32 v12, $1.023500000e+03;
	v11 =	vmin.f32 v11, $1.023500000e+03;
	v6 =	vadd.f32 v6, v4  }
0x43b: {  	v10 =	vmin.f32 v10, $1.023500000e+03;
	v5 =	vadd.f32 v5, v4;
	v7 =	vtrunc.f32 v7  }
0x43c: {  	v8 =	vadd.f32 v8, v4;
	v6 =	vtrunc.f32 v6;
	v7 =	vcvt.f32.s32 v7  }
0x43d: {  	v9 =	vadd.f32 v9, v4;
	v5 =	vtrunc.f32 v5;
	v6 =	vcvt.f32.s32 v6  }
0x43e: {  	v12 =	vadd.f32 v12, v4;
	v8 =	vtrunc.f32 v8;
	v5 =	vcvt.f32.s32 v5  }
0x43f: {  	v11 =	vadd.f32 v11, v4;
	v9 =	vtrunc.f32 v9;
	v8 =	vcvt.f32.s32 v8  }
0x440: {  	v4 =	vadd.f32 v10, v4;
	v12 =	vtrunc.f32 v12;
	v9 =	vcvt.f32.s32 v9  }
0x441: {  	v11 =	vtrunc.f32 v11;
	v62 =	vcvt.f32.s32 v12  }
0x442: {  	v4 =	vtrunc.f32 v4;
	v63 =	vcvt.f32.s32 v11;
	[tilespmem:v7+s23+$0x0] =	vst.idx.add.f32.msk $0xffff, v2  }
0x443: {  	v4 =	vcvt.f32.s32 v4;
	[tilespmem:v6+s23+$0x0] =	vst.idx.add.f32.msk $0xffff, v2  }
0x444: {  	[tilespmem:v5+s23+$0x0] =	vst.idx.add.f32.msk $0xffff, v2  }
0x445: {  	[tilespmem:v8+s23+$0x0] =	vst.idx.add.f32.msk $0xffff, v2  }
0x446: {  	[tilespmem:v9+s23+$0x0] =	vst.idx.add.f32.msk $0xffff, v2  }
0x447: {  	p1 =	seq.s32 s0, $0x4;
	[tilespmem:v62+s23+$0x0] =	vst.idx.add.f32.msk $0xffff, v2  }
.Ltmp30:
0x448: {  	[tilespmem:v63+s23+$0x0] =	vst.idx.add.f32.msk $0xffff, v2;
	(pc) =	sbr.rel @p1 .LBB2_68-.Ltmp30, $4  }
0x449: {  	[tilespmem:v4+s23+$0x0] =	vst.idx.add.f32.msk $0xffff, v2  }
0x44a: {  	_ =	swait.ge [sflag:s25], $0x2000  }
0x44b: {  	[sflag:s25] =	ssyncset.done $0x0  }
0x44c: {  	[sflag:s25] =	ssyncadd.s32 $0xFFFFE000  }
0x44d: {  	s5 =	sadd.s32 s4, s28  }
0x44e: {  	s5 =	sshll.u32 s5, $0x12  }
0x44f: {  	s5 =	sor.u32 s15, s5  }
0x450: {  	s5 =	sshrl.u32 s5, $0x3  }
0x451: {  	s16 =	simm.s32 $0x80;
	s8 =	sadd.s32 s3, s5  }
0x452: {  	s17 =	simm.s32 $0x10;
	s18 =	simm.s32 $0x280;
	s19 =	sadd.s32 $0x0, s8  }
.LBB2_66:
0x453: {  	[tilespmem:s16], [sflag:$0x2] =	stream.linear.gather [hbm4b:s19+s2], $0x80, $0x38;
	[tilespmem:$0x1A800] =	vst v63  }
0x454: {  	s5 =	smov.u32 s17;
	s16 =	smov.u32 s18;
	p2 =	sne.s32 s17, $0x3F0  }
.Ltmp31:
0x455: {  	s17 =	sadd.s32 $0x10, s17;
	(pc) =	sbr.rel @p2 .LBB2_66-.Ltmp31, $2  }
0x456: {  	_ =	sdelay $0x2  }
0x457: {  	s18 =	sadd.s32 $0x200, s18;
	s19 =	sadd.s32 s5, s8  }
0x458: {  	[tilespmem:s16], [sflag:$0x2] =	stream.linear.gather [hbm4b:s19+s2], $0x80, $0x38;
	[tilespmem:$0x1A800] =	vst v63  }
.LBB2_68:
0x459: {  	s5 =	simm.s32 $0x0  }
0x45a: {  	v4 =	vld [tilespmem:s5+$0x120]  }
0x45b: {  	v5 =	vld [tilespmem:s5+$0x110]  }
0x45c: {  	v6 =	vld [tilespmem:s5+$0x100]  }
0x45d: {  	v7 =	vld [tilespmem:s5+$0x130]  }
0x45e: {  	v8 =	vld [tilespmem:s5+$0x140]  }
0x45f: {  	v10 =	vld [tilespmem:s5+$0x170];
	_ =	sdelay $0x1  }
0x460: {  	s7 =	sor.u32 $0x1000, s7;
	v4 =	vand.u32 $0x7FFFFFFF, v4;
	v5 =	vand.u32 $0x7FFFFFFF, v5  }
0x461: {  	s7 =	scvt.s32.f32 s7;
	v11 =	vld [tilespmem:s5+$0x160];
	v6 =	vand.u32 $0x7FFFFFFF, v6;
	v7 =	vand.u32 $0x7FFFFFFF, v7;
	v5 =	vmul.f32 $1.280000000e+02, v5  }
0x462: {  	v8 =	vand.u32 $0x7FFFFFFF, v8;
	v9 =	vmul.f32 $1.280000000e+02, v4;
	v6 =	vmul.f32 $1.280000000e+02, v6  }
0x463: {  	v12 =	vld [tilespmem:s5+$0x150];
	v10 =	vand.u32 $0x7FFFFFFF, v10;
	v4 =	vmov s7;
	v5 =	vmin.f32 v5, $1.023500000e+03  }
0x464: {  	v9 =	vmin.f32 v9, $1.023500000e+03;
	v6 =	vmin.f32 v6, $1.023500000e+03;
	v5 =	vadd.f32 v5, v4  }
0x465: {  	v8 =	vmul.f32 $1.280000000e+02, v8;
	v9 =	vadd.f32 v9, v4;
	v6 =	vadd.f32 v6, v4  }
0x466: {  	v11 =	vand.u32 $0x7FFFFFFF, v11;
	v7 =	vmul.f32 $1.280000000e+02, v7;
	v5 =	vtrunc.f32 v5  }
0x467: {  	v8 =	vmin.f32 v8, $1.023500000e+03;
	v9 =	vtrunc.f32 v9;
	v6 =	vtrunc.f32 v6  }
0x468: {  	v13 =	vcvt.f32.s32 v6;
	v6 =	vadd.f32 v8, v4;
	v8 =	vand.u32 $0x7FFFFFFF, v12  }
0x469: {  	v63 =	vcvt.f32.s32 v5;
	v5 =	vmin.f32 v7, $1.023500000e+03;
	v7 =	vmul.f32 $1.280000000e+02, v8  }
0x46a: {  	v8 =	vmul.f32 $1.280000000e+02, v11;
	v11 =	vcvt.f32.s32 v9;
	v5 =	vadd.f32 v5, v4  }
0x46b: {  	v9 =	vmul.f32 $1.280000000e+02, v10;
	v6 =	vtrunc.f32 v6;
	v7 =	vmin.f32 v7, $1.023500000e+03  }
0x46c: {  	v8 =	vmin.f32 v8, $1.023500000e+03;
	v5 =	vtrunc.f32 v5;
	v7 =	vadd.f32 v7, v4  }
0x46d: {  	v9 =	vmin.f32 v9, $1.023500000e+03;
	v8 =	vadd.f32 v8, v4;
	v5 =	vcvt.f32.s32 v5  }
0x46e: {  	v6 =	vcvt.f32.s32 v6;
	v9 =	vadd.f32 v9, v4;
	v7 =	vtrunc.f32 v7;
	[tilespmem:v13+s23+$0x0] =	vst.idx.add.f32.msk $0xffff, v2  }
0x46f: {  	v8 =	vtrunc.f32 v8;
	v7 =	vcvt.f32.s32 v7;
	[tilespmem:v63+s23+$0x0] =	vst.idx.add.f32.msk $0xffff, v2  }
0x470: {  	s8 =	simm.s32 $0x1000;
	s7 =	simm.s32 $0x200;
	v9 =	vtrunc.f32 v9;
	v8 =	vcvt.f32.s32 v8;
	[tilespmem:v11+s23+$0x0] =	vst.idx.add.f32.msk $0xffff, v2  }
.LBB2_69:
0x471: {  	p2 =	sne.s32 s8, $0x1F800;
	v9 =	vcvt.f32.s32 v9;
	s5 =	smov.u32 s8;
	s8 =	sadd.s32 $0x800, s8  }
0x472: {  	_ = 	snop  }
0x473: {  	[tilespmem:v5+s23+$0x0] =	vst.idx.add.f32.msk $0xffff, v2  }
0x474: {  	[tilespmem:v6+s23+$0x0] =	vst.idx.add.f32.msk $0xffff, v2  }
0x475: {  	s5 =	sshra.s32 s5, $0x2;
	[tilespmem:v7+s23+$0x0] =	vst.idx.add.f32.msk $0xffff, v2  }
0x476: {  	[tilespmem:v8+s23+$0x0] =	vst.idx.add.f32.msk $0xffff, v2  }
0x477: {  	[tilespmem:v9+s23+$0x0] =	vst.idx.add.f32.msk $0xffff, v2  }
0x478: {  	v5 =	vld [tilespmem:s7+$0x120]  }
0x479: {  	v6 =	vld [tilespmem:s7+$0x110]  }
0x47a: {  	v7 =	vld [tilespmem:s7+$0x100]  }
0x47b: {  	v8 =	vld [tilespmem:s7+$0x170]  }
0x47c: {  	v9 =	vld [tilespmem:s7+$0x130]  }
0x47d: {  	v10 =	vld [tilespmem:s7+$0x140];
	v5 =	vand.u32 $0x7FFFFFFF, v5  }
0x47e: {  	v11 =	vld [tilespmem:s7+$0x150];
	v6 =	vand.u32 $0x7FFFFFFF, v6;
	v5 =	vmul.f32 $1.280000000e+02, v5  }
0x47f: {  	v12 =	vld [tilespmem:s7+$0x160];
	v7 =	vand.u32 $0x7FFFFFFF, v7;
	v6 =	vmul.f32 $1.280000000e+02, v6;
	s7 =	smov.u32 s5  }
0x480: {  	v7 =	vmul.f32 $1.280000000e+02, v7;
	v5 =	vmin.f32 v5, $1.023500000e+03;
	v8 =	vand.u32 $0x7FFFFFFF, v8  }
0x481: {  	v6 =	vmin.f32 v6, $1.023500000e+03;
	v5 =	vadd.f32 v5, v4;
	v9 =	vand.u32 $0x7FFFFFFF, v9  }
0x482: {  	v7 =	vmin.f32 v7, $1.023500000e+03;
	v6 =	vadd.f32 v6, v4;
	v10 =	vand.u32 $0x7FFFFFFF, v10  }
0x483: {  	v9 =	vmul.f32 $1.280000000e+02, v9;
	v7 =	vadd.f32 v7, v4;
	v10 =	vmul.f32 $1.280000000e+02, v10  }
0x484: {  	v5 =	vtrunc.f32 v5;
	v6 =	vtrunc.f32 v6;
	v12 =	vand.u32 $0x7FFFFFFF, v12  }
0x485: {  	v7 =	vtrunc.f32 v7;
	v10 =	vmin.f32 v10, $1.023500000e+03;
	v12 =	vmul.f32 $1.280000000e+02, v12  }
0x486: {  	v11 =	vand.u32 $0x7FFFFFFF, v11;
	v7 =	vcvt.f32.s32 v7;
	v10 =	vadd.f32 v10, v4  }
0x487: {  	v13 =	vcvt.f32.s32 v6;
	v6 =	vmin.f32 v9, $1.023500000e+03;
	v9 =	vmul.f32 $1.280000000e+02, v11  }
0x488: {  	v11 =	vcvt.f32.s32 v5;
	v5 =	vadd.f32 v6, v4;
	v6 =	vtrunc.f32 v10  }
0x489: {  	v8 =	vmul.f32 $1.280000000e+02, v8;
	v9 =	vmin.f32 v9, $1.023500000e+03;
	v10 =	vmin.f32 v12, $1.023500000e+03  }
.Ltmp32:
0x48a: {  	v5 =	vtrunc.f32 v5;
	v9 =	vadd.f32 v9, v4;
	v10 =	vadd.f32 v10, v4;
	(pc) =	sbr.rel @p2 .LBB2_69-.Ltmp32, $4  }
0x48b: {  	v8 =	vmin.f32 v8, $1.023500000e+03;
	v5 =	vcvt.f32.s32 v5  }
0x48c: {  	v12 =	vadd.f32 v8, v4;
	v6 =	vcvt.f32.s32 v6;
	v9 =	vtrunc.f32 v9;
	[tilespmem:v7+s23+$0x0] =	vst.idx.add.f32.msk $0xffff, v2  }
0x48d: {  	v8 =	vtrunc.f32 v10;
	v7 =	vcvt.f32.s32 v9;
	[tilespmem:v13+s23+$0x0] =	vst.idx.add.f32.msk $0xffff, v2  }
0x48e: {  	v8 =	vcvt.f32.s32 v8;
	v9 =	vtrunc.f32 v12;
	[tilespmem:v11+s23+$0x0] =	vst.idx.add.f32.msk $0xffff, v2  }
0x48f: {  	_ =	sdelay $0x1  }
0x490: {  	v9 =	vcvt.f32.s32 v9;
	_ =	sdelay $0x1  }
0x491: {  	[tilespmem:v5+s23+$0x0] =	vst.idx.add.f32.msk $0xffff, v2  }
0x492: {  	[tilespmem:v6+s23+$0x0] =	vst.idx.add.f32.msk $0xffff, v2  }
0x493: {  	[tilespmem:v7+s23+$0x0] =	vst.idx.add.f32.msk $0xffff, v2  }
0x494: {  	[tilespmem:v8+s23+$0x0] =	vst.idx.add.f32.msk $0xffff, v2  }
0x495: {  	[tilespmem:v9+s23+$0x0] =	vst.idx.add.f32.msk $0xffff, v2  }
0x496: {  	v5 =	vld [tilespmem:s7+$0x120]  }
0x497: {  	v6 =	vld [tilespmem:s7+$0x110]  }
0x498: {  	v7 =	vld [tilespmem:s7+$0x100]  }
0x499: {  	v8 =	vld [tilespmem:s7+$0x130]  }
0x49a: {  	v9 =	vld [tilespmem:s7+$0x140]  }
0x49b: {  	v10 =	vld [tilespmem:s7+$0x170]  }
0x49c: {  	v11 =	vld [tilespmem:s7+$0x160]  }
0x49d: {  	v12 =	vld [tilespmem:s7+$0x150]  }
0x49e: {  	v5 =	vand.u32 $0x7FFFFFFF, v5;
	v6 =	vand.u32 $0x7FFFFFFF, v6  }
0x49f: {  	v7 =	vand.u32 $0x7FFFFFFF, v7;
	v8 =	vand.u32 $0x7FFFFFFF, v8;
	v9 =	vand.u32 $0x7FFFFFFF, v9  }
0x4a0: {  	v10 =	vand.u32 $0x7FFFFFFF, v10;
	v5 =	vmul.f32 $1.280000000e+02, v5;
	v6 =	vmul.f32 $1.280000000e+02, v6  }
0x4a1: {  	v11 =	vand.u32 $0x7FFFFFFF, v11;
	v7 =	vmul.f32 $1.280000000e+02, v7;
	v8 =	vmul.f32 $1.280000000e+02, v8  }
0x4a2: {  	v12 =	vand.u32 $0x7FFFFFFF, v12;
	v9 =	vmul.f32 $1.280000000e+02, v9;
	v11 =	vmul.f32 $1.280000000e+02, v11  }
0x4a3: {  	v12 =	vmul.f32 $1.280000000e+02, v12;
	v10 =	vmul.f32 $1.280000000e+02, v10  }
0x4a4: {  	v5 =	vmin.f32 v5, $1.023500000e+03;
	v6 =	vmin.f32 v6, $1.023500000e+03;
	v7 =	vmin.f32 v7, $1.023500000e+03  }
0x4a5: {  	v9 =	vmin.f32 v9, $1.023500000e+03;
	v8 =	vmin.f32 v8, $1.023500000e+03;
	v7 =	vadd.f32 v7, v4  }
0x4a6: {  	v12 =	vmin.f32 v12, $1.023500000e+03;
	v11 =	vmin.f32 v11, $1.023500000e+03;
	v6 =	vadd.f32 v6, v4  }
0x4a7: {  	v10 =	vmin.f32 v10, $1.023500000e+03;
	v5 =	vadd.f32 v5, v4;
	v7 =	vtrunc.f32 v7  }
0x4a8: {  	v8 =	vadd.f32 v8, v4;
	v6 =	vtrunc.f32 v6;
	v7 =	vcvt.f32.s32 v7  }
0x4a9: {  	v9 =	vadd.f32 v9, v4;
	v5 =	vtrunc.f32 v5;
	v6 =	vcvt.f32.s32 v6  }
0x4aa: {  	v12 =	vadd.f32 v12, v4;
	v8 =	vtrunc.f32 v8;
	v5 =	vcvt.f32.s32 v5  }
0x4ab: {  	v11 =	vadd.f32 v11, v4;
	v9 =	vtrunc.f32 v9;
	v8 =	vcvt.f32.s32 v8  }
0x4ac: {  	v4 =	vadd.f32 v10, v4;
	v12 =	vtrunc.f32 v12;
	v9 =	vcvt.f32.s32 v9  }
0x4ad: {  	v11 =	vtrunc.f32 v11;
	v62 =	vcvt.f32.s32 v12  }
0x4ae: {  	v4 =	vtrunc.f32 v4;
	v63 =	vcvt.f32.s32 v11;
	[tilespmem:v7+s23+$0x0] =	vst.idx.add.f32.msk $0xffff, v2  }
0x4af: {  	v4 =	vcvt.f32.s32 v4;
	[tilespmem:v6+s23+$0x0] =	vst.idx.add.f32.msk $0xffff, v2  }
0x4b0: {  	[tilespmem:v5+s23+$0x0] =	vst.idx.add.f32.msk $0xffff, v2  }
0x4b1: {  	[tilespmem:v8+s23+$0x0] =	vst.idx.add.f32.msk $0xffff, v2  }
0x4b2: {  	[tilespmem:v9+s23+$0x0] =	vst.idx.add.f32.msk $0xffff, v2  }
0x4b3: {  	[tilespmem:v62+s23+$0x0] =	vst.idx.add.f32.msk $0xffff, v2  }
.Ltmp33:
0x4b4: {  	[tilespmem:v63+s23+$0x0] =	vst.idx.add.f32.msk $0xffff, v2;
	(pc) =	sbr.rel @p1 .LBB2_74-.Ltmp33, $4  }
0x4b5: {  	[tilespmem:v4+s23+$0x0] =	vst.idx.add.f32.msk $0xffff, v2  }
0x4b6: {  	_ =	swait.ge [sflag:s26], $0x2000  }
0x4b7: {  	[sflag:s26] =	ssyncset.done $0x0  }
0x4b8: {  	[sflag:s26] =	ssyncadd.s32 $0xFFFFE000  }
0x4b9: {  	s4 =	sadd.s32 s4, s13  }
0x4ba: {  	s4 =	sshll.u32 s4, $0x12  }
0x4bb: {  	s4 =	sor.u32 s15, s4  }
0x4bc: {  	s4 =	sshrl.u32 s4, $0x3  }
0x4bd: {  	s7 =	simm.s32 $0x100;
	s4 =	sadd.s32 s3, s4  }
0x4be: {  	s8 =	simm.s32 $0x10;
	s16 =	simm.s32 $0x300;
	s17 =	sadd.s32 $0x0, s4  }
.LBB2_72:
0x4bf: {  	[tilespmem:s7], [sflag:$0x3] =	stream.linear.gather [hbm4b:s17+s2], $0x80, $0x38;
	[tilespmem:$0x1A800] =	vst v63  }
0x4c0: {  	s5 =	smov.u32 s8;
	s7 =	smov.u32 s16;
	p1 =	sne.s32 s8, $0x3F0  }
.Ltmp34:
0x4c1: {  	s8 =	sadd.s32 $0x10, s8;
	(pc) =	sbr.rel @p1 .LBB2_72-.Ltmp34, $2  }
0x4c2: {  	_ =	sdelay $0x2  }
0x4c3: {  	s16 =	sadd.s32 $0x200, s16;
	s17 =	sadd.s32 s5, s4  }
0x4c4: {  	[tilespmem:s7], [sflag:$0x3] =	stream.linear.gather [hbm4b:s17+s2], $0x80, $0x38;
	[tilespmem:$0x1A800] =	vst v63  }
.LBB2_74:
0x4c5: {  	s4 =	simm.s32 $0x0  }
0x4c6: {  	v4 =	vld [tilespmem:s4+$0x1A0]  }
0x4c7: {  	v5 =	vld [tilespmem:s4+$0x190]  }
0x4c8: {  	v6 =	vld [tilespmem:s4+$0x180]  }
0x4c9: {  	v7 =	vld [tilespmem:s4+$0x1B0]  }
0x4ca: {  	v8 =	vld [tilespmem:s4+$0x1C0]  }
0x4cb: {  	v10 =	vld [tilespmem:s4+$0x1F0];
	_ =	sdelay $0x1  }
0x4cc: {  	s1 =	sshll.u32 s1, $0xB;
	v4 =	vand.u32 $0x7FFFFFFF, v4;
	v5 =	vand.u32 $0x7FFFFFFF, v5  }
0x4cd: {  	s1 =	scvt.s32.f32 s1;
	v11 =	vld [tilespmem:s4+$0x1E0];
	v6 =	vand.u32 $0x7FFFFFFF, v6;
	v7 =	vand.u32 $0x7FFFFFFF, v7;
	v5 =	vmul.f32 $1.280000000e+02, v5  }
0x4ce: {  	v8 =	vand.u32 $0x7FFFFFFF, v8;
	v9 =	vmul.f32 $1.280000000e+02, v4;
	v6 =	vmul.f32 $1.280000000e+02, v6  }
0x4cf: {  	v12 =	vld [tilespmem:s4+$0x1D0];
	v10 =	vand.u32 $0x7FFFFFFF, v10;
	v4 =	vmov s1;
	v5 =	vmin.f32 v5, $1.023500000e+03  }
0x4d0: {  	v9 =	vmin.f32 v9, $1.023500000e+03;
	v6 =	vmin.f32 v6, $1.023500000e+03;
	v5 =	vadd.f32 v5, v4  }
0x4d1: {  	v8 =	vmul.f32 $1.280000000e+02, v8;
	v9 =	vadd.f32 v9, v4;
	v6 =	vadd.f32 v6, v4  }
0x4d2: {  	v11 =	vand.u32 $0x7FFFFFFF, v11;
	v7 =	vmul.f32 $1.280000000e+02, v7;
	v5 =	vtrunc.f32 v5  }
0x4d3: {  	v8 =	vmin.f32 v8, $1.023500000e+03;
	v9 =	vtrunc.f32 v9;
	v6 =	vtrunc.f32 v6  }
0x4d4: {  	v13 =	vcvt.f32.s32 v6;
	v6 =	vadd.f32 v8, v4;
	v8 =	vand.u32 $0x7FFFFFFF, v12  }
0x4d5: {  	v63 =	vcvt.f32.s32 v5;
	v5 =	vmin.f32 v7, $1.023500000e+03;
	v7 =	vmul.f32 $1.280000000e+02, v8  }
0x4d6: {  	v8 =	vmul.f32 $1.280000000e+02, v11;
	v11 =	vcvt.f32.s32 v9;
	v5 =	vadd.f32 v5, v4  }
0x4d7: {  	v9 =	vmul.f32 $1.280000000e+02, v10;
	v6 =	vtrunc.f32 v6;
	v7 =	vmin.f32 v7, $1.023500000e+03  }
0x4d8: {  	v8 =	vmin.f32 v8, $1.023500000e+03;
	v5 =	vtrunc.f32 v5;
	v7 =	vadd.f32 v7, v4  }
0x4d9: {  	v9 =	vmin.f32 v9, $1.023500000e+03;
	v8 =	vadd.f32 v8, v4;
	v5 =	vcvt.f32.s32 v5  }
0x4da: {  	v6 =	vcvt.f32.s32 v6;
	v9 =	vadd.f32 v9, v4;
	v7 =	vtrunc.f32 v7;
	[tilespmem:v13+s23+$0x0] =	vst.idx.add.f32.msk $0xffff, v2  }
0x4db: {  	v8 =	vtrunc.f32 v8;
	v7 =	vcvt.f32.s32 v7;
	[tilespmem:v63+s23+$0x0] =	vst.idx.add.f32.msk $0xffff, v2  }
0x4dc: {  	s4 =	simm.s32 $0x1000;
	s1 =	simm.s32 $0x200;
	v9 =	vtrunc.f32 v9;
	v8 =	vcvt.f32.s32 v8;
	[tilespmem:v11+s23+$0x0] =	vst.idx.add.f32.msk $0xffff, v2  }
.LBB2_75:
0x4dd: {  	p1 =	sne.s32 s4, $0x1F800;
	v9 =	vcvt.f32.s32 v9;
	s5 =	smov.u32 s4;
	s4 =	sadd.s32 $0x800, s4  }
0x4de: {  	_ = 	snop  }
0x4df: {  	[tilespmem:v5+s23+$0x0] =	vst.idx.add.f32.msk $0xffff, v2  }
0x4e0: {  	[tilespmem:v6+s23+$0x0] =	vst.idx.add.f32.msk $0xffff, v2  }
0x4e1: {  	s5 =	sshra.s32 s5, $0x2;
	[tilespmem:v7+s23+$0x0] =	vst.idx.add.f32.msk $0xffff, v2  }
0x4e2: {  	[tilespmem:v8+s23+$0x0] =	vst.idx.add.f32.msk $0xffff, v2  }
0x4e3: {  	[tilespmem:v9+s23+$0x0] =	vst.idx.add.f32.msk $0xffff, v2  }
0x4e4: {  	v5 =	vld [tilespmem:s1+$0x1A0]  }
0x4e5: {  	v6 =	vld [tilespmem:s1+$0x190]  }
0x4e6: {  	v7 =	vld [tilespmem:s1+$0x180]  }
0x4e7: {  	v8 =	vld [tilespmem:s1+$0x1F0]  }
0x4e8: {  	v9 =	vld [tilespmem:s1+$0x1B0]  }
0x4e9: {  	v10 =	vld [tilespmem:s1+$0x1C0];
	v5 =	vand.u32 $0x7FFFFFFF, v5  }
0x4ea: {  	v11 =	vld [tilespmem:s1+$0x1D0];
	v6 =	vand.u32 $0x7FFFFFFF, v6;
	v5 =	vmul.f32 $1.280000000e+02, v5  }
0x4eb: {  	v12 =	vld [tilespmem:s1+$0x1E0];
	v7 =	vand.u32 $0x7FFFFFFF, v7;
	v6 =	vmul.f32 $1.280000000e+02, v6;
	s1 =	smov.u32 s5  }
0x4ec: {  	v7 =	vmul.f32 $1.280000000e+02, v7;
	v5 =	vmin.f32 v5, $1.023500000e+03;
	v8 =	vand.u32 $0x7FFFFFFF, v8  }
0x4ed: {  	v6 =	vmin.f32 v6, $1.023500000e+03;
	v5 =	vadd.f32 v5, v4;
	v9 =	vand.u32 $0x7FFFFFFF, v9  }
0x4ee: {  	v7 =	vmin.f32 v7, $1.023500000e+03;
	v6 =	vadd.f32 v6, v4;
	v10 =	vand.u32 $0x7FFFFFFF, v10  }
0x4ef: {  	v9 =	vmul.f32 $1.280000000e+02, v9;
	v7 =	vadd.f32 v7, v4;
	v10 =	vmul.f32 $1.280000000e+02, v10  }
0x4f0: {  	v5 =	vtrunc.f32 v5;
	v6 =	vtrunc.f32 v6;
	v12 =	vand.u32 $0x7FFFFFFF, v12  }
0x4f1: {  	v7 =	vtrunc.f32 v7;
	v10 =	vmin.f32 v10, $1.023500000e+03;
	v12 =	vmul.f32 $1.280000000e+02, v12  }
0x4f2: {  	v11 =	vand.u32 $0x7FFFFFFF, v11;
	v7 =	vcvt.f32.s32 v7;
	v10 =	vadd.f32 v10, v4  }
0x4f3: {  	v13 =	vcvt.f32.s32 v6;
	v6 =	vmin.f32 v9, $1.023500000e+03;
	v9 =	vmul.f32 $1.280000000e+02, v11  }
0x4f4: {  	v11 =	vcvt.f32.s32 v5;
	v5 =	vadd.f32 v6, v4;
	v6 =	vtrunc.f32 v10  }
0x4f5: {  	v8 =	vmul.f32 $1.280000000e+02, v8;
	v9 =	vmin.f32 v9, $1.023500000e+03;
	v10 =	vmin.f32 v12, $1.023500000e+03  }
.Ltmp35:
0x4f6: {  	v5 =	vtrunc.f32 v5;
	v9 =	vadd.f32 v9, v4;
	v10 =	vadd.f32 v10, v4;
	(pc) =	sbr.rel @p1 .LBB2_75-.Ltmp35, $4  }
0x4f7: {  	v8 =	vmin.f32 v8, $1.023500000e+03;
	v5 =	vcvt.f32.s32 v5  }
0x4f8: {  	v12 =	vadd.f32 v8, v4;
	v6 =	vcvt.f32.s32 v6;
	v9 =	vtrunc.f32 v9;
	[tilespmem:v7+s23+$0x0] =	vst.idx.add.f32.msk $0xffff, v2  }
0x4f9: {  	v8 =	vtrunc.f32 v10;
	v7 =	vcvt.f32.s32 v9;
	[tilespmem:v13+s23+$0x0] =	vst.idx.add.f32.msk $0xffff, v2  }
0x4fa: {  	v8 =	vcvt.f32.s32 v8;
	v9 =	vtrunc.f32 v12;
	[tilespmem:v11+s23+$0x0] =	vst.idx.add.f32.msk $0xffff, v2  }
0x4fb: {  	_ =	sdelay $0x1  }
0x4fc: {  	v9 =	vcvt.f32.s32 v9;
	_ =	sdelay $0x1  }
0x4fd: {  	[tilespmem:v5+s23+$0x0] =	vst.idx.add.f32.msk $0xffff, v2  }
0x4fe: {  	[tilespmem:v6+s23+$0x0] =	vst.idx.add.f32.msk $0xffff, v2  }
0x4ff: {  	[tilespmem:v7+s23+$0x0] =	vst.idx.add.f32.msk $0xffff, v2  }
0x500: {  	[tilespmem:v8+s23+$0x0] =	vst.idx.add.f32.msk $0xffff, v2  }
0x501: {  	[tilespmem:v9+s23+$0x0] =	vst.idx.add.f32.msk $0xffff, v2  }
0x502: {  	v5 =	vld [tilespmem:s1+$0x1A0]  }
0x503: {  	v6 =	vld [tilespmem:s1+$0x190]  }
0x504: {  	v7 =	vld [tilespmem:s1+$0x180]  }
0x505: {  	v8 =	vld [tilespmem:s1+$0x1B0]  }
0x506: {  	v9 =	vld [tilespmem:s1+$0x1C0]  }
0x507: {  	v10 =	vld [tilespmem:s1+$0x1F0]  }
0x508: {  	v11 =	vld [tilespmem:s1+$0x1E0]  }
0x509: {  	v12 =	vld [tilespmem:s1+$0x1D0]  }
0x50a: {  	v5 =	vand.u32 $0x7FFFFFFF, v5;
	v6 =	vand.u32 $0x7FFFFFFF, v6  }
0x50b: {  	v7 =	vand.u32 $0x7FFFFFFF, v7;
	v8 =	vand.u32 $0x7FFFFFFF, v8;
	v9 =	vand.u32 $0x7FFFFFFF, v9  }
0x50c: {  	v10 =	vand.u32 $0x7FFFFFFF, v10;
	v5 =	vmul.f32 $1.280000000e+02, v5;
	v6 =	vmul.f32 $1.280000000e+02, v6  }
0x50d: {  	v11 =	vand.u32 $0x7FFFFFFF, v11;
	v7 =	vmul.f32 $1.280000000e+02, v7;
	v8 =	vmul.f32 $1.280000000e+02, v8  }
0x50e: {  	v12 =	vand.u32 $0x7FFFFFFF, v12;
	v9 =	vmul.f32 $1.280000000e+02, v9;
	v11 =	vmul.f32 $1.280000000e+02, v11  }
0x50f: {  	v12 =	vmul.f32 $1.280000000e+02, v12;
	v10 =	vmul.f32 $1.280000000e+02, v10  }
0x510: {  	v5 =	vmin.f32 v5, $1.023500000e+03;
	v6 =	vmin.f32 v6, $1.023500000e+03;
	v7 =	vmin.f32 v7, $1.023500000e+03  }
0x511: {  	v9 =	vmin.f32 v9, $1.023500000e+03;
	v8 =	vmin.f32 v8, $1.023500000e+03;
	v7 =	vadd.f32 v7, v4  }
0x512: {  	v12 =	vmin.f32 v12, $1.023500000e+03;
	v11 =	vmin.f32 v11, $1.023500000e+03;
	v6 =	vadd.f32 v6, v4  }
0x513: {  	v10 =	vmin.f32 v10, $1.023500000e+03;
	v5 =	vadd.f32 v5, v4;
	v7 =	vtrunc.f32 v7  }
0x514: {  	v8 =	vadd.f32 v8, v4;
	v6 =	vtrunc.f32 v6;
	v7 =	vcvt.f32.s32 v7  }
0x515: {  	v9 =	vadd.f32 v9, v4;
	v5 =	vtrunc.f32 v5;
	v6 =	vcvt.f32.s32 v6  }
0x516: {  	v12 =	vadd.f32 v12, v4;
	v8 =	vtrunc.f32 v8;
	v5 =	vcvt.f32.s32 v5  }
0x517: {  	v11 =	vadd.f32 v11, v4;
	v9 =	vtrunc.f32 v9;
	v8 =	vcvt.f32.s32 v8  }
0x518: {  	v4 =	vadd.f32 v10, v4;
	v12 =	vtrunc.f32 v12;
	v9 =	vcvt.f32.s32 v9  }
0x519: {  	v11 =	vtrunc.f32 v11;
	v62 =	vcvt.f32.s32 v12  }
0x51a: {  	v4 =	vtrunc.f32 v4;
	v63 =	vcvt.f32.s32 v11;
	[tilespmem:v7+s23+$0x0] =	vst.idx.add.f32.msk $0xffff, v2  }
0x51b: {  	s0 =	sadd.s32 $0x1, s0;
	v4 =	vcvt.f32.s32 v4;
	[tilespmem:v6+s23+$0x0] =	vst.idx.add.f32.msk $0xffff, v2  }
0x51c: {  	p1 =	sne.s32 s0, $0x5;
	[tilespmem:v5+s23+$0x0] =	vst.idx.add.f32.msk $0xffff, v2  }
.Ltmp36:
0x51d: {  	[tilespmem:v8+s23+$0x0] =	vst.idx.add.f32.msk $0xffff, v2;
	(pc) =	sbr.rel @p1 .LBB2_56-.Ltmp36, $4  }
0x51e: {  	[tilespmem:v9+s23+$0x0] =	vst.idx.add.f32.msk $0xffff, v2  }
0x51f: {  	[tilespmem:v62+s23+$0x0] =	vst.idx.add.f32.msk $0xffff, v2  }
0x520: {  	[tilespmem:v63+s23+$0x0] =	vst.idx.add.f32.msk $0xffff, v2  }
0x521: {  	[tilespmem:v4+s23+$0x0] =	vst.idx.add.f32.msk $0xffff, v2  }
0x522: {  	_ =	swait.ge [sflag:s22], $0x2000  }
0x523: {  	[sflag:s22] =	ssyncset.done $0x0  }
0x524: {  	s0 =	simm.s32 $0x0;
	[sflag:s22] =	ssyncadd.s32 $0xFFFFE000  }
0x525: {  	v4 =	vld [tilespmem:s0+$0x20]  }
0x526: {  	v5 =	vld [tilespmem:s0+$0x10]  }
0x527: {  	v6 =	vld [tilespmem:s0+$0x0]  }
0x528: {  	v7 =	vld [tilespmem:s0+$0x30]  }
0x529: {  	v8 =	vld [tilespmem:s0+$0x40]  }
0x52a: {  	v9 =	vld [tilespmem:s0+$0x70]  }
0x52b: {  	v10 =	vld [tilespmem:s0+$0x60];
	_ =	sdelay $0x1  }
0x52c: {  	v4 =	vand.u32 $0x7FFFFFFF, v4  }
0x52d: {  	v11 =	vld [tilespmem:s0+$0x50];
	v5 =	vand.u32 $0x7FFFFFFF, v5;
	v6 =	vand.u32 $0x7FFFFFFF, v6;
	v7 =	vand.u32 $0x7FFFFFFF, v7  }
0x52e: {  	v8 =	vand.u32 $0x7FFFFFFF, v8;
	v5 =	vmul.f32 $1.280000000e+02, v5;
	v6 =	vmul.f32 $1.280000000e+02, v6  }
0x52f: {  	v9 =	vand.u32 $0x7FFFFFFF, v9;
	v10 =	vand.u32 $0x7FFFFFFF, v10;
	v4 =	vmul.f32 $1.280000000e+02, v4  }
0x530: {  	v8 =	vmul.f32 $1.280000000e+02, v8;
	v5 =	vmin.f32 v5, $1.023500000e+03;
	v6 =	vmin.f32 v6, $1.023500000e+03  }
0x531: {  	v4 =	vmin.f32 v4, $1.023500000e+03;
	v5 =	vadd.f32 $4.096000000e+04, v5;
	v6 =	vadd.f32 $4.096000000e+04, v6  }
0x532: {  	v11 =	vand.u32 $0x7FFFFFFF, v11;
	v7 =	vmul.f32 $1.280000000e+02, v7;
	v4 =	vadd.f32 $4.096000000e+04, v4  }
0x533: {  	v8 =	vmin.f32 v8, $1.023500000e+03;
	v5 =	vtrunc.f32 v5;
	v6 =	vtrunc.f32 v6  }
0x534: {  	v8 =	vadd.f32 $4.096000000e+04, v8;
	v4 =	vtrunc.f32 v4;
	v6 =	vcvt.f32.s32 v6  }
0x535: {  	v12 =	vcvt.f32.s32 v5;
	v5 =	vmin.f32 v7, $1.023500000e+03;
	v7 =	vmul.f32 $1.280000000e+02, v11  }
0x536: {  	v10 =	vmul.f32 $1.280000000e+02, v10;
	v11 =	vcvt.f32.s32 v4;
	v4 =	vadd.f32 $4.096000000e+04, v5  }
0x537: {  	v5 =	vtrunc.f32 v8;
	v8 =	vmul.f32 $1.280000000e+02, v9;
	v7 =	vmin.f32 v7, $1.023500000e+03  }
0x538: {  	v9 =	vmin.f32 v10, $1.023500000e+03;
	v4 =	vtrunc.f32 v4;
	v7 =	vadd.f32 $4.096000000e+04, v7  }
0x539: {  	v9 =	vadd.f32 $4.096000000e+04, v9;
	v8 =	vmin.f32 v8, $1.023500000e+03;
	v4 =	vcvt.f32.s32 v4  }
0x53a: {  	v5 =	vcvt.f32.s32 v5;
	v8 =	vadd.f32 $4.096000000e+04, v8;
	v7 =	vtrunc.f32 v7;
	[tilespmem:v6+s23+$0x0] =	vst.idx.add.f32.msk $0xffff, v2  }
0x53b: {  	v6 =	vcvt.f32.s32 v7;
	v7 =	vtrunc.f32 v9;
	[tilespmem:v12+s23+$0x0] =	vst.idx.add.f32.msk $0xffff, v2  }
0x53c: {  	s1 =	simm.s32 $0x1000;
	s0 =	simm.s32 $0x200;
	v8 =	vtrunc.f32 v8;
	v7 =	vcvt.f32.s32 v7;
	[tilespmem:v11+s23+$0x0] =	vst.idx.add.f32.msk $0xffff, v2  }
.LBB2_78:
0x53d: {  	p1 =	sne.s32 s1, $0x1F800;
	v8 =	vcvt.f32.s32 v8;
	s4 =	smov.u32 s1;
	s1 =	sadd.s32 $0x800, s1  }
0x53e: {  	_ = 	snop  }
0x53f: {  	[tilespmem:v4+s23+$0x0] =	vst.idx.add.f32.msk $0xffff, v2  }
0x540: {  	[tilespmem:v5+s23+$0x0] =	vst.idx.add.f32.msk $0xffff, v2  }
0x541: {  	s4 =	sshra.s32 s4, $0x2;
	[tilespmem:v6+s23+$0x0] =	vst.idx.add.f32.msk $0xffff, v2  }
0x542: {  	[tilespmem:v7+s23+$0x0] =	vst.idx.add.f32.msk $0xffff, v2  }
0x543: {  	[tilespmem:v8+s23+$0x0] =	vst.idx.add.f32.msk $0xffff, v2  }
0x544: {  	v4 =	vld [tilespmem:s0+$0x20]  }
0x545: {  	v5 =	vld [tilespmem:s0+$0x10]  }
0x546: {  	v6 =	vld [tilespmem:s0+$0x0]  }
0x547: {  	v7 =	vld [tilespmem:s0+$0x70]  }
0x548: {  	v8 =	vld [tilespmem:s0+$0x30]  }
0x549: {  	v9 =	vld [tilespmem:s0+$0x40];
	v4 =	vand.u32 $0x7FFFFFFF, v4  }
0x54a: {  	v10 =	vld [tilespmem:s0+$0x50];
	v5 =	vand.u32 $0x7FFFFFFF, v5;
	v4 =	vmul.f32 $1.280000000e+02, v4  }
0x54b: {  	v11 =	vld [tilespmem:s0+$0x60];
	v6 =	vand.u32 $0x7FFFFFFF, v6;
	v5 =	vmul.f32 $1.280000000e+02, v5;
	s0 =	smov.u32 s4  }
0x54c: {  	v6 =	vmul.f32 $1.280000000e+02, v6;
	v4 =	vmin.f32 v4, $1.023500000e+03;
	v7 =	vand.u32 $0x7FFFFFFF, v7  }
0x54d: {  	v5 =	vmin.f32 v5, $1.023500000e+03;
	v4 =	vadd.f32 $4.096000000e+04, v4;
	v8 =	vand.u32 $0x7FFFFFFF, v8  }
0x54e: {  	v6 =	vmin.f32 v6, $1.023500000e+03;
	v5 =	vadd.f32 $4.096000000e+04, v5;
	v9 =	vand.u32 $0x7FFFFFFF, v9  }
0x54f: {  	v8 =	vmul.f32 $1.280000000e+02, v8;
	v6 =	vadd.f32 $4.096000000e+04, v6;
	v9 =	vmul.f32 $1.280000000e+02, v9  }
0x550: {  	v4 =	vtrunc.f32 v4;
	v5 =	vtrunc.f32 v5;
	v11 =	vand.u32 $0x7FFFFFFF, v11  }
0x551: {  	v6 =	vtrunc.f32 v6;
	v9 =	vmin.f32 v9, $1.023500000e+03;
	v11 =	vmul.f32 $1.280000000e+02, v11  }
0x552: {  	v10 =	vand.u32 $0x7FFFFFFF, v10;
	v6 =	vcvt.f32.s32 v6;
	v9 =	vadd.f32 $4.096000000e+04, v9  }
0x553: {  	v12 =	vcvt.f32.s32 v5;
	v5 =	vmin.f32 v8, $1.023500000e+03;
	v8 =	vmul.f32 $1.280000000e+02, v10  }
0x554: {  	v10 =	vcvt.f32.s32 v4;
	v4 =	vadd.f32 $4.096000000e+04, v5;
	v5 =	vtrunc.f32 v9  }
0x555: {  	v7 =	vmul.f32 $1.280000000e+02, v7;
	v8 =	vmin.f32 v8, $1.023500000e+03;
	v9 =	vmin.f32 v11, $1.023500000e+03  }
.Ltmp37:
0x556: {  	v4 =	vtrunc.f32 v4;
	v8 =	vadd.f32 $4.096000000e+04, v8;
	v9 =	vadd.f32 $4.096000000e+04, v9;
	(pc) =	sbr.rel @p1 .LBB2_78-.Ltmp37, $4  }
0x557: {  	v7 =	vmin.f32 v7, $1.023500000e+03;
	v4 =	vcvt.f32.s32 v4  }
0x558: {  	v11 =	vadd.f32 $4.096000000e+04, v7;
	v5 =	vcvt.f32.s32 v5;
	v8 =	vtrunc.f32 v8;
	[tilespmem:v6+s23+$0x0] =	vst.idx.add.f32.msk $0xffff, v2  }
0x559: {  	v7 =	vtrunc.f32 v9;
	v6 =	vcvt.f32.s32 v8;
	[tilespmem:v12+s23+$0x0] =	vst.idx.add.f32.msk $0xffff, v2  }
0x55a: {  	v7 =	vcvt.f32.s32 v7;
	v8 =	vtrunc.f32 v11;
	[tilespmem:v10+s23+$0x0] =	vst.idx.add.f32.msk $0xffff, v2  }
0x55b: {  	_ =	sdelay $0x1  }
0x55c: {  	v8 =	vcvt.f32.s32 v8;
	_ =	sdelay $0x1  }
0x55d: {  	[tilespmem:v4+s23+$0x0] =	vst.idx.add.f32.msk $0xffff, v2  }
0x55e: {  	[tilespmem:v5+s23+$0x0] =	vst.idx.add.f32.msk $0xffff, v2  }
0x55f: {  	[tilespmem:v6+s23+$0x0] =	vst.idx.add.f32.msk $0xffff, v2  }
0x560: {  	[tilespmem:v7+s23+$0x0] =	vst.idx.add.f32.msk $0xffff, v2  }
0x561: {  	[tilespmem:v8+s23+$0x0] =	vst.idx.add.f32.msk $0xffff, v2  }
0x562: {  	v4 =	vld [tilespmem:s0+$0x20]  }
0x563: {  	v5 =	vld [tilespmem:s0+$0x10]  }
0x564: {  	v6 =	vld [tilespmem:s0+$0x0]  }
0x565: {  	v7 =	vld [tilespmem:s0+$0x30]  }
0x566: {  	v8 =	vld [tilespmem:s0+$0x40]  }
0x567: {  	v9 =	vld [tilespmem:s0+$0x70]  }
0x568: {  	v10 =	vld [tilespmem:s0+$0x60]  }
0x569: {  	v11 =	vld [tilespmem:s0+$0x50]  }
0x56a: {  	v4 =	vand.u32 $0x7FFFFFFF, v4;
	v5 =	vand.u32 $0x7FFFFFFF, v5  }
0x56b: {  	v6 =	vand.u32 $0x7FFFFFFF, v6;
	v7 =	vand.u32 $0x7FFFFFFF, v7;
	v8 =	vand.u32 $0x7FFFFFFF, v8  }
0x56c: {  	v9 =	vand.u32 $0x7FFFFFFF, v9;
	v4 =	vmul.f32 $1.280000000e+02, v4;
	v5 =	vmul.f32 $1.280000000e+02, v5  }
0x56d: {  	v10 =	vand.u32 $0x7FFFFFFF, v10;
	v6 =	vmul.f32 $1.280000000e+02, v6;
	v7 =	vmul.f32 $1.280000000e+02, v7  }
0x56e: {  	v11 =	vand.u32 $0x7FFFFFFF, v11;
	v8 =	vmul.f32 $1.280000000e+02, v8;
	v10 =	vmul.f32 $1.280000000e+02, v10  }
0x56f: {  	v11 =	vmul.f32 $1.280000000e+02, v11;
	v9 =	vmul.f32 $1.280000000e+02, v9  }
0x570: {  	v4 =	vmin.f32 v4, $1.023500000e+03;
	v5 =	vmin.f32 v5, $1.023500000e+03;
	v6 =	vmin.f32 v6, $1.023500000e+03  }
0x571: {  	v8 =	vmin.f32 v8, $1.023500000e+03;
	v7 =	vmin.f32 v7, $1.023500000e+03;
	v6 =	vadd.f32 $4.096000000e+04, v6  }
0x572: {  	v11 =	vmin.f32 v11, $1.023500000e+03;
	v10 =	vmin.f32 v10, $1.023500000e+03;
	v5 =	vadd.f32 $4.096000000e+04, v5  }
0x573: {  	v9 =	vmin.f32 v9, $1.023500000e+03;
	v4 =	vadd.f32 $4.096000000e+04, v4;
	v6 =	vtrunc.f32 v6  }
0x574: {  	v7 =	vadd.f32 $4.096000000e+04, v7;
	v5 =	vtrunc.f32 v5;
	v6 =	vcvt.f32.s32 v6  }
0x575: {  	v8 =	vadd.f32 $4.096000000e+04, v8;
	v4 =	vtrunc.f32 v4;
	v5 =	vcvt.f32.s32 v5  }
0x576: {  	v11 =	vadd.f32 $4.096000000e+04, v11;
	v7 =	vtrunc.f32 v7;
	v4 =	vcvt.f32.s32 v4  }
0x577: {  	v10 =	vadd.f32 $4.096000000e+04, v10;
	v8 =	vtrunc.f32 v8;
	v7 =	vcvt.f32.s32 v7  }
0x578: {  	v9 =	vadd.f32 $4.096000000e+04, v9;
	v11 =	vtrunc.f32 v11;
	v8 =	vcvt.f32.s32 v8  }
0x579: {  	v10 =	vtrunc.f32 v10;
	v11 =	vcvt.f32.s32 v11  }
0x57a: {  	v9 =	vtrunc.f32 v9;
	[tilespmem:v6+s23+$0x0] =	vst.idx.add.f32.msk $0xffff, v2;
	v6 =	vcvt.f32.s32 v10  }
0x57b: {  	[tilespmem:v5+s23+$0x0] =	vst.idx.add.f32.msk $0xffff, v2;
	v5 =	vcvt.f32.s32 v9  }
0x57c: {  	[tilespmem:v4+s23+$0x0] =	vst.idx.add.f32.msk $0xffff, v2  }
0x57d: {  	[tilespmem:v7+s23+$0x0] =	vst.idx.add.f32.msk $0xffff, v2  }
0x57e: {  	[tilespmem:v8+s23+$0x0] =	vst.idx.add.f32.msk $0xffff, v2  }
0x57f: {  	[tilespmem:v11+s23+$0x0] =	vst.idx.add.f32.msk $0xffff, v2  }
0x580: {  	[tilespmem:v6+s23+$0x0] =	vst.idx.add.f32.msk $0xffff, v2  }
0x581: {  	s1 =	simm.s32 $0x8;
	[tilespmem:v5+s23+$0x0] =	vst.idx.add.f32.msk $0xffff, v2  }
0x582: {  	_ =	swait.ge [sflag:s1], $0x2000  }
0x583: {  	s9 =	simm.s32 $0x0;
	[sflag:s1] =	ssyncset.done $0x0  }
0x584: {  	s0 =	sand.u32 $0x1FC0, s9;
	[sflag:s1] =	ssyncadd.s32 $0xFFFFE000  }
0x585: {  	s10 =	simm.s32 $0xE000;
	v4 =	vld [tilespmem:s0+$0xE010]  }
0x586: {  	v5 =	vld [tilespmem:s10+$0x0]  }
0x587: {  	v6 =	vld [tilespmem:s0+$0xE030]  }
0x588: {  	v8 =	vld [tilespmem:s0+$0xE020];
	_ =	sdelay $0x2  }
0x589: {  	p1 =	por $0x0, $0x0;
	s1 =	simm.s32 $0x1;
	v7 =	vand.u32 $0x7FFFFFFF, v4  }
0x58a: {  	s1 =	simm.s32 @!p1 $0x0;
	v4 =	vsub.f32 $1.000000000e+00, v4;
	v56 =	vand.u32 $0x7FFFFFFF, v5;
	v5 =	vsub.f32 $1.000000000e+00, v5  }
0x58b: {  	s1 =	sshll.u32 s1, $0x6;
	v58 =	vand.u32 $0x7FFFFFFF, v6;
	v6 =	vsub.f32 $1.000000000e+00, v6;
	v12 =	vand.u32 $0x7FFFFFFF, v8  }
0x58c: {  	s1 =	sadd.s32 $0x0, s1;
	v8 =	vsub.f32 $1.000000000e+00, v8;
	v7 =	vmul.f32 $1.280000000e+02, v7;
	v9 =	vmul.f32 $1.280000000e+02, v56  }
0x58d: {  	s4 =	sor.u32 $0x80, s1;
	v11 =	vmul.f32 $1.280000000e+02, v58;
	v12 =	vmul.f32 $1.280000000e+02, v12;
	v5 =	vand.u32 $0x7FFFFFFF, v5  }
0x58e: {  	v57 =	vld [tilespmem:s4+$0x8000];
	v4 =	vand.u32 $0x7FFFFFFF, v4;
	v6 =	vand.u32 $0x7FFFFFFF, v6;
	v5 =	vmul.f32 $1.280000000e+02, v5  }
0x58f: {  	s15 =	sadd.s32 $0x10, s1;
	v8 =	vand.u32 $0x7FFFFFFF, v8;
	v4 =	vmul.f32 $1.280000000e+02, v4;
	v9 =	vmin.f32 v9, $1.023500000e+03  }
0x590: {  	s16 =	sadd.s32 $0x20, s1;
	s0 =	sor.u32 $0x80, s15;
	v6 =	vmul.f32 $1.280000000e+02, v6;
	v8 =	vmul.f32 $1.280000000e+02, v8;
	v5 =	vmin.f32 v5, $1.023500000e+03  }
0x591: {  	s17 =	sor.u32 $0x80, s16;
	v13 =	vld [tilespmem:s0+$0x8000];
	v7 =	vmin.f32 v7, $1.023500000e+03;
	v9 =	vtrunc.f32 v9;
	v5 =	vtrunc.f32 v5  }
0x592: {  	v14 =	vld [tilespmem:s17+$0x8000];
	v59 =	vmin.f32 v12, $1.023500000e+03;
	v9 =	vcvt.f32.s32 v9;
	v5 =	vcvt.f32.s32 v5  }
0x593: {  	v63 =	vmin.f32 v11, $1.023500000e+03;
	v10 =	vshll.u32 v57, $0xB;
	v7 =	vtrunc.f32 v7  }
0x594: {  	v4 =	vmin.f32 v4, $1.023500000e+03;
	v9 =	vadd.s32 v9, v10;
	v5 =	vadd.s32 v10, v5  }
0x595: {  	s18 =	sadd.s32 $0x30, s1;
	v7 =	vcvt.f32.s32 v7;
	v4 =	vtrunc.f32 v4;
	v5 =	vadd.s32 $0x400, v5  }
0x596: {  	s0 =	sor.u32 $0x80, s18;
	v60 =	vshll.u32 v13, $0xB;
	v8 =	vmin.f32 v8, $1.023500000e+03;
	v4 =	vcvt.f32.s32 v4  }
0x597: {  	v61 =	vld [tilespmem:s0+$0x8000];
	v62 =	vshll.u32 v14, $0xB;
	v7 =	vadd.s32 v7, v60;
	v10 =	vtrunc.f32 v59  }
0x598: {  	v8 =	vtrunc.f32 v8;
	v4 =	vadd.s32 v60, v4;
	v10 =	vcvt.f32.s32 v10  }
0x599: {  	v6 =	vmin.f32 v6, $1.023500000e+03;
	v8 =	vcvt.f32.s32 v8;
	v4 =	vadd.s32 $0x400, v4;
	[tilespmem:v9+s23+$0x0] =	vst.idx.add.f32.msk $0xffff, v3  }
0x59a: {  	p1 =	por !p1, !p1;
	s0 =	simm.s32 $0x1;
	v6 =	vtrunc.f32 v6;
	v10 =	vadd.s32 v10, v62;
	[tilespmem:v5+s23+$0x0] =	vst.idx.add.f32.msk $0xffff, v2;
	v5 =	vtrunc.f32 v63  }
0x59b: {  	s7 =	simm.s32 $0xE040;
	s0 =	simm.s32 @!p1 $0x0;
	v6 =	vcvt.f32.s32 v6;
	v9 =	vcvt.f32.s32 v5;
	v5 =	vadd.s32 v62, v8  }
0x59c: {  	s4 =	simm.s32 $0x40;
	s15 =	simm.s32 $0x100;
	s0 =	sshll.u32 s0, $0x6;
	[tilespmem:v7+s23+$0x0] =	vst.idx.add.f32.msk $0xffff, v3;
	v7 =	vshll.u32 v61, $0xB;
	v5 =	vadd.s32 $0x400, v5  }
0x59d: {  	s16 =	simm.s32 $0xE040;
	s8 =	sand.u32 $0x1FC0, s4;
	s0 =	sadd.s32 $0x80, s0;
	v8 =	vadd.s32 v7, v6;
	v6 =	vadd.s32 v9, v7  }
0x59e: {  	s19 =	sadd.s32 $0x20, s0;
	s17 =	sor.u32 $0x80, s0;
	s5 =	sadd.s32 $0x10, s0;
	[tilespmem:v4+s23+$0x0] =	vst.idx.add.f32.msk $0xffff, v2;
	v4 =	vadd.s32 $0x400, v8  }
0x59f: {  	s0 =	sadd.s32 $0x30, s0;
	s1 =	sor.u32 $0x80, s19;
	s18 =	sor.u32 $0x80, s5;
	[tilespmem:v10+s23+$0x0] =	vst.idx.add.f32.msk $0xffff, v3  }
.LBB2_80:
0x5a0: {  	_ = 	snop  }
0x5a1: {  	p1 =	por !p1, !p1;
	s4 =	sadd.s32 $0x40, s4;
	s7 =	sadd.s32 $0x40, s7;
	[tilespmem:v5+s23+$0x0] =	vst.idx.add.f32.msk $0xffff, v2  }
0x5a2: {  	p2 =	seq.s32 s15, $0x3F80;
	s5 =	smov.u32 s15;
	s15 =	sadd.s32 $0x80, s15;
	[tilespmem:v6+s23+$0x0] =	vst.idx.add.f32.msk $0xffff, v3  }
0x5a3: {  	[tilespmem:v4+s23+$0x0] =	vst.idx.add.f32.msk $0xffff, v2  }
0x5a4: {  	v4 =	vld [tilespmem:s8+$0xE010]  }
0x5a5: {  	v5 =	vld [tilespmem:s16+$0x0];
	s16 =	smov.u32 s7  }
0x5a6: {  	v6 =	vld [tilespmem:s8+$0xE030];
	_ =	sdelay $0x1  }
0x5a7: {  	s9 =	sand.u32 $0x1FC0, s4;
	v7 =	vld [tilespmem:s17+$0x8000]  }
0x5a8: {  	v8 =	vld [tilespmem:s8+$0xE020];
	v9 =	vand.u32 $0x7FFFFFFF, v4;
	v4 =	vsub.f32 $1.000000000e+00, v4;
	s8 =	smov.u32 s9  }
0x5a9: {  	v10 =	vand.u32 $0x7FFFFFFF, v5;
	v5 =	vsub.f32 $1.000000000e+00, v5;
	v9 =	vmul.f32 $1.280000000e+02, v9  }
0x5aa: {  	v10 =	vmul.f32 $1.280000000e+02, v10;
	v4 =	vand.u32 $0x7FFFFFFF, v4;
	v11 =	vand.u32 $0x7FFFFFFF, v6  }
0x5ab: {  	s9 =	simm.s32 $0x1;
	v6 =	vsub.f32 $1.000000000e+00, v6;
	v5 =	vand.u32 $0x7FFFFFFF, v5;
	v4 =	vmul.f32 $1.280000000e+02, v4  }
0x5ac: {  	s9 =	simm.s32 @!p1 $0x0;
	v11 =	vmul.f32 $1.280000000e+02, v11;
	v10 =	vmin.f32 v10, $1.023500000e+03;
	v5 =	vmul.f32 $1.280000000e+02, v5  }
0x5ad: {  	s9 =	sshll.u32 s9, $0x6;
	v12 =	vld [tilespmem:s18+$0x8000];
	v10 =	vtrunc.f32 v10;
	v4 =	vmin.f32 v4, $1.023500000e+03;
	v13 =	vand.u32 $0x7FFFFFFF, v8  }
0x5ae: {  	s5 =	sadd.s32 s9, s5;
	v9 =	vmin.f32 v9, $1.023500000e+03;
	v5 =	vmin.f32 v5, $1.023500000e+03;
	v10 =	vcvt.f32.s32 v10  }
0x5af: {  	s17 =	sor.u32 $0x80, s5;
	s9 =	sadd.s32 $0x10, s5;
	s10 =	sadd.s32 $0x20, s5;
	v7 =	vshll.u32 v7, $0xB;
	v8 =	vsub.f32 $1.000000000e+00, v8;
	v5 =	vtrunc.f32 v5  }
0x5b0: {  	s5 =	sadd.s32 $0x30, s5;
	v6 =	vand.u32 $0x7FFFFFFF, v6;
	s10 =	sor.u32 $0x80, s10;
	v10 =	vadd.s32 v10, v7;
	v5 =	vcvt.f32.s32 v5  }
0x5b1: {  	v9 =	vtrunc.f32 v9;
	v13 =	vmul.f32 $1.280000000e+02, v13;
	v8 =	vand.u32 $0x7FFFFFFF, v8  }
0x5b2: {  	v6 =	vmul.f32 $1.280000000e+02, v6;
	v14 =	vld [tilespmem:s1+$0x8000];
	v5 =	vadd.s32 v7, v5;
	v7 =	vcvt.f32.s32 v9;
	s1 =	smov.u32 s10  }
0x5b3: {  	v8 =	vmul.f32 $1.280000000e+02, v8;
	s10 =	sor.u32 $0x80, s0;
	v9 =	vshll.u32 v12, $0xB;
	s0 =	smov.u32 s5;
	v5 =	vadd.s32 $0x400, v5  }
0x5b4: {  	v4 =	vtrunc.f32 v4;
	v13 =	vmin.f32 v13, $1.023500000e+03;
	v12 =	vld [tilespmem:s10+$0x8000];
	v7 =	vadd.s32 v7, v9  }
0x5b5: {  	v4 =	vcvt.f32.s32 v4;
	v13 =	vtrunc.f32 v13;
	v8 =	vmin.f32 v8, $1.023500000e+03;
	[tilespmem:v10+s23+$0x0] =	vst.idx.add.f32.msk $0xffff, v3  }
0x5b6: {  	s18 =	sor.u32 $0x80, s9;
	v6 =	vmin.f32 v6, $1.023500000e+03;
	v8 =	vtrunc.f32 v8;
	v10 =	vcvt.f32.s32 v13  }
0x5b7: {  	v6 =	vtrunc.f32 v6;
	v4 =	vadd.s32 v9, v4;
	v8 =	vcvt.f32.s32 v8  }
0x5b8: {  	v11 =	vmin.f32 v11, $1.023500000e+03;
	v9 =	vadd.s32 $0x400, v4;
	v4 =	vshll.u32 v14, $0xB;
	[tilespmem:v5+s23+$0x0] =	vst.idx.add.f32.msk $0xffff, v2  }
0x5b9: {  	v6 =	vcvt.f32.s32 v6;
	v10 =	vadd.s32 v10, v4;
	v5 =	vtrunc.f32 v11;
	[tilespmem:v7+s23+$0x0] =	vst.idx.add.f32.msk $0xffff, v3  }
.Ltmp38:
0x5ba: {  	v4 =	vadd.s32 v4, v8;
	v7 =	vshll.u32 v12, $0xB;
	v8 =	vcvt.f32.s32 v5;
	(pc) =	sbr.rel @!p2 .LBB2_80-.Ltmp38, $4  }
0x5bb: {  	v5 =	vadd.s32 $0x400, v4;
	v4 =	vadd.s32 v7, v6  }
0x5bc: {  	v6 =	vadd.s32 v8, v7  }
0x5bd: {  	v4 =	vadd.s32 $0x400, v4;
	[tilespmem:v9+s23+$0x0] =	vst.idx.add.f32.msk $0xffff, v2  }
0x5be: {  	[tilespmem:v10+s23+$0x0] =	vst.idx.add.f32.msk $0xffff, v3  }
0x5bf: {  	_ =	sdelay $0x3  }
0x5c0: {  	[tilespmem:v5+s23+$0x0] =	vst.idx.add.f32.msk $0xffff, v2  }
0x5c1: {  	[tilespmem:v6+s23+$0x0] =	vst.idx.add.f32.msk $0xffff, v3  }
0x5c2: {  	[tilespmem:v4+s23+$0x0] =	vst.idx.add.f32.msk $0xffff, v2  }
0x5c3: {  	v4 =	vld [tilespmem:s8+$0xE010]  }
0x5c4: {  	v5 =	vld [tilespmem:s16+$0x0]  }
0x5c5: {  	v6 =	vld [tilespmem:s8+$0xE030]  }
0x5c6: {  	v8 =	vld [tilespmem:s8+$0xE020]  }
0x5c7: {  	v10 =	vld [tilespmem:s17+$0x8000]  }
0x5c8: {  	v13 =	vld [tilespmem:s18+$0x8000]  }
0x5c9: {  	v7 =	vsub.f32 $1.000000000e+00, v4  }
0x5ca: {  	v4 =	vand.u32 $0x7FFFFFFF, v4;
	v9 =	vand.u32 $0x7FFFFFFF, v5;
	v5 =	vsub.f32 $1.000000000e+00, v5  }
0x5cb: {  	v11 =	vand.u32 $0x7FFFFFFF, v6;
	v6 =	vsub.f32 $1.000000000e+00, v6;
	v12 =	vand.u32 $0x7FFFFFFF, v8  }
0x5cc: {  	v10 =	vshll.u32 v10, $0xB;
	v8 =	vsub.f32 $1.000000000e+00, v8;
	v4 =	vmul.f32 $1.280000000e+02, v4  }
0x5cd: {  	v13 =	vshll.u32 v13, $0xB;
	v9 =	vmul.f32 $1.280000000e+02, v9;
	v11 =	vmul.f32 $1.280000000e+02, v11  }
0x5ce: {  	v12 =	vmul.f32 $1.280000000e+02, v12;
	v7 =	vand.u32 $0x7FFFFFFF, v7;
	v5 =	vand.u32 $0x7FFFFFFF, v5  }
0x5cf: {  	v6 =	vand.u32 $0x7FFFFFFF, v6;
	v8 =	vand.u32 $0x7FFFFFFF, v8;
	v7 =	vmul.f32 $1.280000000e+02, v7  }
0x5d0: {  	v9 =	vmin.f32 v9, $1.023500000e+03;
	v5 =	vmul.f32 $1.280000000e+02, v5;
	v4 =	vmin.f32 v4, $1.023500000e+03  }
0x5d1: {  	v6 =	vmul.f32 $1.280000000e+02, v6;
	v8 =	vmul.f32 $1.280000000e+02, v8;
	v12 =	vmin.f32 v12, $1.023500000e+03  }
0x5d2: {  	v11 =	vmin.f32 v11, $1.023500000e+03;
	v9 =	vtrunc.f32 v9;
	v4 =	vtrunc.f32 v4  }
0x5d3: {  	v12 =	vtrunc.f32 v12;
	v11 =	vtrunc.f32 v11;
	v5 =	vmin.f32 v5, $1.023500000e+03  }
0x5d4: {  	v7 =	vmin.f32 v7, $1.023500000e+03;
	v9 =	vcvt.f32.s32 v9;
	v5 =	vtrunc.f32 v5  }
0x5d5: {  	v60 =	vld [tilespmem:s1+$0x8000];
	v4 =	vcvt.f32.s32 v4;
	v8 =	vmin.f32 v8, $1.023500000e+03;
	v5 =	vcvt.f32.s32 v5  }
0x5d6: {  	s0 =	sor.u32 $0x80, s0;
	v12 =	vcvt.f32.s32 v12;
	v6 =	vmin.f32 v6, $1.023500000e+03;
	v7 =	vtrunc.f32 v7  }
0x5d7: {  	v14 =	vld [tilespmem:s0+$0x8000];
	v9 =	vadd.s32 v9, v10;
	v7 =	vcvt.f32.s32 v7;
	v5 =	vadd.s32 v10, v5  }
0x5d8: {  	v61 =	vcvt.f32.s32 v11;
	v8 =	vtrunc.f32 v8;
	v5 =	vadd.s32 $0x400, v5  }
0x5d9: {  	v4 =	vadd.s32 v4, v13;
	v8 =	vcvt.f32.s32 v8;
	v7 =	vadd.s32 v13, v7  }
0x5da: {  	v6 =	vtrunc.f32 v6;
	v10 =	vshll.u32 v60, $0xB;
	v7 =	vadd.s32 $0x400, v7  }
0x5db: {  	v6 =	vcvt.f32.s32 v6;
	v12 =	vadd.s32 v12, v10;
	v8 =	vadd.s32 v10, v8  }
0x5dc: {  	v62 =	vshll.u32 v14, $0xB;
	v8 =	vadd.s32 $0x400, v8;
	[tilespmem:v9+s23+$0x0] =	vst.idx.add.f32.msk $0xffff, v3  }
0x5dd: {  	v63 =	vadd.s32 v61, v62;
	[tilespmem:v5+s23+$0x0] =	vst.idx.add.f32.msk $0xffff, v2;
	v5 =	vadd.s32 v62, v6  }
0x5de: {  	[tilespmem:v4+s23+$0x0] =	vst.idx.add.f32.msk $0xffff, v3;
	v4 =	vadd.s32 $0x400, v5  }
0x5df: {  	[tilespmem:v7+s23+$0x0] =	vst.idx.add.f32.msk $0xffff, v2  }
0x5e0: {  	[tilespmem:v12+s23+$0x0] =	vst.idx.add.f32.msk $0xffff, v3  }
0x5e1: {  	[tilespmem:v8+s23+$0x0] =	vst.idx.add.f32.msk $0xffff, v2  }
0x5e2: {  	[tilespmem:v63+s23+$0x0] =	vst.idx.add.f32.msk $0xffff, v3  }
0x5e3: {  	[tilespmem:v4+s23+$0x0] =	vst.idx.add.f32.msk $0xffff, v2  }
.Ltmp39:
0x5e4: {  	(pc) =	sbr.rel @p0 .LBB2_7-.Ltmp39, $2  }
0x5e5: {  	_ =	sdelay $0x2  }
0x5e6: {  	s0 =	simm.s32 $0x2;
	p1 =	por $0x0, $0x0  }
0x5e7: {  	s0 =	rddreg [dreg:$0x9]  }
0x5e8: {  	s1 =	simm.s32 $0x80;
	s4 =	simm.s32 $0x400;
	s17 =	simm.s32 $0x9  }
0x5e9: {  	[hbm4b:s0+s1] =	stream.strided.scatter [tilespmem:s23], [sflag:$0x9], $0xA800, s4, s1, $0x38;
	[tilespmem:$0x1A800] =	vst v63  }
0x5ea: {  	_ =	swait.ge [sflag:s17], $0xA800  }
0x5eb: {  	s18 =	rddreg [dreg:$0xc]  }
0x5ec: {  	s19 =	rddreg [dreg:$0xa];
	s4 =	sadd.s32 $0x1, s18  }
0x5ed: {  	p0 =	sne.s32 s4, s19  }
.Ltmp40:
0x5ee: {  	_ = 	snop;
	(pc) =	sbr.rel @p0 .LBB2_1-.Ltmp40, $3  }
0x5ef: {  	_ =	sdelay $0x1  }
0x5f0: {  	[sflag:s17] =	ssyncset.done $0x0  }
0x5f1: {  	s5 =	rddreg [dreg:$0x5];
	[sflag:s17] =	ssyncadd.s32 $0xFFFF5800  }
0x5f2: {  	_ =	sfence.sel $0x180000  }
0x5f3: {  	[bflag:$0x0] =	sbarrier.arrive $0xFFFF  }
0x5f4: {  	_ =	strace $0x9000004A  }
0x5f5: {  	s0 =	stileid.u32;
	[bflag:$0x2] =	sbarrier.arrive $0xFFFF  }
0x5f6: {  	p0 =	sne.s32 s0, $0x0;
	s0 =	rddreg [dreg:$0x1]  }
0x5f7: {  	s0 =	sadd.s32 @!p0 $0x100000, s0  }
0x5f8: {  	[sflag:s0] =	ssyncadd.tile.s32 @!p0 $0x1;
	_ =	shalt  }
.Lfunc_end2:
_tile_overlayer_lowered:
.L_overlay_start_2:
0x5f9: {  	(tag) =	ssettag $0x2  }
0x5fa: {  	s0 =	rddreg [dreg:$0x0];
	s2 =	stileid.u32  }
0x5fb: {  	s1 =	rddreg [dreg:$0x1];
	p0 =	sne.s32 s2, $0x0  }
0x5fc: {  	s3 =	rddreg [dreg:$0x2];
	[bflag:$0x3] =	sbarrier.arrive $0xFFFF;
	s2 =	simm.s32 @!p0 $0x1C09  }
0x5fd: {  	[timem:s3], [sflag:s2] =	dma.local @!p0 [hbm:s0], s1  }
0x5fe: {  	s0 =	simm.s32 @!p0 $0x9  }
0x5ff: {  	_ =	swait.ge @!p0 [sflag:s0], s1  }
0x600: {  	s1 =	ssub.s32 @!p0 $0x0, s1;
	[sflag:s0] =	ssyncset.done @!p0 $0x0  }
0x601: {  	[sflag:s0] =	ssyncadd.s32 @!p0 s1  }
0x602: {  	[bflag:$0x3] =	sbarrier.arrive $0xFFFF  }
0x603: {  	_ =	shalt  }

// kernel: sparse-core-data-format-call.cloned.1.call-start
scs
called_computation_lowered:
.L_overlay_start_0:
0x0: {  	s2 =	sld [smem:$0x3FD9]  }
0x1: {  	s3 =	sld [smem:$0x3FFE];
	_ =	sdelay $0x1  }
0x2: {  	s1 =	srdreg.scid  }
0x3: {  	s0 =	sand.u32 $0x1, s1  }
0x4: {  	s18 =	sshll.u32 s0, $0xA;
	s2 =	sadd.s32 s3, s2  }
0x5: {  	s2 =	sadd.s32 s2, s18  }
0x6: {  	[smem:$0x3FC6] =	sst s2  }
0x7: {  	_ = 	snop  }
0x8: {  	s2 =	sld [smem:$0x3FC9];
	(tm) =	ssettm $0x1  }
0x9: {  	s19 =	sld [smem:$0x3FFB];
	_ =	sdelay $0x3  }
0xa: {  	_ =	strace s19  }
0xb: {  	s3 =	sld [smem:$0x3FFC];
	_ =	sdelay $0x3  }
0xc: {  	_ =	strace s3  }
0xd: {  	s3 =	sld [smem:$0x3FFD];
	_ =	sdelay $0x3  }
0xe: {  	_ =	strace s3  }
0xf: {  	_ =	strace $0x8FFFFFFF  }
0x10: {  	s20 =	sld [smem:$0x3FDB];
	_ =	sdelay $0x1  }
0x11: {  	s4 =	simm.s32 $_scs_section_size  }
0x12: {  	s5 =	simm.s32 $_size__tile_overlayer_lowered;
	s6 =	simm.s32 $_tile_overlayer_lowered  }
0x13: {  	s23 =	simm.s32 $0x1BFF;
	s22 =	sshll.u32 s6, $0x1;
	s3 =	sadd.s32 s4, s20  }
0x14: {  	s7 =	simm.s32 $0x0;
	s21 =	sshll.u32 s5, $0x1;
	s5 =	sadd.s32 s22, s3  }
0x15: {  	[timem:s7], [sflag:s23] =	dma.local [hbm:s5], s21  }
0x16: {  	_ =	swait.ge [sflag:s23], s21  }
0x17: {  	s4 =	ssub.s32 $0x0, s21;
	[sflag:s23] =	ssyncset.done $0x0  }
0x18: {  	[sflag:s23] =	ssyncadd.s32 s4;
	_ =	sdelay $0x1  }
0x19: {  	s24 =	simm.s32 $0x1B8B  }
0x1a: {  	_ =	swait.ge [sflag:s24], $0x1  }
0x1b: {  	[sflag:s24] =	ssyncset.done $0x0  }
0x1c: {  	s26 =	simm.s32 $0x1B8E;
	s25 =	sld [smem:$0x3FFE];
	[sflag:s24] =	ssyncadd.s32 $0xFFFFFFFF  }
0x1d: {  	s27 =	simm.s32 $execute0_lowered;
	[smem:$0x3FD2] =	sst s26  }
0x1e: {  	s5 =	sshll.u32 s27, $0x1;
	_ =	strace $0x80000046;
	[dreg:$0x1] =	wrdreg $0xFFFFFFFF  }
0x1f: {  	s28 =	simm.s32 $_size_execute0_lowered;
	s3 =	sadd.s32 s3, s5;
	[dreg:$0x0] =	wrdreg $0x0  }
0x20: {  	s5 =	sshll.u32 s28, $0x1;
	[dreg:$0x2] =	wrdreg s3  }
0x21: {  	[dreg:$0x3] =	wrdreg s5  }
0x22: {  	[dreg:$0x4] =	wrdreg $0xC0  }
0x23: {  	_ =	task [dreg:s7], $0x5FFFF  }
0x24: {  	[dreg:$0x1] =	wrdreg $0xFFFFFFFF  }
0x25: {  	[dreg:$0x0] =	wrdreg $0x60  }
0x26: {  	[dreg:$0x2] =	wrdreg s2  }
0x27: {  	[dreg:$0x3] =	wrdreg s25  }
0x28: {  	[dreg:$0x4] =	wrdreg $0x9  }
0x29: {  	_ =	task.clear_ibuf [dreg:s7], $0x5FFFF;
	_ =	strace $0x90000046  }
0x2a: {  	s29 =	simm.s32 $0x9;
	_ =	strace $0x80000048  }
0x2b: {  	_ =	swait.ge [sflag:s29], $0x1  }
0x2c: {  	[sflag:s29] =	ssyncadd.s32 $0xFFFFFFFF  }
0x2d: {  	_ =	strace $0x90000048  }
0x2e: {  	_ =	sfence  }
0x2f: {  	s30 =	sld [smem:$0x0];
	_ =	sdelay $0x2  }
0x30: {  	s31 =	sshll.u32 s1, $0xD;
	s1 =	sshrl.u32 s1, $0x2  }
0x31: {  	s3 =	sand.u32 $0x4000, s31;
	s1 =	sadd.s32 s1, s30  }
0x32: {  	s0 =	sor.u32 s3, s0;
	s1 =	sshll.u32 s1, $0x11  }
0x33: {  	s0 =	sor.u32 s1, s0  }
0x34: {  	s0 =	sadd.s32 $0x8F2B, s0  }
0x35: {  	[sflag:s0] =	ssyncadd.remote.s32 $0x1  }
0x36: {  	_ =	sfence.sel $0xFFFF  }
0x37: {  	[dreg:$0x0] =	wrdreg $0xFFFFFFFF;
	(pc) =	sbr.abs _section_cstart, $3  }
0x38: {  	[dreg:$0x1] =	wrdreg $0xFFFFFFFF  }
0x39: {  	_ =	task.clear_ibuf [dreg:s7], $0x2FFFF;
	_ =	strace $0x9FFFFFFF  }
0x3a: {  	(tm) =	ssettm $0x7FFFFFFF  }
0x3b: {  	_ =	shalt  }
tec
execute0_lowered:
.L_overlay_start_1:
0x0: {  	(tag) =	ssettag $0x1  }
0x1: {  	s0 =	srdreg.scid  }
0x2: {  	s1 =	sshll.u32 s0, $0x4  }
0x3: {  	s2 =	rddreg [dreg:$0x0];
	s0 =	stileid.u32;
	s1 =	sand.u32 $0x10, s1  }
0x4: {  	s4 =	rddreg [dreg:$0x1];
	s7 =	simm.s32 $0x1;
	s1 =	sor.u32 s0, s1  }
0x5: {  	s8 =	simm.s32 $0x2;
	s9 =	simm.s32 $0x0;
	s3 =	sshll.u32 s1, $0x2  }
0x6: {  	s12 =	simm.s32 $0x0;
	s11 =	simm.s32 $0x0;
	s6 =	ssub.s32 $0x1500, s3  }
.Ltmp0:
0x7: {  	s4 =	sadd.s32 $0xA00, s4;
	s5 =	sand.u32 $0x7C, s6;
	(pc) =	sbr.rel .LBB1_1-.Ltmp0, $4  }
0x8: {  	s1 =	rddreg [dreg:$0x2];
	_ =	strace $0x80000047;
	p0 =	sne.s32 s5, $0x0  }
0x9: {  	s6 =	sshrl.u32 s6, $0x7;
	s5 =	simm.s32 $0x1;
	s7 =	simm.s32 @!p0 $0x0  }
0xa: {  	s10 =	smov.u32 s3;
	[sflag:s5] =	ssyncpa.u1 $0x0;
	s6 =	sadd.s32 s7, s6  }
0xb: {  	[sflag:s8] =	ssyncpa.u1 $0x0;
	s8 =	simm.s32 $0x0;
	s7 =	sadd.s32 $0x1, s6  }
.LBB1_9:
0xc: {  	s14 =	sadd.s32 $0x80, s10  }
0xd: {  	p1 =	sgt.s32 s14, $0x14FF  }
0xe: {  	s14 =	smov.u32 @p1 s3;
	p1 =	sne.s32 s11, s7  }
.Ltmp1:
0xf: {  	p0 =	slt.u32 s11, $0x2;
	(pc) =	sbr.rel @!p1 .LBB1_10-.Ltmp1, $4  }
0x10: {  	s13 =	simm.s32 @!p0 $0x2  }
0x11: {  	s15 =	sadd.s32 $0x1, s11;
	_ =	swait.ge @!p0 [sflag:s13], $0x4000  }
0x12: {  	s12 =	smov.u32 s10;
	s9 =	sadd.s32 $0x4000, s9;
	[sflag:s13] =	ssyncset.done @!p0 $0x0  }
0x13: {  	s11 =	smov.u32 s15;
	s10 =	smov.u32 s14;
	[sflag:s13] =	ssyncadd.s32 @!p0 $0xFFFFC000  }
.LBB1_1:
0x14: {  	p0 =	sge.u32 s11, s6  }
0x15: {  	s13 =	sxor.u32 @!p0 $0xFFFFFFFF, s11  }
0x16: {  	s31 =	sadd.s32 $0xFFFFFFFF, s11;
	s14 =	sshll.u32 @!p0 s10, $0x9;
	s13 =	sshll.u32 @!p0 s13, $0xE  }
0x17: {  	s15 =	simm.s32 @!p0 $0x0;
	s14 =	sadd.s32 @!p0 s2, s14;
	s13 =	sand.u32 @!p0 $0x4000, s13  }
0x18: {  	[tilespmem:s13], [sflag:$0x1] =	stream.linear.gather @!p0 [hbm4b:s14+s15], $0x4000, $0x38;
	[tilespmem:$0x10000] =	vst v63  }
0x19: {  	p0 =	sge.u32 s31, s6  }
.Ltmp2:
0x1a: {  	_ = 	snop;
	(pc) =	sbr.rel @p0 .LBB1_9-.Ltmp2, $1  }
0x1b: {  	_ =	sdelay $0x3  }
0x1c: {  	s14 =	sand.u32 $0x4000, s9  }
0x1d: {  	_ =	swait.ge [sflag:s5], $0x4000;
	s15 =	sshll.u32 s11, $0xE;
	s16 =	simm.s32 $0x0  }
0x1e: {  	s13 =	sor.u32 $0x40, s14;
	[sflag:s5] =	ssyncset.done $0x0;
	s15 =	sand.u32 $0x4000, s15  }
0x1f: {  	s14 =	sor.u32 $0x8040, s14;
	[sflag:s5] =	ssyncadd.s32 $0xFFFFC000;
	s15 =	sor.u32 $0x8000, s15  }
.LBB1_3:
0x20: {  	s17 =	smov.u32 s14;
	s18 =	smov.u32 s13;
	s19 =	simm.s32 $0x0  }
.LBB1_4:
0x21: {  	v0 =	vmov s17;
	v2 =	vld [tilespmem:s18+$0x30]  }
0x22: {  	v4 =	vld [tilespmem:s18+$0xFFFFFFD0]  }
0x23: {  	v6 =	vld [tilespmem:s18+$0xFFFFFFE0]  }
0x24: {  	v7 =	vld [tilespmem:s18+$0xFFFFFFF0]  }
0x25: {  	s20 =	simm.s32 $0x0;
	v1 =	vld [tilespmem:s18+$0x0]  }
0x26: {  	v3 =	vld [tilespmem:s18+$0x10];
	[tilespmem:v0+s20+$0x30 ss:$0x1] =	vst.idx.msk $0xffff, v2  }
0x27: {  	v5 =	vld [tilespmem:s18+$0x20];
	[tilespmem:v0+s20+$0xFFFFFFD0 ss:$0x1] =	vst.idx.msk $0xffff, v4  }
0x28: {  	s21 =	sadd.s32 $0x80, s18;
	v2 =	vld [tilespmem:s18+$0xFFFFFFC0];
	[tilespmem:v0+s20+$0xFFFFFFE0 ss:$0x1] =	vst.idx.msk $0xffff, v6  }
0x29: {  	s22 =	simm.s32 $0x800;
	s23 =	simm.s32 $0x1000;
	v4 =	vld [tilespmem:s21+$0x30];
	[tilespmem:v0+s20+$0xFFFFFFF0 ss:$0x1] =	vst.idx.msk $0xffff, v7  }
.LBB1_5:
0x2a: {  	p0 =	sne.s32 s23, $0x3800;
	v6 =	vld [tilespmem:s21+$0xFFFFFFD0];
	[tilespmem:v0+s20+$0x0 ss:$0x1] =	vst.idx.msk $0xffff, v1  }
0x2b: {  	v7 =	vld [tilespmem:s21+$0xFFFFFFE0];
	[tilespmem:v0+s20+$0x10 ss:$0x1] =	vst.idx.msk $0xffff, v3  }
0x2c: {  	v8 =	vld [tilespmem:s21+$0xFFFFFFF0];
	[tilespmem:v0+s20+$0x20 ss:$0x1] =	vst.idx.msk $0xffff, v5  }
.Ltmp3:
0x2d: {  	v1 =	vld [tilespmem:s21+$0x0];
	[tilespmem:v0+s20+$0xFFFFFFC0 ss:$0x1] =	vst.idx.msk $0xffff, v2;
	s20 =	sshra.s32 s22, $0x2;
	s22 =	smov.u32 s23;
	(pc) =	sbr.rel @p0 .LBB1_5-.Ltmp3, $4  }
0x2e: {  	v3 =	vld [tilespmem:s21+$0x10];
	[tilespmem:v0+s20+$0x30 ss:$0x1] =	vst.idx.msk $0xffff, v4  }
0x2f: {  	[tilespmem:v0+s20+$0xFFFFFFD0 ss:$0x1] =	vst.idx.msk $0xffff, v6;
	v5 =	vld [tilespmem:s21+$0x20]  }
0x30: {  	v2 =	vld [tilespmem:s21+$0xFFFFFFC0];
	[tilespmem:v0+s20+$0xFFFFFFE0 ss:$0x1] =	vst.idx.msk $0xffff, v7;
	s21 =	sadd.s32 $0x80, s21  }
0x31: {  	s23 =	sadd.s32 $0x800, s23;
	v4 =	vld [tilespmem:s21+$0x30];
	[tilespmem:v0+s20+$0xFFFFFFF0 ss:$0x1] =	vst.idx.msk $0xffff, v8  }
0x32: {  	_ =	sdelay $0x3  }
0x33: {  	v6 =	vld [tilespmem:s21+$0xFFFFFFD0];
	[tilespmem:v0+s20+$0x0 ss:$0x1] =	vst.idx.msk $0xffff, v1  }
0x34: {  	v58 =	vld [tilespmem:s21+$0xFFFFFFE0];
	[tilespmem:v0+s20+$0x10 ss:$0x1] =	vst.idx.msk $0xffff, v3  }
0x35: {  	v59 =	vld [tilespmem:s21+$0xFFFFFFF0];
	[tilespmem:v0+s20+$0x20 ss:$0x1] =	vst.idx.msk $0xffff, v5  }
0x36: {  	s22 =	sshra.s32 s22, $0x2;
	v60 =	vld [tilespmem:s21+$0x0];
	[tilespmem:v0+s20+$0xFFFFFFC0 ss:$0x1] =	vst.idx.msk $0xffff, v2  }
0x37: {  	v61 =	vld [tilespmem:s21+$0x10];
	[tilespmem:v0+s22+$0x30 ss:$0x1] =	vst.idx.msk $0xffff, v4  }
0x38: {  	v62 =	vld [tilespmem:s21+$0x20];
	s19 =	sadd.s32 $0x1, s19;
	[tilespmem:v0+s22+$0xFFFFFFD0 ss:$0x1] =	vst.idx.msk $0xffff, v6  }
0x39: {  	v63 =	vld [tilespmem:s21+$0xFFFFFFC0];
	p0 =	sne.s32 s19, $0x4;
	[tilespmem:v0+s22+$0xFFFFFFE0 ss:$0x1] =	vst.idx.msk $0xffff, v58  }
.Ltmp4:
0x3a: {  	[tilespmem:v0+s22+$0xFFFFFFF0 ss:$0x1] =	vst.idx.msk $0xffff, v59;
	(pc) =	sbr.rel @p0 .LBB1_4-.Ltmp4, $4  }
0x3b: {  	[tilespmem:v0+s22+$0x0 ss:$0x1] =	vst.idx.msk $0xffff, v60  }
0x3c: {  	[tilespmem:v0+s22+$0x10 ss:$0x1] =	vst.idx.msk $0xffff, v61  }
0x3d: {  	[tilespmem:v0+s22+$0x20 ss:$0x1] =	vst.idx.msk $0xffff, v62  }
0x3e: {  	s18 =	sadd.s32 $0x400, s18;
	s17 =	sadd.s32 $0x80, s17;
	[tilespmem:v0+s22+$0xFFFFFFC0 ss:$0x1] =	vst.idx.msk $0xffff, v63  }
0x3f: {  	s16 =	sadd.s32 $0x1, s16  }
0x40: {  	p0 =	sne.s32 s16, $0x4  }
.Ltmp5:
0x41: {  	_ = 	snop;
	(pc) =	sbr.rel @p0 .LBB1_3-.Ltmp5, $2  }
0x42: {  	_ =	sdelay $0x2  }
0x43: {  	s13 =	sadd.s32 $0x1000, s13;
	s14 =	sadd.s32 $0x1000, s14  }
.Ltmp6:
0x44: {  	(pc) =	sbr.rel .LBB1_9-.Ltmp6, $4  }
0x45: {  	_ = 	snop  }
0x46: {  	s12 =	sshll.u32 s12, $0x9  }
0x47: {  	s12 =	sadd.s32 s4, s12  }
0x48: {  	[hbm4b:s12+s8] =	stream.linear.scatter [tilespmem:s15], [sflag:$0x2], $0x4000, $0x38;
	[tilespmem:$0x10000] =	vst v63  }
.LBB1_10:
0x49: {  	_ =	sfence.sel $0x180000  }
0x4a: {  	s2 =	simm.s32 $0x1;
	[bflag:$0x0] =	sbarrier.arrive $0xFFFF  }
0x4b: {  	s31 =	simm.s32 $0x2;
	[sflag:s2] =	ssyncpa.u1 $0x1  }
0x4c: {  	[sflag:s31] =	ssyncpa.u1 $0x1  }
0x4d: {  	p0 =	sne.s32 s0, $0x0;
	_ =	strace $0x90000047  }
0x4e: {  	s0 =	sadd.s32 @!p0 $0x100000, s1;
	[bflag:$0x2] =	sbarrier.arrive $0xFFFF  }
0x4f: {  	[sflag:s0] =	ssyncadd.tile.s32 @!p0 $0x1;
	_ =	shalt  }
.Lfunc_end1:
_tile_overlayer_lowered:
.L_overlay_start_2:
0x50: {  	(tag) =	ssettag $0x2  }
0x51: {  	s0 =	rddreg [dreg:$0x0];
	s2 =	stileid.u32  }
0x52: {  	s1 =	rddreg [dreg:$0x1];
	p0 =	sne.s32 s2, $0x0  }
0x53: {  	s3 =	rddreg [dreg:$0x2];
	[bflag:$0x3] =	sbarrier.arrive $0xFFFF;
	s2 =	simm.s32 @!p0 $0x1C01  }
0x54: {  	[timem:s3], [sflag:s2] =	dma.local @!p0 [hbm:s0], s1  }
0x55: {  	s0 =	simm.s32 @!p0 $0x1  }
0x56: {  	_ =	swait.ge @!p0 [sflag:s0], s1  }
0x57: {  	s1 =	ssub.s32 @!p0 $0x0, s1;
	[sflag:s0] =	ssyncset.done @!p0 $0x0  }
0x58: {  	[sflag:s0] =	ssyncadd.s32 @!p0 s1  }
0x59: {  	[bflag:$0x3] =	sbarrier.arrive $0xFFFF  }
0x5a: {  	_ =	shalt  }

</sc_bundles>
